<compile_context>
chip_gen: v7x
topology: tpu7x:2x2x1
jax: 0.10.2.dev20260603
libtpu: 0.0.44.dev20260713+nightly
codegen_flags: <defaults>
</compile_context>

<pallas_src>
import jax
import jax.numpy as jnp
import numpy as np
from jax.experimental import pallas as pl
from jax.experimental.pallas import tpu as pltpu

N = 16
SCALE = 3.0
LP = 10
LD = 4
E = N * N * N
P = 32
U = 16

_W1, _B1 = 0, 64
_W2, _B2 = 65, 97
_W3, _B3 = 98, 130
_W4, _B4 = 131, 190
_W5, _B5 = 191, 223
_W2D, _B2D = 224, 225
_RT = 232


def _enc_consts(ncols, L):
    k = np.arange(ncols)
    g = (k - 3) // 6
    c = (k - 3) % 6
    valid = (k >= 3) & (k < 3 + 6 * L)
    scale = np.where(valid, 2.0 ** np.maximum(g, 0), 0.0)
    mid = (k < 3).astype(np.float32)
    msin = (valid & (c < 3)).astype(np.float32)
    mcos = (valid & (c >= 3)).astype(np.float32)
    sel = np.zeros((3, ncols), np.float32)
    sel[k % 3, k] = 1.0
    return sel, scale.astype(np.float32), mid, msin.astype(np.float32), mcos.astype(np.float32)


def _pack_consts():
    sx, scx, midx, msinx, mcosx = _enc_consts(64, LP)
    sd, scd, midd, msind, mcosd = _enc_consts(32, LD)
    ct = np.zeros((16, 64), np.float32)
    ct[0:3, :] = sx
    ct[3, :] = scx
    ct[4, :] = midx
    ct[5, :] = msinx
    ct[6, :] = mcosx
    ct[8:11, 0:32] = sd
    ct[11, 0:32] = scd
    ct[12, 0:32] = midd
    ct[13, 0:32] = msind
    ct[14, 0:32] = mcosd
    ct[15, 0:8] = [1, 1, 1, 0, 0, 0, 0, 0]
    ct[15, 8:16] = [0, 0, 0, 1, 0, 0, 0, 0]
    return ct


_CT = _pack_consts()
_TWO_PI = float(2.0 * np.pi)
_HI = jax.lax.Precision.HIGHEST

_SC1 = (0.9999997069576263, -0.16666577198092575, 0.008332557998438019,
        -0.0001981257223825244, 2.7040473314678126e-06, -2.05340800751852e-08)
_CC1 = (0.99999944367877, -0.49999558165608393, 0.04166103279016802,
        -0.0013862747315870928, 2.4253192495701792e-05, -2.2193949933413393e-07)


def _rr(a):
    y = a * (1.0 / _TWO_PI)
    return (y - jnp.round(y)) * _TWO_PI


def _sinp(y):
    t = y * y
    c = _SC1
    return y * (c[0] + t * (c[1] + t * (c[2] + t * (c[3] + t * (c[4] + t * c[5])))))


def _cosp(y):
    t = y * y
    c = _CC1
    return c[0] + t * (c[1] + t * (c[2] + t * (c[3] + t * (c[4] + t * c[5]))))


_LOGP = 5


def _route_body(key_ref, pslot_ref, te_ref, tcnt_ref, treal_ref,
                cnt_ref, seen_ref, tb_ref):
    nB = pslot_ref.shape[0]
    nT = te_ref.shape[0]

    def z(a, _):
        cnt_ref[a] = 0
        seen_ref[a] = 0
        return _
    jax.lax.fori_loop(0, E + 1, z, None)

    def c1(q, _):
        cnt_ref[key_ref[q]] += 1
        return _
    jax.lax.fori_loop(0, nB, c1, None)

    def c2(a, tb):
        tb_ref[a] = tb
        return tb + ((cnt_ref[a] + P - 1) >> _LOGP)
    t_real = jax.lax.fori_loop(0, E, c2, 0)
    treal_ref[0] = t_real

    def c4(q, _):
        k = key_ref[q]
        kc = jnp.minimum(k, E - 1)
        r = seen_ref[k]
        seen_ref[k] = r + 1
        t = tb_ref[kc] + (r >> _LOGP)
        valid = k < E
        pslot_ref[q] = jnp.where(valid, (t << _LOGP) + (r & (P - 1)), nT * P)

        @pl.when(valid & ((r & (P - 1)) == 0))
        def _():
            te_ref[t] = k
            tcnt_ref[t] = jnp.minimum(cnt_ref[k] - r, P)
        return _
    jax.lax.fori_loop(0, nB, c4, None)

    last = jnp.where(t_real > 0, te_ref[jnp.maximum(t_real - 1, 0)], 0)

    def c5(t, _):
        te_ref[t] = last
        tcnt_ref[t] = 0
        return _
    jax.lax.fori_loop(t_real, nT, c5, None)


def _route(key, T_MAX):
    B = key.shape[0]
    grid_spec = pltpu.PrefetchScalarGridSpec(
        num_scalar_prefetch=1,
        grid=(1,),
        in_specs=[],
        out_specs=[
            pl.BlockSpec(memory_space=pltpu.SMEM),
            pl.BlockSpec(memory_space=pltpu.SMEM),
            pl.BlockSpec(memory_space=pltpu.SMEM),
            pl.BlockSpec(memory_space=pltpu.SMEM),
        ],
        scratch_shapes=[
            pltpu.SMEM((E + 1,), jnp.int32),
            pltpu.SMEM((E + 1,), jnp.int32),
            pltpu.SMEM((E,), jnp.int32),
        ],
    )
    return pl.pallas_call(
        _route_body,
        grid_spec=grid_spec,
        out_shape=[
            jax.ShapeDtypeStruct((B,), jnp.int32),
            jax.ShapeDtypeStruct((T_MAX,), jnp.int32),
            jax.ShapeDtypeStruct((T_MAX,), jnp.int32),
            jax.ShapeDtypeStruct((1,), jnp.int32),
        ],
    )(key)


_G = 32


def _repack_body(w1r, b1r, w2r, b2r, w3r, b3r, w4r, b4r, w5r, b5r, w2dr, out):
    out[:, _W1:_W1 + 63, :] = w1r[...]
    out[:, 63:64, :] = jnp.zeros((_G, 1, 32), jnp.float32)
    out[:, _B1:_B1 + 1, :] = b1r[...]
    out[:, _W2:_W2 + 32, :] = w2r[:, :, 0:32]
    out[:, _B2:_B2 + 1, :] = b2r[:, :, 0:32]
    out[:, _W3:_W3 + 32, :] = w3r[...]
    out[:, _B3:_B3 + 1, :] = b3r[...]
    out[:, _W4:_W4 + 59, :] = w4r[...]
    out[:, _B4:_B4 + 1, :] = b4r[...]
    out[:, _W5:_W5 + 32, :] = w5r[...]
    out[:, _B5:_B5 + 1, :] = b5r[...]
    out[:, _W2D:_W2D + 1, :] = w2dr[...]
    b2d = jnp.zeros((_G, 1, 32), jnp.float32) + b2r[:, :, 32:33]
    out[:, _B2D:_B2D + 1, :] = b2d * (jax.lax.broadcasted_iota(
        jnp.int32, (_G, 1, 32), 2) == 0).astype(jnp.float32)
    out[:, 226:232, :] = jnp.zeros((_G, 6, 32), jnp.float32)


def _repack(w1, b1, w2, b2, w3, b3, w4, b4, w5p, b5p, w2d):
    m = lambda g: (g, 0, 0)
    return pl.pallas_call(
        _repack_body,
        grid=(E // _G,),
        in_specs=[
            pl.BlockSpec((_G, 63, 32), m), pl.BlockSpec((_G, 1, 32), m),
            pl.BlockSpec((_G, 32, 33), m), pl.BlockSpec((_G, 1, 33), m),
            pl.BlockSpec((_G, 32, 32), m), pl.BlockSpec((_G, 1, 32), m),
            pl.BlockSpec((_G, 59, 32), m), pl.BlockSpec((_G, 1, 32), m),
            pl.BlockSpec((_G, 32, 32), m), pl.BlockSpec((_G, 1, 32), m),
            pl.BlockSpec((_G, 1, 32), m),
        ],
        out_specs=pl.BlockSpec((_G, _RT, 32), m),
        out_shape=jax.ShapeDtypeStruct((E, _RT, 32), jnp.float32),
    )(w1, b1, w2, b2, w3, b3, w4, b4, w5p, b5p, w2d)


def _mlp_body(te_ref, tc_ref, ct_ref, xt_ref, *rest):
    w_refs = rest[:U]
    out_ref = rest[U]
    s = pl.program_id(0)
    ct = ct_ref[...]

    @pl.when(tc_ref[s] > 0)
    def _():
        def dot(a, b):
            return jnp.dot(a, b, preferred_element_type=jnp.float32,
                           precision=_HI)

        embx, embd = [], []
        for u in range(U):
            xd = xt_ref[u]
            X = dot(xd[:, 0:3], ct[0:3, :])
            A = _rr(X * ct[3:4, :])
            embx.append(ct[4:5, :] * X + ct[5:6, :] * _sinp(A)
                        + ct[6:7, :] * _cosp(A))
            D = dot(xd[:, 3:6], ct[8:11, 0:32])
            Ad = _rr(D * ct[11:12, 0:32])
            embd.append(ct[12:13, 0:32] * D + ct[13:14, 0:32] * _sinp(Ad)
                        + ct[14:15, 0:32] * _cosp(Ad))

        h1 = [jax.nn.relu(dot(embx[u], w_refs[u][0, _W1:_W1 + 64, 0:32])
                          + w_refs[u][0, _B1:_B1 + 1, 0:32]) for u in range(U)]
        h2 = [jax.nn.relu(dot(h1[u], w_refs[u][0, _W2:_W2 + 32, 0:32])
                          + w_refs[u][0, _B2:_B2 + 1, 0:32]) for u in range(U)]
        density = [jax.nn.relu(
            jnp.sum(h1[u] * w_refs[u][0, _W2D:_W2D + 1, 0:32], axis=1,
                    keepdims=True)
            + w_refs[u][0, _B2D:_B2D + 1, 0:1]) for u in range(U)]
        h3 = [dot(h2[u], w_refs[u][0, _W3:_W3 + 32, 0:32])
              + w_refs[u][0, _B3:_B3 + 1, 0:32] for u in range(U)]
        h4a = [dot(h3[u], w_refs[u][0, _W4:_W4 + 32, 0:32]) for u in range(U)]
        h4 = [jax.nn.relu(h4a[u]
                          + dot(embd[u][:, 0:27],
                                w_refs[u][0, _W4 + 32:_W4 + 59, 0:32])
                          + w_refs[u][0, _B4:_B4 + 1, 0:32]) for u in range(U)]
        c8 = [jax.nn.sigmoid(dot(h4[u], w_refs[u][0, _W5:_W5 + 32, 0:8])
                             + w_refs[u][0, _B5:_B5 + 1, 0:8]) for u in range(U)]
        for u in range(U):
            out_ref[u] = c8[u] * ct[15:16, 0:8] + density[u] * ct[15:16, 8:16]


@jax.jit
def kernel(x, d, layer1_w, layer1_b, layer2_w, layer2_b, layer3_w, layer3_b,
           layer4_w, layer4_b, layer5_w, layer5_b):
    B = x.shape[0]
    T_MAX = -(-(E + B // P) // U) * U

    mask = ((jnp.abs(x[:, 0]) < SCALE / 2) & (jnp.abs(x[:, 1]) < SCALE / 2)
            & (jnp.abs(x[:, 2]) < SCALE / 2))
    idx = jnp.clip((x / (SCALE / N) + N / 2).astype(jnp.int32), 0, N - 1)
    e = (idx[:, 0] * N + idx[:, 1]) * N + idx[:, 2]
    key = jnp.where(mask, e, E)
    point_slot, tile_expert, tile_count, t_real = _route(key, T_MAX)
    step_count = (jnp.arange(T_MAX // U, dtype=jnp.int32) * U
                  < t_real[0]).astype(jnp.int32)

    xd = jnp.concatenate([x, d, jnp.zeros((B, 2), x.dtype)], axis=1)
    xd_tiles = jnp.zeros((T_MAX * P + 1, 8), x.dtype).at[point_slot].set(
        xd, mode='drop')[:T_MAX * P].reshape(T_MAX, P, 8)

    w2 = layer2_w.reshape(E, 32, 33)
    b2 = layer2_b.reshape(E, 1, 33)
    w2d = jnp.swapaxes(w2[:, :, 32:33], 1, 2)
    w5p = jnp.pad(layer5_w.reshape(E, 32, 3), ((0, 0), (0, 0), (0, 29)))
    b5p = jnp.pad(layer5_b.reshape(E, 1, 3), ((0, 0), (0, 0), (0, 29)))
    w_all = _repack(layer1_w.reshape(E, 63, 32), layer1_b.reshape(E, 1, 32),
                    w2, b2, layer3_w.reshape(E, 32, 32),
                    layer3_b.reshape(E, 1, 32), layer4_w.reshape(E, 59, 32),
                    layer4_b.reshape(E, 1, 32), w5p, b5p, w2d)

    def wmap(u):
        return lambda s, te, tc: (te[s * U + u], 0, 0)

    grid_spec = pltpu.PrefetchScalarGridSpec(
        num_scalar_prefetch=2,
        grid=(T_MAX // U,),
        in_specs=[
            pl.BlockSpec((16, 64), lambda s, te, tc: (0, 0)),
            pl.BlockSpec((U, P, 8), lambda s, te, tc: (s, 0, 0)),
        ] + [pl.BlockSpec((1, _RT, 32), wmap(u)) for u in range(U)],
        out_specs=pl.BlockSpec((U, P, 8), lambda s, te, tc: (s, 0, 0)),
    )
    out_tiles = pl.pallas_call(
        _mlp_body,
        grid_spec=grid_spec,
        out_shape=jax.ShapeDtypeStruct((T_MAX, P, 8), jnp.float32),
    )(tile_expert, step_count, jnp.asarray(_CT), xd_tiles,
      *([w_all] * U))

    res = out_tiles.reshape(T_MAX * P, 8)[point_slot]
    color = jnp.where(mask[:, None], res[:, 0:3], 0.0)
    sigma = jnp.where(mask, res[:, 3], 0.0)
    return (color, sigma)

# --- scband reference (transcript-rebuilt; emitter-appended) ---
"""Pipeline reference for scband-kilo-nerf-1726576854934 (READ-ONLY COPY).

The authoritative reference and input builder live on the scoring server;
editing this copy changes nothing except your own understanding.
"""

import jax, jax.numpy as jnp
import numpy as np

N = 16
SCALE = 3.0
LP = 10
LD = 4
B = 32768


def positional_encoding(x, L):
    out = [x]
    for j in range(L):
        out.append(jnp.sin(2 ** j * x))
        out.append(jnp.cos(2 ** j * x))
    return jnp.concatenate(out, axis=1)


def setup_inputs(seed: int = 0) -> dict:
    key = jax.random.key(seed)
    ks = jax.random.split(key, 8)
    x = jax.random.normal(ks[0], (B, 3), dtype=jnp.float32)
    d = jax.random.normal(ks[1], (B, 3), dtype=jnp.float32)

    def u(k, shape, fan):
        lim = float(np.sqrt(6.0 / fan))
        return jax.random.uniform(k, shape, jnp.float32, -lim, lim)

    layer1_w = u(ks[2], (N, N, N, 63, 32), 85)
    layer1_b = jnp.zeros((N, N, N, 1, 32), jnp.float32)
    layer2_w = u(ks[3], (N, N, N, 32, 33), 64)
    layer2_b = jnp.zeros((N, N, N, 1, 33), jnp.float32)
    layer3_w = u(ks[4], (N, N, N, 32, 32), 64)
    layer3_b = jnp.zeros((N, N, N, 1, 32), jnp.float32)
    layer4_w = u(ks[5], (N, N, N, 27 + 32, 32), 64)
    layer4_b = jnp.zeros((N, N, N, 1, 32), jnp.float32)
    layer5_w = u(ks[6], (N, N, N, 32, 3), 35)
    layer5_b = jnp.zeros((N, N, N, 1, 3), jnp.float32)
    return {
        'x': x, 'd': d,
        'layer1_w': layer1_w, 'layer1_b': layer1_b,
        'layer2_w': layer2_w, 'layer2_b': layer2_b,
        'layer3_w': layer3_w, 'layer3_b': layer3_b,
        'layer4_w': layer4_w, 'layer4_b': layer4_b,
        'layer5_w': layer5_w, 'layer5_b': layer5_b,
    }


def reference(x, d, layer1_w, layer1_b, layer2_w, layer2_b, layer3_w, layer3_b, layer4_w, layer4_b, layer5_w, layer5_b):
    # mask of points inside the scene box; in torch the masked subset is gathered,
    # here we compute all points (clipped idx is always valid) and zero out via where
    mask = (jnp.abs(x[:, 0]) < SCALE / 2) & (jnp.abs(x[:, 1]) < SCALE / 2) & (jnp.abs(x[:, 2]) < SCALE / 2)
    idx = jnp.clip((x / (SCALE / N) + N / 2).astype(jnp.int32), 0, N - 1)
    i0, i1, i2 = idx[:, 0], idx[:, 1], idx[:, 2]
    emb_x = positional_encoding(x, LP)[:, None, :]  # [B,1,63]
    emb_d = positional_encoding(d, LD)[:, None, :]  # [B,1,27]
    h = jax.nn.relu(emb_x @ layer1_w[i0, i1, i2] + layer1_b[i0, i1, i2])
    h = jax.nn.relu(h @ layer2_w[i0, i1, i2] + layer2_b[i0, i1, i2])
    h, density = h[:, :, :-1], h[:, :, -1]
    h = h @ layer3_w[i0, i1, i2] + layer3_b[i0, i1, i2]
    h = jax.nn.relu(jnp.concatenate((h, emb_d), axis=-1) @ layer4_w[i0, i1, i2] + layer4_b[i0, i1, i2])
    c = jax.nn.sigmoid(h @ layer5_w[i0, i1, i2] + layer5_b[i0, i1, i2])
    color = jnp.where(mask[:, None], c[:, 0, :], 0.0)
    sigma = jnp.where(mask, density[:, 0], 0.0)
    return (color, sigma)

if __name__ == "__main__":
    import jax
    _d = setup_inputs()
    print(jax.jit(kernel)(*tuple(_d.values())))

</pallas_src>

<mosaic_0001>
module attributes {stable_mosaic.version = 14 : i64} {
  func.func @_route_body(%arg0: i32, %arg1: memref<32768xi32, #tpu.memory_space<smem>>, %arg2: memref<32768xi32, #tpu.memory_space<smem>>, %arg3: memref<5120xi32, #tpu.memory_space<smem>>, %arg4: memref<5120xi32, #tpu.memory_space<smem>>, %arg5: memref<1xi32, #tpu.memory_space<smem>>, %arg6: memref<4097xi32, #tpu.memory_space<smem>>, %arg7: memref<4097xi32, #tpu.memory_space<smem>>, %arg8: memref<4096xi32, #tpu.memory_space<smem>>) attributes {dimension_semantics = [#tpu.dimension_semantics<arbitrary>], iteration_bounds = array<i64: 1>, scalar_prefetch = 1 : i64, scratch_operands = 3 : i64, tpu.core_type = #tpu.core_type<tc>, window_params = [{transform_indices = @transform_0, window_bounds = array<i64: 32768>}, {transform_indices = @transform_1, window_bounds = array<i64: 5120>}, {transform_indices = @transform_2, window_bounds = array<i64: 5120>}, {transform_indices = @transform_3, window_bounds = array<i64: 1>}]} {
    %scan3A = arith.constant 0 : i32
    %scan3A_0 = arith.constant 4097 : i32
    %scan3A_1 = arith.addi %scan3A, %scan3A_0 : i32
    %scan3A_2 = arith.constant 1 : i32
    scf.for %scan3A_34 = %scan3A to %scan3A_1 step %scan3A_2  : i32 {
      %swap3A_35 = arith.constant 0 : i32
      %swap3A_36 = arith.index_cast %scan3A_34 : i32 to index
      %swap3A_37 = memref.load %arg6[%swap3A_36] : memref<4097xi32, #tpu.memory_space<smem>>
      memref.store %swap3A_35, %arg6[%swap3A_36] : memref<4097xi32, #tpu.memory_space<smem>>
      %swap3A_38 = arith.constant 0 : i32
      %swap3A_39 = arith.index_cast %scan3A_34 : i32 to index
      %swap3A_40 = memref.load %arg7[%swap3A_39] : memref<4097xi32, #tpu.memory_space<smem>>
      memref.store %swap3A_38, %arg7[%swap3A_39] : memref<4097xi32, #tpu.memory_space<smem>>
    }
    %scan3A_3 = arith.constant 4097 : i32
    %scan3A_4 = arith.constant 0 : i32
    %scan3A_5 = arith.constant 32768 : i32
    %scan3A_6 = arith.addi %scan3A_4, %scan3A_5 : i32
    %scan3A_7 = arith.constant 1 : i32
    scf.for %scan3A_34 = %scan3A_4 to %scan3A_6 step %scan3A_7  : i32 {
      %get3A_35 = arith.index_cast %scan3A_34 : i32 to index
      %get3A_36 = memref.load %arg1[%get3A_35] : memref<32768xi32, #tpu.memory_space<smem>>
      %get3A_37 = arith.index_cast %get3A_36 : i32 to index
      %get3A_38 = memref.load %arg6[%get3A_37] : memref<4097xi32, #tpu.memory_space<smem>>
      %add3A = arith.constant 1 : i32
      %add3A_39 = arith.addi %get3A_38, %add3A : i32
      %swap3A_40 = arith.index_cast %get3A_36 : i32 to index
      %swap3A_41 = memref.load %arg6[%swap3A_40] : memref<4097xi32, #tpu.memory_space<smem>>
      memref.store %add3A_39, %arg6[%swap3A_40] : memref<4097xi32, #tpu.memory_space<smem>>
    }
    %scan3A_8 = arith.constant 32768 : i32
    %scan3A_9 = arith.constant 0 : i32
    %scan3A_10 = arith.constant 0 : i32
    %scan3A_11 = arith.constant 4096 : i32
    %scan3A_12 = arith.addi %scan3A_10, %scan3A_11 : i32
    %scan3A_13 = arith.constant 1 : i32
    %scan3A_14 = scf.for %scan3A_34 = %scan3A_10 to %scan3A_12 step %scan3A_13 iter_args(%scan3A_35 = %scan3A_9) -> (i32)  : i32 {
      %swap3A_36 = arith.index_cast %scan3A_34 : i32 to index
      %swap3A_37 = memref.load %arg8[%swap3A_36] : memref<4096xi32, #tpu.memory_space<smem>>
      memref.store %scan3A_35, %arg8[%swap3A_36] : memref<4096xi32, #tpu.memory_space<smem>>
      %get3A_38 = arith.index_cast %scan3A_34 : i32 to index
      %get3A_39 = memref.load %arg6[%get3A_38] : memref<4097xi32, #tpu.memory_space<smem>>
      %add3A = arith.constant 32 : i32
      %add3A_40 = arith.addi %get3A_39, %add3A : i32
      %sub3A_41 = arith.constant 1 : i32
      %sub3A_42 = arith.subi %add3A_40, %sub3A_41 : i32
      %shift_right_arithmetic3A = arith.constant 5 : i32
      %shift_right_arithmetic3A_43 = arith.shrsi %sub3A_42, %shift_right_arithmetic3A : i32
      %add3A_44 = arith.addi %scan3A_35, %shift_right_arithmetic3A_43 : i32
      scf.yield %add3A_44 : i32
    }
    %scan3A_15 = arith.constant 4096 : i32
    %swap3A = arith.constant 0 : index
    %swap3A_16 = memref.load %arg5[%swap3A] : memref<1xi32, #tpu.memory_space<smem>>
    memref.store %scan3A_14, %arg5[%swap3A] : memref<1xi32, #tpu.memory_space<smem>>
    %scan3A_17 = arith.constant 0 : i32
    %scan3A_18 = arith.constant 32768 : i32
    %scan3A_19 = arith.addi %scan3A_17, %scan3A_18 : i32
    %scan3A_20 = arith.constant 1 : i32
    scf.for %scan3A_34 = %scan3A_17 to %scan3A_19 step %scan3A_20  : i32 {
      %get3A_35 = arith.index_cast %scan3A_34 : i32 to index
      %get3A_36 = memref.load %arg1[%get3A_35] : memref<32768xi32, #tpu.memory_space<smem>>
      %min3A = arith.constant 4095 : i32
      %min3A_37 = arith.minsi %get3A_36, %min3A : i32
      %get3A_38 = arith.index_cast %get3A_36 : i32 to index
      %get3A_39 = memref.load %arg7[%get3A_38] : memref<4097xi32, #tpu.memory_space<smem>>
      %add3A = arith.constant 1 : i32
      %add3A_40 = arith.addi %get3A_39, %add3A : i32
      %swap3A_41 = arith.index_cast %get3A_36 : i32 to index
      %swap3A_42 = memref.load %arg7[%swap3A_41] : memref<4097xi32, #tpu.memory_space<smem>>
      memref.store %add3A_40, %arg7[%swap3A_41] : memref<4097xi32, #tpu.memory_space<smem>>
      %get3A_43 = arith.index_cast %min3A_37 : i32 to index
      %get3A_44 = memref.load %arg8[%get3A_43] : memref<4096xi32, #tpu.memory_space<smem>>
      %shift_right_arithmetic3A = arith.constant 5 : i32
      %shift_right_arithmetic3A_45 = arith.shrsi %get3A_39, %shift_right_arithmetic3A : i32
      %add3A_46 = arith.addi %get3A_44, %shift_right_arithmetic3A_45 : i32
      %lt3A = arith.constant 4096 : i32
      %lt3A_47 = arith.cmpi slt, %get3A_36, %lt3A : i32
      %shift_left3A = arith.constant 5 : i32
      %shift_left3A_48 = arith.shli %add3A_46, %shift_left3A : i32
      %and3A = arith.constant 31 : i32
      %and3A_49 = arith.andi %get3A_39, %and3A : i32
      %add3A_50 = arith.addi %shift_left3A_48, %and3A_49 : i32
      %jit3A_51 = arith.constant 163840 : i32
      %select_n3A_52 = arith.select %lt3A_47, %add3A_50, %jit3A_51 : i32
      %swap3A_53 = arith.index_cast %scan3A_34 : i32 to index
      %swap3A_54 = memref.load %arg2[%swap3A_53] : memref<32768xi32, #tpu.memory_space<smem>>
      memref.store %select_n3A_52, %arg2[%swap3A_53] : memref<32768xi32, #tpu.memory_space<smem>>
      %and3A_55 = arith.constant 31 : i32
      %and3A_56 = arith.andi %get3A_39, %and3A_55 : i32
      %eq3A = arith.constant 0 : i32
      %eq3A_57 = arith.cmpi eq, %and3A_56, %eq3A : i32
      %and3A_58 = arith.andi %lt3A_47, %eq3A_57 : i1
      %convert_element_type3A = arith.extui %and3A_58 : i1 to i32
      %cond3A = arith.constant 0 : i32
      %cond3A_59 = arith.cmpi ne, %convert_element_type3A, %cond3A : i32
      scf.if %cond3A_59 {
        %swap3A_60 = arith.index_cast %add3A_46 : i32 to index
        %swap3A_61 = memref.load %arg3[%swap3A_60] : memref<5120xi32, #tpu.memory_space<smem>>
        memref.store %get3A_36, %arg3[%swap3A_60] : memref<5120xi32, #tpu.memory_space<smem>>
        %get3A_62 = arith.index_cast %get3A_36 : i32 to index
        %get3A_63 = memref.load %arg6[%get3A_62] : memref<4097xi32, #tpu.memory_space<smem>>
        %sub3A_64 = arith.subi %get3A_63, %get3A_39 : i32
        %min3A_65 = arith.constant 32 : i32
        %min3A_66 = arith.minsi %sub3A_64, %min3A_65 : i32
        %swap3A_67 = arith.index_cast %add3A_46 : i32 to index
        %swap3A_68 = memref.load %arg4[%swap3A_67] : memref<5120xi32, #tpu.memory_space<smem>>
        memref.store %min3A_66, %arg4[%swap3A_67] : memref<5120xi32, #tpu.memory_space<smem>>
      } else {
      }
    }
    %scan3A_21 = arith.constant 32768 : i32
    %gt3A = arith.constant 0 : i32
    %gt3A_22 = arith.cmpi sgt, %scan3A_14, %gt3A : i32
    %sub3A = arith.constant 1 : i32
    %sub3A_23 = arith.subi %scan3A_14, %sub3A : i32
    %max3A = arith.constant 0 : i32
    %max3A_24 = arith.maxsi %sub3A_23, %max3A : i32
    %get3A = arith.index_cast %max3A_24 : i32 to index
    %get3A_25 = memref.load %arg3[%get3A] : memref<5120xi32, #tpu.memory_space<smem>>
    %jit3A = arith.constant 0 : i32
    %select_n3A = arith.select %gt3A_22, %get3A_25, %jit3A : i32
    %while3A = arith.constant 5120 : i32
    %while3A_26 = arith.subi %while3A, %scan3A_14 : i32
    %while3A_27 = arith.addi %scan3A_14, %while3A_26 : i32
    %while3A_28 = arith.constant 1 : i32
    %while3A_29 = arith.divsi %while3A_26, %while3A_28 : i32
    %while3A_30 = arith.muli %while3A_29, %while3A_28 : i32
    %while3A_31 = arith.addi %scan3A_14, %while3A_30 : i32
    %while3A_32 = arith.constant 1 : i32
    scf.for %while3A_34 = %scan3A_14 to %while3A_31 step %while3A_32  : i32 {
      %swap3A_35 = arith.index_cast %while3A_34 : i32 to index
      %swap3A_36 = memref.load %arg3[%swap3A_35] : memref<5120xi32, #tpu.memory_space<smem>>
      memref.store %select_n3A, %arg3[%swap3A_35] : memref<5120xi32, #tpu.memory_space<smem>>
      %swap3A_37 = arith.constant 0 : i32
      %swap3A_38 = arith.index_cast %while3A_34 : i32 to index
      %swap3A_39 = memref.load %arg4[%swap3A_38] : memref<5120xi32, #tpu.memory_space<smem>>
      memref.store %swap3A_37, %arg4[%swap3A_38] : memref<5120xi32, #tpu.memory_space<smem>>
    }
    %while3A_33 = arith.constant 1 : i32
    scf.for %while3A_34 = %while3A_31 to %while3A_27 step %while3A_33  : i32 {
      %swap3A_35 = arith.index_cast %while3A_34 : i32 to index
      %swap3A_36 = memref.load %arg3[%swap3A_35] : memref<5120xi32, #tpu.memory_space<smem>>
      memref.store %select_n3A, %arg3[%swap3A_35] : memref<5120xi32, #tpu.memory_space<smem>>
      %swap3A_37 = arith.constant 0 : i32
      %swap3A_38 = arith.index_cast %while3A_34 : i32 to index
      %swap3A_39 = memref.load %arg4[%swap3A_38] : memref<5120xi32, #tpu.memory_space<smem>>
      memref.store %swap3A_37, %arg4[%swap3A_38] : memref<5120xi32, #tpu.memory_space<smem>>
    }
    return
  }
  func.func @transform_0(%arg0: i32, %arg1: memref<32768xi32, #tpu.memory_space<smem>>) -> i32 {
    %c0_i32 = arith.constant 0 : i32
    %c0_i32_0 = arith.constant 0 : i32
    return %c0_i32 : i32
  }
  func.func @transform_1(%arg0: i32, %arg1: memref<32768xi32, #tpu.memory_space<smem>>) -> i32 {
    %c0_i32 = arith.constant 0 : i32
    %c0_i32_0 = arith.constant 0 : i32
    return %c0_i32 : i32
  }
  func.func @transform_2(%arg0: i32, %arg1: memref<32768xi32, #tpu.memory_space<smem>>) -> i32 {
    %c0_i32 = arith.constant 0 : i32
    %c0_i32_0 = arith.constant 0 : i32
    return %c0_i32 : i32
  }
  func.func @transform_3(%arg0: i32, %arg1: memref<32768xi32, #tpu.memory_space<smem>>) -> i32 {
    %c0_i32 = arith.constant 0 : i32
    %c0_i32_0 = arith.constant 0 : i32
    return %c0_i32 : i32
  }
}

module attributes {stable_mosaic.version = 14 : i64} {
  func.func @_repack_body(%arg0: i32, %arg1: memref<32x63x32xf32, #tpu.memory_space<vmem>>, %arg2: memref<32x1x32xf32, #tpu.memory_space<vmem>>, %arg3: memref<32x32x33xf32, #tpu.memory_space<vmem>>, %arg4: memref<32x1x33xf32, #tpu.memory_space<vmem>>, %arg5: memref<32x32x32xf32, #tpu.memory_space<vmem>>, %arg6: memref<32x1x32xf32, #tpu.memory_space<vmem>>, %arg7: memref<32x59x32xf32, #tpu.memory_space<vmem>>, %arg8: memref<32x1x32xf32, #tpu.memory_space<vmem>>, %arg9: memref<32x32x32xf32, #tpu.memory_space<vmem>>, %arg10: memref<32x1x32xf32, #tpu.memory_space<vmem>>, %arg11: memref<32x1x32xf32, #tpu.memory_space<vmem>>, %arg12: memref<32x232x32xf32, #tpu.memory_space<vmem>>) attributes {dimension_semantics = [#tpu.dimension_semantics<arbitrary>], iteration_bounds = array<i64: 128>, scalar_prefetch = 0 : i64, scratch_operands = 0 : i64, tpu.core_type = #tpu.core_type<tc>, window_params = [{transform_indices = @transform_0, window_bounds = array<i64: 32, 63, 32>}, {transform_indices = @transform_1, window_bounds = array<i64: 32, 1, 32>}, {transform_indices = @transform_2, window_bounds = array<i64: 32, 32, 33>}, {transform_indices = @transform_3, window_bounds = array<i64: 32, 1, 33>}, {transform_indices = @transform_4, window_bounds = array<i64: 32, 32, 32>}, {transform_indices = @transform_5, window_bounds = array<i64: 32, 1, 32>}, {transform_indices = @transform_6, window_bounds = array<i64: 32, 59, 32>}, {transform_indices = @transform_7, window_bounds = array<i64: 32, 1, 32>}, {transform_indices = @transform_8, window_bounds = array<i64: 32, 32, 32>}, {transform_indices = @transform_9, window_bounds = array<i64: 32, 1, 32>}, {transform_indices = @transform_10, window_bounds = array<i64: 32, 1, 32>}, {transform_indices = @transform_11, window_bounds = array<i64: 32, 232, 32>}]} {
    %get3A = arith.constant 0 : index
    %get3A_0 = arith.constant 0 : index
    %get3A_1 = arith.constant 0 : index
    %get3A_2 = vector.load %arg1[%get3A, %get3A_0, %get3A_1] : memref<32x63x32xf32, #tpu.memory_space<vmem>>, vector<32x63x32xf32>
    %swap3A = arith.constant 0 : index
    %swap3A_3 = arith.constant 0 : index
    %swap3A_4 = arith.constant 0 : index
    %swap3A_5 = vector.load %arg12[%swap3A, %swap3A_3, %swap3A_4] : memref<32x232x32xf32, #tpu.memory_space<vmem>>, vector<32x63x32xf32>
    tpu.vector_store %arg12[%swap3A, %swap3A_3, %swap3A_4], %get3A_2 {strides = array<i32>} : memref<32x232x32xf32, #tpu.memory_space<vmem>>, vector<32x63x32xf32>,
    %broadcast_in_dim3A = arith.constant 0.000000e+00 : f32
    %broadcast_in_dim3A_6 = vector.broadcast %broadcast_in_dim3A : f32 to vector<32x1x32xf32>
    %swap3A_7 = arith.constant 0 : index
    %swap3A_8 = arith.constant 63 : index
    %swap3A_9 = arith.constant 0 : index
    %swap3A_10 = vector.load %arg12[%swap3A_7, %swap3A_8, %swap3A_9] : memref<32x232x32xf32, #tpu.memory_space<vmem>>, vector<32x1x32xf32>
    tpu.vector_store %arg12[%swap3A_7, %swap3A_8, %swap3A_9], %broadcast_in_dim3A_6 {strides = array<i32>} : memref<32x232x32xf32, #tpu.memory_space<vmem>>, vector<32x1x32xf32>,
    %get3A_11 = arith.constant 0 : index
    %get3A_12 = arith.constant 0 : index
    %get3A_13 = arith.constant 0 : index
    %get3A_14 = vector.load %arg2[%get3A_11, %get3A_12, %get3A_13] : memref<32x1x32xf32, #tpu.memory_space<vmem>>, vector<32x1x32xf32>
    %swap3A_15 = arith.constant 0 : index
    %swap3A_16 = arith.constant 64 : index
    %swap3A_17 = arith.constant 0 : index
    %swap3A_18 = vector.load %arg12[%swap3A_15, %swap3A_16, %swap3A_17] : memref<32x232x32xf32, #tpu.memory_space<vmem>>, vector<32x1x32xf32>
    tpu.vector_store %arg12[%swap3A_15, %swap3A_16, %swap3A_17], %get3A_14 {strides = array<i32>} : memref<32x232x32xf32, #tpu.memory_space<vmem>>, vector<32x1x32xf32>,
    %get3A_19 = arith.constant 0 : index
    %get3A_20 = arith.constant 0 : index
    %get3A_21 = arith.constant 0 : index
    %get3A_22 = vector.load %arg3[%get3A_19, %get3A_20, %get3A_21] : memref<32x32x33xf32, #tpu.memory_space<vmem>>, vector<32x32x32xf32>
    %swap3A_23 = arith.constant 0 : index
    %swap3A_24 = arith.constant 65 : index
    %swap3A_25 = arith.constant 0 : index
    %swap3A_26 = vector.load %arg12[%swap3A_23, %swap3A_24, %swap3A_25] : memref<32x232x32xf32, #tpu.memory_space<vmem>>, vector<32x32x32xf32>
    tpu.vector_store %arg12[%swap3A_23, %swap3A_24, %swap3A_25], %get3A_22 {strides = array<i32>} : memref<32x232x32xf32, #tpu.memory_space<vmem>>, vector<32x32x32xf32>,
    %get3A_27 = arith.constant 0 : index
    %get3A_28 = arith.constant 0 : index
    %get3A_29 = arith.constant 0 : index
    %get3A_30 = vector.load %arg4[%get3A_27, %get3A_28, %get3A_29] : memref<32x1x33xf32, #tpu.memory_space<vmem>>, vector<32x1x32xf32>
    %swap3A_31 = arith.constant 0 : index
    %swap3A_32 = arith.constant 97 : index
    %swap3A_33 = arith.constant 0 : index
    %swap3A_34 = vector.load %arg12[%swap3A_31, %swap3A_32, %swap3A_33] : memref<32x232x32xf32, #tpu.memory_space<vmem>>, vector<32x1x32xf32>
    tpu.vector_store %arg12[%swap3A_31, %swap3A_32, %swap3A_33], %get3A_30 {strides = array<i32>} : memref<32x232x32xf32, #tpu.memory_space<vmem>>, vector<32x1x32xf32>,
    %get3A_35 = arith.constant 0 : index
    %get3A_36 = arith.constant 0 : index
    %get3A_37 = arith.constant 0 : index
    %get3A_38 = vector.load %arg5[%get3A_35, %get3A_36, %get3A_37] : memref<32x32x32xf32, #tpu.memory_space<vmem>>, vector<32x32x32xf32>
    %swap3A_39 = arith.constant 0 : index
    %swap3A_40 = arith.constant 98 : index
    %swap3A_41 = arith.constant 0 : index
    %swap3A_42 = vector.load %arg12[%swap3A_39, %swap3A_40, %swap3A_41] : memref<32x232x32xf32, #tpu.memory_space<vmem>>, vector<32x32x32xf32>
    tpu.vector_store %arg12[%swap3A_39, %swap3A_40, %swap3A_41], %get3A_38 {strides = array<i32>} : memref<32x232x32xf32, #tpu.memory_space<vmem>>, vector<32x32x32xf32>,
    %get3A_43 = arith.constant 0 : index
    %get3A_44 = arith.constant 0 : index
    %get3A_45 = arith.constant 0 : index
    %get3A_46 = vector.load %arg6[%get3A_43, %get3A_44, %get3A_45] : memref<32x1x32xf32, #tpu.memory_space<vmem>>, vector<32x1x32xf32>
    %swap3A_47 = arith.constant 0 : index
    %swap3A_48 = arith.constant 130 : index
    %swap3A_49 = arith.constant 0 : index
    %swap3A_50 = vector.load %arg12[%swap3A_47, %swap3A_48, %swap3A_49] : memref<32x232x32xf32, #tpu.memory_space<vmem>>, vector<32x1x32xf32>
    tpu.vector_store %arg12[%swap3A_47, %swap3A_48, %swap3A_49], %get3A_46 {strides = array<i32>} : memref<32x232x32xf32, #tpu.memory_space<vmem>>, vector<32x1x32xf32>,
    %get3A_51 = arith.constant 0 : index
    %get3A_52 = arith.constant 0 : index
    %get3A_53 = arith.constant 0 : index
    %get3A_54 = vector.load %arg7[%get3A_51, %get3A_52, %get3A_53] : memref<32x59x32xf32, #tpu.memory_space<vmem>>, vector<32x59x32xf32>
    %swap3A_55 = arith.constant 0 : index
    %swap3A_56 = arith.constant 131 : index
    %swap3A_57 = arith.constant 0 : index
    %swap3A_58 = vector.load %arg12[%swap3A_55, %swap3A_56, %swap3A_57] : memref<32x232x32xf32, #tpu.memory_space<vmem>>, vector<32x59x32xf32>
    tpu.vector_store %arg12[%swap3A_55, %swap3A_56, %swap3A_57], %get3A_54 {strides = array<i32>} : memref<32x232x32xf32, #tpu.memory_space<vmem>>, vector<32x59x32xf32>,
    %get3A_59 = arith.constant 0 : index
    %get3A_60 = arith.constant 0 : index
    %get3A_61 = arith.constant 0 : index
    %get3A_62 = vector.load %arg8[%get3A_59, %get3A_60, %get3A_61] : memref<32x1x32xf32, #tpu.memory_space<vmem>>, vector<32x1x32xf32>
    %swap3A_63 = arith.constant 0 : index
    %swap3A_64 = arith.constant 190 : index
    %swap3A_65 = arith.constant 0 : index
    %swap3A_66 = vector.load %arg12[%swap3A_63, %swap3A_64, %swap3A_65] : memref<32x232x32xf32, #tpu.memory_space<vmem>>, vector<32x1x32xf32>
    tpu.vector_store %arg12[%swap3A_63, %swap3A_64, %swap3A_65], %get3A_62 {strides = array<i32>} : memref<32x232x32xf32, #tpu.memory_space<vmem>>, vector<32x1x32xf32>,
    %get3A_67 = arith.constant 0 : index
    %get3A_68 = arith.constant 0 : index
    %get3A_69 = arith.constant 0 : index
    %get3A_70 = vector.load %arg9[%get3A_67, %get3A_68, %get3A_69] : memref<32x32x32xf32, #tpu.memory_space<vmem>>, vector<32x32x32xf32>
    %swap3A_71 = arith.constant 0 : index
    %swap3A_72 = arith.constant 191 : index
    %swap3A_73 = arith.constant 0 : index
    %swap3A_74 = vector.load %arg12[%swap3A_71, %swap3A_72, %swap3A_73] : memref<32x232x32xf32, #tpu.memory_space<vmem>>, vector<32x32x32xf32>
    tpu.vector_store %arg12[%swap3A_71, %swap3A_72, %swap3A_73], %get3A_70 {strides = array<i32>} : memref<32x232x32xf32, #tpu.memory_space<vmem>>, vector<32x32x32xf32>,
    %get3A_75 = arith.constant 0 : index
    %get3A_76 = arith.constant 0 : index
    %get3A_77 = arith.constant 0 : index
    %get3A_78 = vector.load %arg10[%get3A_75, %get3A_76, %get3A_77] : memref<32x1x32xf32, #tpu.memory_space<vmem>>, vector<32x1x32xf32>
    %swap3A_79 = arith.constant 0 : index
    %swap3A_80 = arith.constant 223 : index
    %swap3A_81 = arith.constant 0 : index
    %swap3A_82 = vector.load %arg12[%swap3A_79, %swap3A_80, %swap3A_81] : memref<32x232x32xf32, #tpu.memory_space<vmem>>, vector<32x1x32xf32>
    tpu.vector_store %arg12[%swap3A_79, %swap3A_80, %swap3A_81], %get3A_78 {strides = array<i32>} : memref<32x232x32xf32, #tpu.memory_space<vmem>>, vector<32x1x32xf32>,
    %get3A_83 = arith.constant 0 : index
    %get3A_84 = arith.constant 0 : index
    %get3A_85 = arith.constant 0 : index
    %get3A_86 = vector.load %arg11[%get3A_83, %get3A_84, %get3A_85] : memref<32x1x32xf32, #tpu.memory_space<vmem>>, vector<32x1x32xf32>
    %swap3A_87 = arith.constant 0 : index
    %swap3A_88 = arith.constant 224 : index
    %swap3A_89 = arith.constant 0 : index
    %swap3A_90 = vector.load %arg12[%swap3A_87, %swap3A_88, %swap3A_89] : memref<32x232x32xf32, #tpu.memory_space<vmem>>, vector<32x1x32xf32>
    tpu.vector_store %arg12[%swap3A_87, %swap3A_88, %swap3A_89], %get3A_86 {strides = array<i32>} : memref<32x232x32xf32, #tpu.memory_space<vmem>>, vector<32x1x32xf32>,
    %broadcast_in_dim3A_91 = arith.constant 0.000000e+00 : f32
    %broadcast_in_dim3A_92 = vector.broadcast %broadcast_in_dim3A_91 : f32 to vector<32x1x32xf32>
    %get3A_93 = arith.constant 0 : index
    %get3A_94 = arith.constant 0 : index
    %get3A_95 = arith.constant 32 : index
    %get3A_96 = vector.load %arg4[%get3A_93, %get3A_94, %get3A_95] : memref<32x1x33xf32, #tpu.memory_space<vmem>>, vector<32x1x1xf32>
    %add3A = vector.broadcast %get3A_96 : vector<32x1x1xf32> to vector<32x1x32xf32>
    %add3A_97 = arith.addf %broadcast_in_dim3A_92, %add3A : vector<32x1x32xf32>
    %iota3A = tpu.iota {dimensions = array<i32: 2>} : vector<32x1x32xi32>
    %eq3A = arith.constant 0 : i32
    %eq3A_98 = vector.broadcast %eq3A : i32 to vector<32x1x32xi32>
    %eq3A_99 = arith.cmpi eq, %iota3A, %eq3A_98 : vector<32x1x32xi32>
    %convert_element_type3A = arith.extui %eq3A_99 : vector<32x1x32xi1> to vector<32x1x32xi32>
    %convert_element_type3A_100 = arith.sitofp %convert_element_type3A : vector<32x1x32xi32> to vector<32x1x32xf32>
    %mul3A = arith.mulf %add3A_97, %convert_element_type3A_100 : vector<32x1x32xf32>
    %swap3A_101 = arith.constant 0 : index
    %swap3A_102 = arith.constant 225 : index
    %swap3A_103 = arith.constant 0 : index
    %swap3A_104 = vector.load %arg12[%swap3A_101, %swap3A_102, %swap3A_103] : memref<32x232x32xf32, #tpu.memory_space<vmem>>, vector<32x1x32xf32>
    tpu.vector_store %arg12[%swap3A_101, %swap3A_102, %swap3A_103], %mul3A {strides = array<i32>} : memref<32x232x32xf32, #tpu.memory_space<vmem>>, vector<32x1x32xf32>,
    %broadcast_in_dim3A_105 = arith.constant 0.000000e+00 : f32
    %broadcast_in_dim3A_106 = vector.broadcast %broadcast_in_dim3A_105 : f32 to vector<32x6x32xf32>
    %swap3A_107 = arith.constant 0 : index
    %swap3A_108 = arith.constant 226 : index
    %swap3A_109 = arith.constant 0 : index
    %swap3A_110 = vector.load %arg12[%swap3A_107, %swap3A_108, %swap3A_109] : memref<32x232x32xf32, #tpu.memory_space<vmem>>, vector<32x6x32xf32>
    tpu.vector_store %arg12[%swap3A_107, %swap3A_108, %swap3A_109], %broadcast_in_dim3A_106 {strides = array<i32>} : memref<32x232x32xf32, #tpu.memory_space<vmem>>, vector<32x6x32xf32>,
    return
  }
  func.func @transform_0(%arg0: i32) -> (i32, i32, i32) {
    %c0_i32 = arith.constant 0 : i32
    %c0_i32_0 = arith.constant 0 : i32
    %c0_i32_1 = arith.constant 0 : i32
    return %arg0, %c0_i32, %c0_i32_0 : i32, i32, i32
  }
  func.func @transform_1(%arg0: i32) -> (i32, i32, i32) {
    %c0_i32 = arith.constant 0 : i32
    %c0_i32_0 = arith.constant 0 : i32
    %c0_i32_1 = arith.constant 0 : i32
    return %arg0, %c0_i32, %c0_i32_0 : i32, i32, i32
  }
  func.func @transform_2(%arg0: i32) -> (i32, i32, i32) {
    %c0_i32 = arith.constant 0 : i32
    %c0_i32_0 = arith.constant 0 : i32
    %c0_i32_1 = arith.constant 0 : i32
    return %arg0, %c0_i32, %c0_i32_0 : i32, i32, i32
  }
  func.func @transform_3(%arg0: i32) -> (i32, i32, i32) {
    %c0_i32 = arith.constant 0 : i32
    %c0_i32_0 = arith.constant 0 : i32
    %c0_i32_1 = arith.constant 0 : i32
    return %arg0, %c0_i32, %c0_i32_0 : i32, i32, i32
  }
  func.func @transform_4(%arg0: i32) -> (i32, i32, i32) {
    %c0_i32 = arith.constant 0 : i32
    %c0_i32_0 = arith.constant 0 : i32
    %c0_i32_1 = arith.constant 0 : i32
    return %arg0, %c0_i32, %c0_i32_0 : i32, i32, i32
  }
  func.func @transform_5(%arg0: i32) -> (i32, i32, i32) {
    %c0_i32 = arith.constant 0 : i32
    %c0_i32_0 = arith.constant 0 : i32
    %c0_i32_1 = arith.constant 0 : i32
    return %arg0, %c0_i32, %c0_i32_0 : i32, i32, i32
  }
  func.func @transform_6(%arg0: i32) -> (i32, i32, i32) {
    %c0_i32 = arith.constant 0 : i32
    %c0_i32_0 = arith.constant 0 : i32
    %c0_i32_1 = arith.constant 0 : i32
    return %arg0, %c0_i32, %c0_i32_0 : i32, i32, i32
  }
  func.func @transform_7(%arg0: i32) -> (i32, i32, i32) {
    %c0_i32 = arith.constant 0 : i32
    %c0_i32_0 = arith.constant 0 : i32
    %c0_i32_1 = arith.constant 0 : i32
    return %arg0, %c0_i32, %c0_i32_0 : i32, i32, i32
  }
  func.func @transform_8(%arg0: i32) -> (i32, i32, i32) {
    %c0_i32 = arith.constant 0 : i32
    %c0_i32_0 = arith.constant 0 : i32
    %c0_i32_1 = arith.constant 0 : i32
    return %arg0, %c0_i32, %c0_i32_0 : i32, i32, i32
  }
  func.func @transform_9(%arg0: i32) -> (i32, i32, i32) {
    %c0_i32 = arith.constant 0 : i32
    %c0_i32_0 = arith.constant 0 : i32
    %c0_i32_1 = arith.constant 0 : i32
    return %arg0, %c0_i32, %c0_i32_0 : i32, i32, i32
  }
  func.func @transform_10(%arg0: i32) -> (i32, i32, i32) {
    %c0_i32 = arith.constant 0 : i32
    %c0_i32_0 = arith.constant 0 : i32
    %c0_i32_1 = arith.constant 0 : i32
    return %arg0, %c0_i32, %c0_i32_0 : i32, i32, i32
  }
  func.func @transform_11(%arg0: i32) -> (i32, i32, i32) {
    %c0_i32 = arith.constant 0 : i32
    %c0_i32_0 = arith.constant 0 : i32
    %c0_i32_1 = arith.constant 0 : i32
    return %arg0, %c0_i32, %c0_i32_0 : i32, i32, i32
  }
}

module attributes {stable_mosaic.version = 14 : i64} {
  func.func @_mlp_body(%arg0: i32, %arg1: memref<5120xi32, #tpu.memory_space<smem>>, %arg2: memref<320xi32, #tpu.memory_space<smem>>, %arg3: memref<16x64xf32, #tpu.memory_space<vmem>>, %arg4: memref<16x32x8xf32, #tpu.memory_space<vmem>>, %arg5: memref<1x232x32xf32, #tpu.memory_space<vmem>>, %arg6: memref<1x232x32xf32, #tpu.memory_space<vmem>>, %arg7: memref<1x232x32xf32, #tpu.memory_space<vmem>>, %arg8: memref<1x232x32xf32, #tpu.memory_space<vmem>>, %arg9: memref<1x232x32xf32, #tpu.memory_space<vmem>>, %arg10: memref<1x232x32xf32, #tpu.memory_space<vmem>>, %arg11: memref<1x232x32xf32, #tpu.memory_space<vmem>>, %arg12: memref<1x232x32xf32, #tpu.memory_space<vmem>>, %arg13: memref<1x232x32xf32, #tpu.memory_space<vmem>>, %arg14: memref<1x232x32xf32, #tpu.memory_space<vmem>>, %arg15: memref<1x232x32xf32, #tpu.memory_space<vmem>>, %arg16: memref<1x232x32xf32, #tpu.memory_space<vmem>>, %arg17: memref<1x232x32xf32, #tpu.memory_space<vmem>>, %arg18: memref<1x232x32xf32, #tpu.memory_space<vmem>>, %arg19: memref<1x232x32xf32, #tpu.memory_space<vmem>>, %arg20: memref<1x232x32xf32, #tpu.memory_space<vmem>>, %arg21: memref<16x32x8xf32, #tpu.memory_space<vmem>>) attributes {dimension_semantics = [#tpu.dimension_semantics<arbitrary>], iteration_bounds = array<i64: 320>, scalar_prefetch = 2 : i64, scratch_operands = 0 : i64, tpu.core_type = #tpu.core_type<tc>, window_params = [{pipeline_mode = #tpu.pipeline_mode<synchronous>, transform_indices = @transform_0, window_bounds = array<i64: 16, 64>}, {transform_indices = @transform_1, window_bounds = array<i64: 16, 32, 8>}, {transform_indices = @transform_2, window_bounds = array<i64: 1, 232, 32>}, {transform_indices = @transform_3, window_bounds = array<i64: 1, 232, 32>}, {transform_indices = @transform_4, window_bounds = array<i64: 1, 232, 32>}, {transform_indices = @transform_5, window_bounds = array<i64: 1, 232, 32>}, {transform_indices = @transform_6, window_bounds = array<i64: 1, 232, 32>}, {transform_indices = @transform_7, window_bounds = array<i64: 1, 232, 32>}, {transform_indices = @transform_8, window_bounds = array<i64: 1, 232, 32>}, {transform_indices = @transform_9, window_bounds = array<i64: 1, 232, 32>}, {transform_indices = @transform_10, window_bounds = array<i64: 1, 232, 32>}, {transform_indices = @transform_11, window_bounds = array<i64: 1, 232, 32>}, {transform_indices = @transform_12, window_bounds = array<i64: 1, 232, 32>}, {transform_indices = @transform_13, window_bounds = array<i64: 1, 232, 32>}, {transform_indices = @transform_14, window_bounds = array<i64: 1, 232, 32>}, {transform_indices = @transform_15, window_bounds = array<i64: 1, 232, 32>}, {transform_indices = @transform_16, window_bounds = array<i64: 1, 232, 32>}, {transform_indices = @transform_17, window_bounds = array<i64: 1, 232, 32>}, {transform_indices = @transform_18, window_bounds = array<i64: 16, 32, 8>}]} {
    %get3A = arith.constant 0 : index
    %get3A_0 = arith.constant 0 : index
    %get3A_1 = vector.load %arg3[%get3A, %get3A_0] : memref<16x64xf32, #tpu.memory_space<vmem>>, vector<16x64xf32>
    %get3A_2 = arith.index_cast %arg0 : i32 to index
    %get3A_3 = memref.load %arg2[%get3A_2] : memref<320xi32, #tpu.memory_space<smem>>
    %gt3A = arith.constant 0 : i32
    %gt3A_4 = arith.cmpi sgt, %get3A_3, %gt3A : i32
    %convert_element_type3A = arith.extui %gt3A_4 : i1 to i32
    %cond3A = arith.constant 0 : i32
    %cond3A_5 = arith.cmpi ne, %convert_element_type3A, %cond3A : i32
    scf.if %cond3A_5 {
      %get3A_6 = arith.constant 0 : index
      %get3A_7 = arith.constant 0 : index
      %get3A_8 = arith.constant 0 : index
      %get3A_9 = vector.load %arg4[%get3A_6, %get3A_7, %get3A_8] : memref<16x32x8xf32, #tpu.memory_space<vmem>>, vector<1x32x8xf32>
      %get3A_10 = vector.shape_cast %get3A_9 : vector<1x32x8xf32> to vector<32x8xf32>
      %slice3A = vector.extract_strided_slice %get3A_10 {offsets = [0, 0], sizes = [32, 3], strides = [1, 1]} : vector<32x8xf32> to vector<32x3xf32>
      %slice3A_11 = vector.extract_strided_slice %get3A_1 {offsets = [0, 0], sizes = [3, 64], strides = [1, 1]} : vector<16x64xf32> to vector<3x64xf32>
      %dot_general3A = arith.constant dense<0.000000e+00> : vector<32x64xf32>
      %dot_general3A_12 = tpu.matmul %slice3A, %slice3A_11, %dot_general3A {dimension_numbers = #tpu.dot_dimension_numbers<[1], [0], [0], [1], [0, 0, 1, 1], [], []>, precision = #tpu.contract_precision<fp32>, transpose_lhs_hint = false} : vector<32x3xf32>, vector<3x64xf32>, vector<32x64xf32> -> vector<32x64xf32>
      %slice3A_13 = vector.extract_strided_slice %get3A_1 {offsets = [3, 0], sizes = [1, 64], strides = [1, 1]} : vector<16x64xf32> to vector<1x64xf32>
      %mul3A = vector.broadcast %slice3A_13 : vector<1x64xf32> to vector<32x64xf32>
      %mul3A_14 = arith.mulf %dot_general3A_12, %mul3A : vector<32x64xf32>
      %mul3A_15 = arith.constant 0.159154937 : f32
      %mul3A_16 = vector.broadcast %mul3A_15 : f32 to vector<32x64xf32>
      %mul3A_17 = arith.mulf %mul3A_14, %mul3A_16 : vector<32x64xf32>
      %round3A = math.roundeven %mul3A_17 : vector<32x64xf32>
      %sub3A = arith.subf %mul3A_17, %round3A : vector<32x64xf32>
      %mul3A_18 = arith.constant 6.28318548 : f32
      %mul3A_19 = vector.broadcast %mul3A_18 : f32 to vector<32x64xf32>
      %mul3A_20 = arith.mulf %sub3A, %mul3A_19 : vector<32x64xf32>
      %slice3A_21 = vector.extract_strided_slice %get3A_1 {offsets = [4, 0], sizes = [1, 64], strides = [1, 1]} : vector<16x64xf32> to vector<1x64xf32>
      %mul3A_22 = vector.broadcast %slice3A_21 : vector<1x64xf32> to vector<32x64xf32>
      %mul3A_23 = arith.mulf %mul3A_22, %dot_general3A_12 : vector<32x64xf32>
      %slice3A_24 = vector.extract_strided_slice %get3A_1 {offsets = [5, 0], sizes = [1, 64], strides = [1, 1]} : vector<16x64xf32> to vector<1x64xf32>
      %mul3A_25 = arith.mulf %mul3A_20, %mul3A_20 : vector<32x64xf32>
      %mul3A_26 = arith.constant -2.05340793E-8 : f32
      %mul3A_27 = vector.broadcast %mul3A_26 : f32 to vector<32x64xf32>
      %mul3A_28 = arith.mulf %mul3A_25, %mul3A_27 : vector<32x64xf32>
      %add3A = arith.constant 2.70404735E-6 : f32
      %add3A_29 = vector.broadcast %add3A : f32 to vector<32x64xf32>
      %add3A_30 = arith.addf %add3A_29, %mul3A_28 : vector<32x64xf32>
      %mul3A_31 = arith.mulf %mul3A_25, %add3A_30 : vector<32x64xf32>
      %add3A_32 = arith.constant -1.98125723E-4 : f32
      %add3A_33 = vector.broadcast %add3A_32 : f32 to vector<32x64xf32>
      %add3A_34 = arith.addf %add3A_33, %mul3A_31 : vector<32x64xf32>
      %mul3A_35 = arith.mulf %mul3A_25, %add3A_34 : vector<32x64xf32>
      %add3A_36 = arith.constant 0.00833255798 : f32
      %add3A_37 = vector.broadcast %add3A_36 : f32 to vector<32x64xf32>
      %add3A_38 = arith.addf %add3A_37, %mul3A_35 : vector<32x64xf32>
      %mul3A_39 = arith.mulf %mul3A_25, %add3A_38 : vector<32x64xf32>
      %add3A_40 = arith.constant -0.166665778 : f32
      %add3A_41 = vector.broadcast %add3A_40 : f32 to vector<32x64xf32>
      %add3A_42 = arith.addf %add3A_41, %mul3A_39 : vector<32x64xf32>
      %mul3A_43 = arith.mulf %mul3A_25, %add3A_42 : vector<32x64xf32>
      %add3A_44 = arith.constant 0.999999701 : f32
      %add3A_45 = vector.broadcast %add3A_44 : f32 to vector<32x64xf32>
      %add3A_46 = arith.addf %add3A_45, %mul3A_43 : vector<32x64xf32>
      %mul3A_47 = arith.mulf %mul3A_20, %add3A_46 : vector<32x64xf32>
      %mul3A_48 = vector.broadcast %slice3A_24 : vector<1x64xf32> to vector<32x64xf32>
      %mul3A_49 = arith.mulf %mul3A_48, %mul3A_47 : vector<32x64xf32>
      %add3A_50 = arith.addf %mul3A_23, %mul3A_49 : vector<32x64xf32>
      %slice3A_51 = vector.extract_strided_slice %get3A_1 {offsets = [6, 0], sizes = [1, 64], strides = [1, 1]} : vector<16x64xf32> to vector<1x64xf32>
      %mul3A_52 = arith.mulf %mul3A_20, %mul3A_20 : vector<32x64xf32>
      %mul3A_53 = arith.constant -2.21939501E-7 : f32
      %mul3A_54 = vector.broadcast %mul3A_53 : f32 to vector<32x64xf32>
      %mul3A_55 = arith.mulf %mul3A_52, %mul3A_54 : vector<32x64xf32>
      %add3A_56 = arith.constant 2.42531933E-5 : f32
      %add3A_57 = vector.broadcast %add3A_56 : f32 to vector<32x64xf32>
      %add3A_58 = arith.addf %add3A_57, %mul3A_55 : vector<32x64xf32>
      %mul3A_59 = arith.mulf %mul3A_52, %add3A_58 : vector<32x64xf32>
      %add3A_60 = arith.constant -0.0013862747 : f32
      %add3A_61 = vector.broadcast %add3A_60 : f32 to vector<32x64xf32>
      %add3A_62 = arith.addf %add3A_61, %mul3A_59 : vector<32x64xf32>
      %mul3A_63 = arith.mulf %mul3A_52, %add3A_62 : vector<32x64xf32>
      %add3A_64 = arith.constant 0.0416610315 : f32
      %add3A_65 = vector.broadcast %add3A_64 : f32 to vector<32x64xf32>
      %add3A_66 = arith.addf %add3A_65, %mul3A_63 : vector<32x64xf32>
      %mul3A_67 = arith.mulf %mul3A_52, %add3A_66 : vector<32x64xf32>
      %add3A_68 = arith.constant -0.499995589 : f32
      %add3A_69 = vector.broadcast %add3A_68 : f32 to vector<32x64xf32>
      %add3A_70 = arith.addf %add3A_69, %mul3A_67 : vector<32x64xf32>
      %mul3A_71 = arith.mulf %mul3A_52, %add3A_70 : vector<32x64xf32>
      %add3A_72 = arith.constant 0.999999463 : f32
      %add3A_73 = vector.broadcast %add3A_72 : f32 to vector<32x64xf32>
      %add3A_74 = arith.addf %add3A_73, %mul3A_71 : vector<32x64xf32>
      %mul3A_75 = vector.broadcast %slice3A_51 : vector<1x64xf32> to vector<32x64xf32>
      %mul3A_76 = arith.mulf %mul3A_75, %add3A_74 : vector<32x64xf32>
      %add3A_77 = arith.addf %add3A_50, %mul3A_76 : vector<32x64xf32>
      %slice3A_78 = vector.extract_strided_slice %get3A_10 {offsets = [0, 3], sizes = [32, 3], strides = [1, 1]} : vector<32x8xf32> to vector<32x3xf32>
      %slice3A_79 = vector.extract_strided_slice %get3A_1 {offsets = [8, 0], sizes = [3, 32], strides = [1, 1]} : vector<16x64xf32> to vector<3x32xf32>
      %dot_general3A_80 = arith.constant dense<0.000000e+00> : vector<32x32xf32>
      %dot_general3A_81 = tpu.matmul %slice3A_78, %slice3A_79, %dot_general3A_80 {dimension_numbers = #tpu.dot_dimension_numbers<[1], [0], [0], [1], [0, 0, 1, 1], [], []>, precision = #tpu.contract_precision<fp32>, transpose_lhs_hint = false} : vector<32x3xf32>, vector<3x32xf32>, vector<32x32xf32> -> vector<32x32xf32>
      %slice3A_82 = vector.extract_strided_slice %get3A_1 {offsets = [11, 0], sizes = [1, 32], strides = [1, 1]} : vector<16x64xf32> to vector<1x32xf32>
      %mul3A_83 = vector.broadcast %slice3A_82 : vector<1x32xf32> to vector<32x32xf32>
      %mul3A_84 = arith.mulf %dot_general3A_81, %mul3A_83 : vector<32x32xf32>
      %mul3A_85 = arith.constant 0.159154937 : f32
      %mul3A_86 = vector.broadcast %mul3A_85 : f32 to vector<32x32xf32>
      %mul3A_87 = arith.mulf %mul3A_84, %mul3A_86 : vector<32x32xf32>
      %round3A_88 = math.roundeven %mul3A_87 : vector<32x32xf32>
      %sub3A_89 = arith.subf %mul3A_87, %round3A_88 : vector<32x32xf32>
      %mul3A_90 = arith.constant 6.28318548 : f32
      %mul3A_91 = vector.broadcast %mul3A_90 : f32 to vector<32x32xf32>
      %mul3A_92 = arith.mulf %sub3A_89, %mul3A_91 : vector<32x32xf32>
      %slice3A_93 = vector.extract_strided_slice %get3A_1 {offsets = [12, 0], sizes = [1, 32], strides = [1, 1]} : vector<16x64xf32> to vector<1x32xf32>
      %mul3A_94 = vector.broadcast %slice3A_93 : vector<1x32xf32> to vector<32x32xf32>
      %mul3A_95 = arith.mulf %mul3A_94, %dot_general3A_81 : vector<32x32xf32>
      %slice3A_96 = vector.extract_strided_slice %get3A_1 {offsets = [13, 0], sizes = [1, 32], strides = [1, 1]} : vector<16x64xf32> to vector<1x32xf32>
      %mul3A_97 = arith.mulf %mul3A_92, %mul3A_92 : vector<32x32xf32>
      %mul3A_98 = arith.constant -2.05340793E-8 : f32
      %mul3A_99 = vector.broadcast %mul3A_98 : f32 to vector<32x32xf32>
      %mul3A_100 = arith.mulf %mul3A_97, %mul3A_99 : vector<32x32xf32>
      %add3A_101 = arith.constant 2.70404735E-6 : f32
      %add3A_102 = vector.broadcast %add3A_101 : f32 to vector<32x32xf32>
      %add3A_103 = arith.addf %add3A_102, %mul3A_100 : vector<32x32xf32>
      %mul3A_104 = arith.mulf %mul3A_97, %add3A_103 : vector<32x32xf32>
      %add3A_105 = arith.constant -1.98125723E-4 : f32
      %add3A_106 = vector.broadcast %add3A_105 : f32 to vector<32x32xf32>
      %add3A_107 = arith.addf %add3A_106, %mul3A_104 : vector<32x32xf32>
      %mul3A_108 = arith.mulf %mul3A_97, %add3A_107 : vector<32x32xf32>
      %add3A_109 = arith.constant 0.00833255798 : f32
      %add3A_110 = vector.broadcast %add3A_109 : f32 to vector<32x32xf32>
      %add3A_111 = arith.addf %add3A_110, %mul3A_108 : vector<32x32xf32>
      %mul3A_112 = arith.mulf %mul3A_97, %add3A_111 : vector<32x32xf32>
      %add3A_113 = arith.constant -0.166665778 : f32
      %add3A_114 = vector.broadcast %add3A_113 : f32 to vector<32x32xf32>
      %add3A_115 = arith.addf %add3A_114, %mul3A_112 : vector<32x32xf32>
      %mul3A_116 = arith.mulf %mul3A_97, %add3A_115 : vector<32x32xf32>
      %add3A_117 = arith.constant 0.999999701 : f32
      %add3A_118 = vector.broadcast %add3A_117 : f32 to vector<32x32xf32>
      %add3A_119 = arith.addf %add3A_118, %mul3A_116 : vector<32x32xf32>
      %mul3A_120 = arith.mulf %mul3A_92, %add3A_119 : vector<32x32xf32>
      %mul3A_121 = vector.broadcast %slice3A_96 : vector<1x32xf32> to vector<32x32xf32>
      %mul3A_122 = arith.mulf %mul3A_121, %mul3A_120 : vector<32x32xf32>
      %add3A_123 = arith.addf %mul3A_95, %mul3A_122 : vector<32x32xf32>
      %slice3A_124 = vector.extract_strided_slice %get3A_1 {offsets = [14, 0], sizes = [1, 32], strides = [1, 1]} : vector<16x64xf32> to vector<1x32xf32>
      %mul3A_125 = arith.mulf %mul3A_92, %mul3A_92 : vector<32x32xf32>
      %mul3A_126 = arith.constant -2.21939501E-7 : f32
      %mul3A_127 = vector.broadcast %mul3A_126 : f32 to vector<32x32xf32>
      %mul3A_128 = arith.mulf %mul3A_125, %mul3A_127 : vector<32x32xf32>
      %add3A_129 = arith.constant 2.42531933E-5 : f32
      %add3A_130 = vector.broadcast %add3A_129 : f32 to vector<32x32xf32>
      %add3A_131 = arith.addf %add3A_130, %mul3A_128 : vector<32x32xf32>
      %mul3A_132 = arith.mulf %mul3A_125, %add3A_131 : vector<32x32xf32>
      %add3A_133 = arith.constant -0.0013862747 : f32
      %add3A_134 = vector.broadcast %add3A_133 : f32 to vector<32x32xf32>
      %add3A_135 = arith.addf %add3A_134, %mul3A_132 : vector<32x32xf32>
      %mul3A_136 = arith.mulf %mul3A_125, %add3A_135 : vector<32x32xf32>
      %add3A_137 = arith.constant 0.0416610315 : f32
      %add3A_138 = vector.broadcast %add3A_137 : f32 to vector<32x32xf32>
      %add3A_139 = arith.addf %add3A_138, %mul3A_136 : vector<32x32xf32>
      %mul3A_140 = arith.mulf %mul3A_125, %add3A_139 : vector<32x32xf32>
      %add3A_141 = arith.constant -0.499995589 : f32
      %add3A_142 = vector.broadcast %add3A_141 : f32 to vector<32x32xf32>
      %add3A_143 = arith.addf %add3A_142, %mul3A_140 : vector<32x32xf32>
      %mul3A_144 = arith.mulf %mul3A_125, %add3A_143 : vector<32x32xf32>
      %add3A_145 = arith.constant 0.999999463 : f32
      %add3A_146 = vector.broadcast %add3A_145 : f32 to vector<32x32xf32>
      %add3A_147 = arith.addf %add3A_146, %mul3A_144 : vector<32x32xf32>
      %mul3A_148 = vector.broadcast %slice3A_124 : vector<1x32xf32> to vector<32x32xf32>
      %mul3A_149 = arith.mulf %mul3A_148, %add3A_147 : vector<32x32xf32>
      %add3A_150 = arith.addf %add3A_123, %mul3A_149 : vector<32x32xf32>
      %get3A_151 = arith.constant 1 : index
      %get3A_152 = arith.constant 0 : index
      %get3A_153 = arith.constant 0 : index
      %get3A_154 = vector.load %arg4[%get3A_151, %get3A_152, %get3A_153] : memref<16x32x8xf32, #tpu.memory_space<vmem>>, vector<1x32x8xf32>
      %get3A_155 = vector.shape_cast %get3A_154 : vector<1x32x8xf32> to vector<32x8xf32>
      %slice3A_156 = vector.extract_strided_slice %get3A_155 {offsets = [0, 0], sizes = [32, 3], strides = [1, 1]} : vector<32x8xf32> to vector<32x3xf32>
      %slice3A_157 = vector.extract_strided_slice %get3A_1 {offsets = [0, 0], sizes = [3, 64], strides = [1, 1]} : vector<16x64xf32> to vector<3x64xf32>
      %dot_general3A_158 = arith.constant dense<0.000000e+00> : vector<32x64xf32>
      %dot_general3A_159 = tpu.matmul %slice3A_156, %slice3A_157, %dot_general3A_158 {dimension_numbers = #tpu.dot_dimension_numbers<[1], [0], [0], [1], [0, 0, 1, 1], [], []>, precision = #tpu.contract_precision<fp32>, transpose_lhs_hint = false} : vector<32x3xf32>, vector<3x64xf32>, vector<32x64xf32> -> vector<32x64xf32>
      %slice3A_160 = vector.extract_strided_slice %get3A_1 {offsets = [3, 0], sizes = [1, 64], strides = [1, 1]} : vector<16x64xf32> to vector<1x64xf32>
      %mul3A_161 = vector.broadcast %slice3A_160 : vector<1x64xf32> to vector<32x64xf32>
      %mul3A_162 = arith.mulf %dot_general3A_159, %mul3A_161 : vector<32x64xf32>
      %mul3A_163 = arith.constant 0.159154937 : f32
      %mul3A_164 = vector.broadcast %mul3A_163 : f32 to vector<32x64xf32>
      %mul3A_165 = arith.mulf %mul3A_162, %mul3A_164 : vector<32x64xf32>
      %round3A_166 = math.roundeven %mul3A_165 : vector<32x64xf32>
      %sub3A_167 = arith.subf %mul3A_165, %round3A_166 : vector<32x64xf32>
      %mul3A_168 = arith.constant 6.28318548 : f32
      %mul3A_169 = vector.broadcast %mul3A_168 : f32 to vector<32x64xf32>
      %mul3A_170 = arith.mulf %sub3A_167, %mul3A_169 : vector<32x64xf32>
      %slice3A_171 = vector.extract_strided_slice %get3A_1 {offsets = [4, 0], sizes = [1, 64], strides = [1, 1]} : vector<16x64xf32> to vector<1x64xf32>
      %mul3A_172 = vector.broadcast %slice3A_171 : vector<1x64xf32> to vector<32x64xf32>
      %mul3A_173 = arith.mulf %mul3A_172, %dot_general3A_159 : vector<32x64xf32>
      %slice3A_174 = vector.extract_strided_slice %get3A_1 {offsets = [5, 0], sizes = [1, 64], strides = [1, 1]} : vector<16x64xf32> to vector<1x64xf32>
      %mul3A_175 = arith.mulf %mul3A_170, %mul3A_170 : vector<32x64xf32>
      %mul3A_176 = arith.constant -2.05340793E-8 : f32
      %mul3A_177 = vector.broadcast %mul3A_176 : f32 to vector<32x64xf32>
      %mul3A_178 = arith.mulf %mul3A_175, %mul3A_177 : vector<32x64xf32>
      %add3A_179 = arith.constant 2.70404735E-6 : f32
      %add3A_180 = vector.broadcast %add3A_179 : f32 to vector<32x64xf32>
      %add3A_181 = arith.addf %add3A_180, %mul3A_178 : vector<32x64xf32>
      %mul3A_182 = arith.mulf %mul3A_175, %add3A_181 : vector<32x64xf32>
      %add3A_183 = arith.constant -1.98125723E-4 : f32
      %add3A_184 = vector.broadcast %add3A_183 : f32 to vector<32x64xf32>
      %add3A_185 = arith.addf %add3A_184, %mul3A_182 : vector<32x64xf32>
      %mul3A_186 = arith.mulf %mul3A_175, %add3A_185 : vector<32x64xf32>
      %add3A_187 = arith.constant 0.00833255798 : f32
      %add3A_188 = vector.broadcast %add3A_187 : f32 to vector<32x64xf32>
      %add3A_189 = arith.addf %add3A_188, %mul3A_186 : vector<32x64xf32>
      %mul3A_190 = arith.mulf %mul3A_175, %add3A_189 : vector<32x64xf32>
      %add3A_191 = arith.constant -0.166665778 : f32
      %add3A_192 = vector.broadcast %add3A_191 : f32 to vector<32x64xf32>
      %add3A_193 = arith.addf %add3A_192, %mul3A_190 : vector<32x64xf32>
      %mul3A_194 = arith.mulf %mul3A_175, %add3A_193 : vector<32x64xf32>
      %add3A_195 = arith.constant 0.999999701 : f32
      %add3A_196 = vector.broadcast %add3A_195 : f32 to vector<32x64xf32>
      %add3A_197 = arith.addf %add3A_196, %mul3A_194 : vector<32x64xf32>
      %mul3A_198 = arith.mulf %mul3A_170, %add3A_197 : vector<32x64xf32>
      %mul3A_199 = vector.broadcast %slice3A_174 : vector<1x64xf32> to vector<32x64xf32>
      %mul3A_200 = arith.mulf %mul3A_199, %mul3A_198 : vector<32x64xf32>
      %add3A_201 = arith.addf %mul3A_173, %mul3A_200 : vector<32x64xf32>
      %slice3A_202 = vector.extract_strided_slice %get3A_1 {offsets = [6, 0], sizes = [1, 64], strides = [1, 1]} : vector<16x64xf32> to vector<1x64xf32>
      %mul3A_203 = arith.mulf %mul3A_170, %mul3A_170 : vector<32x64xf32>
      %mul3A_204 = arith.constant -2.21939501E-7 : f32
      %mul3A_205 = vector.broadcast %mul3A_204 : f32 to vector<32x64xf32>
      %mul3A_206 = arith.mulf %mul3A_203, %mul3A_205 : vector<32x64xf32>
      %add3A_207 = arith.constant 2.42531933E-5 : f32
      %add3A_208 = vector.broadcast %add3A_207 : f32 to vector<32x64xf32>
      %add3A_209 = arith.addf %add3A_208, %mul3A_206 : vector<32x64xf32>
      %mul3A_210 = arith.mulf %mul3A_203, %add3A_209 : vector<32x64xf32>
      %add3A_211 = arith.constant -0.0013862747 : f32
      %add3A_212 = vector.broadcast %add3A_211 : f32 to vector<32x64xf32>
      %add3A_213 = arith.addf %add3A_212, %mul3A_210 : vector<32x64xf32>
      %mul3A_214 = arith.mulf %mul3A_203, %add3A_213 : vector<32x64xf32>
      %add3A_215 = arith.constant 0.0416610315 : f32
      %add3A_216 = vector.broadcast %add3A_215 : f32 to vector<32x64xf32>
      %add3A_217 = arith.addf %add3A_216, %mul3A_214 : vector<32x64xf32>
      %mul3A_218 = arith.mulf %mul3A_203, %add3A_217 : vector<32x64xf32>
      %add3A_219 = arith.constant -0.499995589 : f32
      %add3A_220 = vector.broadcast %add3A_219 : f32 to vector<32x64xf32>
      %add3A_221 = arith.addf %add3A_220, %mul3A_218 : vector<32x64xf32>
      %mul3A_222 = arith.mulf %mul3A_203, %add3A_221 : vector<32x64xf32>
      %add3A_223 = arith.constant 0.999999463 : f32
      %add3A_224 = vector.broadcast %add3A_223 : f32 to vector<32x64xf32>
      %add3A_225 = arith.addf %add3A_224, %mul3A_222 : vector<32x64xf32>
      %mul3A_226 = vector.broadcast %slice3A_202 : vector<1x64xf32> to vector<32x64xf32>
      %mul3A_227 = arith.mulf %mul3A_226, %add3A_225 : vector<32x64xf32>
      %add3A_228 = arith.addf %add3A_201, %mul3A_227 : vector<32x64xf32>
      %slice3A_229 = vector.extract_strided_slice %get3A_155 {offsets = [0, 3], sizes = [32, 3], strides = [1, 1]} : vector<32x8xf32> to vector<32x3xf32>
      %slice3A_230 = vector.extract_strided_slice %get3A_1 {offsets = [8, 0], sizes = [3, 32], strides = [1, 1]} : vector<16x64xf32> to vector<3x32xf32>
      %dot_general3A_231 = arith.constant dense<0.000000e+00> : vector<32x32xf32>
      %dot_general3A_232 = tpu.matmul %slice3A_229, %slice3A_230, %dot_general3A_231 {dimension_numbers = #tpu.dot_dimension_numbers<[1], [0], [0], [1], [0, 0, 1, 1], [], []>, precision = #tpu.contract_precision<fp32>, transpose_lhs_hint = false} : vector<32x3xf32>, vector<3x32xf32>, vector<32x32xf32> -> vector<32x32xf32>
      %slice3A_233 = vector.extract_strided_slice %get3A_1 {offsets = [11, 0], sizes = [1, 32], strides = [1, 1]} : vector<16x64xf32> to vector<1x32xf32>
      %mul3A_234 = vector.broadcast %slice3A_233 : vector<1x32xf32> to vector<32x32xf32>
      %mul3A_235 = arith.mulf %dot_general3A_232, %mul3A_234 : vector<32x32xf32>
      %mul3A_236 = arith.constant 0.159154937 : f32
      %mul3A_237 = vector.broadcast %mul3A_236 : f32 to vector<32x32xf32>
      %mul3A_238 = arith.mulf %mul3A_235, %mul3A_237 : vector<32x32xf32>
      %round3A_239 = math.roundeven %mul3A_238 : vector<32x32xf32>
      %sub3A_240 = arith.subf %mul3A_238, %round3A_239 : vector<32x32xf32>
      %mul3A_241 = arith.constant 6.28318548 : f32
      %mul3A_242 = vector.broadcast %mul3A_241 : f32 to vector<32x32xf32>
      %mul3A_243 = arith.mulf %sub3A_240, %mul3A_242 : vector<32x32xf32>
      %slice3A_244 = vector.extract_strided_slice %get3A_1 {offsets = [12, 0], sizes = [1, 32], strides = [1, 1]} : vector<16x64xf32> to vector<1x32xf32>
      %mul3A_245 = vector.broadcast %slice3A_244 : vector<1x32xf32> to vector<32x32xf32>
      %mul3A_246 = arith.mulf %mul3A_245, %dot_general3A_232 : vector<32x32xf32>
      %slice3A_247 = vector.extract_strided_slice %get3A_1 {offsets = [13, 0], sizes = [1, 32], strides = [1, 1]} : vector<16x64xf32> to vector<1x32xf32>
      %mul3A_248 = arith.mulf %mul3A_243, %mul3A_243 : vector<32x32xf32>
      %mul3A_249 = arith.constant -2.05340793E-8 : f32
      %mul3A_250 = vector.broadcast %mul3A_249 : f32 to vector<32x32xf32>
      %mul3A_251 = arith.mulf %mul3A_248, %mul3A_250 : vector<32x32xf32>
      %add3A_252 = arith.constant 2.70404735E-6 : f32
      %add3A_253 = vector.broadcast %add3A_252 : f32 to vector<32x32xf32>
      %add3A_254 = arith.addf %add3A_253, %mul3A_251 : vector<32x32xf32>
      %mul3A_255 = arith.mulf %mul3A_248, %add3A_254 : vector<32x32xf32>
      %add3A_256 = arith.constant -1.98125723E-4 : f32
      %add3A_257 = vector.broadcast %add3A_256 : f32 to vector<32x32xf32>
      %add3A_258 = arith.addf %add3A_257, %mul3A_255 : vector<32x32xf32>
      %mul3A_259 = arith.mulf %mul3A_248, %add3A_258 : vector<32x32xf32>
      %add3A_260 = arith.constant 0.00833255798 : f32
      %add3A_261 = vector.broadcast %add3A_260 : f32 to vector<32x32xf32>
      %add3A_262 = arith.addf %add3A_261, %mul3A_259 : vector<32x32xf32>
      %mul3A_263 = arith.mulf %mul3A_248, %add3A_262 : vector<32x32xf32>
      %add3A_264 = arith.constant -0.166665778 : f32
      %add3A_265 = vector.broadcast %add3A_264 : f32 to vector<32x32xf32>
      %add3A_266 = arith.addf %add3A_265, %mul3A_263 : vector<32x32xf32>
      %mul3A_267 = arith.mulf %mul3A_248, %add3A_266 : vector<32x32xf32>
      %add3A_268 = arith.constant 0.999999701 : f32
      %add3A_269 = vector.broadcast %add3A_268 : f32 to vector<32x32xf32>
      %add3A_270 = arith.addf %add3A_269, %mul3A_267 : vector<32x32xf32>
      %mul3A_271 = arith.mulf %mul3A_243, %add3A_270 : vector<32x32xf32>
      %mul3A_272 = vector.broadcast %slice3A_247 : vector<1x32xf32> to vector<32x32xf32>
      %mul3A_273 = arith.mulf %mul3A_272, %mul3A_271 : vector<32x32xf32>
      %add3A_274 = arith.addf %mul3A_246, %mul3A_273 : vector<32x32xf32>
      %slice3A_275 = vector.extract_strided_slice %get3A_1 {offsets = [14, 0], sizes = [1, 32], strides = [1, 1]} : vector<16x64xf32> to vector<1x32xf32>
      %mul3A_276 = arith.mulf %mul3A_243, %mul3A_243 : vector<32x32xf32>
      %mul3A_277 = arith.constant -2.21939501E-7 : f32
      %mul3A_278 = vector.broadcast %mul3A_277 : f32 to vector<32x32xf32>
      %mul3A_279 = arith.mulf %mul3A_276, %mul3A_278 : vector<32x32xf32>
      %add3A_280 = arith.constant 2.42531933E-5 : f32
      %add3A_281 = vector.broadcast %add3A_280 : f32 to vector<32x32xf32>
      %add3A_282 = arith.addf %add3A_281, %mul3A_279 : vector<32x32xf32>
      %mul3A_283 = arith.mulf %mul3A_276, %add3A_282 : vector<32x32xf32>
      %add3A_284 = arith.constant -0.0013862747 : f32
      %add3A_285 = vector.broadcast %add3A_284 : f32 to vector<32x32xf32>
      %add3A_286 = arith.addf %add3A_285, %mul3A_283 : vector<32x32xf32>
      %mul3A_287 = arith.mulf %mul3A_276, %add3A_286 : vector<32x32xf32>
      %add3A_288 = arith.constant 0.0416610315 : f32
      %add3A_289 = vector.broadcast %add3A_288 : f32 to vector<32x32xf32>
      %add3A_290 = arith.addf %add3A_289, %mul3A_287 : vector<32x32xf32>
      %mul3A_291 = arith.mulf %mul3A_276, %add3A_290 : vector<32x32xf32>
      %add3A_292 = arith.constant -0.499995589 : f32
      %add3A_293 = vector.broadcast %add3A_292 : f32 to vector<32x32xf32>
      %add3A_294 = arith.addf %add3A_293, %mul3A_291 : vector<32x32xf32>
      %mul3A_295 = arith.mulf %mul3A_276, %add3A_294 : vector<32x32xf32>
      %add3A_296 = arith.constant 0.999999463 : f32
      %add3A_297 = vector.broadcast %add3A_296 : f32 to vector<32x32xf32>
      %add3A_298 = arith.addf %add3A_297, %mul3A_295 : vector<32x32xf32>
      %mul3A_299 = vector.broadcast %slice3A_275 : vector<1x32xf32> to vector<32x32xf32>
      %mul3A_300 = arith.mulf %mul3A_299, %add3A_298 : vector<32x32xf32>
      %add3A_301 = arith.addf %add3A_274, %mul3A_300 : vector<32x32xf32>
      %get3A_302 = arith.constant 2 : index
      %get3A_303 = arith.constant 0 : index
      %get3A_304 = arith.constant 0 : index
      %get3A_305 = vector.load %arg4[%get3A_302, %get3A_303, %get3A_304] : memref<16x32x8xf32, #tpu.memory_space<vmem>>, vector<1x32x8xf32>
      %get3A_306 = vector.shape_cast %get3A_305 : vector<1x32x8xf32> to vector<32x8xf32>
      %slice3A_307 = vector.extract_strided_slice %get3A_306 {offsets = [0, 0], sizes = [32, 3], strides = [1, 1]} : vector<32x8xf32> to vector<32x3xf32>
      %slice3A_308 = vector.extract_strided_slice %get3A_1 {offsets = [0, 0], sizes = [3, 64], strides = [1, 1]} : vector<16x64xf32> to vector<3x64xf32>
      %dot_general3A_309 = arith.constant dense<0.000000e+00> : vector<32x64xf32>
      %dot_general3A_310 = tpu.matmul %slice3A_307, %slice3A_308, %dot_general3A_309 {dimension_numbers = #tpu.dot_dimension_numbers<[1], [0], [0], [1], [0, 0, 1, 1], [], []>, precision = #tpu.contract_precision<fp32>, transpose_lhs_hint = false} : vector<32x3xf32>, vector<3x64xf32>, vector<32x64xf32> -> vector<32x64xf32>
      %slice3A_311 = vector.extract_strided_slice %get3A_1 {offsets = [3, 0], sizes = [1, 64], strides = [1, 1]} : vector<16x64xf32> to vector<1x64xf32>
      %mul3A_312 = vector.broadcast %slice3A_311 : vector<1x64xf32> to vector<32x64xf32>
      %mul3A_313 = arith.mulf %dot_general3A_310, %mul3A_312 : vector<32x64xf32>
      %mul3A_314 = arith.constant 0.159154937 : f32
      %mul3A_315 = vector.broadcast %mul3A_314 : f32 to vector<32x64xf32>
      %mul3A_316 = arith.mulf %mul3A_313, %mul3A_315 : vector<32x64xf32>
      %round3A_317 = math.roundeven %mul3A_316 : vector<32x64xf32>
      %sub3A_318 = arith.subf %mul3A_316, %round3A_317 : vector<32x64xf32>
      %mul3A_319 = arith.constant 6.28318548 : f32
      %mul3A_320 = vector.broadcast %mul3A_319 : f32 to vector<32x64xf32>
      %mul3A_321 = arith.mulf %sub3A_318, %mul3A_320 : vector<32x64xf32>
      %slice3A_322 = vector.extract_strided_slice %get3A_1 {offsets = [4, 0], sizes = [1, 64], strides = [1, 1]} : vector<16x64xf32> to vector<1x64xf32>
      %mul3A_323 = vector.broadcast %slice3A_322 : vector<1x64xf32> to vector<32x64xf32>
      %mul3A_324 = arith.mulf %mul3A_323, %dot_general3A_310 : vector<32x64xf32>
      %slice3A_325 = vector.extract_strided_slice %get3A_1 {offsets = [5, 0], sizes = [1, 64], strides = [1, 1]} : vector<16x64xf32> to vector<1x64xf32>
      %mul3A_326 = arith.mulf %mul3A_321, %mul3A_321 : vector<32x64xf32>
      %mul3A_327 = arith.constant -2.05340793E-8 : f32
      %mul3A_328 = vector.broadcast %mul3A_327 : f32 to vector<32x64xf32>
      %mul3A_329 = arith.mulf %mul3A_326, %mul3A_328 : vector<32x64xf32>
      %add3A_330 = arith.constant 2.70404735E-6 : f32
      %add3A_331 = vector.broadcast %add3A_330 : f32 to vector<32x64xf32>
      %add3A_332 = arith.addf %add3A_331, %mul3A_329 : vector<32x64xf32>
      %mul3A_333 = arith.mulf %mul3A_326, %add3A_332 : vector<32x64xf32>
      %add3A_334 = arith.constant -1.98125723E-4 : f32
      %add3A_335 = vector.broadcast %add3A_334 : f32 to vector<32x64xf32>
      %add3A_336 = arith.addf %add3A_335, %mul3A_333 : vector<32x64xf32>
      %mul3A_337 = arith.mulf %mul3A_326, %add3A_336 : vector<32x64xf32>
      %add3A_338 = arith.constant 0.00833255798 : f32
      %add3A_339 = vector.broadcast %add3A_338 : f32 to vector<32x64xf32>
      %add3A_340 = arith.addf %add3A_339, %mul3A_337 : vector<32x64xf32>
      %mul3A_341 = arith.mulf %mul3A_326, %add3A_340 : vector<32x64xf32>
      %add3A_342 = arith.constant -0.166665778 : f32
      %add3A_343 = vector.broadcast %add3A_342 : f32 to vector<32x64xf32>
      %add3A_344 = arith.addf %add3A_343, %mul3A_341 : vector<32x64xf32>
      %mul3A_345 = arith.mulf %mul3A_326, %add3A_344 : vector<32x64xf32>
      %add3A_346 = arith.constant 0.999999701 : f32
      %add3A_347 = vector.broadcast %add3A_346 : f32 to vector<32x64xf32>
      %add3A_348 = arith.addf %add3A_347, %mul3A_345 : vector<32x64xf32>
      %mul3A_349 = arith.mulf %mul3A_321, %add3A_348 : vector<32x64xf32>
      %mul3A_350 = vector.broadcast %slice3A_325 : vector<1x64xf32> to vector<32x64xf32>
      %mul3A_351 = arith.mulf %mul3A_350, %mul3A_349 : vector<32x64xf32>
      %add3A_352 = arith.addf %mul3A_324, %mul3A_351 : vector<32x64xf32>
      %slice3A_353 = vector.extract_strided_slice %get3A_1 {offsets = [6, 0], sizes = [1, 64], strides = [1, 1]} : vector<16x64xf32> to vector<1x64xf32>
      %mul3A_354 = arith.mulf %mul3A_321, %mul3A_321 : vector<32x64xf32>
      %mul3A_355 = arith.constant -2.21939501E-7 : f32
      %mul3A_356 = vector.broadcast %mul3A_355 : f32 to vector<32x64xf32>
      %mul3A_357 = arith.mulf %mul3A_354, %mul3A_356 : vector<32x64xf32>
      %add3A_358 = arith.constant 2.42531933E-5 : f32
      %add3A_359 = vector.broadcast %add3A_358 : f32 to vector<32x64xf32>
      %add3A_360 = arith.addf %add3A_359, %mul3A_357 : vector<32x64xf32>
      %mul3A_361 = arith.mulf %mul3A_354, %add3A_360 : vector<32x64xf32>
      %add3A_362 = arith.constant -0.0013862747 : f32
      %add3A_363 = vector.broadcast %add3A_362 : f32 to vector<32x64xf32>
      %add3A_364 = arith.addf %add3A_363, %mul3A_361 : vector<32x64xf32>
      %mul3A_365 = arith.mulf %mul3A_354, %add3A_364 : vector<32x64xf32>
      %add3A_366 = arith.constant 0.0416610315 : f32
      %add3A_367 = vector.broadcast %add3A_366 : f32 to vector<32x64xf32>
      %add3A_368 = arith.addf %add3A_367, %mul3A_365 : vector<32x64xf32>
      %mul3A_369 = arith.mulf %mul3A_354, %add3A_368 : vector<32x64xf32>
      %add3A_370 = arith.constant -0.499995589 : f32
      %add3A_371 = vector.broadcast %add3A_370 : f32 to vector<32x64xf32>
      %add3A_372 = arith.addf %add3A_371, %mul3A_369 : vector<32x64xf32>
      %mul3A_373 = arith.mulf %mul3A_354, %add3A_372 : vector<32x64xf32>
      %add3A_374 = arith.constant 0.999999463 : f32
      %add3A_375 = vector.broadcast %add3A_374 : f32 to vector<32x64xf32>
      %add3A_376 = arith.addf %add3A_375, %mul3A_373 : vector<32x64xf32>
      %mul3A_377 = vector.broadcast %slice3A_353 : vector<1x64xf32> to vector<32x64xf32>
      %mul3A_378 = arith.mulf %mul3A_377, %add3A_376 : vector<32x64xf32>
      %add3A_379 = arith.addf %add3A_352, %mul3A_378 : vector<32x64xf32>
      %slice3A_380 = vector.extract_strided_slice %get3A_306 {offsets = [0, 3], sizes = [32, 3], strides = [1, 1]} : vector<32x8xf32> to vector<32x3xf32>
      %slice3A_381 = vector.extract_strided_slice %get3A_1 {offsets = [8, 0], sizes = [3, 32], strides = [1, 1]} : vector<16x64xf32> to vector<3x32xf32>
      %dot_general3A_382 = arith.constant dense<0.000000e+00> : vector<32x32xf32>
      %dot_general3A_383 = tpu.matmul %slice3A_380, %slice3A_381, %dot_general3A_382 {dimension_numbers = #tpu.dot_dimension_numbers<[1], [0], [0], [1], [0, 0, 1, 1], [], []>, precision = #tpu.contract_precision<fp32>, transpose_lhs_hint = false} : vector<32x3xf32>, vector<3x32xf32>, vector<32x32xf32> -> vector<32x32xf32>
      %slice3A_384 = vector.extract_strided_slice %get3A_1 {offsets = [11, 0], sizes = [1, 32], strides = [1, 1]} : vector<16x64xf32> to vector<1x32xf32>
      %mul3A_385 = vector.broadcast %slice3A_384 : vector<1x32xf32> to vector<32x32xf32>
      %mul3A_386 = arith.mulf %dot_general3A_383, %mul3A_385 : vector<32x32xf32>
      %mul3A_387 = arith.constant 0.159154937 : f32
      %mul3A_388 = vector.broadcast %mul3A_387 : f32 to vector<32x32xf32>
      %mul3A_389 = arith.mulf %mul3A_386, %mul3A_388 : vector<32x32xf32>
      %round3A_390 = math.roundeven %mul3A_389 : vector<32x32xf32>
      %sub3A_391 = arith.subf %mul3A_389, %round3A_390 : vector<32x32xf32>
      %mul3A_392 = arith.constant 6.28318548 : f32
      %mul3A_393 = vector.broadcast %mul3A_392 : f32 to vector<32x32xf32>
      %mul3A_394 = arith.mulf %sub3A_391, %mul3A_393 : vector<32x32xf32>
      %slice3A_395 = vector.extract_strided_slice %get3A_1 {offsets = [12, 0], sizes = [1, 32], strides = [1, 1]} : vector<16x64xf32> to vector<1x32xf32>
      %mul3A_396 = vector.broadcast %slice3A_395 : vector<1x32xf32> to vector<32x32xf32>
      %mul3A_397 = arith.mulf %mul3A_396, %dot_general3A_383 : vector<32x32xf32>
      %slice3A_398 = vector.extract_strided_slice %get3A_1 {offsets = [13, 0], sizes = [1, 32], strides = [1, 1]} : vector<16x64xf32> to vector<1x32xf32>
      %mul3A_399 = arith.mulf %mul3A_394, %mul3A_394 : vector<32x32xf32>
      %mul3A_400 = arith.constant -2.05340793E-8 : f32
      %mul3A_401 = vector.broadcast %mul3A_400 : f32 to vector<32x32xf32>
      %mul3A_402 = arith.mulf %mul3A_399, %mul3A_401 : vector<32x32xf32>
      %add3A_403 = arith.constant 2.70404735E-6 : f32
      %add3A_404 = vector.broadcast %add3A_403 : f32 to vector<32x32xf32>
      %add3A_405 = arith.addf %add3A_404, %mul3A_402 : vector<32x32xf32>
      %mul3A_406 = arith.mulf %mul3A_399, %add3A_405 : vector<32x32xf32>
      %add3A_407 = arith.constant -1.98125723E-4 : f32
      %add3A_408 = vector.broadcast %add3A_407 : f32 to vector<32x32xf32>
      %add3A_409 = arith.addf %add3A_408, %mul3A_406 : vector<32x32xf32>
      %mul3A_410 = arith.mulf %mul3A_399, %add3A_409 : vector<32x32xf32>
      %add3A_411 = arith.constant 0.00833255798 : f32
      %add3A_412 = vector.broadcast %add3A_411 : f32 to vector<32x32xf32>
      %add3A_413 = arith.addf %add3A_412, %mul3A_410 : vector<32x32xf32>
      %mul3A_414 = arith.mulf %mul3A_399, %add3A_413 : vector<32x32xf32>
      %add3A_415 = arith.constant -0.166665778 : f32
      %add3A_416 = vector.broadcast %add3A_415 : f32 to vector<32x32xf32>
      %add3A_417 = arith.addf %add3A_416, %mul3A_414 : vector<32x32xf32>
      %mul3A_418 = arith.mulf %mul3A_399, %add3A_417 : vector<32x32xf32>
      %add3A_419 = arith.constant 0.999999701 : f32
      %add3A_420 = vector.broadcast %add3A_419 : f32 to vector<32x32xf32>
      %add3A_421 = arith.addf %add3A_420, %mul3A_418 : vector<32x32xf32>
      %mul3A_422 = arith.mulf %mul3A_394, %add3A_421 : vector<32x32xf32>
      %mul3A_423 = vector.broadcast %slice3A_398 : vector<1x32xf32> to vector<32x32xf32>
      %mul3A_424 = arith.mulf %mul3A_423, %mul3A_422 : vector<32x32xf32>
      %add3A_425 = arith.addf %mul3A_397, %mul3A_424 : vector<32x32xf32>
      %slice3A_426 = vector.extract_strided_slice %get3A_1 {offsets = [14, 0], sizes = [1, 32], strides = [1, 1]} : vector<16x64xf32> to vector<1x32xf32>
      %mul3A_427 = arith.mulf %mul3A_394, %mul3A_394 : vector<32x32xf32>
      %mul3A_428 = arith.constant -2.21939501E-7 : f32
      %mul3A_429 = vector.broadcast %mul3A_428 : f32 to vector<32x32xf32>
      %mul3A_430 = arith.mulf %mul3A_427, %mul3A_429 : vector<32x32xf32>
      %add3A_431 = arith.constant 2.42531933E-5 : f32
      %add3A_432 = vector.broadcast %add3A_431 : f32 to vector<32x32xf32>
      %add3A_433 = arith.addf %add3A_432, %mul3A_430 : vector<32x32xf32>
      %mul3A_434 = arith.mulf %mul3A_427, %add3A_433 : vector<32x32xf32>
      %add3A_435 = arith.constant -0.0013862747 : f32
      %add3A_436 = vector.broadcast %add3A_435 : f32 to vector<32x32xf32>
      %add3A_437 = arith.addf %add3A_436, %mul3A_434 : vector<32x32xf32>
      %mul3A_438 = arith.mulf %mul3A_427, %add3A_437 : vector<32x32xf32>
      %add3A_439 = arith.constant 0.0416610315 : f32
      %add3A_440 = vector.broadcast %add3A_439 : f32 to vector<32x32xf32>
      %add3A_441 = arith.addf %add3A_440, %mul3A_438 : vector<32x32xf32>
      %mul3A_442 = arith.mulf %mul3A_427, %add3A_441 : vector<32x32xf32>
      %add3A_443 = arith.constant -0.499995589 : f32
      %add3A_444 = vector.broadcast %add3A_443 : f32 to vector<32x32xf32>
      %add3A_445 = arith.addf %add3A_444, %mul3A_442 : vector<32x32xf32>
      %mul3A_446 = arith.mulf %mul3A_427, %add3A_445 : vector<32x32xf32>
      %add3A_447 = arith.constant 0.999999463 : f32
      %add3A_448 = vector.broadcast %add3A_447 : f32 to vector<32x32xf32>
      %add3A_449 = arith.addf %add3A_448, %mul3A_446 : vector<32x32xf32>
      %mul3A_450 = vector.broadcast %slice3A_426 : vector<1x32xf32> to vector<32x32xf32>
      %mul3A_451 = arith.mulf %mul3A_450, %add3A_449 : vector<32x32xf32>
      %add3A_452 = arith.addf %add3A_425, %mul3A_451 : vector<32x32xf32>
      %get3A_453 = arith.constant 3 : index
      %get3A_454 = arith.constant 0 : index
      %get3A_455 = arith.constant 0 : index
      %get3A_456 = vector.load %arg4[%get3A_453, %get3A_454, %get3A_455] : memref<16x32x8xf32, #tpu.memory_space<vmem>>, vector<1x32x8xf32>
      %get3A_457 = vector.shape_cast %get3A_456 : vector<1x32x8xf32> to vector<32x8xf32>
      %slice3A_458 = vector.extract_strided_slice %get3A_457 {offsets = [0, 0], sizes = [32, 3], strides = [1, 1]} : vector<32x8xf32> to vector<32x3xf32>
      %slice3A_459 = vector.extract_strided_slice %get3A_1 {offsets = [0, 0], sizes = [3, 64], strides = [1, 1]} : vector<16x64xf32> to vector<3x64xf32>
      %dot_general3A_460 = arith.constant dense<0.000000e+00> : vector<32x64xf32>
      %dot_general3A_461 = tpu.matmul %slice3A_458, %slice3A_459, %dot_general3A_460 {dimension_numbers = #tpu.dot_dimension_numbers<[1], [0], [0], [1], [0, 0, 1, 1], [], []>, precision = #tpu.contract_precision<fp32>, transpose_lhs_hint = false} : vector<32x3xf32>, vector<3x64xf32>, vector<32x64xf32> -> vector<32x64xf32>
      %slice3A_462 = vector.extract_strided_slice %get3A_1 {offsets = [3, 0], sizes = [1, 64], strides = [1, 1]} : vector<16x64xf32> to vector<1x64xf32>
      %mul3A_463 = vector.broadcast %slice3A_462 : vector<1x64xf32> to vector<32x64xf32>
      %mul3A_464 = arith.mulf %dot_general3A_461, %mul3A_463 : vector<32x64xf32>
      %mul3A_465 = arith.constant 0.159154937 : f32
      %mul3A_466 = vector.broadcast %mul3A_465 : f32 to vector<32x64xf32>
      %mul3A_467 = arith.mulf %mul3A_464, %mul3A_466 : vector<32x64xf32>
      %round3A_468 = math.roundeven %mul3A_467 : vector<32x64xf32>
      %sub3A_469 = arith.subf %mul3A_467, %round3A_468 : vector<32x64xf32>
      %mul3A_470 = arith.constant 6.28318548 : f32
      %mul3A_471 = vector.broadcast %mul3A_470 : f32 to vector<32x64xf32>
      %mul3A_472 = arith.mulf %sub3A_469, %mul3A_471 : vector<32x64xf32>
      %slice3A_473 = vector.extract_strided_slice %get3A_1 {offsets = [4, 0], sizes = [1, 64], strides = [1, 1]} : vector<16x64xf32> to vector<1x64xf32>
      %mul3A_474 = vector.broadcast %slice3A_473 : vector<1x64xf32> to vector<32x64xf32>
      %mul3A_475 = arith.mulf %mul3A_474, %dot_general3A_461 : vector<32x64xf32>
      %slice3A_476 = vector.extract_strided_slice %get3A_1 {offsets = [5, 0], sizes = [1, 64], strides = [1, 1]} : vector<16x64xf32> to vector<1x64xf32>
      %mul3A_477 = arith.mulf %mul3A_472, %mul3A_472 : vector<32x64xf32>
      %mul3A_478 = arith.constant -2.05340793E-8 : f32
      %mul3A_479 = vector.broadcast %mul3A_478 : f32 to vector<32x64xf32>
      %mul3A_480 = arith.mulf %mul3A_477, %mul3A_479 : vector<32x64xf32>
      %add3A_481 = arith.constant 2.70404735E-6 : f32
      %add3A_482 = vector.broadcast %add3A_481 : f32 to vector<32x64xf32>
      %add3A_483 = arith.addf %add3A_482, %mul3A_480 : vector<32x64xf32>
      %mul3A_484 = arith.mulf %mul3A_477, %add3A_483 : vector<32x64xf32>
      %add3A_485 = arith.constant -1.98125723E-4 : f32
      %add3A_486 = vector.broadcast %add3A_485 : f32 to vector<32x64xf32>
      %add3A_487 = arith.addf %add3A_486, %mul3A_484 : vector<32x64xf32>
      %mul3A_488 = arith.mulf %mul3A_477, %add3A_487 : vector<32x64xf32>
      %add3A_489 = arith.constant 0.00833255798 : f32
      %add3A_490 = vector.broadcast %add3A_489 : f32 to vector<32x64xf32>
      %add3A_491 = arith.addf %add3A_490, %mul3A_488 : vector<32x64xf32>
      %mul3A_492 = arith.mulf %mul3A_477, %add3A_491 : vector<32x64xf32>
      %add3A_493 = arith.constant -0.166665778 : f32
      %add3A_494 = vector.broadcast %add3A_493 : f32 to vector<32x64xf32>
      %add3A_495 = arith.addf %add3A_494, %mul3A_492 : vector<32x64xf32>
      %mul3A_496 = arith.mulf %mul3A_477, %add3A_495 : vector<32x64xf32>
      %add3A_497 = arith.constant 0.999999701 : f32
      %add3A_498 = vector.broadcast %add3A_497 : f32 to vector<32x64xf32>
      %add3A_499 = arith.addf %add3A_498, %mul3A_496 : vector<32x64xf32>
      %mul3A_500 = arith.mulf %mul3A_472, %add3A_499 : vector<32x64xf32>
      %mul3A_501 = vector.broadcast %slice3A_476 : vector<1x64xf32> to vector<32x64xf32>
      %mul3A_502 = arith.mulf %mul3A_501, %mul3A_500 : vector<32x64xf32>
      %add3A_503 = arith.addf %mul3A_475, %mul3A_502 : vector<32x64xf32>
      %slice3A_504 = vector.extract_strided_slice %get3A_1 {offsets = [6, 0], sizes = [1, 64], strides = [1, 1]} : vector<16x64xf32> to vector<1x64xf32>
      %mul3A_505 = arith.mulf %mul3A_472, %mul3A_472 : vector<32x64xf32>
      %mul3A_506 = arith.constant -2.21939501E-7 : f32
      %mul3A_507 = vector.broadcast %mul3A_506 : f32 to vector<32x64xf32>
      %mul3A_508 = arith.mulf %mul3A_505, %mul3A_507 : vector<32x64xf32>
      %add3A_509 = arith.constant 2.42531933E-5 : f32
      %add3A_510 = vector.broadcast %add3A_509 : f32 to vector<32x64xf32>
      %add3A_511 = arith.addf %add3A_510, %mul3A_508 : vector<32x64xf32>
      %mul3A_512 = arith.mulf %mul3A_505, %add3A_511 : vector<32x64xf32>
      %add3A_513 = arith.constant -0.0013862747 : f32
      %add3A_514 = vector.broadcast %add3A_513 : f32 to vector<32x64xf32>
      %add3A_515 = arith.addf %add3A_514, %mul3A_512 : vector<32x64xf32>
      %mul3A_516 = arith.mulf %mul3A_505, %add3A_515 : vector<32x64xf32>
      %add3A_517 = arith.constant 0.0416610315 : f32
      %add3A_518 = vector.broadcast %add3A_517 : f32 to vector<32x64xf32>
      %add3A_519 = arith.addf %add3A_518, %mul3A_516 : vector<32x64xf32>
      %mul3A_520 = arith.mulf %mul3A_505, %add3A_519 : vector<32x64xf32>
      %add3A_521 = arith.constant -0.499995589 : f32
      %add3A_522 = vector.broadcast %add3A_521 : f32 to vector<32x64xf32>
      %add3A_523 = arith.addf %add3A_522, %mul3A_520 : vector<32x64xf32>
      %mul3A_524 = arith.mulf %mul3A_505, %add3A_523 : vector<32x64xf32>
      %add3A_525 = arith.constant 0.999999463 : f32
      %add3A_526 = vector.broadcast %add3A_525 : f32 to vector<32x64xf32>
      %add3A_527 = arith.addf %add3A_526, %mul3A_524 : vector<32x64xf32>
      %mul3A_528 = vector.broadcast %slice3A_504 : vector<1x64xf32> to vector<32x64xf32>
      %mul3A_529 = arith.mulf %mul3A_528, %add3A_527 : vector<32x64xf32>
      %add3A_530 = arith.addf %add3A_503, %mul3A_529 : vector<32x64xf32>
      %slice3A_531 = vector.extract_strided_slice %get3A_457 {offsets = [0, 3], sizes = [32, 3], strides = [1, 1]} : vector<32x8xf32> to vector<32x3xf32>
      %slice3A_532 = vector.extract_strided_slice %get3A_1 {offsets = [8, 0], sizes = [3, 32], strides = [1, 1]} : vector<16x64xf32> to vector<3x32xf32>
      %dot_general3A_533 = arith.constant dense<0.000000e+00> : vector<32x32xf32>
      %dot_general3A_534 = tpu.matmul %slice3A_531, %slice3A_532, %dot_general3A_533 {dimension_numbers = #tpu.dot_dimension_numbers<[1], [0], [0], [1], [0, 0, 1, 1], [], []>, precision = #tpu.contract_precision<fp32>, transpose_lhs_hint = false} : vector<32x3xf32>, vector<3x32xf32>, vector<32x32xf32> -> vector<32x32xf32>
      %slice3A_535 = vector.extract_strided_slice %get3A_1 {offsets = [11, 0], sizes = [1, 32], strides = [1, 1]} : vector<16x64xf32> to vector<1x32xf32>
      %mul3A_536 = vector.broadcast %slice3A_535 : vector<1x32xf32> to vector<32x32xf32>
      %mul3A_537 = arith.mulf %dot_general3A_534, %mul3A_536 : vector<32x32xf32>
      %mul3A_538 = arith.constant 0.159154937 : f32
      %mul3A_539 = vector.broadcast %mul3A_538 : f32 to vector<32x32xf32>
      %mul3A_540 = arith.mulf %mul3A_537, %mul3A_539 : vector<32x32xf32>
      %round3A_541 = math.roundeven %mul3A_540 : vector<32x32xf32>
      %sub3A_542 = arith.subf %mul3A_540, %round3A_541 : vector<32x32xf32>
      %mul3A_543 = arith.constant 6.28318548 : f32
      %mul3A_544 = vector.broadcast %mul3A_543 : f32 to vector<32x32xf32>
      %mul3A_545 = arith.mulf %sub3A_542, %mul3A_544 : vector<32x32xf32>
      %slice3A_546 = vector.extract_strided_slice %get3A_1 {offsets = [12, 0], sizes = [1, 32], strides = [1, 1]} : vector<16x64xf32> to vector<1x32xf32>
      %mul3A_547 = vector.broadcast %slice3A_546 : vector<1x32xf32> to vector<32x32xf32>
      %mul3A_548 = arith.mulf %mul3A_547, %dot_general3A_534 : vector<32x32xf32>
      %slice3A_549 = vector.extract_strided_slice %get3A_1 {offsets = [13, 0], sizes = [1, 32], strides = [1, 1]} : vector<16x64xf32> to vector<1x32xf32>
      %mul3A_550 = arith.mulf %mul3A_545, %mul3A_545 : vector<32x32xf32>
      %mul3A_551 = arith.constant -2.05340793E-8 : f32
      %mul3A_552 = vector.broadcast %mul3A_551 : f32 to vector<32x32xf32>
      %mul3A_553 = arith.mulf %mul3A_550, %mul3A_552 : vector<32x32xf32>
      %add3A_554 = arith.constant 2.70404735E-6 : f32
      %add3A_555 = vector.broadcast %add3A_554 : f32 to vector<32x32xf32>
      %add3A_556 = arith.addf %add3A_555, %mul3A_553 : vector<32x32xf32>
      %mul3A_557 = arith.mulf %mul3A_550, %add3A_556 : vector<32x32xf32>
      %add3A_558 = arith.constant -1.98125723E-4 : f32
      %add3A_559 = vector.broadcast %add3A_558 : f32 to vector<32x32xf32>
      %add3A_560 = arith.addf %add3A_559, %mul3A_557 : vector<32x32xf32>
      %mul3A_561 = arith.mulf %mul3A_550, %add3A_560 : vector<32x32xf32>
      %add3A_562 = arith.constant 0.00833255798 : f32
      %add3A_563 = vector.broadcast %add3A_562 : f32 to vector<32x32xf32>
      %add3A_564 = arith.addf %add3A_563, %mul3A_561 : vector<32x32xf32>
      %mul3A_565 = arith.mulf %mul3A_550, %add3A_564 : vector<32x32xf32>
      %add3A_566 = arith.constant -0.166665778 : f32
      %add3A_567 = vector.broadcast %add3A_566 : f32 to vector<32x32xf32>
      %add3A_568 = arith.addf %add3A_567, %mul3A_565 : vector<32x32xf32>
      %mul3A_569 = arith.mulf %mul3A_550, %add3A_568 : vector<32x32xf32>
      %add3A_570 = arith.constant 0.999999701 : f32
      %add3A_571 = vector.broadcast %add3A_570 : f32 to vector<32x32xf32>
      %add3A_572 = arith.addf %add3A_571, %mul3A_569 : vector<32x32xf32>
      %mul3A_573 = arith.mulf %mul3A_545, %add3A_572 : vector<32x32xf32>
      %mul3A_574 = vector.broadcast %slice3A_549 : vector<1x32xf32> to vector<32x32xf32>
      %mul3A_575 = arith.mulf %mul3A_574, %mul3A_573 : vector<32x32xf32>
      %add3A_576 = arith.addf %mul3A_548, %mul3A_575 : vector<32x32xf32>
      %slice3A_577 = vector.extract_strided_slice %get3A_1 {offsets = [14, 0], sizes = [1, 32], strides = [1, 1]} : vector<16x64xf32> to vector<1x32xf32>
      %mul3A_578 = arith.mulf %mul3A_545, %mul3A_545 : vector<32x32xf32>
      %mul3A_579 = arith.constant -2.21939501E-7 : f32
      %mul3A_580 = vector.broadcast %mul3A_579 : f32 to vector<32x32xf32>
      %mul3A_581 = arith.mulf %mul3A_578, %mul3A_580 : vector<32x32xf32>
      %add3A_582 = arith.constant 2.42531933E-5 : f32
      %add3A_583 = vector.broadcast %add3A_582 : f32 to vector<32x32xf32>
      %add3A_584 = arith.addf %add3A_583, %mul3A_581 : vector<32x32xf32>
      %mul3A_585 = arith.mulf %mul3A_578, %add3A_584 : vector<32x32xf32>
      %add3A_586 = arith.constant -0.0013862747 : f32
      %add3A_587 = vector.broadcast %add3A_586 : f32 to vector<32x32xf32>
      %add3A_588 = arith.addf %add3A_587, %mul3A_585 : vector<32x32xf32>
      %mul3A_589 = arith.mulf %mul3A_578, %add3A_588 : vector<32x32xf32>
      %add3A_590 = arith.constant 0.0416610315 : f32
      %add3A_591 = vector.broadcast %add3A_590 : f32 to vector<32x32xf32>
      %add3A_592 = arith.addf %add3A_591, %mul3A_589 : vector<32x32xf32>
      %mul3A_593 = arith.mulf %mul3A_578, %add3A_592 : vector<32x32xf32>
      %add3A_594 = arith.constant -0.499995589 : f32
      %add3A_595 = vector.broadcast %add3A_594 : f32 to vector<32x32xf32>
      %add3A_596 = arith.addf %add3A_595, %mul3A_593 : vector<32x32xf32>
      %mul3A_597 = arith.mulf %mul3A_578, %add3A_596 : vector<32x32xf32>
      %add3A_598 = arith.constant 0.999999463 : f32
      %add3A_599 = vector.broadcast %add3A_598 : f32 to vector<32x32xf32>
      %add3A_600 = arith.addf %add3A_599, %mul3A_597 : vector<32x32xf32>
      %mul3A_601 = vector.broadcast %slice3A_577 : vector<1x32xf32> to vector<32x32xf32>
      %mul3A_602 = arith.mulf %mul3A_601, %add3A_600 : vector<32x32xf32>
      %add3A_603 = arith.addf %add3A_576, %mul3A_602 : vector<32x32xf32>
      %get3A_604 = arith.constant 4 : index
      %get3A_605 = arith.constant 0 : index
      %get3A_606 = arith.constant 0 : index
      %get3A_607 = vector.load %arg4[%get3A_604, %get3A_605, %get3A_606] : memref<16x32x8xf32, #tpu.memory_space<vmem>>, vector<1x32x8xf32>
      %get3A_608 = vector.shape_cast %get3A_607 : vector<1x32x8xf32> to vector<32x8xf32>
      %slice3A_609 = vector.extract_strided_slice %get3A_608 {offsets = [0, 0], sizes = [32, 3], strides = [1, 1]} : vector<32x8xf32> to vector<32x3xf32>
      %slice3A_610 = vector.extract_strided_slice %get3A_1 {offsets = [0, 0], sizes = [3, 64], strides = [1, 1]} : vector<16x64xf32> to vector<3x64xf32>
      %dot_general3A_611 = arith.constant dense<0.000000e+00> : vector<32x64xf32>
      %dot_general3A_612 = tpu.matmul %slice3A_609, %slice3A_610, %dot_general3A_611 {dimension_numbers = #tpu.dot_dimension_numbers<[1], [0], [0], [1], [0, 0, 1, 1], [], []>, precision = #tpu.contract_precision<fp32>, transpose_lhs_hint = false} : vector<32x3xf32>, vector<3x64xf32>, vector<32x64xf32> -> vector<32x64xf32>
      %slice3A_613 = vector.extract_strided_slice %get3A_1 {offsets = [3, 0], sizes = [1, 64], strides = [1, 1]} : vector<16x64xf32> to vector<1x64xf32>
      %mul3A_614 = vector.broadcast %slice3A_613 : vector<1x64xf32> to vector<32x64xf32>
      %mul3A_615 = arith.mulf %dot_general3A_612, %mul3A_614 : vector<32x64xf32>
      %mul3A_616 = arith.constant 0.159154937 : f32
      %mul3A_617 = vector.broadcast %mul3A_616 : f32 to vector<32x64xf32>
      %mul3A_618 = arith.mulf %mul3A_615, %mul3A_617 : vector<32x64xf32>
      %round3A_619 = math.roundeven %mul3A_618 : vector<32x64xf32>
      %sub3A_620 = arith.subf %mul3A_618, %round3A_619 : vector<32x64xf32>
      %mul3A_621 = arith.constant 6.28318548 : f32
      %mul3A_622 = vector.broadcast %mul3A_621 : f32 to vector<32x64xf32>
      %mul3A_623 = arith.mulf %sub3A_620, %mul3A_622 : vector<32x64xf32>
      %slice3A_624 = vector.extract_strided_slice %get3A_1 {offsets = [4, 0], sizes = [1, 64], strides = [1, 1]} : vector<16x64xf32> to vector<1x64xf32>
      %mul3A_625 = vector.broadcast %slice3A_624 : vector<1x64xf32> to vector<32x64xf32>
      %mul3A_626 = arith.mulf %mul3A_625, %dot_general3A_612 : vector<32x64xf32>
      %slice3A_627 = vector.extract_strided_slice %get3A_1 {offsets = [5, 0], sizes = [1, 64], strides = [1, 1]} : vector<16x64xf32> to vector<1x64xf32>
      %mul3A_628 = arith.mulf %mul3A_623, %mul3A_623 : vector<32x64xf32>
      %mul3A_629 = arith.constant -2.05340793E-8 : f32
      %mul3A_630 = vector.broadcast %mul3A_629 : f32 to vector<32x64xf32>
      %mul3A_631 = arith.mulf %mul3A_628, %mul3A_630 : vector<32x64xf32>
      %add3A_632 = arith.constant 2.70404735E-6 : f32
      %add3A_633 = vector.broadcast %add3A_632 : f32 to vector<32x64xf32>
      %add3A_634 = arith.addf %add3A_633, %mul3A_631 : vector<32x64xf32>
      %mul3A_635 = arith.mulf %mul3A_628, %add3A_634 : vector<32x64xf32>
      %add3A_636 = arith.constant -1.98125723E-4 : f32
      %add3A_637 = vector.broadcast %add3A_636 : f32 to vector<32x64xf32>
      %add3A_638 = arith.addf %add3A_637, %mul3A_635 : vector<32x64xf32>
      %mul3A_639 = arith.mulf %mul3A_628, %add3A_638 : vector<32x64xf32>
      %add3A_640 = arith.constant 0.00833255798 : f32
      %add3A_641 = vector.broadcast %add3A_640 : f32 to vector<32x64xf32>
      %add3A_642 = arith.addf %add3A_641, %mul3A_639 : vector<32x64xf32>
      %mul3A_643 = arith.mulf %mul3A_628, %add3A_642 : vector<32x64xf32>
      %add3A_644 = arith.constant -0.166665778 : f32
      %add3A_645 = vector.broadcast %add3A_644 : f32 to vector<32x64xf32>
      %add3A_646 = arith.addf %add3A_645, %mul3A_643 : vector<32x64xf32>
      %mul3A_647 = arith.mulf %mul3A_628, %add3A_646 : vector<32x64xf32>
      %add3A_648 = arith.constant 0.999999701 : f32
      %add3A_649 = vector.broadcast %add3A_648 : f32 to vector<32x64xf32>
      %add3A_650 = arith.addf %add3A_649, %mul3A_647 : vector<32x64xf32>
      %mul3A_651 = arith.mulf %mul3A_623, %add3A_650 : vector<32x64xf32>
      %mul3A_652 = vector.broadcast %slice3A_627 : vector<1x64xf32> to vector<32x64xf32>
      %mul3A_653 = arith.mulf %mul3A_652, %mul3A_651 : vector<32x64xf32>
      %add3A_654 = arith.addf %mul3A_626, %mul3A_653 : vector<32x64xf32>
      %slice3A_655 = vector.extract_strided_slice %get3A_1 {offsets = [6, 0], sizes = [1, 64], strides = [1, 1]} : vector<16x64xf32> to vector<1x64xf32>
      %mul3A_656 = arith.mulf %mul3A_623, %mul3A_623 : vector<32x64xf32>
      %mul3A_657 = arith.constant -2.21939501E-7 : f32
      %mul3A_658 = vector.broadcast %mul3A_657 : f32 to vector<32x64xf32>
      %mul3A_659 = arith.mulf %mul3A_656, %mul3A_658 : vector<32x64xf32>
      %add3A_660 = arith.constant 2.42531933E-5 : f32
      %add3A_661 = vector.broadcast %add3A_660 : f32 to vector<32x64xf32>
      %add3A_662 = arith.addf %add3A_661, %mul3A_659 : vector<32x64xf32>
      %mul3A_663 = arith.mulf %mul3A_656, %add3A_662 : vector<32x64xf32>
      %add3A_664 = arith.constant -0.0013862747 : f32
      %add3A_665 = vector.broadcast %add3A_664 : f32 to vector<32x64xf32>
      %add3A_666 = arith.addf %add3A_665, %mul3A_663 : vector<32x64xf32>
      %mul3A_667 = arith.mulf %mul3A_656, %add3A_666 : vector<32x64xf32>
      %add3A_668 = arith.constant 0.0416610315 : f32
      %add3A_669 = vector.broadcast %add3A_668 : f32 to vector<32x64xf32>
      %add3A_670 = arith.addf %add3A_669, %mul3A_667 : vector<32x64xf32>
      %mul3A_671 = arith.mulf %mul3A_656, %add3A_670 : vector<32x64xf32>
      %add3A_672 = arith.constant -0.499995589 : f32
      %add3A_673 = vector.broadcast %add3A_672 : f32 to vector<32x64xf32>
      %add3A_674 = arith.addf %add3A_673, %mul3A_671 : vector<32x64xf32>
      %mul3A_675 = arith.mulf %mul3A_656, %add3A_674 : vector<32x64xf32>
      %add3A_676 = arith.constant 0.999999463 : f32
      %add3A_677 = vector.broadcast %add3A_676 : f32 to vector<32x64xf32>
      %add3A_678 = arith.addf %add3A_677, %mul3A_675 : vector<32x64xf32>
      %mul3A_679 = vector.broadcast %slice3A_655 : vector<1x64xf32> to vector<32x64xf32>
      %mul3A_680 = arith.mulf %mul3A_679, %add3A_678 : vector<32x64xf32>
      %add3A_681 = arith.addf %add3A_654, %mul3A_680 : vector<32x64xf32>
      %slice3A_682 = vector.extract_strided_slice %get3A_608 {offsets = [0, 3], sizes = [32, 3], strides = [1, 1]} : vector<32x8xf32> to vector<32x3xf32>
      %slice3A_683 = vector.extract_strided_slice %get3A_1 {offsets = [8, 0], sizes = [3, 32], strides = [1, 1]} : vector<16x64xf32> to vector<3x32xf32>
      %dot_general3A_684 = arith.constant dense<0.000000e+00> : vector<32x32xf32>
      %dot_general3A_685 = tpu.matmul %slice3A_682, %slice3A_683, %dot_general3A_684 {dimension_numbers = #tpu.dot_dimension_numbers<[1], [0], [0], [1], [0, 0, 1, 1], [], []>, precision = #tpu.contract_precision<fp32>, transpose_lhs_hint = false} : vector<32x3xf32>, vector<3x32xf32>, vector<32x32xf32> -> vector<32x32xf32>
      %slice3A_686 = vector.extract_strided_slice %get3A_1 {offsets = [11, 0], sizes = [1, 32], strides = [1, 1]} : vector<16x64xf32> to vector<1x32xf32>
      %mul3A_687 = vector.broadcast %slice3A_686 : vector<1x32xf32> to vector<32x32xf32>
      %mul3A_688 = arith.mulf %dot_general3A_685, %mul3A_687 : vector<32x32xf32>
      %mul3A_689 = arith.constant 0.159154937 : f32
      %mul3A_690 = vector.broadcast %mul3A_689 : f32 to vector<32x32xf32>
      %mul3A_691 = arith.mulf %mul3A_688, %mul3A_690 : vector<32x32xf32>
      %round3A_692 = math.roundeven %mul3A_691 : vector<32x32xf32>
      %sub3A_693 = arith.subf %mul3A_691, %round3A_692 : vector<32x32xf32>
      %mul3A_694 = arith.constant 6.28318548 : f32
      %mul3A_695 = vector.broadcast %mul3A_694 : f32 to vector<32x32xf32>
      %mul3A_696 = arith.mulf %sub3A_693, %mul3A_695 : vector<32x32xf32>
      %slice3A_697 = vector.extract_strided_slice %get3A_1 {offsets = [12, 0], sizes = [1, 32], strides = [1, 1]} : vector<16x64xf32> to vector<1x32xf32>
      %mul3A_698 = vector.broadcast %slice3A_697 : vector<1x32xf32> to vector<32x32xf32>
      %mul3A_699 = arith.mulf %mul3A_698, %dot_general3A_685 : vector<32x32xf32>
      %slice3A_700 = vector.extract_strided_slice %get3A_1 {offsets = [13, 0], sizes = [1, 32], strides = [1, 1]} : vector<16x64xf32> to vector<1x32xf32>
      %mul3A_701 = arith.mulf %mul3A_696, %mul3A_696 : vector<32x32xf32>
      %mul3A_702 = arith.constant -2.05340793E-8 : f32
      %mul3A_703 = vector.broadcast %mul3A_702 : f32 to vector<32x32xf32>
      %mul3A_704 = arith.mulf %mul3A_701, %mul3A_703 : vector<32x32xf32>
      %add3A_705 = arith.constant 2.70404735E-6 : f32
      %add3A_706 = vector.broadcast %add3A_705 : f32 to vector<32x32xf32>
      %add3A_707 = arith.addf %add3A_706, %mul3A_704 : vector<32x32xf32>
      %mul3A_708 = arith.mulf %mul3A_701, %add3A_707 : vector<32x32xf32>
      %add3A_709 = arith.constant -1.98125723E-4 : f32
      %add3A_710 = vector.broadcast %add3A_709 : f32 to vector<32x32xf32>
      %add3A_711 = arith.addf %add3A_710, %mul3A_708 : vector<32x32xf32>
      %mul3A_712 = arith.mulf %mul3A_701, %add3A_711 : vector<32x32xf32>
      %add3A_713 = arith.constant 0.00833255798 : f32
      %add3A_714 = vector.broadcast %add3A_713 : f32 to vector<32x32xf32>
      %add3A_715 = arith.addf %add3A_714, %mul3A_712 : vector<32x32xf32>
      %mul3A_716 = arith.mulf %mul3A_701, %add3A_715 : vector<32x32xf32>
      %add3A_717 = arith.constant -0.166665778 : f32
      %add3A_718 = vector.broadcast %add3A_717 : f32 to vector<32x32xf32>
      %add3A_719 = arith.addf %add3A_718, %mul3A_716 : vector<32x32xf32>
      %mul3A_720 = arith.mulf %mul3A_701, %add3A_719 : vector<32x32xf32>
      %add3A_721 = arith.constant 0.999999701 : f32
      %add3A_722 = vector.broadcast %add3A_721 : f32 to vector<32x32xf32>
      %add3A_723 = arith.addf %add3A_722, %mul3A_720 : vector<32x32xf32>
      %mul3A_724 = arith.mulf %mul3A_696, %add3A_723 : vector<32x32xf32>
      %mul3A_725 = vector.broadcast %slice3A_700 : vector<1x32xf32> to vector<32x32xf32>
      %mul3A_726 = arith.mulf %mul3A_725, %mul3A_724 : vector<32x32xf32>
      %add3A_727 = arith.addf %mul3A_699, %mul3A_726 : vector<32x32xf32>
      %slice3A_728 = vector.extract_strided_slice %get3A_1 {offsets = [14, 0], sizes = [1, 32], strides = [1, 1]} : vector<16x64xf32> to vector<1x32xf32>
      %mul3A_729 = arith.mulf %mul3A_696, %mul3A_696 : vector<32x32xf32>
      %mul3A_730 = arith.constant -2.21939501E-7 : f32
      %mul3A_731 = vector.broadcast %mul3A_730 : f32 to vector<32x32xf32>
      %mul3A_732 = arith.mulf %mul3A_729, %mul3A_731 : vector<32x32xf32>
      %add3A_733 = arith.constant 2.42531933E-5 : f32
      %add3A_734 = vector.broadcast %add3A_733 : f32 to vector<32x32xf32>
      %add3A_735 = arith.addf %add3A_734, %mul3A_732 : vector<32x32xf32>
      %mul3A_736 = arith.mulf %mul3A_729, %add3A_735 : vector<32x32xf32>
      %add3A_737 = arith.constant -0.0013862747 : f32
      %add3A_738 = vector.broadcast %add3A_737 : f32 to vector<32x32xf32>
      %add3A_739 = arith.addf %add3A_738, %mul3A_736 : vector<32x32xf32>
      %mul3A_740 = arith.mulf %mul3A_729, %add3A_739 : vector<32x32xf32>
      %add3A_741 = arith.constant 0.0416610315 : f32
      %add3A_742 = vector.broadcast %add3A_741 : f32 to vector<32x32xf32>
      %add3A_743 = arith.addf %add3A_742, %mul3A_740 : vector<32x32xf32>
      %mul3A_744 = arith.mulf %mul3A_729, %add3A_743 : vector<32x32xf32>
      %add3A_745 = arith.constant -0.499995589 : f32
      %add3A_746 = vector.broadcast %add3A_745 : f32 to vector<32x32xf32>
      %add3A_747 = arith.addf %add3A_746, %mul3A_744 : vector<32x32xf32>
      %mul3A_748 = arith.mulf %mul3A_729, %add3A_747 : vector<32x32xf32>
      %add3A_749 = arith.constant 0.999999463 : f32
      %add3A_750 = vector.broadcast %add3A_749 : f32 to vector<32x32xf32>
      %add3A_751 = arith.addf %add3A_750, %mul3A_748 : vector<32x32xf32>
      %mul3A_752 = vector.broadcast %slice3A_728 : vector<1x32xf32> to vector<32x32xf32>
      %mul3A_753 = arith.mulf %mul3A_752, %add3A_751 : vector<32x32xf32>
      %add3A_754 = arith.addf %add3A_727, %mul3A_753 : vector<32x32xf32>
      %get3A_755 = arith.constant 5 : index
      %get3A_756 = arith.constant 0 : index
      %get3A_757 = arith.constant 0 : index
      %get3A_758 = vector.load %arg4[%get3A_755, %get3A_756, %get3A_757] : memref<16x32x8xf32, #tpu.memory_space<vmem>>, vector<1x32x8xf32>
      %get3A_759 = vector.shape_cast %get3A_758 : vector<1x32x8xf32> to vector<32x8xf32>
      %slice3A_760 = vector.extract_strided_slice %get3A_759 {offsets = [0, 0], sizes = [32, 3], strides = [1, 1]} : vector<32x8xf32> to vector<32x3xf32>
      %slice3A_761 = vector.extract_strided_slice %get3A_1 {offsets = [0, 0], sizes = [3, 64], strides = [1, 1]} : vector<16x64xf32> to vector<3x64xf32>
      %dot_general3A_762 = arith.constant dense<0.000000e+00> : vector<32x64xf32>
      %dot_general3A_763 = tpu.matmul %slice3A_760, %slice3A_761, %dot_general3A_762 {dimension_numbers = #tpu.dot_dimension_numbers<[1], [0], [0], [1], [0, 0, 1, 1], [], []>, precision = #tpu.contract_precision<fp32>, transpose_lhs_hint = false} : vector<32x3xf32>, vector<3x64xf32>, vector<32x64xf32> -> vector<32x64xf32>
      %slice3A_764 = vector.extract_strided_slice %get3A_1 {offsets = [3, 0], sizes = [1, 64], strides = [1, 1]} : vector<16x64xf32> to vector<1x64xf32>
      %mul3A_765 = vector.broadcast %slice3A_764 : vector<1x64xf32> to vector<32x64xf32>
      %mul3A_766 = arith.mulf %dot_general3A_763, %mul3A_765 : vector<32x64xf32>
      %mul3A_767 = arith.constant 0.159154937 : f32
      %mul3A_768 = vector.broadcast %mul3A_767 : f32 to vector<32x64xf32>
      %mul3A_769 = arith.mulf %mul3A_766, %mul3A_768 : vector<32x64xf32>
      %round3A_770 = math.roundeven %mul3A_769 : vector<32x64xf32>
      %sub3A_771 = arith.subf %mul3A_769, %round3A_770 : vector<32x64xf32>
      %mul3A_772 = arith.constant 6.28318548 : f32
      %mul3A_773 = vector.broadcast %mul3A_772 : f32 to vector<32x64xf32>
      %mul3A_774 = arith.mulf %sub3A_771, %mul3A_773 : vector<32x64xf32>
      %slice3A_775 = vector.extract_strided_slice %get3A_1 {offsets = [4, 0], sizes = [1, 64], strides = [1, 1]} : vector<16x64xf32> to vector<1x64xf32>
      %mul3A_776 = vector.broadcast %slice3A_775 : vector<1x64xf32> to vector<32x64xf32>
      %mul3A_777 = arith.mulf %mul3A_776, %dot_general3A_763 : vector<32x64xf32>
      %slice3A_778 = vector.extract_strided_slice %get3A_1 {offsets = [5, 0], sizes = [1, 64], strides = [1, 1]} : vector<16x64xf32> to vector<1x64xf32>
      %mul3A_779 = arith.mulf %mul3A_774, %mul3A_774 : vector<32x64xf32>
      %mul3A_780 = arith.constant -2.05340793E-8 : f32
      %mul3A_781 = vector.broadcast %mul3A_780 : f32 to vector<32x64xf32>
      %mul3A_782 = arith.mulf %mul3A_779, %mul3A_781 : vector<32x64xf32>
      %add3A_783 = arith.constant 2.70404735E-6 : f32
      %add3A_784 = vector.broadcast %add3A_783 : f32 to vector<32x64xf32>
      %add3A_785 = arith.addf %add3A_784, %mul3A_782 : vector<32x64xf32>
      %mul3A_786 = arith.mulf %mul3A_779, %add3A_785 : vector<32x64xf32>
      %add3A_787 = arith.constant -1.98125723E-4 : f32
      %add3A_788 = vector.broadcast %add3A_787 : f32 to vector<32x64xf32>
      %add3A_789 = arith.addf %add3A_788, %mul3A_786 : vector<32x64xf32>
      %mul3A_790 = arith.mulf %mul3A_779, %add3A_789 : vector<32x64xf32>
      %add3A_791 = arith.constant 0.00833255798 : f32
      %add3A_792 = vector.broadcast %add3A_791 : f32 to vector<32x64xf32>
      %add3A_793 = arith.addf %add3A_792, %mul3A_790 : vector<32x64xf32>
      %mul3A_794 = arith.mulf %mul3A_779, %add3A_793 : vector<32x64xf32>
      %add3A_795 = arith.constant -0.166665778 : f32
      %add3A_796 = vector.broadcast %add3A_795 : f32 to vector<32x64xf32>
      %add3A_797 = arith.addf %add3A_796, %mul3A_794 : vector<32x64xf32>
      %mul3A_798 = arith.mulf %mul3A_779, %add3A_797 : vector<32x64xf32>
      %add3A_799 = arith.constant 0.999999701 : f32
      %add3A_800 = vector.broadcast %add3A_799 : f32 to vector<32x64xf32>
      %add3A_801 = arith.addf %add3A_800, %mul3A_798 : vector<32x64xf32>
      %mul3A_802 = arith.mulf %mul3A_774, %add3A_801 : vector<32x64xf32>
      %mul3A_803 = vector.broadcast %slice3A_778 : vector<1x64xf32> to vector<32x64xf32>
      %mul3A_804 = arith.mulf %mul3A_803, %mul3A_802 : vector<32x64xf32>
      %add3A_805 = arith.addf %mul3A_777, %mul3A_804 : vector<32x64xf32>
      %slice3A_806 = vector.extract_strided_slice %get3A_1 {offsets = [6, 0], sizes = [1, 64], strides = [1, 1]} : vector<16x64xf32> to vector<1x64xf32>
      %mul3A_807 = arith.mulf %mul3A_774, %mul3A_774 : vector<32x64xf32>
      %mul3A_808 = arith.constant -2.21939501E-7 : f32
      %mul3A_809 = vector.broadcast %mul3A_808 : f32 to vector<32x64xf32>
      %mul3A_810 = arith.mulf %mul3A_807, %mul3A_809 : vector<32x64xf32>
      %add3A_811 = arith.constant 2.42531933E-5 : f32
      %add3A_812 = vector.broadcast %add3A_811 : f32 to vector<32x64xf32>
      %add3A_813 = arith.addf %add3A_812, %mul3A_810 : vector<32x64xf32>
      %mul3A_814 = arith.mulf %mul3A_807, %add3A_813 : vector<32x64xf32>
      %add3A_815 = arith.constant -0.0013862747 : f32
      %add3A_816 = vector.broadcast %add3A_815 : f32 to vector<32x64xf32>
      %add3A_817 = arith.addf %add3A_816, %mul3A_814 : vector<32x64xf32>
      %mul3A_818 = arith.mulf %mul3A_807, %add3A_817 : vector<32x64xf32>
      %add3A_819 = arith.constant 0.0416610315 : f32
      %add3A_820 = vector.broadcast %add3A_819 : f32 to vector<32x64xf32>
      %add3A_821 = arith.addf %add3A_820, %mul3A_818 : vector<32x64xf32>
      %mul3A_822 = arith.mulf %mul3A_807, %add3A_821 : vector<32x64xf32>
      %add3A_823 = arith.constant -0.499995589 : f32
      %add3A_824 = vector.broadcast %add3A_823 : f32 to vector<32x64xf32>
      %add3A_825 = arith.addf %add3A_824, %mul3A_822 : vector<32x64xf32>
      %mul3A_826 = arith.mulf %mul3A_807, %add3A_825 : vector<32x64xf32>
      %add3A_827 = arith.constant 0.999999463 : f32
      %add3A_828 = vector.broadcast %add3A_827 : f32 to vector<32x64xf32>
      %add3A_829 = arith.addf %add3A_828, %mul3A_826 : vector<32x64xf32>
      %mul3A_830 = vector.broadcast %slice3A_806 : vector<1x64xf32> to vector<32x64xf32>
      %mul3A_831 = arith.mulf %mul3A_830, %add3A_829 : vector<32x64xf32>
      %add3A_832 = arith.addf %add3A_805, %mul3A_831 : vector<32x64xf32>
      %slice3A_833 = vector.extract_strided_slice %get3A_759 {offsets = [0, 3], sizes = [32, 3], strides = [1, 1]} : vector<32x8xf32> to vector<32x3xf32>
      %slice3A_834 = vector.extract_strided_slice %get3A_1 {offsets = [8, 0], sizes = [3, 32], strides = [1, 1]} : vector<16x64xf32> to vector<3x32xf32>
      %dot_general3A_835 = arith.constant dense<0.000000e+00> : vector<32x32xf32>
      %dot_general3A_836 = tpu.matmul %slice3A_833, %slice3A_834, %dot_general3A_835 {dimension_numbers = #tpu.dot_dimension_numbers<[1], [0], [0], [1], [0, 0, 1, 1], [], []>, precision = #tpu.contract_precision<fp32>, transpose_lhs_hint = false} : vector<32x3xf32>, vector<3x32xf32>, vector<32x32xf32> -> vector<32x32xf32>
      %slice3A_837 = vector.extract_strided_slice %get3A_1 {offsets = [11, 0], sizes = [1, 32], strides = [1, 1]} : vector<16x64xf32> to vector<1x32xf32>
      %mul3A_838 = vector.broadcast %slice3A_837 : vector<1x32xf32> to vector<32x32xf32>
      %mul3A_839 = arith.mulf %dot_general3A_836, %mul3A_838 : vector<32x32xf32>
      %mul3A_840 = arith.constant 0.159154937 : f32
      %mul3A_841 = vector.broadcast %mul3A_840 : f32 to vector<32x32xf32>
      %mul3A_842 = arith.mulf %mul3A_839, %mul3A_841 : vector<32x32xf32>
      %round3A_843 = math.roundeven %mul3A_842 : vector<32x32xf32>
      %sub3A_844 = arith.subf %mul3A_842, %round3A_843 : vector<32x32xf32>
      %mul3A_845 = arith.constant 6.28318548 : f32
      %mul3A_846 = vector.broadcast %mul3A_845 : f32 to vector<32x32xf32>
      %mul3A_847 = arith.mulf %sub3A_844, %mul3A_846 : vector<32x32xf32>
      %slice3A_848 = vector.extract_strided_slice %get3A_1 {offsets = [12, 0], sizes = [1, 32], strides = [1, 1]} : vector<16x64xf32> to vector<1x32xf32>
      %mul3A_849 = vector.broadcast %slice3A_848 : vector<1x32xf32> to vector<32x32xf32>
      %mul3A_850 = arith.mulf %mul3A_849, %dot_general3A_836 : vector<32x32xf32>
      %slice3A_851 = vector.extract_strided_slice %get3A_1 {offsets = [13, 0], sizes = [1, 32], strides = [1, 1]} : vector<16x64xf32> to vector<1x32xf32>
      %mul3A_852 = arith.mulf %mul3A_847, %mul3A_847 : vector<32x32xf32>
      %mul3A_853 = arith.constant -2.05340793E-8 : f32
      %mul3A_854 = vector.broadcast %mul3A_853 : f32 to vector<32x32xf32>
      %mul3A_855 = arith.mulf %mul3A_852, %mul3A_854 : vector<32x32xf32>
      %add3A_856 = arith.constant 2.70404735E-6 : f32
      %add3A_857 = vector.broadcast %add3A_856 : f32 to vector<32x32xf32>
      %add3A_858 = arith.addf %add3A_857, %mul3A_855 : vector<32x32xf32>
      %mul3A_859 = arith.mulf %mul3A_852, %add3A_858 : vector<32x32xf32>
      %add3A_860 = arith.constant -1.98125723E-4 : f32
      %add3A_861 = vector.broadcast %add3A_860 : f32 to vector<32x32xf32>
      %add3A_862 = arith.addf %add3A_861, %mul3A_859 : vector<32x32xf32>
      %mul3A_863 = arith.mulf %mul3A_852, %add3A_862 : vector<32x32xf32>
      %add3A_864 = arith.constant 0.00833255798 : f32
      %add3A_865 = vector.broadcast %add3A_864 : f32 to vector<32x32xf32>
      %add3A_866 = arith.addf %add3A_865, %mul3A_863 : vector<32x32xf32>
      %mul3A_867 = arith.mulf %mul3A_852, %add3A_866 : vector<32x32xf32>
      %add3A_868 = arith.constant -0.166665778 : f32
      %add3A_869 = vector.broadcast %add3A_868 : f32 to vector<32x32xf32>
      %add3A_870 = arith.addf %add3A_869, %mul3A_867 : vector<32x32xf32>
      %mul3A_871 = arith.mulf %mul3A_852, %add3A_870 : vector<32x32xf32>
      %add3A_872 = arith.constant 0.999999701 : f32
      %add3A_873 = vector.broadcast %add3A_872 : f32 to vector<32x32xf32>
      %add3A_874 = arith.addf %add3A_873, %mul3A_871 : vector<32x32xf32>
      %mul3A_875 = arith.mulf %mul3A_847, %add3A_874 : vector<32x32xf32>
      %mul3A_876 = vector.broadcast %slice3A_851 : vector<1x32xf32> to vector<32x32xf32>
      %mul3A_877 = arith.mulf %mul3A_876, %mul3A_875 : vector<32x32xf32>
      %add3A_878 = arith.addf %mul3A_850, %mul3A_877 : vector<32x32xf32>
      %slice3A_879 = vector.extract_strided_slice %get3A_1 {offsets = [14, 0], sizes = [1, 32], strides = [1, 1]} : vector<16x64xf32> to vector<1x32xf32>
      %mul3A_880 = arith.mulf %mul3A_847, %mul3A_847 : vector<32x32xf32>
      %mul3A_881 = arith.constant -2.21939501E-7 : f32
      %mul3A_882 = vector.broadcast %mul3A_881 : f32 to vector<32x32xf32>
      %mul3A_883 = arith.mulf %mul3A_880, %mul3A_882 : vector<32x32xf32>
      %add3A_884 = arith.constant 2.42531933E-5 : f32
      %add3A_885 = vector.broadcast %add3A_884 : f32 to vector<32x32xf32>
      %add3A_886 = arith.addf %add3A_885, %mul3A_883 : vector<32x32xf32>
      %mul3A_887 = arith.mulf %mul3A_880, %add3A_886 : vector<32x32xf32>
      %add3A_888 = arith.constant -0.0013862747 : f32
      %add3A_889 = vector.broadcast %add3A_888 : f32 to vector<32x32xf32>
      %add3A_890 = arith.addf %add3A_889, %mul3A_887 : vector<32x32xf32>
      %mul3A_891 = arith.mulf %mul3A_880, %add3A_890 : vector<32x32xf32>
      %add3A_892 = arith.constant 0.0416610315 : f32
      %add3A_893 = vector.broadcast %add3A_892 : f32 to vector<32x32xf32>
      %add3A_894 = arith.addf %add3A_893, %mul3A_891 : vector<32x32xf32>
      %mul3A_895 = arith.mulf %mul3A_880, %add3A_894 : vector<32x32xf32>
      %add3A_896 = arith.constant -0.499995589 : f32
      %add3A_897 = vector.broadcast %add3A_896 : f32 to vector<32x32xf32>
      %add3A_898 = arith.addf %add3A_897, %mul3A_895 : vector<32x32xf32>
      %mul3A_899 = arith.mulf %mul3A_880, %add3A_898 : vector<32x32xf32>
      %add3A_900 = arith.constant 0.999999463 : f32
      %add3A_901 = vector.broadcast %add3A_900 : f32 to vector<32x32xf32>
      %add3A_902 = arith.addf %add3A_901, %mul3A_899 : vector<32x32xf32>
      %mul3A_903 = vector.broadcast %slice3A_879 : vector<1x32xf32> to vector<32x32xf32>
      %mul3A_904 = arith.mulf %mul3A_903, %add3A_902 : vector<32x32xf32>
      %add3A_905 = arith.addf %add3A_878, %mul3A_904 : vector<32x32xf32>
      %get3A_906 = arith.constant 6 : index
      %get3A_907 = arith.constant 0 : index
      %get3A_908 = arith.constant 0 : index
      %get3A_909 = vector.load %arg4[%get3A_906, %get3A_907, %get3A_908] : memref<16x32x8xf32, #tpu.memory_space<vmem>>, vector<1x32x8xf32>
      %get3A_910 = vector.shape_cast %get3A_909 : vector<1x32x8xf32> to vector<32x8xf32>
      %slice3A_911 = vector.extract_strided_slice %get3A_910 {offsets = [0, 0], sizes = [32, 3], strides = [1, 1]} : vector<32x8xf32> to vector<32x3xf32>
      %slice3A_912 = vector.extract_strided_slice %get3A_1 {offsets = [0, 0], sizes = [3, 64], strides = [1, 1]} : vector<16x64xf32> to vector<3x64xf32>
      %dot_general3A_913 = arith.constant dense<0.000000e+00> : vector<32x64xf32>
      %dot_general3A_914 = tpu.matmul %slice3A_911, %slice3A_912, %dot_general3A_913 {dimension_numbers = #tpu.dot_dimension_numbers<[1], [0], [0], [1], [0, 0, 1, 1], [], []>, precision = #tpu.contract_precision<fp32>, transpose_lhs_hint = false} : vector<32x3xf32>, vector<3x64xf32>, vector<32x64xf32> -> vector<32x64xf32>
      %slice3A_915 = vector.extract_strided_slice %get3A_1 {offsets = [3, 0], sizes = [1, 64], strides = [1, 1]} : vector<16x64xf32> to vector<1x64xf32>
      %mul3A_916 = vector.broadcast %slice3A_915 : vector<1x64xf32> to vector<32x64xf32>
      %mul3A_917 = arith.mulf %dot_general3A_914, %mul3A_916 : vector<32x64xf32>
      %mul3A_918 = arith.constant 0.159154937 : f32
      %mul3A_919 = vector.broadcast %mul3A_918 : f32 to vector<32x64xf32>
      %mul3A_920 = arith.mulf %mul3A_917, %mul3A_919 : vector<32x64xf32>
      %round3A_921 = math.roundeven %mul3A_920 : vector<32x64xf32>
      %sub3A_922 = arith.subf %mul3A_920, %round3A_921 : vector<32x64xf32>
      %mul3A_923 = arith.constant 6.28318548 : f32
      %mul3A_924 = vector.broadcast %mul3A_923 : f32 to vector<32x64xf32>
      %mul3A_925 = arith.mulf %sub3A_922, %mul3A_924 : vector<32x64xf32>
      %slice3A_926 = vector.extract_strided_slice %get3A_1 {offsets = [4, 0], sizes = [1, 64], strides = [1, 1]} : vector<16x64xf32> to vector<1x64xf32>
      %mul3A_927 = vector.broadcast %slice3A_926 : vector<1x64xf32> to vector<32x64xf32>
      %mul3A_928 = arith.mulf %mul3A_927, %dot_general3A_914 : vector<32x64xf32>
      %slice3A_929 = vector.extract_strided_slice %get3A_1 {offsets = [5, 0], sizes = [1, 64], strides = [1, 1]} : vector<16x64xf32> to vector<1x64xf32>
      %mul3A_930 = arith.mulf %mul3A_925, %mul3A_925 : vector<32x64xf32>
      %mul3A_931 = arith.constant -2.05340793E-8 : f32
      %mul3A_932 = vector.broadcast %mul3A_931 : f32 to vector<32x64xf32>
      %mul3A_933 = arith.mulf %mul3A_930, %mul3A_932 : vector<32x64xf32>
      %add3A_934 = arith.constant 2.70404735E-6 : f32
      %add3A_935 = vector.broadcast %add3A_934 : f32 to vector<32x64xf32>
      %add3A_936 = arith.addf %add3A_935, %mul3A_933 : vector<32x64xf32>
      %mul3A_937 = arith.mulf %mul3A_930, %add3A_936 : vector<32x64xf32>
      %add3A_938 = arith.constant -1.98125723E-4 : f32
      %add3A_939 = vector.broadcast %add3A_938 : f32 to vector<32x64xf32>
      %add3A_940 = arith.addf %add3A_939, %mul3A_937 : vector<32x64xf32>
      %mul3A_941 = arith.mulf %mul3A_930, %add3A_940 : vector<32x64xf32>
      %add3A_942 = arith.constant 0.00833255798 : f32
      %add3A_943 = vector.broadcast %add3A_942 : f32 to vector<32x64xf32>
      %add3A_944 = arith.addf %add3A_943, %mul3A_941 : vector<32x64xf32>
      %mul3A_945 = arith.mulf %mul3A_930, %add3A_944 : vector<32x64xf32>
      %add3A_946 = arith.constant -0.166665778 : f32
      %add3A_947 = vector.broadcast %add3A_946 : f32 to vector<32x64xf32>
      %add3A_948 = arith.addf %add3A_947, %mul3A_945 : vector<32x64xf32>
      %mul3A_949 = arith.mulf %mul3A_930, %add3A_948 : vector<32x64xf32>
      %add3A_950 = arith.constant 0.999999701 : f32
      %add3A_951 = vector.broadcast %add3A_950 : f32 to vector<32x64xf32>
      %add3A_952 = arith.addf %add3A_951, %mul3A_949 : vector<32x64xf32>
      %mul3A_953 = arith.mulf %mul3A_925, %add3A_952 : vector<32x64xf32>
      %mul3A_954 = vector.broadcast %slice3A_929 : vector<1x64xf32> to vector<32x64xf32>
      %mul3A_955 = arith.mulf %mul3A_954, %mul3A_953 : vector<32x64xf32>
      %add3A_956 = arith.addf %mul3A_928, %mul3A_955 : vector<32x64xf32>
      %slice3A_957 = vector.extract_strided_slice %get3A_1 {offsets = [6, 0], sizes = [1, 64], strides = [1, 1]} : vector<16x64xf32> to vector<1x64xf32>
      %mul3A_958 = arith.mulf %mul3A_925, %mul3A_925 : vector<32x64xf32>
      %mul3A_959 = arith.constant -2.21939501E-7 : f32
      %mul3A_960 = vector.broadcast %mul3A_959 : f32 to vector<32x64xf32>
      %mul3A_961 = arith.mulf %mul3A_958, %mul3A_960 : vector<32x64xf32>
      %add3A_962 = arith.constant 2.42531933E-5 : f32
      %add3A_963 = vector.broadcast %add3A_962 : f32 to vector<32x64xf32>
      %add3A_964 = arith.addf %add3A_963, %mul3A_961 : vector<32x64xf32>
      %mul3A_965 = arith.mulf %mul3A_958, %add3A_964 : vector<32x64xf32>
      %add3A_966 = arith.constant -0.0013862747 : f32
      %add3A_967 = vector.broadcast %add3A_966 : f32 to vector<32x64xf32>
      %add3A_968 = arith.addf %add3A_967, %mul3A_965 : vector<32x64xf32>
      %mul3A_969 = arith.mulf %mul3A_958, %add3A_968 : vector<32x64xf32>
      %add3A_970 = arith.constant 0.0416610315 : f32
      %add3A_971 = vector.broadcast %add3A_970 : f32 to vector<32x64xf32>
      %add3A_972 = arith.addf %add3A_971, %mul3A_969 : vector<32x64xf32>
      %mul3A_973 = arith.mulf %mul3A_958, %add3A_972 : vector<32x64xf32>
      %add3A_974 = arith.constant -0.499995589 : f32
      %add3A_975 = vector.broadcast %add3A_974 : f32 to vector<32x64xf32>
      %add3A_976 = arith.addf %add3A_975, %mul3A_973 : vector<32x64xf32>
      %mul3A_977 = arith.mulf %mul3A_958, %add3A_976 : vector<32x64xf32>
      %add3A_978 = arith.constant 0.999999463 : f32
      %add3A_979 = vector.broadcast %add3A_978 : f32 to vector<32x64xf32>
      %add3A_980 = arith.addf %add3A_979, %mul3A_977 : vector<32x64xf32>
      %mul3A_981 = vector.broadcast %slice3A_957 : vector<1x64xf32> to vector<32x64xf32>
      %mul3A_982 = arith.mulf %mul3A_981, %add3A_980 : vector<32x64xf32>
      %add3A_983 = arith.addf %add3A_956, %mul3A_982 : vector<32x64xf32>
      %slice3A_984 = vector.extract_strided_slice %get3A_910 {offsets = [0, 3], sizes = [32, 3], strides = [1, 1]} : vector<32x8xf32> to vector<32x3xf32>
      %slice3A_985 = vector.extract_strided_slice %get3A_1 {offsets = [8, 0], sizes = [3, 32], strides = [1, 1]} : vector<16x64xf32> to vector<3x32xf32>
      %dot_general3A_986 = arith.constant dense<0.000000e+00> : vector<32x32xf32>
      %dot_general3A_987 = tpu.matmul %slice3A_984, %slice3A_985, %dot_general3A_986 {dimension_numbers = #tpu.dot_dimension_numbers<[1], [0], [0], [1], [0, 0, 1, 1], [], []>, precision = #tpu.contract_precision<fp32>, transpose_lhs_hint = false} : vector<32x3xf32>, vector<3x32xf32>, vector<32x32xf32> -> vector<32x32xf32>
      %slice3A_988 = vector.extract_strided_slice %get3A_1 {offsets = [11, 0], sizes = [1, 32], strides = [1, 1]} : vector<16x64xf32> to vector<1x32xf32>
      %mul3A_989 = vector.broadcast %slice3A_988 : vector<1x32xf32> to vector<32x32xf32>
      %mul3A_990 = arith.mulf %dot_general3A_987, %mul3A_989 : vector<32x32xf32>
      %mul3A_991 = arith.constant 0.159154937 : f32
      %mul3A_992 = vector.broadcast %mul3A_991 : f32 to vector<32x32xf32>
      %mul3A_993 = arith.mulf %mul3A_990, %mul3A_992 : vector<32x32xf32>
      %round3A_994 = math.roundeven %mul3A_993 : vector<32x32xf32>
      %sub3A_995 = arith.subf %mul3A_993, %round3A_994 : vector<32x32xf32>
      %mul3A_996 = arith.constant 6.28318548 : f32
      %mul3A_997 = vector.broadcast %mul3A_996 : f32 to vector<32x32xf32>
      %mul3A_998 = arith.mulf %sub3A_995, %mul3A_997 : vector<32x32xf32>
      %slice3A_999 = vector.extract_strided_slice %get3A_1 {offsets = [12, 0], sizes = [1, 32], strides = [1, 1]} : vector<16x64xf32> to vector<1x32xf32>
      %mul3A_1000 = vector.broadcast %slice3A_999 : vector<1x32xf32> to vector<32x32xf32>
      %mul3A_1001 = arith.mulf %mul3A_1000, %dot_general3A_987 : vector<32x32xf32>
      %slice3A_1002 = vector.extract_strided_slice %get3A_1 {offsets = [13, 0], sizes = [1, 32], strides = [1, 1]} : vector<16x64xf32> to vector<1x32xf32>
      %mul3A_1003 = arith.mulf %mul3A_998, %mul3A_998 : vector<32x32xf32>
      %mul3A_1004 = arith.constant -2.05340793E-8 : f32
      %mul3A_1005 = vector.broadcast %mul3A_1004 : f32 to vector<32x32xf32>
      %mul3A_1006 = arith.mulf %mul3A_1003, %mul3A_1005 : vector<32x32xf32>
      %add3A_1007 = arith.constant 2.70404735E-6 : f32
      %add3A_1008 = vector.broadcast %add3A_1007 : f32 to vector<32x32xf32>
      %add3A_1009 = arith.addf %add3A_1008, %mul3A_1006 : vector<32x32xf32>
      %mul3A_1010 = arith.mulf %mul3A_1003, %add3A_1009 : vector<32x32xf32>
      %add3A_1011 = arith.constant -1.98125723E-4 : f32
      %add3A_1012 = vector.broadcast %add3A_1011 : f32 to vector<32x32xf32>
      %add3A_1013 = arith.addf %add3A_1012, %mul3A_1010 : vector<32x32xf32>
      %mul3A_1014 = arith.mulf %mul3A_1003, %add3A_1013 : vector<32x32xf32>
      %add3A_1015 = arith.constant 0.00833255798 : f32
      %add3A_1016 = vector.broadcast %add3A_1015 : f32 to vector<32x32xf32>
      %add3A_1017 = arith.addf %add3A_1016, %mul3A_1014 : vector<32x32xf32>
      %mul3A_1018 = arith.mulf %mul3A_1003, %add3A_1017 : vector<32x32xf32>
      %add3A_1019 = arith.constant -0.166665778 : f32
      %add3A_1020 = vector.broadcast %add3A_1019 : f32 to vector<32x32xf32>
      %add3A_1021 = arith.addf %add3A_1020, %mul3A_1018 : vector<32x32xf32>
      %mul3A_1022 = arith.mulf %mul3A_1003, %add3A_1021 : vector<32x32xf32>
      %add3A_1023 = arith.constant 0.999999701 : f32
      %add3A_1024 = vector.broadcast %add3A_1023 : f32 to vector<32x32xf32>
      %add3A_1025 = arith.addf %add3A_1024, %mul3A_1022 : vector<32x32xf32>
      %mul3A_1026 = arith.mulf %mul3A_998, %add3A_1025 : vector<32x32xf32>
      %mul3A_1027 = vector.broadcast %slice3A_1002 : vector<1x32xf32> to vector<32x32xf32>
      %mul3A_1028 = arith.mulf %mul3A_1027, %mul3A_1026 : vector<32x32xf32>
      %add3A_1029 = arith.addf %mul3A_1001, %mul3A_1028 : vector<32x32xf32>
      %slice3A_1030 = vector.extract_strided_slice %get3A_1 {offsets = [14, 0], sizes = [1, 32], strides = [1, 1]} : vector<16x64xf32> to vector<1x32xf32>
      %mul3A_1031 = arith.mulf %mul3A_998, %mul3A_998 : vector<32x32xf32>
      %mul3A_1032 = arith.constant -2.21939501E-7 : f32
      %mul3A_1033 = vector.broadcast %mul3A_1032 : f32 to vector<32x32xf32>
      %mul3A_1034 = arith.mulf %mul3A_1031, %mul3A_1033 : vector<32x32xf32>
      %add3A_1035 = arith.constant 2.42531933E-5 : f32
      %add3A_1036 = vector.broadcast %add3A_1035 : f32 to vector<32x32xf32>
      %add3A_1037 = arith.addf %add3A_1036, %mul3A_1034 : vector<32x32xf32>
      %mul3A_1038 = arith.mulf %mul3A_1031, %add3A_1037 : vector<32x32xf32>
      %add3A_1039 = arith.constant -0.0013862747 : f32
      %add3A_1040 = vector.broadcast %add3A_1039 : f32 to vector<32x32xf32>
      %add3A_1041 = arith.addf %add3A_1040, %mul3A_1038 : vector<32x32xf32>
      %mul3A_1042 = arith.mulf %mul3A_1031, %add3A_1041 : vector<32x32xf32>
      %add3A_1043 = arith.constant 0.0416610315 : f32
      %add3A_1044 = vector.broadcast %add3A_1043 : f32 to vector<32x32xf32>
      %add3A_1045 = arith.addf %add3A_1044, %mul3A_1042 : vector<32x32xf32>
      %mul3A_1046 = arith.mulf %mul3A_1031, %add3A_1045 : vector<32x32xf32>
      %add3A_1047 = arith.constant -0.499995589 : f32
      %add3A_1048 = vector.broadcast %add3A_1047 : f32 to vector<32x32xf32>
      %add3A_1049 = arith.addf %add3A_1048, %mul3A_1046 : vector<32x32xf32>
      %mul3A_1050 = arith.mulf %mul3A_1031, %add3A_1049 : vector<32x32xf32>
      %add3A_1051 = arith.constant 0.999999463 : f32
      %add3A_1052 = vector.broadcast %add3A_1051 : f32 to vector<32x32xf32>
      %add3A_1053 = arith.addf %add3A_1052, %mul3A_1050 : vector<32x32xf32>
      %mul3A_1054 = vector.broadcast %slice3A_1030 : vector<1x32xf32> to vector<32x32xf32>
      %mul3A_1055 = arith.mulf %mul3A_1054, %add3A_1053 : vector<32x32xf32>
      %add3A_1056 = arith.addf %add3A_1029, %mul3A_1055 : vector<32x32xf32>
      %get3A_1057 = arith.constant 7 : index
      %get3A_1058 = arith.constant 0 : index
      %get3A_1059 = arith.constant 0 : index
      %get3A_1060 = vector.load %arg4[%get3A_1057, %get3A_1058, %get3A_1059] : memref<16x32x8xf32, #tpu.memory_space<vmem>>, vector<1x32x8xf32>
      %get3A_1061 = vector.shape_cast %get3A_1060 : vector<1x32x8xf32> to vector<32x8xf32>
      %slice3A_1062 = vector.extract_strided_slice %get3A_1061 {offsets = [0, 0], sizes = [32, 3], strides = [1, 1]} : vector<32x8xf32> to vector<32x3xf32>
      %slice3A_1063 = vector.extract_strided_slice %get3A_1 {offsets = [0, 0], sizes = [3, 64], strides = [1, 1]} : vector<16x64xf32> to vector<3x64xf32>
      %dot_general3A_1064 = arith.constant dense<0.000000e+00> : vector<32x64xf32>
      %dot_general3A_1065 = tpu.matmul %slice3A_1062, %slice3A_1063, %dot_general3A_1064 {dimension_numbers = #tpu.dot_dimension_numbers<[1], [0], [0], [1], [0, 0, 1, 1], [], []>, precision = #tpu.contract_precision<fp32>, transpose_lhs_hint = false} : vector<32x3xf32>, vector<3x64xf32>, vector<32x64xf32> -> vector<32x64xf32>
      %slice3A_1066 = vector.extract_strided_slice %get3A_1 {offsets = [3, 0], sizes = [1, 64], strides = [1, 1]} : vector<16x64xf32> to vector<1x64xf32>
      %mul3A_1067 = vector.broadcast %slice3A_1066 : vector<1x64xf32> to vector<32x64xf32>
      %mul3A_1068 = arith.mulf %dot_general3A_1065, %mul3A_1067 : vector<32x64xf32>
      %mul3A_1069 = arith.constant 0.159154937 : f32
      %mul3A_1070 = vector.broadcast %mul3A_1069 : f32 to vector<32x64xf32>
      %mul3A_1071 = arith.mulf %mul3A_1068, %mul3A_1070 : vector<32x64xf32>
      %round3A_1072 = math.roundeven %mul3A_1071 : vector<32x64xf32>
      %sub3A_1073 = arith.subf %mul3A_1071, %round3A_1072 : vector<32x64xf32>
      %mul3A_1074 = arith.constant 6.28318548 : f32
      %mul3A_1075 = vector.broadcast %mul3A_1074 : f32 to vector<32x64xf32>
      %mul3A_1076 = arith.mulf %sub3A_1073, %mul3A_1075 : vector<32x64xf32>
      %slice3A_1077 = vector.extract_strided_slice %get3A_1 {offsets = [4, 0], sizes = [1, 64], strides = [1, 1]} : vector<16x64xf32> to vector<1x64xf32>
      %mul3A_1078 = vector.broadcast %slice3A_1077 : vector<1x64xf32> to vector<32x64xf32>
      %mul3A_1079 = arith.mulf %mul3A_1078, %dot_general3A_1065 : vector<32x64xf32>
      %slice3A_1080 = vector.extract_strided_slice %get3A_1 {offsets = [5, 0], sizes = [1, 64], strides = [1, 1]} : vector<16x64xf32> to vector<1x64xf32>
      %mul3A_1081 = arith.mulf %mul3A_1076, %mul3A_1076 : vector<32x64xf32>
      %mul3A_1082 = arith.constant -2.05340793E-8 : f32
      %mul3A_1083 = vector.broadcast %mul3A_1082 : f32 to vector<32x64xf32>
      %mul3A_1084 = arith.mulf %mul3A_1081, %mul3A_1083 : vector<32x64xf32>
      %add3A_1085 = arith.constant 2.70404735E-6 : f32
      %add3A_1086 = vector.broadcast %add3A_1085 : f32 to vector<32x64xf32>
      %add3A_1087 = arith.addf %add3A_1086, %mul3A_1084 : vector<32x64xf32>
      %mul3A_1088 = arith.mulf %mul3A_1081, %add3A_1087 : vector<32x64xf32>
      %add3A_1089 = arith.constant -1.98125723E-4 : f32
      %add3A_1090 = vector.broadcast %add3A_1089 : f32 to vector<32x64xf32>
      %add3A_1091 = arith.addf %add3A_1090, %mul3A_1088 : vector<32x64xf32>
      %mul3A_1092 = arith.mulf %mul3A_1081, %add3A_1091 : vector<32x64xf32>
      %add3A_1093 = arith.constant 0.00833255798 : f32
      %add3A_1094 = vector.broadcast %add3A_1093 : f32 to vector<32x64xf32>
      %add3A_1095 = arith.addf %add3A_1094, %mul3A_1092 : vector<32x64xf32>
      %mul3A_1096 = arith.mulf %mul3A_1081, %add3A_1095 : vector<32x64xf32>
      %add3A_1097 = arith.constant -0.166665778 : f32
      %add3A_1098 = vector.broadcast %add3A_1097 : f32 to vector<32x64xf32>
      %add3A_1099 = arith.addf %add3A_1098, %mul3A_1096 : vector<32x64xf32>
      %mul3A_1100 = arith.mulf %mul3A_1081, %add3A_1099 : vector<32x64xf32>
      %add3A_1101 = arith.constant 0.999999701 : f32
      %add3A_1102 = vector.broadcast %add3A_1101 : f32 to vector<32x64xf32>
      %add3A_1103 = arith.addf %add3A_1102, %mul3A_1100 : vector<32x64xf32>
      %mul3A_1104 = arith.mulf %mul3A_1076, %add3A_1103 : vector<32x64xf32>
      %mul3A_1105 = vector.broadcast %slice3A_1080 : vector<1x64xf32> to vector<32x64xf32>
      %mul3A_1106 = arith.mulf %mul3A_1105, %mul3A_1104 : vector<32x64xf32>
      %add3A_1107 = arith.addf %mul3A_1079, %mul3A_1106 : vector<32x64xf32>
      %slice3A_1108 = vector.extract_strided_slice %get3A_1 {offsets = [6, 0], sizes = [1, 64], strides = [1, 1]} : vector<16x64xf32> to vector<1x64xf32>
      %mul3A_1109 = arith.mulf %mul3A_1076, %mul3A_1076 : vector<32x64xf32>
      %mul3A_1110 = arith.constant -2.21939501E-7 : f32
      %mul3A_1111 = vector.broadcast %mul3A_1110 : f32 to vector<32x64xf32>
      %mul3A_1112 = arith.mulf %mul3A_1109, %mul3A_1111 : vector<32x64xf32>
      %add3A_1113 = arith.constant 2.42531933E-5 : f32
      %add3A_1114 = vector.broadcast %add3A_1113 : f32 to vector<32x64xf32>
      %add3A_1115 = arith.addf %add3A_1114, %mul3A_1112 : vector<32x64xf32>
      %mul3A_1116 = arith.mulf %mul3A_1109, %add3A_1115 : vector<32x64xf32>
      %add3A_1117 = arith.constant -0.0013862747 : f32
      %add3A_1118 = vector.broadcast %add3A_1117 : f32 to vector<32x64xf32>
      %add3A_1119 = arith.addf %add3A_1118, %mul3A_1116 : vector<32x64xf32>
      %mul3A_1120 = arith.mulf %mul3A_1109, %add3A_1119 : vector<32x64xf32>
      %add3A_1121 = arith.constant 0.0416610315 : f32
      %add3A_1122 = vector.broadcast %add3A_1121 : f32 to vector<32x64xf32>
      %add3A_1123 = arith.addf %add3A_1122, %mul3A_1120 : vector<32x64xf32>
      %mul3A_1124 = arith.mulf %mul3A_1109, %add3A_1123 : vector<32x64xf32>
      %add3A_1125 = arith.constant -0.499995589 : f32
      %add3A_1126 = vector.broadcast %add3A_1125 : f32 to vector<32x64xf32>
      %add3A_1127 = arith.addf %add3A_1126, %mul3A_1124 : vector<32x64xf32>
      %mul3A_1128 = arith.mulf %mul3A_1109, %add3A_1127 : vector<32x64xf32>
      %add3A_1129 = arith.constant 0.999999463 : f32
      %add3A_1130 = vector.broadcast %add3A_1129 : f32 to vector<32x64xf32>
      %add3A_1131 = arith.addf %add3A_1130, %mul3A_1128 : vector<32x64xf32>
      %mul3A_1132 = vector.broadcast %slice3A_1108 : vector<1x64xf32> to vector<32x64xf32>
      %mul3A_1133 = arith.mulf %mul3A_1132, %add3A_1131 : vector<32x64xf32>
      %add3A_1134 = arith.addf %add3A_1107, %mul3A_1133 : vector<32x64xf32>
      %slice3A_1135 = vector.extract_strided_slice %get3A_1061 {offsets = [0, 3], sizes = [32, 3], strides = [1, 1]} : vector<32x8xf32> to vector<32x3xf32>
      %slice3A_1136 = vector.extract_strided_slice %get3A_1 {offsets = [8, 0], sizes = [3, 32], strides = [1, 1]} : vector<16x64xf32> to vector<3x32xf32>
      %dot_general3A_1137 = arith.constant dense<0.000000e+00> : vector<32x32xf32>
      %dot_general3A_1138 = tpu.matmul %slice3A_1135, %slice3A_1136, %dot_general3A_1137 {dimension_numbers = #tpu.dot_dimension_numbers<[1], [0], [0], [1], [0, 0, 1, 1], [], []>, precision = #tpu.contract_precision<fp32>, transpose_lhs_hint = false} : vector<32x3xf32>, vector<3x32xf32>, vector<32x32xf32> -> vector<32x32xf32>
      %slice3A_1139 = vector.extract_strided_slice %get3A_1 {offsets = [11, 0], sizes = [1, 32], strides = [1, 1]} : vector<16x64xf32> to vector<1x32xf32>
      %mul3A_1140 = vector.broadcast %slice3A_1139 : vector<1x32xf32> to vector<32x32xf32>
      %mul3A_1141 = arith.mulf %dot_general3A_1138, %mul3A_1140 : vector<32x32xf32>
      %mul3A_1142 = arith.constant 0.159154937 : f32
      %mul3A_1143 = vector.broadcast %mul3A_1142 : f32 to vector<32x32xf32>
      %mul3A_1144 = arith.mulf %mul3A_1141, %mul3A_1143 : vector<32x32xf32>
      %round3A_1145 = math.roundeven %mul3A_1144 : vector<32x32xf32>
      %sub3A_1146 = arith.subf %mul3A_1144, %round3A_1145 : vector<32x32xf32>
      %mul3A_1147 = arith.constant 6.28318548 : f32
      %mul3A_1148 = vector.broadcast %mul3A_1147 : f32 to vector<32x32xf32>
      %mul3A_1149 = arith.mulf %sub3A_1146, %mul3A_1148 : vector<32x32xf32>
      %slice3A_1150 = vector.extract_strided_slice %get3A_1 {offsets = [12, 0], sizes = [1, 32], strides = [1, 1]} : vector<16x64xf32> to vector<1x32xf32>
      %mul3A_1151 = vector.broadcast %slice3A_1150 : vector<1x32xf32> to vector<32x32xf32>
      %mul3A_1152 = arith.mulf %mul3A_1151, %dot_general3A_1138 : vector<32x32xf32>
      %slice3A_1153 = vector.extract_strided_slice %get3A_1 {offsets = [13, 0], sizes = [1, 32], strides = [1, 1]} : vector<16x64xf32> to vector<1x32xf32>
      %mul3A_1154 = arith.mulf %mul3A_1149, %mul3A_1149 : vector<32x32xf32>
      %mul3A_1155 = arith.constant -2.05340793E-8 : f32
      %mul3A_1156 = vector.broadcast %mul3A_1155 : f32 to vector<32x32xf32>
      %mul3A_1157 = arith.mulf %mul3A_1154, %mul3A_1156 : vector<32x32xf32>
      %add3A_1158 = arith.constant 2.70404735E-6 : f32
      %add3A_1159 = vector.broadcast %add3A_1158 : f32 to vector<32x32xf32>
      %add3A_1160 = arith.addf %add3A_1159, %mul3A_1157 : vector<32x32xf32>
      %mul3A_1161 = arith.mulf %mul3A_1154, %add3A_1160 : vector<32x32xf32>
      %add3A_1162 = arith.constant -1.98125723E-4 : f32
      %add3A_1163 = vector.broadcast %add3A_1162 : f32 to vector<32x32xf32>
      %add3A_1164 = arith.addf %add3A_1163, %mul3A_1161 : vector<32x32xf32>
      %mul3A_1165 = arith.mulf %mul3A_1154, %add3A_1164 : vector<32x32xf32>
      %add3A_1166 = arith.constant 0.00833255798 : f32
      %add3A_1167 = vector.broadcast %add3A_1166 : f32 to vector<32x32xf32>
      %add3A_1168 = arith.addf %add3A_1167, %mul3A_1165 : vector<32x32xf32>
      %mul3A_1169 = arith.mulf %mul3A_1154, %add3A_1168 : vector<32x32xf32>
      %add3A_1170 = arith.constant -0.166665778 : f32
      %add3A_1171 = vector.broadcast %add3A_1170 : f32 to vector<32x32xf32>
      %add3A_1172 = arith.addf %add3A_1171, %mul3A_1169 : vector<32x32xf32>
      %mul3A_1173 = arith.mulf %mul3A_1154, %add3A_1172 : vector<32x32xf32>
      %add3A_1174 = arith.constant 0.999999701 : f32
      %add3A_1175 = vector.broadcast %add3A_1174 : f32 to vector<32x32xf32>
      %add3A_1176 = arith.addf %add3A_1175, %mul3A_1173 : vector<32x32xf32>
      %mul3A_1177 = arith.mulf %mul3A_1149, %add3A_1176 : vector<32x32xf32>
      %mul3A_1178 = vector.broadcast %slice3A_1153 : vector<1x32xf32> to vector<32x32xf32>
      %mul3A_1179 = arith.mulf %mul3A_1178, %mul3A_1177 : vector<32x32xf32>
      %add3A_1180 = arith.addf %mul3A_1152, %mul3A_1179 : vector<32x32xf32>
      %slice3A_1181 = vector.extract_strided_slice %get3A_1 {offsets = [14, 0], sizes = [1, 32], strides = [1, 1]} : vector<16x64xf32> to vector<1x32xf32>
      %mul3A_1182 = arith.mulf %mul3A_1149, %mul3A_1149 : vector<32x32xf32>
      %mul3A_1183 = arith.constant -2.21939501E-7 : f32
      %mul3A_1184 = vector.broadcast %mul3A_1183 : f32 to vector<32x32xf32>
      %mul3A_1185 = arith.mulf %mul3A_1182, %mul3A_1184 : vector<32x32xf32>
      %add3A_1186 = arith.constant 2.42531933E-5 : f32
      %add3A_1187 = vector.broadcast %add3A_1186 : f32 to vector<32x32xf32>
      %add3A_1188 = arith.addf %add3A_1187, %mul3A_1185 : vector<32x32xf32>
      %mul3A_1189 = arith.mulf %mul3A_1182, %add3A_1188 : vector<32x32xf32>
      %add3A_1190 = arith.constant -0.0013862747 : f32
      %add3A_1191 = vector.broadcast %add3A_1190 : f32 to vector<32x32xf32>
      %add3A_1192 = arith.addf %add3A_1191, %mul3A_1189 : vector<32x32xf32>
      %mul3A_1193 = arith.mulf %mul3A_1182, %add3A_1192 : vector<32x32xf32>
      %add3A_1194 = arith.constant 0.0416610315 : f32
      %add3A_1195 = vector.broadcast %add3A_1194 : f32 to vector<32x32xf32>
      %add3A_1196 = arith.addf %add3A_1195, %mul3A_1193 : vector<32x32xf32>
      %mul3A_1197 = arith.mulf %mul3A_1182, %add3A_1196 : vector<32x32xf32>
      %add3A_1198 = arith.constant -0.499995589 : f32
      %add3A_1199 = vector.broadcast %add3A_1198 : f32 to vector<32x32xf32>
      %add3A_1200 = arith.addf %add3A_1199, %mul3A_1197 : vector<32x32xf32>
      %mul3A_1201 = arith.mulf %mul3A_1182, %add3A_1200 : vector<32x32xf32>
      %add3A_1202 = arith.constant 0.999999463 : f32
      %add3A_1203 = vector.broadcast %add3A_1202 : f32 to vector<32x32xf32>
      %add3A_1204 = arith.addf %add3A_1203, %mul3A_1201 : vector<32x32xf32>
      %mul3A_1205 = vector.broadcast %slice3A_1181 : vector<1x32xf32> to vector<32x32xf32>
      %mul3A_1206 = arith.mulf %mul3A_1205, %add3A_1204 : vector<32x32xf32>
      %add3A_1207 = arith.addf %add3A_1180, %mul3A_1206 : vector<32x32xf32>
      %get3A_1208 = arith.constant 8 : index
      %get3A_1209 = arith.constant 0 : index
      %get3A_1210 = arith.constant 0 : index
      %get3A_1211 = vector.load %arg4[%get3A_1208, %get3A_1209, %get3A_1210] : memref<16x32x8xf32, #tpu.memory_space<vmem>>, vector<1x32x8xf32>
      %get3A_1212 = vector.shape_cast %get3A_1211 : vector<1x32x8xf32> to vector<32x8xf32>
      %slice3A_1213 = vector.extract_strided_slice %get3A_1212 {offsets = [0, 0], sizes = [32, 3], strides = [1, 1]} : vector<32x8xf32> to vector<32x3xf32>
      %slice3A_1214 = vector.extract_strided_slice %get3A_1 {offsets = [0, 0], sizes = [3, 64], strides = [1, 1]} : vector<16x64xf32> to vector<3x64xf32>
      %dot_general3A_1215 = arith.constant dense<0.000000e+00> : vector<32x64xf32>
      %dot_general3A_1216 = tpu.matmul %slice3A_1213, %slice3A_1214, %dot_general3A_1215 {dimension_numbers = #tpu.dot_dimension_numbers<[1], [0], [0], [1], [0, 0, 1, 1], [], []>, precision = #tpu.contract_precision<fp32>, transpose_lhs_hint = false} : vector<32x3xf32>, vector<3x64xf32>, vector<32x64xf32> -> vector<32x64xf32>
      %slice3A_1217 = vector.extract_strided_slice %get3A_1 {offsets = [3, 0], sizes = [1, 64], strides = [1, 1]} : vector<16x64xf32> to vector<1x64xf32>
      %mul3A_1218 = vector.broadcast %slice3A_1217 : vector<1x64xf32> to vector<32x64xf32>
      %mul3A_1219 = arith.mulf %dot_general3A_1216, %mul3A_1218 : vector<32x64xf32>
      %mul3A_1220 = arith.constant 0.159154937 : f32
      %mul3A_1221 = vector.broadcast %mul3A_1220 : f32 to vector<32x64xf32>
      %mul3A_1222 = arith.mulf %mul3A_1219, %mul3A_1221 : vector<32x64xf32>
      %round3A_1223 = math.roundeven %mul3A_1222 : vector<32x64xf32>
      %sub3A_1224 = arith.subf %mul3A_1222, %round3A_1223 : vector<32x64xf32>
      %mul3A_1225 = arith.constant 6.28318548 : f32
      %mul3A_1226 = vector.broadcast %mul3A_1225 : f32 to vector<32x64xf32>
      %mul3A_1227 = arith.mulf %sub3A_1224, %mul3A_1226 : vector<32x64xf32>
      %slice3A_1228 = vector.extract_strided_slice %get3A_1 {offsets = [4, 0], sizes = [1, 64], strides = [1, 1]} : vector<16x64xf32> to vector<1x64xf32>
      %mul3A_1229 = vector.broadcast %slice3A_1228 : vector<1x64xf32> to vector<32x64xf32>
      %mul3A_1230 = arith.mulf %mul3A_1229, %dot_general3A_1216 : vector<32x64xf32>
      %slice3A_1231 = vector.extract_strided_slice %get3A_1 {offsets = [5, 0], sizes = [1, 64], strides = [1, 1]} : vector<16x64xf32> to vector<1x64xf32>
      %mul3A_1232 = arith.mulf %mul3A_1227, %mul3A_1227 : vector<32x64xf32>
      %mul3A_1233 = arith.constant -2.05340793E-8 : f32
      %mul3A_1234 = vector.broadcast %mul3A_1233 : f32 to vector<32x64xf32>
      %mul3A_1235 = arith.mulf %mul3A_1232, %mul3A_1234 : vector<32x64xf32>
      %add3A_1236 = arith.constant 2.70404735E-6 : f32
      %add3A_1237 = vector.broadcast %add3A_1236 : f32 to vector<32x64xf32>
      %add3A_1238 = arith.addf %add3A_1237, %mul3A_1235 : vector<32x64xf32>
      %mul3A_1239 = arith.mulf %mul3A_1232, %add3A_1238 : vector<32x64xf32>
      %add3A_1240 = arith.constant -1.98125723E-4 : f32
      %add3A_1241 = vector.broadcast %add3A_1240 : f32 to vector<32x64xf32>
      %add3A_1242 = arith.addf %add3A_1241, %mul3A_1239 : vector<32x64xf32>
      %mul3A_1243 = arith.mulf %mul3A_1232, %add3A_1242 : vector<32x64xf32>
      %add3A_1244 = arith.constant 0.00833255798 : f32
      %add3A_1245 = vector.broadcast %add3A_1244 : f32 to vector<32x64xf32>
      %add3A_1246 = arith.addf %add3A_1245, %mul3A_1243 : vector<32x64xf32>
      %mul3A_1247 = arith.mulf %mul3A_1232, %add3A_1246 : vector<32x64xf32>
      %add3A_1248 = arith.constant -0.166665778 : f32
      %add3A_1249 = vector.broadcast %add3A_1248 : f32 to vector<32x64xf32>
      %add3A_1250 = arith.addf %add3A_1249, %mul3A_1247 : vector<32x64xf32>
      %mul3A_1251 = arith.mulf %mul3A_1232, %add3A_1250 : vector<32x64xf32>
      %add3A_1252 = arith.constant 0.999999701 : f32
      %add3A_1253 = vector.broadcast %add3A_1252 : f32 to vector<32x64xf32>
      %add3A_1254 = arith.addf %add3A_1253, %mul3A_1251 : vector<32x64xf32>
      %mul3A_1255 = arith.mulf %mul3A_1227, %add3A_1254 : vector<32x64xf32>
      %mul3A_1256 = vector.broadcast %slice3A_1231 : vector<1x64xf32> to vector<32x64xf32>
      %mul3A_1257 = arith.mulf %mul3A_1256, %mul3A_1255 : vector<32x64xf32>
      %add3A_1258 = arith.addf %mul3A_1230, %mul3A_1257 : vector<32x64xf32>
      %slice3A_1259 = vector.extract_strided_slice %get3A_1 {offsets = [6, 0], sizes = [1, 64], strides = [1, 1]} : vector<16x64xf32> to vector<1x64xf32>
      %mul3A_1260 = arith.mulf %mul3A_1227, %mul3A_1227 : vector<32x64xf32>
      %mul3A_1261 = arith.constant -2.21939501E-7 : f32
      %mul3A_1262 = vector.broadcast %mul3A_1261 : f32 to vector<32x64xf32>
      %mul3A_1263 = arith.mulf %mul3A_1260, %mul3A_1262 : vector<32x64xf32>
      %add3A_1264 = arith.constant 2.42531933E-5 : f32
      %add3A_1265 = vector.broadcast %add3A_1264 : f32 to vector<32x64xf32>
      %add3A_1266 = arith.addf %add3A_1265, %mul3A_1263 : vector<32x64xf32>
      %mul3A_1267 = arith.mulf %mul3A_1260, %add3A_1266 : vector<32x64xf32>
      %add3A_1268 = arith.constant -0.0013862747 : f32
      %add3A_1269 = vector.broadcast %add3A_1268 : f32 to vector<32x64xf32>
      %add3A_1270 = arith.addf %add3A_1269, %mul3A_1267 : vector<32x64xf32>
      %mul3A_1271 = arith.mulf %mul3A_1260, %add3A_1270 : vector<32x64xf32>
      %add3A_1272 = arith.constant 0.0416610315 : f32
      %add3A_1273 = vector.broadcast %add3A_1272 : f32 to vector<32x64xf32>
      %add3A_1274 = arith.addf %add3A_1273, %mul3A_1271 : vector<32x64xf32>
      %mul3A_1275 = arith.mulf %mul3A_1260, %add3A_1274 : vector<32x64xf32>
      %add3A_1276 = arith.constant -0.499995589 : f32
      %add3A_1277 = vector.broadcast %add3A_1276 : f32 to vector<32x64xf32>
      %add3A_1278 = arith.addf %add3A_1277, %mul3A_1275 : vector<32x64xf32>
      %mul3A_1279 = arith.mulf %mul3A_1260, %add3A_1278 : vector<32x64xf32>
      %add3A_1280 = arith.constant 0.999999463 : f32
      %add3A_1281 = vector.broadcast %add3A_1280 : f32 to vector<32x64xf32>
      %add3A_1282 = arith.addf %add3A_1281, %mul3A_1279 : vector<32x64xf32>
      %mul3A_1283 = vector.broadcast %slice3A_1259 : vector<1x64xf32> to vector<32x64xf32>
      %mul3A_1284 = arith.mulf %mul3A_1283, %add3A_1282 : vector<32x64xf32>
      %add3A_1285 = arith.addf %add3A_1258, %mul3A_1284 : vector<32x64xf32>
      %slice3A_1286 = vector.extract_strided_slice %get3A_1212 {offsets = [0, 3], sizes = [32, 3], strides = [1, 1]} : vector<32x8xf32> to vector<32x3xf32>
      %slice3A_1287 = vector.extract_strided_slice %get3A_1 {offsets = [8, 0], sizes = [3, 32], strides = [1, 1]} : vector<16x64xf32> to vector<3x32xf32>
      %dot_general3A_1288 = arith.constant dense<0.000000e+00> : vector<32x32xf32>
      %dot_general3A_1289 = tpu.matmul %slice3A_1286, %slice3A_1287, %dot_general3A_1288 {dimension_numbers = #tpu.dot_dimension_numbers<[1], [0], [0], [1], [0, 0, 1, 1], [], []>, precision = #tpu.contract_precision<fp32>, transpose_lhs_hint = false} : vector<32x3xf32>, vector<3x32xf32>, vector<32x32xf32> -> vector<32x32xf32>
      %slice3A_1290 = vector.extract_strided_slice %get3A_1 {offsets = [11, 0], sizes = [1, 32], strides = [1, 1]} : vector<16x64xf32> to vector<1x32xf32>
      %mul3A_1291 = vector.broadcast %slice3A_1290 : vector<1x32xf32> to vector<32x32xf32>
      %mul3A_1292 = arith.mulf %dot_general3A_1289, %mul3A_1291 : vector<32x32xf32>
      %mul3A_1293 = arith.constant 0.159154937 : f32
      %mul3A_1294 = vector.broadcast %mul3A_1293 : f32 to vector<32x32xf32>
      %mul3A_1295 = arith.mulf %mul3A_1292, %mul3A_1294 : vector<32x32xf32>
      %round3A_1296 = math.roundeven %mul3A_1295 : vector<32x32xf32>
      %sub3A_1297 = arith.subf %mul3A_1295, %round3A_1296 : vector<32x32xf32>
      %mul3A_1298 = arith.constant 6.28318548 : f32
      %mul3A_1299 = vector.broadcast %mul3A_1298 : f32 to vector<32x32xf32>
      %mul3A_1300 = arith.mulf %sub3A_1297, %mul3A_1299 : vector<32x32xf32>
      %slice3A_1301 = vector.extract_strided_slice %get3A_1 {offsets = [12, 0], sizes = [1, 32], strides = [1, 1]} : vector<16x64xf32> to vector<1x32xf32>
      %mul3A_1302 = vector.broadcast %slice3A_1301 : vector<1x32xf32> to vector<32x32xf32>
      %mul3A_1303 = arith.mulf %mul3A_1302, %dot_general3A_1289 : vector<32x32xf32>
      %slice3A_1304 = vector.extract_strided_slice %get3A_1 {offsets = [13, 0], sizes = [1, 32], strides = [1, 1]} : vector<16x64xf32> to vector<1x32xf32>
      %mul3A_1305 = arith.mulf %mul3A_1300, %mul3A_1300 : vector<32x32xf32>
      %mul3A_1306 = arith.constant -2.05340793E-8 : f32
      %mul3A_1307 = vector.broadcast %mul3A_1306 : f32 to vector<32x32xf32>
      %mul3A_1308 = arith.mulf %mul3A_1305, %mul3A_1307 : vector<32x32xf32>
      %add3A_1309 = arith.constant 2.70404735E-6 : f32
      %add3A_1310 = vector.broadcast %add3A_1309 : f32 to vector<32x32xf32>
      %add3A_1311 = arith.addf %add3A_1310, %mul3A_1308 : vector<32x32xf32>
      %mul3A_1312 = arith.mulf %mul3A_1305, %add3A_1311 : vector<32x32xf32>
      %add3A_1313 = arith.constant -1.98125723E-4 : f32
      %add3A_1314 = vector.broadcast %add3A_1313 : f32 to vector<32x32xf32>
      %add3A_1315 = arith.addf %add3A_1314, %mul3A_1312 : vector<32x32xf32>
      %mul3A_1316 = arith.mulf %mul3A_1305, %add3A_1315 : vector<32x32xf32>
      %add3A_1317 = arith.constant 0.00833255798 : f32
      %add3A_1318 = vector.broadcast %add3A_1317 : f32 to vector<32x32xf32>
      %add3A_1319 = arith.addf %add3A_1318, %mul3A_1316 : vector<32x32xf32>
      %mul3A_1320 = arith.mulf %mul3A_1305, %add3A_1319 : vector<32x32xf32>
      %add3A_1321 = arith.constant -0.166665778 : f32
      %add3A_1322 = vector.broadcast %add3A_1321 : f32 to vector<32x32xf32>
      %add3A_1323 = arith.addf %add3A_1322, %mul3A_1320 : vector<32x32xf32>
      %mul3A_1324 = arith.mulf %mul3A_1305, %add3A_1323 : vector<32x32xf32>
      %add3A_1325 = arith.constant 0.999999701 : f32
      %add3A_1326 = vector.broadcast %add3A_1325 : f32 to vector<32x32xf32>
      %add3A_1327 = arith.addf %add3A_1326, %mul3A_1324 : vector<32x32xf32>
      %mul3A_1328 = arith.mulf %mul3A_1300, %add3A_1327 : vector<32x32xf32>
      %mul3A_1329 = vector.broadcast %slice3A_1304 : vector<1x32xf32> to vector<32x32xf32>
      %mul3A_1330 = arith.mulf %mul3A_1329, %mul3A_1328 : vector<32x32xf32>
      %add3A_1331 = arith.addf %mul3A_1303, %mul3A_1330 : vector<32x32xf32>
      %slice3A_1332 = vector.extract_strided_slice %get3A_1 {offsets = [14, 0], sizes = [1, 32], strides = [1, 1]} : vector<16x64xf32> to vector<1x32xf32>
      %mul3A_1333 = arith.mulf %mul3A_1300, %mul3A_1300 : vector<32x32xf32>
      %mul3A_1334 = arith.constant -2.21939501E-7 : f32
      %mul3A_1335 = vector.broadcast %mul3A_1334 : f32 to vector<32x32xf32>
      %mul3A_1336 = arith.mulf %mul3A_1333, %mul3A_1335 : vector<32x32xf32>
      %add3A_1337 = arith.constant 2.42531933E-5 : f32
      %add3A_1338 = vector.broadcast %add3A_1337 : f32 to vector<32x32xf32>
      %add3A_1339 = arith.addf %add3A_1338, %mul3A_1336 : vector<32x32xf32>
      %mul3A_1340 = arith.mulf %mul3A_1333, %add3A_1339 : vector<32x32xf32>
      %add3A_1341 = arith.constant -0.0013862747 : f32
      %add3A_1342 = vector.broadcast %add3A_1341 : f32 to vector<32x32xf32>
      %add3A_1343 = arith.addf %add3A_1342, %mul3A_1340 : vector<32x32xf32>
      %mul3A_1344 = arith.mulf %mul3A_1333, %add3A_1343 : vector<32x32xf32>
      %add3A_1345 = arith.constant 0.0416610315 : f32
      %add3A_1346 = vector.broadcast %add3A_1345 : f32 to vector<32x32xf32>
      %add3A_1347 = arith.addf %add3A_1346, %mul3A_1344 : vector<32x32xf32>
      %mul3A_1348 = arith.mulf %mul3A_1333, %add3A_1347 : vector<32x32xf32>
      %add3A_1349 = arith.constant -0.499995589 : f32
      %add3A_1350 = vector.broadcast %add3A_1349 : f32 to vector<32x32xf32>
      %add3A_1351 = arith.addf %add3A_1350, %mul3A_1348 : vector<32x32xf32>
      %mul3A_1352 = arith.mulf %mul3A_1333, %add3A_1351 : vector<32x32xf32>
      %add3A_1353 = arith.constant 0.999999463 : f32
      %add3A_1354 = vector.broadcast %add3A_1353 : f32 to vector<32x32xf32>
      %add3A_1355 = arith.addf %add3A_1354, %mul3A_1352 : vector<32x32xf32>
      %mul3A_1356 = vector.broadcast %slice3A_1332 : vector<1x32xf32> to vector<32x32xf32>
      %mul3A_1357 = arith.mulf %mul3A_1356, %add3A_1355 : vector<32x32xf32>
      %add3A_1358 = arith.addf %add3A_1331, %mul3A_1357 : vector<32x32xf32>
      %get3A_1359 = arith.constant 9 : index
      %get3A_1360 = arith.constant 0 : index
      %get3A_1361 = arith.constant 0 : index
      %get3A_1362 = vector.load %arg4[%get3A_1359, %get3A_1360, %get3A_1361] : memref<16x32x8xf32, #tpu.memory_space<vmem>>, vector<1x32x8xf32>
      %get3A_1363 = vector.shape_cast %get3A_1362 : vector<1x32x8xf32> to vector<32x8xf32>
      %slice3A_1364 = vector.extract_strided_slice %get3A_1363 {offsets = [0, 0], sizes = [32, 3], strides = [1, 1]} : vector<32x8xf32> to vector<32x3xf32>
      %slice3A_1365 = vector.extract_strided_slice %get3A_1 {offsets = [0, 0], sizes = [3, 64], strides = [1, 1]} : vector<16x64xf32> to vector<3x64xf32>
      %dot_general3A_1366 = arith.constant dense<0.000000e+00> : vector<32x64xf32>
      %dot_general3A_1367 = tpu.matmul %slice3A_1364, %slice3A_1365, %dot_general3A_1366 {dimension_numbers = #tpu.dot_dimension_numbers<[1], [0], [0], [1], [0, 0, 1, 1], [], []>, precision = #tpu.contract_precision<fp32>, transpose_lhs_hint = false} : vector<32x3xf32>, vector<3x64xf32>, vector<32x64xf32> -> vector<32x64xf32>
      %slice3A_1368 = vector.extract_strided_slice %get3A_1 {offsets = [3, 0], sizes = [1, 64], strides = [1, 1]} : vector<16x64xf32> to vector<1x64xf32>
      %mul3A_1369 = vector.broadcast %slice3A_1368 : vector<1x64xf32> to vector<32x64xf32>
      %mul3A_1370 = arith.mulf %dot_general3A_1367, %mul3A_1369 : vector<32x64xf32>
      %mul3A_1371 = arith.constant 0.159154937 : f32
      %mul3A_1372 = vector.broadcast %mul3A_1371 : f32 to vector<32x64xf32>
      %mul3A_1373 = arith.mulf %mul3A_1370, %mul3A_1372 : vector<32x64xf32>
      %round3A_1374 = math.roundeven %mul3A_1373 : vector<32x64xf32>
      %sub3A_1375 = arith.subf %mul3A_1373, %round3A_1374 : vector<32x64xf32>
      %mul3A_1376 = arith.constant 6.28318548 : f32
      %mul3A_1377 = vector.broadcast %mul3A_1376 : f32 to vector<32x64xf32>
      %mul3A_1378 = arith.mulf %sub3A_1375, %mul3A_1377 : vector<32x64xf32>
      %slice3A_1379 = vector.extract_strided_slice %get3A_1 {offsets = [4, 0], sizes = [1, 64], strides = [1, 1]} : vector<16x64xf32> to vector<1x64xf32>
      %mul3A_1380 = vector.broadcast %slice3A_1379 : vector<1x64xf32> to vector<32x64xf32>
      %mul3A_1381 = arith.mulf %mul3A_1380, %dot_general3A_1367 : vector<32x64xf32>
      %slice3A_1382 = vector.extract_strided_slice %get3A_1 {offsets = [5, 0], sizes = [1, 64], strides = [1, 1]} : vector<16x64xf32> to vector<1x64xf32>
      %mul3A_1383 = arith.mulf %mul3A_1378, %mul3A_1378 : vector<32x64xf32>
      %mul3A_1384 = arith.constant -2.05340793E-8 : f32
      %mul3A_1385 = vector.broadcast %mul3A_1384 : f32 to vector<32x64xf32>
      %mul3A_1386 = arith.mulf %mul3A_1383, %mul3A_1385 : vector<32x64xf32>
      %add3A_1387 = arith.constant 2.70404735E-6 : f32
      %add3A_1388 = vector.broadcast %add3A_1387 : f32 to vector<32x64xf32>
      %add3A_1389 = arith.addf %add3A_1388, %mul3A_1386 : vector<32x64xf32>
      %mul3A_1390 = arith.mulf %mul3A_1383, %add3A_1389 : vector<32x64xf32>
      %add3A_1391 = arith.constant -1.98125723E-4 : f32
      %add3A_1392 = vector.broadcast %add3A_1391 : f32 to vector<32x64xf32>
      %add3A_1393 = arith.addf %add3A_1392, %mul3A_1390 : vector<32x64xf32>
      %mul3A_1394 = arith.mulf %mul3A_1383, %add3A_1393 : vector<32x64xf32>
      %add3A_1395 = arith.constant 0.00833255798 : f32
      %add3A_1396 = vector.broadcast %add3A_1395 : f32 to vector<32x64xf32>
      %add3A_1397 = arith.addf %add3A_1396, %mul3A_1394 : vector<32x64xf32>
      %mul3A_1398 = arith.mulf %mul3A_1383, %add3A_1397 : vector<32x64xf32>
      %add3A_1399 = arith.constant -0.166665778 : f32
      %add3A_1400 = vector.broadcast %add3A_1399 : f32 to vector<32x64xf32>
      %add3A_1401 = arith.addf %add3A_1400, %mul3A_1398 : vector<32x64xf32>
      %mul3A_1402 = arith.mulf %mul3A_1383, %add3A_1401 : vector<32x64xf32>
      %add3A_1403 = arith.constant 0.999999701 : f32
      %add3A_1404 = vector.broadcast %add3A_1403 : f32 to vector<32x64xf32>
      %add3A_1405 = arith.addf %add3A_1404, %mul3A_1402 : vector<32x64xf32>
      %mul3A_1406 = arith.mulf %mul3A_1378, %add3A_1405 : vector<32x64xf32>
      %mul3A_1407 = vector.broadcast %slice3A_1382 : vector<1x64xf32> to vector<32x64xf32>
      %mul3A_1408 = arith.mulf %mul3A_1407, %mul3A_1406 : vector<32x64xf32>
      %add3A_1409 = arith.addf %mul3A_1381, %mul3A_1408 : vector<32x64xf32>
      %slice3A_1410 = vector.extract_strided_slice %get3A_1 {offsets = [6, 0], sizes = [1, 64], strides = [1, 1]} : vector<16x64xf32> to vector<1x64xf32>
      %mul3A_1411 = arith.mulf %mul3A_1378, %mul3A_1378 : vector<32x64xf32>
      %mul3A_1412 = arith.constant -2.21939501E-7 : f32
      %mul3A_1413 = vector.broadcast %mul3A_1412 : f32 to vector<32x64xf32>
      %mul3A_1414 = arith.mulf %mul3A_1411, %mul3A_1413 : vector<32x64xf32>
      %add3A_1415 = arith.constant 2.42531933E-5 : f32
      %add3A_1416 = vector.broadcast %add3A_1415 : f32 to vector<32x64xf32>
      %add3A_1417 = arith.addf %add3A_1416, %mul3A_1414 : vector<32x64xf32>
      %mul3A_1418 = arith.mulf %mul3A_1411, %add3A_1417 : vector<32x64xf32>
      %add3A_1419 = arith.constant -0.0013862747 : f32
      %add3A_1420 = vector.broadcast %add3A_1419 : f32 to vector<32x64xf32>
      %add3A_1421 = arith.addf %add3A_1420, %mul3A_1418 : vector<32x64xf32>
      %mul3A_1422 = arith.mulf %mul3A_1411, %add3A_1421 : vector<32x64xf32>
      %add3A_1423 = arith.constant 0.0416610315 : f32
      %add3A_1424 = vector.broadcast %add3A_1423 : f32 to vector<32x64xf32>
      %add3A_1425 = arith.addf %add3A_1424, %mul3A_1422 : vector<32x64xf32>
      %mul3A_1426 = arith.mulf %mul3A_1411, %add3A_1425 : vector<32x64xf32>
      %add3A_1427 = arith.constant -0.499995589 : f32
      %add3A_1428 = vector.broadcast %add3A_1427 : f32 to vector<32x64xf32>
      %add3A_1429 = arith.addf %add3A_1428, %mul3A_1426 : vector<32x64xf32>
      %mul3A_1430 = arith.mulf %mul3A_1411, %add3A_1429 : vector<32x64xf32>
      %add3A_1431 = arith.constant 0.999999463 : f32
      %add3A_1432 = vector.broadcast %add3A_1431 : f32 to vector<32x64xf32>
      %add3A_1433 = arith.addf %add3A_1432, %mul3A_1430 : vector<32x64xf32>
      %mul3A_1434 = vector.broadcast %slice3A_1410 : vector<1x64xf32> to vector<32x64xf32>
      %mul3A_1435 = arith.mulf %mul3A_1434, %add3A_1433 : vector<32x64xf32>
      %add3A_1436 = arith.addf %add3A_1409, %mul3A_1435 : vector<32x64xf32>
      %slice3A_1437 = vector.extract_strided_slice %get3A_1363 {offsets = [0, 3], sizes = [32, 3], strides = [1, 1]} : vector<32x8xf32> to vector<32x3xf32>
      %slice3A_1438 = vector.extract_strided_slice %get3A_1 {offsets = [8, 0], sizes = [3, 32], strides = [1, 1]} : vector<16x64xf32> to vector<3x32xf32>
      %dot_general3A_1439 = arith.constant dense<0.000000e+00> : vector<32x32xf32>
      %dot_general3A_1440 = tpu.matmul %slice3A_1437, %slice3A_1438, %dot_general3A_1439 {dimension_numbers = #tpu.dot_dimension_numbers<[1], [0], [0], [1], [0, 0, 1, 1], [], []>, precision = #tpu.contract_precision<fp32>, transpose_lhs_hint = false} : vector<32x3xf32>, vector<3x32xf32>, vector<32x32xf32> -> vector<32x32xf32>
      %slice3A_1441 = vector.extract_strided_slice %get3A_1 {offsets = [11, 0], sizes = [1, 32], strides = [1, 1]} : vector<16x64xf32> to vector<1x32xf32>
      %mul3A_1442 = vector.broadcast %slice3A_1441 : vector<1x32xf32> to vector<32x32xf32>
      %mul3A_1443 = arith.mulf %dot_general3A_1440, %mul3A_1442 : vector<32x32xf32>
      %mul3A_1444 = arith.constant 0.159154937 : f32
      %mul3A_1445 = vector.broadcast %mul3A_1444 : f32 to vector<32x32xf32>
      %mul3A_1446 = arith.mulf %mul3A_1443, %mul3A_1445 : vector<32x32xf32>
      %round3A_1447 = math.roundeven %mul3A_1446 : vector<32x32xf32>
      %sub3A_1448 = arith.subf %mul3A_1446, %round3A_1447 : vector<32x32xf32>
      %mul3A_1449 = arith.constant 6.28318548 : f32
      %mul3A_1450 = vector.broadcast %mul3A_1449 : f32 to vector<32x32xf32>
      %mul3A_1451 = arith.mulf %sub3A_1448, %mul3A_1450 : vector<32x32xf32>
      %slice3A_1452 = vector.extract_strided_slice %get3A_1 {offsets = [12, 0], sizes = [1, 32], strides = [1, 1]} : vector<16x64xf32> to vector<1x32xf32>
      %mul3A_1453 = vector.broadcast %slice3A_1452 : vector<1x32xf32> to vector<32x32xf32>
      %mul3A_1454 = arith.mulf %mul3A_1453, %dot_general3A_1440 : vector<32x32xf32>
      %slice3A_1455 = vector.extract_strided_slice %get3A_1 {offsets = [13, 0], sizes = [1, 32], strides = [1, 1]} : vector<16x64xf32> to vector<1x32xf32>
      %mul3A_1456 = arith.mulf %mul3A_1451, %mul3A_1451 : vector<32x32xf32>
      %mul3A_1457 = arith.constant -2.05340793E-8 : f32
      %mul3A_1458 = vector.broadcast %mul3A_1457 : f32 to vector<32x32xf32>
      %mul3A_1459 = arith.mulf %mul3A_1456, %mul3A_1458 : vector<32x32xf32>
      %add3A_1460 = arith.constant 2.70404735E-6 : f32
      %add3A_1461 = vector.broadcast %add3A_1460 : f32 to vector<32x32xf32>
      %add3A_1462 = arith.addf %add3A_1461, %mul3A_1459 : vector<32x32xf32>
      %mul3A_1463 = arith.mulf %mul3A_1456, %add3A_1462 : vector<32x32xf32>
      %add3A_1464 = arith.constant -1.98125723E-4 : f32
      %add3A_1465 = vector.broadcast %add3A_1464 : f32 to vector<32x32xf32>
      %add3A_1466 = arith.addf %add3A_1465, %mul3A_1463 : vector<32x32xf32>
      %mul3A_1467 = arith.mulf %mul3A_1456, %add3A_1466 : vector<32x32xf32>
      %add3A_1468 = arith.constant 0.00833255798 : f32
      %add3A_1469 = vector.broadcast %add3A_1468 : f32 to vector<32x32xf32>
      %add3A_1470 = arith.addf %add3A_1469, %mul3A_1467 : vector<32x32xf32>
      %mul3A_1471 = arith.mulf %mul3A_1456, %add3A_1470 : vector<32x32xf32>
      %add3A_1472 = arith.constant -0.166665778 : f32
      %add3A_1473 = vector.broadcast %add3A_1472 : f32 to vector<32x32xf32>
      %add3A_1474 = arith.addf %add3A_1473, %mul3A_1471 : vector<32x32xf32>
      %mul3A_1475 = arith.mulf %mul3A_1456, %add3A_1474 : vector<32x32xf32>
      %add3A_1476 = arith.constant 0.999999701 : f32
      %add3A_1477 = vector.broadcast %add3A_1476 : f32 to vector<32x32xf32>
      %add3A_1478 = arith.addf %add3A_1477, %mul3A_1475 : vector<32x32xf32>
      %mul3A_1479 = arith.mulf %mul3A_1451, %add3A_1478 : vector<32x32xf32>
      %mul3A_1480 = vector.broadcast %slice3A_1455 : vector<1x32xf32> to vector<32x32xf32>
      %mul3A_1481 = arith.mulf %mul3A_1480, %mul3A_1479 : vector<32x32xf32>
      %add3A_1482 = arith.addf %mul3A_1454, %mul3A_1481 : vector<32x32xf32>
      %slice3A_1483 = vector.extract_strided_slice %get3A_1 {offsets = [14, 0], sizes = [1, 32], strides = [1, 1]} : vector<16x64xf32> to vector<1x32xf32>
      %mul3A_1484 = arith.mulf %mul3A_1451, %mul3A_1451 : vector<32x32xf32>
      %mul3A_1485 = arith.constant -2.21939501E-7 : f32
      %mul3A_1486 = vector.broadcast %mul3A_1485 : f32 to vector<32x32xf32>
      %mul3A_1487 = arith.mulf %mul3A_1484, %mul3A_1486 : vector<32x32xf32>
      %add3A_1488 = arith.constant 2.42531933E-5 : f32
      %add3A_1489 = vector.broadcast %add3A_1488 : f32 to vector<32x32xf32>
      %add3A_1490 = arith.addf %add3A_1489, %mul3A_1487 : vector<32x32xf32>
      %mul3A_1491 = arith.mulf %mul3A_1484, %add3A_1490 : vector<32x32xf32>
      %add3A_1492 = arith.constant -0.0013862747 : f32
      %add3A_1493 = vector.broadcast %add3A_1492 : f32 to vector<32x32xf32>
      %add3A_1494 = arith.addf %add3A_1493, %mul3A_1491 : vector<32x32xf32>
      %mul3A_1495 = arith.mulf %mul3A_1484, %add3A_1494 : vector<32x32xf32>
      %add3A_1496 = arith.constant 0.0416610315 : f32
      %add3A_1497 = vector.broadcast %add3A_1496 : f32 to vector<32x32xf32>
      %add3A_1498 = arith.addf %add3A_1497, %mul3A_1495 : vector<32x32xf32>
      %mul3A_1499 = arith.mulf %mul3A_1484, %add3A_1498 : vector<32x32xf32>
      %add3A_1500 = arith.constant -0.499995589 : f32
      %add3A_1501 = vector.broadcast %add3A_1500 : f32 to vector<32x32xf32>
      %add3A_1502 = arith.addf %add3A_1501, %mul3A_1499 : vector<32x32xf32>
      %mul3A_1503 = arith.mulf %mul3A_1484, %add3A_1502 : vector<32x32xf32>
      %add3A_1504 = arith.constant 0.999999463 : f32
      %add3A_1505 = vector.broadcast %add3A_1504 : f32 to vector<32x32xf32>
      %add3A_1506 = arith.addf %add3A_1505, %mul3A_1503 : vector<32x32xf32>
      %mul3A_1507 = vector.broadcast %slice3A_1483 : vector<1x32xf32> to vector<32x32xf32>
      %mul3A_1508 = arith.mulf %mul3A_1507, %add3A_1506 : vector<32x32xf32>
      %add3A_1509 = arith.addf %add3A_1482, %mul3A_1508 : vector<32x32xf32>
      %get3A_1510 = arith.constant 10 : index
      %get3A_1511 = arith.constant 0 : index
      %get3A_1512 = arith.constant 0 : index
      %get3A_1513 = vector.load %arg4[%get3A_1510, %get3A_1511, %get3A_1512] : memref<16x32x8xf32, #tpu.memory_space<vmem>>, vector<1x32x8xf32>
      %get3A_1514 = vector.shape_cast %get3A_1513 : vector<1x32x8xf32> to vector<32x8xf32>
      %slice3A_1515 = vector.extract_strided_slice %get3A_1514 {offsets = [0, 0], sizes = [32, 3], strides = [1, 1]} : vector<32x8xf32> to vector<32x3xf32>
      %slice3A_1516 = vector.extract_strided_slice %get3A_1 {offsets = [0, 0], sizes = [3, 64], strides = [1, 1]} : vector<16x64xf32> to vector<3x64xf32>
      %dot_general3A_1517 = arith.constant dense<0.000000e+00> : vector<32x64xf32>
      %dot_general3A_1518 = tpu.matmul %slice3A_1515, %slice3A_1516, %dot_general3A_1517 {dimension_numbers = #tpu.dot_dimension_numbers<[1], [0], [0], [1], [0, 0, 1, 1], [], []>, precision = #tpu.contract_precision<fp32>, transpose_lhs_hint = false} : vector<32x3xf32>, vector<3x64xf32>, vector<32x64xf32> -> vector<32x64xf32>
      %slice3A_1519 = vector.extract_strided_slice %get3A_1 {offsets = [3, 0], sizes = [1, 64], strides = [1, 1]} : vector<16x64xf32> to vector<1x64xf32>
      %mul3A_1520 = vector.broadcast %slice3A_1519 : vector<1x64xf32> to vector<32x64xf32>
      %mul3A_1521 = arith.mulf %dot_general3A_1518, %mul3A_1520 : vector<32x64xf32>
      %mul3A_1522 = arith.constant 0.159154937 : f32
      %mul3A_1523 = vector.broadcast %mul3A_1522 : f32 to vector<32x64xf32>
      %mul3A_1524 = arith.mulf %mul3A_1521, %mul3A_1523 : vector<32x64xf32>
      %round3A_1525 = math.roundeven %mul3A_1524 : vector<32x64xf32>
      %sub3A_1526 = arith.subf %mul3A_1524, %round3A_1525 : vector<32x64xf32>
      %mul3A_1527 = arith.constant 6.28318548 : f32
      %mul3A_1528 = vector.broadcast %mul3A_1527 : f32 to vector<32x64xf32>
      %mul3A_1529 = arith.mulf %sub3A_1526, %mul3A_1528 : vector<32x64xf32>
      %slice3A_1530 = vector.extract_strided_slice %get3A_1 {offsets = [4, 0], sizes = [1, 64], strides = [1, 1]} : vector<16x64xf32> to vector<1x64xf32>
      %mul3A_1531 = vector.broadcast %slice3A_1530 : vector<1x64xf32> to vector<32x64xf32>
      %mul3A_1532 = arith.mulf %mul3A_1531, %dot_general3A_1518 : vector<32x64xf32>
      %slice3A_1533 = vector.extract_strided_slice %get3A_1 {offsets = [5, 0], sizes = [1, 64], strides = [1, 1]} : vector<16x64xf32> to vector<1x64xf32>
      %mul3A_1534 = arith.mulf %mul3A_1529, %mul3A_1529 : vector<32x64xf32>
      %mul3A_1535 = arith.constant -2.05340793E-8 : f32
      %mul3A_1536 = vector.broadcast %mul3A_1535 : f32 to vector<32x64xf32>
      %mul3A_1537 = arith.mulf %mul3A_1534, %mul3A_1536 : vector<32x64xf32>
      %add3A_1538 = arith.constant 2.70404735E-6 : f32
      %add3A_1539 = vector.broadcast %add3A_1538 : f32 to vector<32x64xf32>
      %add3A_1540 = arith.addf %add3A_1539, %mul3A_1537 : vector<32x64xf32>
      %mul3A_1541 = arith.mulf %mul3A_1534, %add3A_1540 : vector<32x64xf32>
      %add3A_1542 = arith.constant -1.98125723E-4 : f32
      %add3A_1543 = vector.broadcast %add3A_1542 : f32 to vector<32x64xf32>
      %add3A_1544 = arith.addf %add3A_1543, %mul3A_1541 : vector<32x64xf32>
      %mul3A_1545 = arith.mulf %mul3A_1534, %add3A_1544 : vector<32x64xf32>
      %add3A_1546 = arith.constant 0.00833255798 : f32
      %add3A_1547 = vector.broadcast %add3A_1546 : f32 to vector<32x64xf32>
      %add3A_1548 = arith.addf %add3A_1547, %mul3A_1545 : vector<32x64xf32>
      %mul3A_1549 = arith.mulf %mul3A_1534, %add3A_1548 : vector<32x64xf32>
      %add3A_1550 = arith.constant -0.166665778 : f32
      %add3A_1551 = vector.broadcast %add3A_1550 : f32 to vector<32x64xf32>
      %add3A_1552 = arith.addf %add3A_1551, %mul3A_1549 : vector<32x64xf32>
      %mul3A_1553 = arith.mulf %mul3A_1534, %add3A_1552 : vector<32x64xf32>
      %add3A_1554 = arith.constant 0.999999701 : f32
      %add3A_1555 = vector.broadcast %add3A_1554 : f32 to vector<32x64xf32>
      %add3A_1556 = arith.addf %add3A_1555, %mul3A_1553 : vector<32x64xf32>
      %mul3A_1557 = arith.mulf %mul3A_1529, %add3A_1556 : vector<32x64xf32>
      %mul3A_1558 = vector.broadcast %slice3A_1533 : vector<1x64xf32> to vector<32x64xf32>
      %mul3A_1559 = arith.mulf %mul3A_1558, %mul3A_1557 : vector<32x64xf32>
      %add3A_1560 = arith.addf %mul3A_1532, %mul3A_1559 : vector<32x64xf32>
      %slice3A_1561 = vector.extract_strided_slice %get3A_1 {offsets = [6, 0], sizes = [1, 64], strides = [1, 1]} : vector<16x64xf32> to vector<1x64xf32>
      %mul3A_1562 = arith.mulf %mul3A_1529, %mul3A_1529 : vector<32x64xf32>
      %mul3A_1563 = arith.constant -2.21939501E-7 : f32
      %mul3A_1564 = vector.broadcast %mul3A_1563 : f32 to vector<32x64xf32>
      %mul3A_1565 = arith.mulf %mul3A_1562, %mul3A_1564 : vector<32x64xf32>
      %add3A_1566 = arith.constant 2.42531933E-5 : f32
      %add3A_1567 = vector.broadcast %add3A_1566 : f32 to vector<32x64xf32>
      %add3A_1568 = arith.addf %add3A_1567, %mul3A_1565 : vector<32x64xf32>
      %mul3A_1569 = arith.mulf %mul3A_1562, %add3A_1568 : vector<32x64xf32>
      %add3A_1570 = arith.constant -0.0013862747 : f32
      %add3A_1571 = vector.broadcast %add3A_1570 : f32 to vector<32x64xf32>
      %add3A_1572 = arith.addf %add3A_1571, %mul3A_1569 : vector<32x64xf32>
      %mul3A_1573 = arith.mulf %mul3A_1562, %add3A_1572 : vector<32x64xf32>
      %add3A_1574 = arith.constant 0.0416610315 : f32
      %add3A_1575 = vector.broadcast %add3A_1574 : f32 to vector<32x64xf32>
      %add3A_1576 = arith.addf %add3A_1575, %mul3A_1573 : vector<32x64xf32>
      %mul3A_1577 = arith.mulf %mul3A_1562, %add3A_1576 : vector<32x64xf32>
      %add3A_1578 = arith.constant -0.499995589 : f32
      %add3A_1579 = vector.broadcast %add3A_1578 : f32 to vector<32x64xf32>
      %add3A_1580 = arith.addf %add3A_1579, %mul3A_1577 : vector<32x64xf32>
      %mul3A_1581 = arith.mulf %mul3A_1562, %add3A_1580 : vector<32x64xf32>
      %add3A_1582 = arith.constant 0.999999463 : f32
      %add3A_1583 = vector.broadcast %add3A_1582 : f32 to vector<32x64xf32>
      %add3A_1584 = arith.addf %add3A_1583, %mul3A_1581 : vector<32x64xf32>
      %mul3A_1585 = vector.broadcast %slice3A_1561 : vector<1x64xf32> to vector<32x64xf32>
      %mul3A_1586 = arith.mulf %mul3A_1585, %add3A_1584 : vector<32x64xf32>
      %add3A_1587 = arith.addf %add3A_1560, %mul3A_1586 : vector<32x64xf32>
      %slice3A_1588 = vector.extract_strided_slice %get3A_1514 {offsets = [0, 3], sizes = [32, 3], strides = [1, 1]} : vector<32x8xf32> to vector<32x3xf32>
      %slice3A_1589 = vector.extract_strided_slice %get3A_1 {offsets = [8, 0], sizes = [3, 32], strides = [1, 1]} : vector<16x64xf32> to vector<3x32xf32>
      %dot_general3A_1590 = arith.constant dense<0.000000e+00> : vector<32x32xf32>
      %dot_general3A_1591 = tpu.matmul %slice3A_1588, %slice3A_1589, %dot_general3A_1590 {dimension_numbers = #tpu.dot_dimension_numbers<[1], [0], [0], [1], [0, 0, 1, 1], [], []>, precision = #tpu.contract_precision<fp32>, transpose_lhs_hint = false} : vector<32x3xf32>, vector<3x32xf32>, vector<32x32xf32> -> vector<32x32xf32>
      %slice3A_1592 = vector.extract_strided_slice %get3A_1 {offsets = [11, 0], sizes = [1, 32], strides = [1, 1]} : vector<16x64xf32> to vector<1x32xf32>
      %mul3A_1593 = vector.broadcast %slice3A_1592 : vector<1x32xf32> to vector<32x32xf32>
      %mul3A_1594 = arith.mulf %dot_general3A_1591, %mul3A_1593 : vector<32x32xf32>
      %mul3A_1595 = arith.constant 0.159154937 : f32
      %mul3A_1596 = vector.broadcast %mul3A_1595 : f32 to vector<32x32xf32>
      %mul3A_1597 = arith.mulf %mul3A_1594, %mul3A_1596 : vector<32x32xf32>
      %round3A_1598 = math.roundeven %mul3A_1597 : vector<32x32xf32>
      %sub3A_1599 = arith.subf %mul3A_1597, %round3A_1598 : vector<32x32xf32>
      %mul3A_1600 = arith.constant 6.28318548 : f32
      %mul3A_1601 = vector.broadcast %mul3A_1600 : f32 to vector<32x32xf32>
      %mul3A_1602 = arith.mulf %sub3A_1599, %mul3A_1601 : vector<32x32xf32>
      %slice3A_1603 = vector.extract_strided_slice %get3A_1 {offsets = [12, 0], sizes = [1, 32], strides = [1, 1]} : vector<16x64xf32> to vector<1x32xf32>
      %mul3A_1604 = vector.broadcast %slice3A_1603 : vector<1x32xf32> to vector<32x32xf32>
      %mul3A_1605 = arith.mulf %mul3A_1604, %dot_general3A_1591 : vector<32x32xf32>
      %slice3A_1606 = vector.extract_strided_slice %get3A_1 {offsets = [13, 0], sizes = [1, 32], strides = [1, 1]} : vector<16x64xf32> to vector<1x32xf32>
      %mul3A_1607 = arith.mulf %mul3A_1602, %mul3A_1602 : vector<32x32xf32>
      %mul3A_1608 = arith.constant -2.05340793E-8 : f32
      %mul3A_1609 = vector.broadcast %mul3A_1608 : f32 to vector<32x32xf32>
      %mul3A_1610 = arith.mulf %mul3A_1607, %mul3A_1609 : vector<32x32xf32>
      %add3A_1611 = arith.constant 2.70404735E-6 : f32
      %add3A_1612 = vector.broadcast %add3A_1611 : f32 to vector<32x32xf32>
      %add3A_1613 = arith.addf %add3A_1612, %mul3A_1610 : vector<32x32xf32>
      %mul3A_1614 = arith.mulf %mul3A_1607, %add3A_1613 : vector<32x32xf32>
      %add3A_1615 = arith.constant -1.98125723E-4 : f32
      %add3A_1616 = vector.broadcast %add3A_1615 : f32 to vector<32x32xf32>
      %add3A_1617 = arith.addf %add3A_1616, %mul3A_1614 : vector<32x32xf32>
      %mul3A_1618 = arith.mulf %mul3A_1607, %add3A_1617 : vector<32x32xf32>
      %add3A_1619 = arith.constant 0.00833255798 : f32
      %add3A_1620 = vector.broadcast %add3A_1619 : f32 to vector<32x32xf32>
      %add3A_1621 = arith.addf %add3A_1620, %mul3A_1618 : vector<32x32xf32>
      %mul3A_1622 = arith.mulf %mul3A_1607, %add3A_1621 : vector<32x32xf32>
      %add3A_1623 = arith.constant -0.166665778 : f32
      %add3A_1624 = vector.broadcast %add3A_1623 : f32 to vector<32x32xf32>
      %add3A_1625 = arith.addf %add3A_1624, %mul3A_1622 : vector<32x32xf32>
      %mul3A_1626 = arith.mulf %mul3A_1607, %add3A_1625 : vector<32x32xf32>
      %add3A_1627 = arith.constant 0.999999701 : f32
      %add3A_1628 = vector.broadcast %add3A_1627 : f32 to vector<32x32xf32>
      %add3A_1629 = arith.addf %add3A_1628, %mul3A_1626 : vector<32x32xf32>
      %mul3A_1630 = arith.mulf %mul3A_1602, %add3A_1629 : vector<32x32xf32>
      %mul3A_1631 = vector.broadcast %slice3A_1606 : vector<1x32xf32> to vector<32x32xf32>
      %mul3A_1632 = arith.mulf %mul3A_1631, %mul3A_1630 : vector<32x32xf32>
      %add3A_1633 = arith.addf %mul3A_1605, %mul3A_1632 : vector<32x32xf32>
      %slice3A_1634 = vector.extract_strided_slice %get3A_1 {offsets = [14, 0], sizes = [1, 32], strides = [1, 1]} : vector<16x64xf32> to vector<1x32xf32>
      %mul3A_1635 = arith.mulf %mul3A_1602, %mul3A_1602 : vector<32x32xf32>
      %mul3A_1636 = arith.constant -2.21939501E-7 : f32
      %mul3A_1637 = vector.broadcast %mul3A_1636 : f32 to vector<32x32xf32>
      %mul3A_1638 = arith.mulf %mul3A_1635, %mul3A_1637 : vector<32x32xf32>
      %add3A_1639 = arith.constant 2.42531933E-5 : f32
      %add3A_1640 = vector.broadcast %add3A_1639 : f32 to vector<32x32xf32>
      %add3A_1641 = arith.addf %add3A_1640, %mul3A_1638 : vector<32x32xf32>
      %mul3A_1642 = arith.mulf %mul3A_1635, %add3A_1641 : vector<32x32xf32>
      %add3A_1643 = arith.constant -0.0013862747 : f32
      %add3A_1644 = vector.broadcast %add3A_1643 : f32 to vector<32x32xf32>
      %add3A_1645 = arith.addf %add3A_1644, %mul3A_1642 : vector<32x32xf32>
      %mul3A_1646 = arith.mulf %mul3A_1635, %add3A_1645 : vector<32x32xf32>
      %add3A_1647 = arith.constant 0.0416610315 : f32
      %add3A_1648 = vector.broadcast %add3A_1647 : f32 to vector<32x32xf32>
      %add3A_1649 = arith.addf %add3A_1648, %mul3A_1646 : vector<32x32xf32>
      %mul3A_1650 = arith.mulf %mul3A_1635, %add3A_1649 : vector<32x32xf32>
      %add3A_1651 = arith.constant -0.499995589 : f32
      %add3A_1652 = vector.broadcast %add3A_1651 : f32 to vector<32x32xf32>
      %add3A_1653 = arith.addf %add3A_1652, %mul3A_1650 : vector<32x32xf32>
      %mul3A_1654 = arith.mulf %mul3A_1635, %add3A_1653 : vector<32x32xf32>
      %add3A_1655 = arith.constant 0.999999463 : f32
      %add3A_1656 = vector.broadcast %add3A_1655 : f32 to vector<32x32xf32>
      %add3A_1657 = arith.addf %add3A_1656, %mul3A_1654 : vector<32x32xf32>
      %mul3A_1658 = vector.broadcast %slice3A_1634 : vector<1x32xf32> to vector<32x32xf32>
      %mul3A_1659 = arith.mulf %mul3A_1658, %add3A_1657 : vector<32x32xf32>
      %add3A_1660 = arith.addf %add3A_1633, %mul3A_1659 : vector<32x32xf32>
      %get3A_1661 = arith.constant 11 : index
      %get3A_1662 = arith.constant 0 : index
      %get3A_1663 = arith.constant 0 : index
      %get3A_1664 = vector.load %arg4[%get3A_1661, %get3A_1662, %get3A_1663] : memref<16x32x8xf32, #tpu.memory_space<vmem>>, vector<1x32x8xf32>
      %get3A_1665 = vector.shape_cast %get3A_1664 : vector<1x32x8xf32> to vector<32x8xf32>
      %slice3A_1666 = vector.extract_strided_slice %get3A_1665 {offsets = [0, 0], sizes = [32, 3], strides = [1, 1]} : vector<32x8xf32> to vector<32x3xf32>
      %slice3A_1667 = vector.extract_strided_slice %get3A_1 {offsets = [0, 0], sizes = [3, 64], strides = [1, 1]} : vector<16x64xf32> to vector<3x64xf32>
      %dot_general3A_1668 = arith.constant dense<0.000000e+00> : vector<32x64xf32>
      %dot_general3A_1669 = tpu.matmul %slice3A_1666, %slice3A_1667, %dot_general3A_1668 {dimension_numbers = #tpu.dot_dimension_numbers<[1], [0], [0], [1], [0, 0, 1, 1], [], []>, precision = #tpu.contract_precision<fp32>, transpose_lhs_hint = false} : vector<32x3xf32>, vector<3x64xf32>, vector<32x64xf32> -> vector<32x64xf32>
      %slice3A_1670 = vector.extract_strided_slice %get3A_1 {offsets = [3, 0], sizes = [1, 64], strides = [1, 1]} : vector<16x64xf32> to vector<1x64xf32>
      %mul3A_1671 = vector.broadcast %slice3A_1670 : vector<1x64xf32> to vector<32x64xf32>
      %mul3A_1672 = arith.mulf %dot_general3A_1669, %mul3A_1671 : vector<32x64xf32>
      %mul3A_1673 = arith.constant 0.159154937 : f32
      %mul3A_1674 = vector.broadcast %mul3A_1673 : f32 to vector<32x64xf32>
      %mul3A_1675 = arith.mulf %mul3A_1672, %mul3A_1674 : vector<32x64xf32>
      %round3A_1676 = math.roundeven %mul3A_1675 : vector<32x64xf32>
      %sub3A_1677 = arith.subf %mul3A_1675, %round3A_1676 : vector<32x64xf32>
      %mul3A_1678 = arith.constant 6.28318548 : f32
      %mul3A_1679 = vector.broadcast %mul3A_1678 : f32 to vector<32x64xf32>
      %mul3A_1680 = arith.mulf %sub3A_1677, %mul3A_1679 : vector<32x64xf32>
      %slice3A_1681 = vector.extract_strided_slice %get3A_1 {offsets = [4, 0], sizes = [1, 64], strides = [1, 1]} : vector<16x64xf32> to vector<1x64xf32>
      %mul3A_1682 = vector.broadcast %slice3A_1681 : vector<1x64xf32> to vector<32x64xf32>
      %mul3A_1683 = arith.mulf %mul3A_1682, %dot_general3A_1669 : vector<32x64xf32>
      %slice3A_1684 = vector.extract_strided_slice %get3A_1 {offsets = [5, 0], sizes = [1, 64], strides = [1, 1]} : vector<16x64xf32> to vector<1x64xf32>
      %mul3A_1685 = arith.mulf %mul3A_1680, %mul3A_1680 : vector<32x64xf32>
      %mul3A_1686 = arith.constant -2.05340793E-8 : f32
      %mul3A_1687 = vector.broadcast %mul3A_1686 : f32 to vector<32x64xf32>
      %mul3A_1688 = arith.mulf %mul3A_1685, %mul3A_1687 : vector<32x64xf32>
      %add3A_1689 = arith.constant 2.70404735E-6 : f32
      %add3A_1690 = vector.broadcast %add3A_1689 : f32 to vector<32x64xf32>
      %add3A_1691 = arith.addf %add3A_1690, %mul3A_1688 : vector<32x64xf32>
      %mul3A_1692 = arith.mulf %mul3A_1685, %add3A_1691 : vector<32x64xf32>
      %add3A_1693 = arith.constant -1.98125723E-4 : f32
      %add3A_1694 = vector.broadcast %add3A_1693 : f32 to vector<32x64xf32>
      %add3A_1695 = arith.addf %add3A_1694, %mul3A_1692 : vector<32x64xf32>
      %mul3A_1696 = arith.mulf %mul3A_1685, %add3A_1695 : vector<32x64xf32>
      %add3A_1697 = arith.constant 0.00833255798 : f32
      %add3A_1698 = vector.broadcast %add3A_1697 : f32 to vector<32x64xf32>
      %add3A_1699 = arith.addf %add3A_1698, %mul3A_1696 : vector<32x64xf32>
      %mul3A_1700 = arith.mulf %mul3A_1685, %add3A_1699 : vector<32x64xf32>
      %add3A_1701 = arith.constant -0.166665778 : f32
      %add3A_1702 = vector.broadcast %add3A_1701 : f32 to vector<32x64xf32>
      %add3A_1703 = arith.addf %add3A_1702, %mul3A_1700 : vector<32x64xf32>
      %mul3A_1704 = arith.mulf %mul3A_1685, %add3A_1703 : vector<32x64xf32>
      %add3A_1705 = arith.constant 0.999999701 : f32
      %add3A_1706 = vector.broadcast %add3A_1705 : f32 to vector<32x64xf32>
      %add3A_1707 = arith.addf %add3A_1706, %mul3A_1704 : vector<32x64xf32>
      %mul3A_1708 = arith.mulf %mul3A_1680, %add3A_1707 : vector<32x64xf32>
      %mul3A_1709 = vector.broadcast %slice3A_1684 : vector<1x64xf32> to vector<32x64xf32>
      %mul3A_1710 = arith.mulf %mul3A_1709, %mul3A_1708 : vector<32x64xf32>
      %add3A_1711 = arith.addf %mul3A_1683, %mul3A_1710 : vector<32x64xf32>
      %slice3A_1712 = vector.extract_strided_slice %get3A_1 {offsets = [6, 0], sizes = [1, 64], strides = [1, 1]} : vector<16x64xf32> to vector<1x64xf32>
      %mul3A_1713 = arith.mulf %mul3A_1680, %mul3A_1680 : vector<32x64xf32>
      %mul3A_1714 = arith.constant -2.21939501E-7 : f32
      %mul3A_1715 = vector.broadcast %mul3A_1714 : f32 to vector<32x64xf32>
      %mul3A_1716 = arith.mulf %mul3A_1713, %mul3A_1715 : vector<32x64xf32>
      %add3A_1717 = arith.constant 2.42531933E-5 : f32
      %add3A_1718 = vector.broadcast %add3A_1717 : f32 to vector<32x64xf32>
      %add3A_1719 = arith.addf %add3A_1718, %mul3A_1716 : vector<32x64xf32>
      %mul3A_1720 = arith.mulf %mul3A_1713, %add3A_1719 : vector<32x64xf32>
      %add3A_1721 = arith.constant -0.0013862747 : f32
      %add3A_1722 = vector.broadcast %add3A_1721 : f32 to vector<32x64xf32>
      %add3A_1723 = arith.addf %add3A_1722, %mul3A_1720 : vector<32x64xf32>
      %mul3A_1724 = arith.mulf %mul3A_1713, %add3A_1723 : vector<32x64xf32>
      %add3A_1725 = arith.constant 0.0416610315 : f32
      %add3A_1726 = vector.broadcast %add3A_1725 : f32 to vector<32x64xf32>
      %add3A_1727 = arith.addf %add3A_1726, %mul3A_1724 : vector<32x64xf32>
      %mul3A_1728 = arith.mulf %mul3A_1713, %add3A_1727 : vector<32x64xf32>
      %add3A_1729 = arith.constant -0.499995589 : f32
      %add3A_1730 = vector.broadcast %add3A_1729 : f32 to vector<32x64xf32>
      %add3A_1731 = arith.addf %add3A_1730, %mul3A_1728 : vector<32x64xf32>
      %mul3A_1732 = arith.mulf %mul3A_1713, %add3A_1731 : vector<32x64xf32>
      %add3A_1733 = arith.constant 0.999999463 : f32
      %add3A_1734 = vector.broadcast %add3A_1733 : f32 to vector<32x64xf32>
      %add3A_1735 = arith.addf %add3A_1734, %mul3A_1732 : vector<32x64xf32>
      %mul3A_1736 = vector.broadcast %slice3A_1712 : vector<1x64xf32> to vector<32x64xf32>
      %mul3A_1737 = arith.mulf %mul3A_1736, %add3A_1735 : vector<32x64xf32>
      %add3A_1738 = arith.addf %add3A_1711, %mul3A_1737 : vector<32x64xf32>
      %slice3A_1739 = vector.extract_strided_slice %get3A_1665 {offsets = [0, 3], sizes = [32, 3], strides = [1, 1]} : vector<32x8xf32> to vector<32x3xf32>
      %slice3A_1740 = vector.extract_strided_slice %get3A_1 {offsets = [8, 0], sizes = [3, 32], strides = [1, 1]} : vector<16x64xf32> to vector<3x32xf32>
      %dot_general3A_1741 = arith.constant dense<0.000000e+00> : vector<32x32xf32>
      %dot_general3A_1742 = tpu.matmul %slice3A_1739, %slice3A_1740, %dot_general3A_1741 {dimension_numbers = #tpu.dot_dimension_numbers<[1], [0], [0], [1], [0, 0, 1, 1], [], []>, precision = #tpu.contract_precision<fp32>, transpose_lhs_hint = false} : vector<32x3xf32>, vector<3x32xf32>, vector<32x32xf32> -> vector<32x32xf32>
      %slice3A_1743 = vector.extract_strided_slice %get3A_1 {offsets = [11, 0], sizes = [1, 32], strides = [1, 1]} : vector<16x64xf32> to vector<1x32xf32>
      %mul3A_1744 = vector.broadcast %slice3A_1743 : vector<1x32xf32> to vector<32x32xf32>
      %mul3A_1745 = arith.mulf %dot_general3A_1742, %mul3A_1744 : vector<32x32xf32>
      %mul3A_1746 = arith.constant 0.159154937 : f32
      %mul3A_1747 = vector.broadcast %mul3A_1746 : f32 to vector<32x32xf32>
      %mul3A_1748 = arith.mulf %mul3A_1745, %mul3A_1747 : vector<32x32xf32>
      %round3A_1749 = math.roundeven %mul3A_1748 : vector<32x32xf32>
      %sub3A_1750 = arith.subf %mul3A_1748, %round3A_1749 : vector<32x32xf32>
      %mul3A_1751 = arith.constant 6.28318548 : f32
      %mul3A_1752 = vector.broadcast %mul3A_1751 : f32 to vector<32x32xf32>
      %mul3A_1753 = arith.mulf %sub3A_1750, %mul3A_1752 : vector<32x32xf32>
      %slice3A_1754 = vector.extract_strided_slice %get3A_1 {offsets = [12, 0], sizes = [1, 32], strides = [1, 1]} : vector<16x64xf32> to vector<1x32xf32>
      %mul3A_1755 = vector.broadcast %slice3A_1754 : vector<1x32xf32> to vector<32x32xf32>
      %mul3A_1756 = arith.mulf %mul3A_1755, %dot_general3A_1742 : vector<32x32xf32>
      %slice3A_1757 = vector.extract_strided_slice %get3A_1 {offsets = [13, 0], sizes = [1, 32], strides = [1, 1]} : vector<16x64xf32> to vector<1x32xf32>
      %mul3A_1758 = arith.mulf %mul3A_1753, %mul3A_1753 : vector<32x32xf32>
      %mul3A_1759 = arith.constant -2.05340793E-8 : f32
      %mul3A_1760 = vector.broadcast %mul3A_1759 : f32 to vector<32x32xf32>
      %mul3A_1761 = arith.mulf %mul3A_1758, %mul3A_1760 : vector<32x32xf32>
      %add3A_1762 = arith.constant 2.70404735E-6 : f32
      %add3A_1763 = vector.broadcast %add3A_1762 : f32 to vector<32x32xf32>
      %add3A_1764 = arith.addf %add3A_1763, %mul3A_1761 : vector<32x32xf32>
      %mul3A_1765 = arith.mulf %mul3A_1758, %add3A_1764 : vector<32x32xf32>
      %add3A_1766 = arith.constant -1.98125723E-4 : f32
      %add3A_1767 = vector.broadcast %add3A_1766 : f32 to vector<32x32xf32>
      %add3A_1768 = arith.addf %add3A_1767, %mul3A_1765 : vector<32x32xf32>
      %mul3A_1769 = arith.mulf %mul3A_1758, %add3A_1768 : vector<32x32xf32>
      %add3A_1770 = arith.constant 0.00833255798 : f32
      %add3A_1771 = vector.broadcast %add3A_1770 : f32 to vector<32x32xf32>
      %add3A_1772 = arith.addf %add3A_1771, %mul3A_1769 : vector<32x32xf32>
      %mul3A_1773 = arith.mulf %mul3A_1758, %add3A_1772 : vector<32x32xf32>
      %add3A_1774 = arith.constant -0.166665778 : f32
      %add3A_1775 = vector.broadcast %add3A_1774 : f32 to vector<32x32xf32>
      %add3A_1776 = arith.addf %add3A_1775, %mul3A_1773 : vector<32x32xf32>
      %mul3A_1777 = arith.mulf %mul3A_1758, %add3A_1776 : vector<32x32xf32>
      %add3A_1778 = arith.constant 0.999999701 : f32
      %add3A_1779 = vector.broadcast %add3A_1778 : f32 to vector<32x32xf32>
      %add3A_1780 = arith.addf %add3A_1779, %mul3A_1777 : vector<32x32xf32>
      %mul3A_1781 = arith.mulf %mul3A_1753, %add3A_1780 : vector<32x32xf32>
      %mul3A_1782 = vector.broadcast %slice3A_1757 : vector<1x32xf32> to vector<32x32xf32>
      %mul3A_1783 = arith.mulf %mul3A_1782, %mul3A_1781 : vector<32x32xf32>
      %add3A_1784 = arith.addf %mul3A_1756, %mul3A_1783 : vector<32x32xf32>
      %slice3A_1785 = vector.extract_strided_slice %get3A_1 {offsets = [14, 0], sizes = [1, 32], strides = [1, 1]} : vector<16x64xf32> to vector<1x32xf32>
      %mul3A_1786 = arith.mulf %mul3A_1753, %mul3A_1753 : vector<32x32xf32>
      %mul3A_1787 = arith.constant -2.21939501E-7 : f32
      %mul3A_1788 = vector.broadcast %mul3A_1787 : f32 to vector<32x32xf32>
      %mul3A_1789 = arith.mulf %mul3A_1786, %mul3A_1788 : vector<32x32xf32>
      %add3A_1790 = arith.constant 2.42531933E-5 : f32
      %add3A_1791 = vector.broadcast %add3A_1790 : f32 to vector<32x32xf32>
      %add3A_1792 = arith.addf %add3A_1791, %mul3A_1789 : vector<32x32xf32>
      %mul3A_1793 = arith.mulf %mul3A_1786, %add3A_1792 : vector<32x32xf32>
      %add3A_1794 = arith.constant -0.0013862747 : f32
      %add3A_1795 = vector.broadcast %add3A_1794 : f32 to vector<32x32xf32>
      %add3A_1796 = arith.addf %add3A_1795, %mul3A_1793 : vector<32x32xf32>
      %mul3A_1797 = arith.mulf %mul3A_1786, %add3A_1796 : vector<32x32xf32>
      %add3A_1798 = arith.constant 0.0416610315 : f32
      %add3A_1799 = vector.broadcast %add3A_1798 : f32 to vector<32x32xf32>
      %add3A_1800 = arith.addf %add3A_1799, %mul3A_1797 : vector<32x32xf32>
      %mul3A_1801 = arith.mulf %mul3A_1786, %add3A_1800 : vector<32x32xf32>
      %add3A_1802 = arith.constant -0.499995589 : f32
      %add3A_1803 = vector.broadcast %add3A_1802 : f32 to vector<32x32xf32>
      %add3A_1804 = arith.addf %add3A_1803, %mul3A_1801 : vector<32x32xf32>
      %mul3A_1805 = arith.mulf %mul3A_1786, %add3A_1804 : vector<32x32xf32>
      %add3A_1806 = arith.constant 0.999999463 : f32
      %add3A_1807 = vector.broadcast %add3A_1806 : f32 to vector<32x32xf32>
      %add3A_1808 = arith.addf %add3A_1807, %mul3A_1805 : vector<32x32xf32>
      %mul3A_1809 = vector.broadcast %slice3A_1785 : vector<1x32xf32> to vector<32x32xf32>
      %mul3A_1810 = arith.mulf %mul3A_1809, %add3A_1808 : vector<32x32xf32>
      %add3A_1811 = arith.addf %add3A_1784, %mul3A_1810 : vector<32x32xf32>
      %get3A_1812 = arith.constant 12 : index
      %get3A_1813 = arith.constant 0 : index
      %get3A_1814 = arith.constant 0 : index
      %get3A_1815 = vector.load %arg4[%get3A_1812, %get3A_1813, %get3A_1814] : memref<16x32x8xf32, #tpu.memory_space<vmem>>, vector<1x32x8xf32>
      %get3A_1816 = vector.shape_cast %get3A_1815 : vector<1x32x8xf32> to vector<32x8xf32>
      %slice3A_1817 = vector.extract_strided_slice %get3A_1816 {offsets = [0, 0], sizes = [32, 3], strides = [1, 1]} : vector<32x8xf32> to vector<32x3xf32>
      %slice3A_1818 = vector.extract_strided_slice %get3A_1 {offsets = [0, 0], sizes = [3, 64], strides = [1, 1]} : vector<16x64xf32> to vector<3x64xf32>
      %dot_general3A_1819 = arith.constant dense<0.000000e+00> : vector<32x64xf32>
      %dot_general3A_1820 = tpu.matmul %slice3A_1817, %slice3A_1818, %dot_general3A_1819 {dimension_numbers = #tpu.dot_dimension_numbers<[1], [0], [0], [1], [0, 0, 1, 1], [], []>, precision = #tpu.contract_precision<fp32>, transpose_lhs_hint = false} : vector<32x3xf32>, vector<3x64xf32>, vector<32x64xf32> -> vector<32x64xf32>
      %slice3A_1821 = vector.extract_strided_slice %get3A_1 {offsets = [3, 0], sizes = [1, 64], strides = [1, 1]} : vector<16x64xf32> to vector<1x64xf32>
      %mul3A_1822 = vector.broadcast %slice3A_1821 : vector<1x64xf32> to vector<32x64xf32>
      %mul3A_1823 = arith.mulf %dot_general3A_1820, %mul3A_1822 : vector<32x64xf32>
      %mul3A_1824 = arith.constant 0.159154937 : f32
      %mul3A_1825 = vector.broadcast %mul3A_1824 : f32 to vector<32x64xf32>
      %mul3A_1826 = arith.mulf %mul3A_1823, %mul3A_1825 : vector<32x64xf32>
      %round3A_1827 = math.roundeven %mul3A_1826 : vector<32x64xf32>
      %sub3A_1828 = arith.subf %mul3A_1826, %round3A_1827 : vector<32x64xf32>
      %mul3A_1829 = arith.constant 6.28318548 : f32
      %mul3A_1830 = vector.broadcast %mul3A_1829 : f32 to vector<32x64xf32>
      %mul3A_1831 = arith.mulf %sub3A_1828, %mul3A_1830 : vector<32x64xf32>
      %slice3A_1832 = vector.extract_strided_slice %get3A_1 {offsets = [4, 0], sizes = [1, 64], strides = [1, 1]} : vector<16x64xf32> to vector<1x64xf32>
      %mul3A_1833 = vector.broadcast %slice3A_1832 : vector<1x64xf32> to vector<32x64xf32>
      %mul3A_1834 = arith.mulf %mul3A_1833, %dot_general3A_1820 : vector<32x64xf32>
      %slice3A_1835 = vector.extract_strided_slice %get3A_1 {offsets = [5, 0], sizes = [1, 64], strides = [1, 1]} : vector<16x64xf32> to vector<1x64xf32>
      %mul3A_1836 = arith.mulf %mul3A_1831, %mul3A_1831 : vector<32x64xf32>
      %mul3A_1837 = arith.constant -2.05340793E-8 : f32
      %mul3A_1838 = vector.broadcast %mul3A_1837 : f32 to vector<32x64xf32>
      %mul3A_1839 = arith.mulf %mul3A_1836, %mul3A_1838 : vector<32x64xf32>
      %add3A_1840 = arith.constant 2.70404735E-6 : f32
      %add3A_1841 = vector.broadcast %add3A_1840 : f32 to vector<32x64xf32>
      %add3A_1842 = arith.addf %add3A_1841, %mul3A_1839 : vector<32x64xf32>
      %mul3A_1843 = arith.mulf %mul3A_1836, %add3A_1842 : vector<32x64xf32>
      %add3A_1844 = arith.constant -1.98125723E-4 : f32
      %add3A_1845 = vector.broadcast %add3A_1844 : f32 to vector<32x64xf32>
      %add3A_1846 = arith.addf %add3A_1845, %mul3A_1843 : vector<32x64xf32>
      %mul3A_1847 = arith.mulf %mul3A_1836, %add3A_1846 : vector<32x64xf32>
      %add3A_1848 = arith.constant 0.00833255798 : f32
      %add3A_1849 = vector.broadcast %add3A_1848 : f32 to vector<32x64xf32>
      %add3A_1850 = arith.addf %add3A_1849, %mul3A_1847 : vector<32x64xf32>
      %mul3A_1851 = arith.mulf %mul3A_1836, %add3A_1850 : vector<32x64xf32>
      %add3A_1852 = arith.constant -0.166665778 : f32
      %add3A_1853 = vector.broadcast %add3A_1852 : f32 to vector<32x64xf32>
      %add3A_1854 = arith.addf %add3A_1853, %mul3A_1851 : vector<32x64xf32>
      %mul3A_1855 = arith.mulf %mul3A_1836, %add3A_1854 : vector<32x64xf32>
      %add3A_1856 = arith.constant 0.999999701 : f32
      %add3A_1857 = vector.broadcast %add3A_1856 : f32 to vector<32x64xf32>
      %add3A_1858 = arith.addf %add3A_1857, %mul3A_1855 : vector<32x64xf32>
      %mul3A_1859 = arith.mulf %mul3A_1831, %add3A_1858 : vector<32x64xf32>
      %mul3A_1860 = vector.broadcast %slice3A_1835 : vector<1x64xf32> to vector<32x64xf32>
      %mul3A_1861 = arith.mulf %mul3A_1860, %mul3A_1859 : vector<32x64xf32>
      %add3A_1862 = arith.addf %mul3A_1834, %mul3A_1861 : vector<32x64xf32>
      %slice3A_1863 = vector.extract_strided_slice %get3A_1 {offsets = [6, 0], sizes = [1, 64], strides = [1, 1]} : vector<16x64xf32> to vector<1x64xf32>
      %mul3A_1864 = arith.mulf %mul3A_1831, %mul3A_1831 : vector<32x64xf32>
      %mul3A_1865 = arith.constant -2.21939501E-7 : f32
      %mul3A_1866 = vector.broadcast %mul3A_1865 : f32 to vector<32x64xf32>
      %mul3A_1867 = arith.mulf %mul3A_1864, %mul3A_1866 : vector<32x64xf32>
      %add3A_1868 = arith.constant 2.42531933E-5 : f32
      %add3A_1869 = vector.broadcast %add3A_1868 : f32 to vector<32x64xf32>
      %add3A_1870 = arith.addf %add3A_1869, %mul3A_1867 : vector<32x64xf32>
      %mul3A_1871 = arith.mulf %mul3A_1864, %add3A_1870 : vector<32x64xf32>
      %add3A_1872 = arith.constant -0.0013862747 : f32
      %add3A_1873 = vector.broadcast %add3A_1872 : f32 to vector<32x64xf32>
      %add3A_1874 = arith.addf %add3A_1873, %mul3A_1871 : vector<32x64xf32>
      %mul3A_1875 = arith.mulf %mul3A_1864, %add3A_1874 : vector<32x64xf32>
      %add3A_1876 = arith.constant 0.0416610315 : f32
      %add3A_1877 = vector.broadcast %add3A_1876 : f32 to vector<32x64xf32>
      %add3A_1878 = arith.addf %add3A_1877, %mul3A_1875 : vector<32x64xf32>
      %mul3A_1879 = arith.mulf %mul3A_1864, %add3A_1878 : vector<32x64xf32>
      %add3A_1880 = arith.constant -0.499995589 : f32
      %add3A_1881 = vector.broadcast %add3A_1880 : f32 to vector<32x64xf32>
      %add3A_1882 = arith.addf %add3A_1881, %mul3A_1879 : vector<32x64xf32>
      %mul3A_1883 = arith.mulf %mul3A_1864, %add3A_1882 : vector<32x64xf32>
      %add3A_1884 = arith.constant 0.999999463 : f32
      %add3A_1885 = vector.broadcast %add3A_1884 : f32 to vector<32x64xf32>
      %add3A_1886 = arith.addf %add3A_1885, %mul3A_1883 : vector<32x64xf32>
      %mul3A_1887 = vector.broadcast %slice3A_1863 : vector<1x64xf32> to vector<32x64xf32>
      %mul3A_1888 = arith.mulf %mul3A_1887, %add3A_1886 : vector<32x64xf32>
      %add3A_1889 = arith.addf %add3A_1862, %mul3A_1888 : vector<32x64xf32>
      %slice3A_1890 = vector.extract_strided_slice %get3A_1816 {offsets = [0, 3], sizes = [32, 3], strides = [1, 1]} : vector<32x8xf32> to vector<32x3xf32>
      %slice3A_1891 = vector.extract_strided_slice %get3A_1 {offsets = [8, 0], sizes = [3, 32], strides = [1, 1]} : vector<16x64xf32> to vector<3x32xf32>
      %dot_general3A_1892 = arith.constant dense<0.000000e+00> : vector<32x32xf32>
      %dot_general3A_1893 = tpu.matmul %slice3A_1890, %slice3A_1891, %dot_general3A_1892 {dimension_numbers = #tpu.dot_dimension_numbers<[1], [0], [0], [1], [0, 0, 1, 1], [], []>, precision = #tpu.contract_precision<fp32>, transpose_lhs_hint = false} : vector<32x3xf32>, vector<3x32xf32>, vector<32x32xf32> -> vector<32x32xf32>
      %slice3A_1894 = vector.extract_strided_slice %get3A_1 {offsets = [11, 0], sizes = [1, 32], strides = [1, 1]} : vector<16x64xf32> to vector<1x32xf32>
      %mul3A_1895 = vector.broadcast %slice3A_1894 : vector<1x32xf32> to vector<32x32xf32>
      %mul3A_1896 = arith.mulf %dot_general3A_1893, %mul3A_1895 : vector<32x32xf32>
      %mul3A_1897 = arith.constant 0.159154937 : f32
      %mul3A_1898 = vector.broadcast %mul3A_1897 : f32 to vector<32x32xf32>
      %mul3A_1899 = arith.mulf %mul3A_1896, %mul3A_1898 : vector<32x32xf32>
      %round3A_1900 = math.roundeven %mul3A_1899 : vector<32x32xf32>
      %sub3A_1901 = arith.subf %mul3A_1899, %round3A_1900 : vector<32x32xf32>
      %mul3A_1902 = arith.constant 6.28318548 : f32
      %mul3A_1903 = vector.broadcast %mul3A_1902 : f32 to vector<32x32xf32>
      %mul3A_1904 = arith.mulf %sub3A_1901, %mul3A_1903 : vector<32x32xf32>
      %slice3A_1905 = vector.extract_strided_slice %get3A_1 {offsets = [12, 0], sizes = [1, 32], strides = [1, 1]} : vector<16x64xf32> to vector<1x32xf32>
      %mul3A_1906 = vector.broadcast %slice3A_1905 : vector<1x32xf32> to vector<32x32xf32>
      %mul3A_1907 = arith.mulf %mul3A_1906, %dot_general3A_1893 : vector<32x32xf32>
      %slice3A_1908 = vector.extract_strided_slice %get3A_1 {offsets = [13, 0], sizes = [1, 32], strides = [1, 1]} : vector<16x64xf32> to vector<1x32xf32>
      %mul3A_1909 = arith.mulf %mul3A_1904, %mul3A_1904 : vector<32x32xf32>
      %mul3A_1910 = arith.constant -2.05340793E-8 : f32
      %mul3A_1911 = vector.broadcast %mul3A_1910 : f32 to vector<32x32xf32>
      %mul3A_1912 = arith.mulf %mul3A_1909, %mul3A_1911 : vector<32x32xf32>
      %add3A_1913 = arith.constant 2.70404735E-6 : f32
      %add3A_1914 = vector.broadcast %add3A_1913 : f32 to vector<32x32xf32>
      %add3A_1915 = arith.addf %add3A_1914, %mul3A_1912 : vector<32x32xf32>
      %mul3A_1916 = arith.mulf %mul3A_1909, %add3A_1915 : vector<32x32xf32>
      %add3A_1917 = arith.constant -1.98125723E-4 : f32
      %add3A_1918 = vector.broadcast %add3A_1917 : f32 to vector<32x32xf32>
      %add3A_1919 = arith.addf %add3A_1918, %mul3A_1916 : vector<32x32xf32>
      %mul3A_1920 = arith.mulf %mul3A_1909, %add3A_1919 : vector<32x32xf32>
      %add3A_1921 = arith.constant 0.00833255798 : f32
      %add3A_1922 = vector.broadcast %add3A_1921 : f32 to vector<32x32xf32>
      %add3A_1923 = arith.addf %add3A_1922, %mul3A_1920 : vector<32x32xf32>
      %mul3A_1924 = arith.mulf %mul3A_1909, %add3A_1923 : vector<32x32xf32>
      %add3A_1925 = arith.constant -0.166665778 : f32
      %add3A_1926 = vector.broadcast %add3A_1925 : f32 to vector<32x32xf32>
      %add3A_1927 = arith.addf %add3A_1926, %mul3A_1924 : vector<32x32xf32>
      %mul3A_1928 = arith.mulf %mul3A_1909, %add3A_1927 : vector<32x32xf32>
      %add3A_1929 = arith.constant 0.999999701 : f32
      %add3A_1930 = vector.broadcast %add3A_1929 : f32 to vector<32x32xf32>
      %add3A_1931 = arith.addf %add3A_1930, %mul3A_1928 : vector<32x32xf32>
      %mul3A_1932 = arith.mulf %mul3A_1904, %add3A_1931 : vector<32x32xf32>
      %mul3A_1933 = vector.broadcast %slice3A_1908 : vector<1x32xf32> to vector<32x32xf32>
      %mul3A_1934 = arith.mulf %mul3A_1933, %mul3A_1932 : vector<32x32xf32>
      %add3A_1935 = arith.addf %mul3A_1907, %mul3A_1934 : vector<32x32xf32>
      %slice3A_1936 = vector.extract_strided_slice %get3A_1 {offsets = [14, 0], sizes = [1, 32], strides = [1, 1]} : vector<16x64xf32> to vector<1x32xf32>
      %mul3A_1937 = arith.mulf %mul3A_1904, %mul3A_1904 : vector<32x32xf32>
      %mul3A_1938 = arith.constant -2.21939501E-7 : f32
      %mul3A_1939 = vector.broadcast %mul3A_1938 : f32 to vector<32x32xf32>
      %mul3A_1940 = arith.mulf %mul3A_1937, %mul3A_1939 : vector<32x32xf32>
      %add3A_1941 = arith.constant 2.42531933E-5 : f32
      %add3A_1942 = vector.broadcast %add3A_1941 : f32 to vector<32x32xf32>
      %add3A_1943 = arith.addf %add3A_1942, %mul3A_1940 : vector<32x32xf32>
      %mul3A_1944 = arith.mulf %mul3A_1937, %add3A_1943 : vector<32x32xf32>
      %add3A_1945 = arith.constant -0.0013862747 : f32
      %add3A_1946 = vector.broadcast %add3A_1945 : f32 to vector<32x32xf32>
      %add3A_1947 = arith.addf %add3A_1946, %mul3A_1944 : vector<32x32xf32>
      %mul3A_1948 = arith.mulf %mul3A_1937, %add3A_1947 : vector<32x32xf32>
      %add3A_1949 = arith.constant 0.0416610315 : f32
      %add3A_1950 = vector.broadcast %add3A_1949 : f32 to vector<32x32xf32>
      %add3A_1951 = arith.addf %add3A_1950, %mul3A_1948 : vector<32x32xf32>
      %mul3A_1952 = arith.mulf %mul3A_1937, %add3A_1951 : vector<32x32xf32>
      %add3A_1953 = arith.constant -0.499995589 : f32
      %add3A_1954 = vector.broadcast %add3A_1953 : f32 to vector<32x32xf32>
      %add3A_1955 = arith.addf %add3A_1954, %mul3A_1952 : vector<32x32xf32>
      %mul3A_1956 = arith.mulf %mul3A_1937, %add3A_1955 : vector<32x32xf32>
      %add3A_1957 = arith.constant 0.999999463 : f32
      %add3A_1958 = vector.broadcast %add3A_1957 : f32 to vector<32x32xf32>
      %add3A_1959 = arith.addf %add3A_1958, %mul3A_1956 : vector<32x32xf32>
      %mul3A_1960 = vector.broadcast %slice3A_1936 : vector<1x32xf32> to vector<32x32xf32>
      %mul3A_1961 = arith.mulf %mul3A_1960, %add3A_1959 : vector<32x32xf32>
      %add3A_1962 = arith.addf %add3A_1935, %mul3A_1961 : vector<32x32xf32>
      %get3A_1963 = arith.constant 13 : index
      %get3A_1964 = arith.constant 0 : index
      %get3A_1965 = arith.constant 0 : index
      %get3A_1966 = vector.load %arg4[%get3A_1963, %get3A_1964, %get3A_1965] : memref<16x32x8xf32, #tpu.memory_space<vmem>>, vector<1x32x8xf32>
      %get3A_1967 = vector.shape_cast %get3A_1966 : vector<1x32x8xf32> to vector<32x8xf32>
      %slice3A_1968 = vector.extract_strided_slice %get3A_1967 {offsets = [0, 0], sizes = [32, 3], strides = [1, 1]} : vector<32x8xf32> to vector<32x3xf32>
      %slice3A_1969 = vector.extract_strided_slice %get3A_1 {offsets = [0, 0], sizes = [3, 64], strides = [1, 1]} : vector<16x64xf32> to vector<3x64xf32>
      %dot_general3A_1970 = arith.constant dense<0.000000e+00> : vector<32x64xf32>
      %dot_general3A_1971 = tpu.matmul %slice3A_1968, %slice3A_1969, %dot_general3A_1970 {dimension_numbers = #tpu.dot_dimension_numbers<[1], [0], [0], [1], [0, 0, 1, 1], [], []>, precision = #tpu.contract_precision<fp32>, transpose_lhs_hint = false} : vector<32x3xf32>, vector<3x64xf32>, vector<32x64xf32> -> vector<32x64xf32>
      %slice3A_1972 = vector.extract_strided_slice %get3A_1 {offsets = [3, 0], sizes = [1, 64], strides = [1, 1]} : vector<16x64xf32> to vector<1x64xf32>
      %mul3A_1973 = vector.broadcast %slice3A_1972 : vector<1x64xf32> to vector<32x64xf32>
      %mul3A_1974 = arith.mulf %dot_general3A_1971, %mul3A_1973 : vector<32x64xf32>
      %mul3A_1975 = arith.constant 0.159154937 : f32
      %mul3A_1976 = vector.broadcast %mul3A_1975 : f32 to vector<32x64xf32>
      %mul3A_1977 = arith.mulf %mul3A_1974, %mul3A_1976 : vector<32x64xf32>
      %round3A_1978 = math.roundeven %mul3A_1977 : vector<32x64xf32>
      %sub3A_1979 = arith.subf %mul3A_1977, %round3A_1978 : vector<32x64xf32>
      %mul3A_1980 = arith.constant 6.28318548 : f32
      %mul3A_1981 = vector.broadcast %mul3A_1980 : f32 to vector<32x64xf32>
      %mul3A_1982 = arith.mulf %sub3A_1979, %mul3A_1981 : vector<32x64xf32>
      %slice3A_1983 = vector.extract_strided_slice %get3A_1 {offsets = [4, 0], sizes = [1, 64], strides = [1, 1]} : vector<16x64xf32> to vector<1x64xf32>
      %mul3A_1984 = vector.broadcast %slice3A_1983 : vector<1x64xf32> to vector<32x64xf32>
      %mul3A_1985 = arith.mulf %mul3A_1984, %dot_general3A_1971 : vector<32x64xf32>
      %slice3A_1986 = vector.extract_strided_slice %get3A_1 {offsets = [5, 0], sizes = [1, 64], strides = [1, 1]} : vector<16x64xf32> to vector<1x64xf32>
      %mul3A_1987 = arith.mulf %mul3A_1982, %mul3A_1982 : vector<32x64xf32>
      %mul3A_1988 = arith.constant -2.05340793E-8 : f32
      %mul3A_1989 = vector.broadcast %mul3A_1988 : f32 to vector<32x64xf32>
      %mul3A_1990 = arith.mulf %mul3A_1987, %mul3A_1989 : vector<32x64xf32>
      %add3A_1991 = arith.constant 2.70404735E-6 : f32
      %add3A_1992 = vector.broadcast %add3A_1991 : f32 to vector<32x64xf32>
      %add3A_1993 = arith.addf %add3A_1992, %mul3A_1990 : vector<32x64xf32>
      %mul3A_1994 = arith.mulf %mul3A_1987, %add3A_1993 : vector<32x64xf32>
      %add3A_1995 = arith.constant -1.98125723E-4 : f32
      %add3A_1996 = vector.broadcast %add3A_1995 : f32 to vector<32x64xf32>
      %add3A_1997 = arith.addf %add3A_1996, %mul3A_1994 : vector<32x64xf32>
      %mul3A_1998 = arith.mulf %mul3A_1987, %add3A_1997 : vector<32x64xf32>
      %add3A_1999 = arith.constant 0.00833255798 : f32
      %add3A_2000 = vector.broadcast %add3A_1999 : f32 to vector<32x64xf32>
      %add3A_2001 = arith.addf %add3A_2000, %mul3A_1998 : vector<32x64xf32>
      %mul3A_2002 = arith.mulf %mul3A_1987, %add3A_2001 : vector<32x64xf32>
      %add3A_2003 = arith.constant -0.166665778 : f32
      %add3A_2004 = vector.broadcast %add3A_2003 : f32 to vector<32x64xf32>
      %add3A_2005 = arith.addf %add3A_2004, %mul3A_2002 : vector<32x64xf32>
      %mul3A_2006 = arith.mulf %mul3A_1987, %add3A_2005 : vector<32x64xf32>
      %add3A_2007 = arith.constant 0.999999701 : f32
      %add3A_2008 = vector.broadcast %add3A_2007 : f32 to vector<32x64xf32>
      %add3A_2009 = arith.addf %add3A_2008, %mul3A_2006 : vector<32x64xf32>
      %mul3A_2010 = arith.mulf %mul3A_1982, %add3A_2009 : vector<32x64xf32>
      %mul3A_2011 = vector.broadcast %slice3A_1986 : vector<1x64xf32> to vector<32x64xf32>
      %mul3A_2012 = arith.mulf %mul3A_2011, %mul3A_2010 : vector<32x64xf32>
      %add3A_2013 = arith.addf %mul3A_1985, %mul3A_2012 : vector<32x64xf32>
      %slice3A_2014 = vector.extract_strided_slice %get3A_1 {offsets = [6, 0], sizes = [1, 64], strides = [1, 1]} : vector<16x64xf32> to vector<1x64xf32>
      %mul3A_2015 = arith.mulf %mul3A_1982, %mul3A_1982 : vector<32x64xf32>
      %mul3A_2016 = arith.constant -2.21939501E-7 : f32
      %mul3A_2017 = vector.broadcast %mul3A_2016 : f32 to vector<32x64xf32>
      %mul3A_2018 = arith.mulf %mul3A_2015, %mul3A_2017 : vector<32x64xf32>
      %add3A_2019 = arith.constant 2.42531933E-5 : f32
      %add3A_2020 = vector.broadcast %add3A_2019 : f32 to vector<32x64xf32>
      %add3A_2021 = arith.addf %add3A_2020, %mul3A_2018 : vector<32x64xf32>
      %mul3A_2022 = arith.mulf %mul3A_2015, %add3A_2021 : vector<32x64xf32>
      %add3A_2023 = arith.constant -0.0013862747 : f32
      %add3A_2024 = vector.broadcast %add3A_2023 : f32 to vector<32x64xf32>
      %add3A_2025 = arith.addf %add3A_2024, %mul3A_2022 : vector<32x64xf32>
      %mul3A_2026 = arith.mulf %mul3A_2015, %add3A_2025 : vector<32x64xf32>
      %add3A_2027 = arith.constant 0.0416610315 : f32
      %add3A_2028 = vector.broadcast %add3A_2027 : f32 to vector<32x64xf32>
      %add3A_2029 = arith.addf %add3A_2028, %mul3A_2026 : vector<32x64xf32>
      %mul3A_2030 = arith.mulf %mul3A_2015, %add3A_2029 : vector<32x64xf32>
      %add3A_2031 = arith.constant -0.499995589 : f32
      %add3A_2032 = vector.broadcast %add3A_2031 : f32 to vector<32x64xf32>
      %add3A_2033 = arith.addf %add3A_2032, %mul3A_2030 : vector<32x64xf32>
      %mul3A_2034 = arith.mulf %mul3A_2015, %add3A_2033 : vector<32x64xf32>
      %add3A_2035 = arith.constant 0.999999463 : f32
      %add3A_2036 = vector.broadcast %add3A_2035 : f32 to vector<32x64xf32>
      %add3A_2037 = arith.addf %add3A_2036, %mul3A_2034 : vector<32x64xf32>
      %mul3A_2038 = vector.broadcast %slice3A_2014 : vector<1x64xf32> to vector<32x64xf32>
      %mul3A_2039 = arith.mulf %mul3A_2038, %add3A_2037 : vector<32x64xf32>
      %add3A_2040 = arith.addf %add3A_2013, %mul3A_2039 : vector<32x64xf32>
      %slice3A_2041 = vector.extract_strided_slice %get3A_1967 {offsets = [0, 3], sizes = [32, 3], strides = [1, 1]} : vector<32x8xf32> to vector<32x3xf32>
      %slice3A_2042 = vector.extract_strided_slice %get3A_1 {offsets = [8, 0], sizes = [3, 32], strides = [1, 1]} : vector<16x64xf32> to vector<3x32xf32>
      %dot_general3A_2043 = arith.constant dense<0.000000e+00> : vector<32x32xf32>
      %dot_general3A_2044 = tpu.matmul %slice3A_2041, %slice3A_2042, %dot_general3A_2043 {dimension_numbers = #tpu.dot_dimension_numbers<[1], [0], [0], [1], [0, 0, 1, 1], [], []>, precision = #tpu.contract_precision<fp32>, transpose_lhs_hint = false} : vector<32x3xf32>, vector<3x32xf32>, vector<32x32xf32> -> vector<32x32xf32>
      %slice3A_2045 = vector.extract_strided_slice %get3A_1 {offsets = [11, 0], sizes = [1, 32], strides = [1, 1]} : vector<16x64xf32> to vector<1x32xf32>
      %mul3A_2046 = vector.broadcast %slice3A_2045 : vector<1x32xf32> to vector<32x32xf32>
      %mul3A_2047 = arith.mulf %dot_general3A_2044, %mul3A_2046 : vector<32x32xf32>
      %mul3A_2048 = arith.constant 0.159154937 : f32
      %mul3A_2049 = vector.broadcast %mul3A_2048 : f32 to vector<32x32xf32>
      %mul3A_2050 = arith.mulf %mul3A_2047, %mul3A_2049 : vector<32x32xf32>
      %round3A_2051 = math.roundeven %mul3A_2050 : vector<32x32xf32>
      %sub3A_2052 = arith.subf %mul3A_2050, %round3A_2051 : vector<32x32xf32>
      %mul3A_2053 = arith.constant 6.28318548 : f32
      %mul3A_2054 = vector.broadcast %mul3A_2053 : f32 to vector<32x32xf32>
      %mul3A_2055 = arith.mulf %sub3A_2052, %mul3A_2054 : vector<32x32xf32>
      %slice3A_2056 = vector.extract_strided_slice %get3A_1 {offsets = [12, 0], sizes = [1, 32], strides = [1, 1]} : vector<16x64xf32> to vector<1x32xf32>
      %mul3A_2057 = vector.broadcast %slice3A_2056 : vector<1x32xf32> to vector<32x32xf32>
      %mul3A_2058 = arith.mulf %mul3A_2057, %dot_general3A_2044 : vector<32x32xf32>
      %slice3A_2059 = vector.extract_strided_slice %get3A_1 {offsets = [13, 0], sizes = [1, 32], strides = [1, 1]} : vector<16x64xf32> to vector<1x32xf32>
      %mul3A_2060 = arith.mulf %mul3A_2055, %mul3A_2055 : vector<32x32xf32>
      %mul3A_2061 = arith.constant -2.05340793E-8 : f32
      %mul3A_2062 = vector.broadcast %mul3A_2061 : f32 to vector<32x32xf32>
      %mul3A_2063 = arith.mulf %mul3A_2060, %mul3A_2062 : vector<32x32xf32>
      %add3A_2064 = arith.constant 2.70404735E-6 : f32
      %add3A_2065 = vector.broadcast %add3A_2064 : f32 to vector<32x32xf32>
      %add3A_2066 = arith.addf %add3A_2065, %mul3A_2063 : vector<32x32xf32>
      %mul3A_2067 = arith.mulf %mul3A_2060, %add3A_2066 : vector<32x32xf32>
      %add3A_2068 = arith.constant -1.98125723E-4 : f32
      %add3A_2069 = vector.broadcast %add3A_2068 : f32 to vector<32x32xf32>
      %add3A_2070 = arith.addf %add3A_2069, %mul3A_2067 : vector<32x32xf32>
      %mul3A_2071 = arith.mulf %mul3A_2060, %add3A_2070 : vector<32x32xf32>
      %add3A_2072 = arith.constant 0.00833255798 : f32
      %add3A_2073 = vector.broadcast %add3A_2072 : f32 to vector<32x32xf32>
      %add3A_2074 = arith.addf %add3A_2073, %mul3A_2071 : vector<32x32xf32>
      %mul3A_2075 = arith.mulf %mul3A_2060, %add3A_2074 : vector<32x32xf32>
      %add3A_2076 = arith.constant -0.166665778 : f32
      %add3A_2077 = vector.broadcast %add3A_2076 : f32 to vector<32x32xf32>
      %add3A_2078 = arith.addf %add3A_2077, %mul3A_2075 : vector<32x32xf32>
      %mul3A_2079 = arith.mulf %mul3A_2060, %add3A_2078 : vector<32x32xf32>
      %add3A_2080 = arith.constant 0.999999701 : f32
      %add3A_2081 = vector.broadcast %add3A_2080 : f32 to vector<32x32xf32>
      %add3A_2082 = arith.addf %add3A_2081, %mul3A_2079 : vector<32x32xf32>
      %mul3A_2083 = arith.mulf %mul3A_2055, %add3A_2082 : vector<32x32xf32>
      %mul3A_2084 = vector.broadcast %slice3A_2059 : vector<1x32xf32> to vector<32x32xf32>
      %mul3A_2085 = arith.mulf %mul3A_2084, %mul3A_2083 : vector<32x32xf32>
      %add3A_2086 = arith.addf %mul3A_2058, %mul3A_2085 : vector<32x32xf32>
      %slice3A_2087 = vector.extract_strided_slice %get3A_1 {offsets = [14, 0], sizes = [1, 32], strides = [1, 1]} : vector<16x64xf32> to vector<1x32xf32>
      %mul3A_2088 = arith.mulf %mul3A_2055, %mul3A_2055 : vector<32x32xf32>
      %mul3A_2089 = arith.constant -2.21939501E-7 : f32
      %mul3A_2090 = vector.broadcast %mul3A_2089 : f32 to vector<32x32xf32>
      %mul3A_2091 = arith.mulf %mul3A_2088, %mul3A_2090 : vector<32x32xf32>
      %add3A_2092 = arith.constant 2.42531933E-5 : f32
      %add3A_2093 = vector.broadcast %add3A_2092 : f32 to vector<32x32xf32>
      %add3A_2094 = arith.addf %add3A_2093, %mul3A_2091 : vector<32x32xf32>
      %mul3A_2095 = arith.mulf %mul3A_2088, %add3A_2094 : vector<32x32xf32>
      %add3A_2096 = arith.constant -0.0013862747 : f32
      %add3A_2097 = vector.broadcast %add3A_2096 : f32 to vector<32x32xf32>
      %add3A_2098 = arith.addf %add3A_2097, %mul3A_2095 : vector<32x32xf32>
      %mul3A_2099 = arith.mulf %mul3A_2088, %add3A_2098 : vector<32x32xf32>
      %add3A_2100 = arith.constant 0.0416610315 : f32
      %add3A_2101 = vector.broadcast %add3A_2100 : f32 to vector<32x32xf32>
      %add3A_2102 = arith.addf %add3A_2101, %mul3A_2099 : vector<32x32xf32>
      %mul3A_2103 = arith.mulf %mul3A_2088, %add3A_2102 : vector<32x32xf32>
      %add3A_2104 = arith.constant -0.499995589 : f32
      %add3A_2105 = vector.broadcast %add3A_2104 : f32 to vector<32x32xf32>
      %add3A_2106 = arith.addf %add3A_2105, %mul3A_2103 : vector<32x32xf32>
      %mul3A_2107 = arith.mulf %mul3A_2088, %add3A_2106 : vector<32x32xf32>
      %add3A_2108 = arith.constant 0.999999463 : f32
      %add3A_2109 = vector.broadcast %add3A_2108 : f32 to vector<32x32xf32>
      %add3A_2110 = arith.addf %add3A_2109, %mul3A_2107 : vector<32x32xf32>
      %mul3A_2111 = vector.broadcast %slice3A_2087 : vector<1x32xf32> to vector<32x32xf32>
      %mul3A_2112 = arith.mulf %mul3A_2111, %add3A_2110 : vector<32x32xf32>
      %add3A_2113 = arith.addf %add3A_2086, %mul3A_2112 : vector<32x32xf32>
      %get3A_2114 = arith.constant 14 : index
      %get3A_2115 = arith.constant 0 : index
      %get3A_2116 = arith.constant 0 : index
      %get3A_2117 = vector.load %arg4[%get3A_2114, %get3A_2115, %get3A_2116] : memref<16x32x8xf32, #tpu.memory_space<vmem>>, vector<1x32x8xf32>
      %get3A_2118 = vector.shape_cast %get3A_2117 : vector<1x32x8xf32> to vector<32x8xf32>
      %slice3A_2119 = vector.extract_strided_slice %get3A_2118 {offsets = [0, 0], sizes = [32, 3], strides = [1, 1]} : vector<32x8xf32> to vector<32x3xf32>
      %slice3A_2120 = vector.extract_strided_slice %get3A_1 {offsets = [0, 0], sizes = [3, 64], strides = [1, 1]} : vector<16x64xf32> to vector<3x64xf32>
      %dot_general3A_2121 = arith.constant dense<0.000000e+00> : vector<32x64xf32>
      %dot_general3A_2122 = tpu.matmul %slice3A_2119, %slice3A_2120, %dot_general3A_2121 {dimension_numbers = #tpu.dot_dimension_numbers<[1], [0], [0], [1], [0, 0, 1, 1], [], []>, precision = #tpu.contract_precision<fp32>, transpose_lhs_hint = false} : vector<32x3xf32>, vector<3x64xf32>, vector<32x64xf32> -> vector<32x64xf32>
      %slice3A_2123 = vector.extract_strided_slice %get3A_1 {offsets = [3, 0], sizes = [1, 64], strides = [1, 1]} : vector<16x64xf32> to vector<1x64xf32>
      %mul3A_2124 = vector.broadcast %slice3A_2123 : vector<1x64xf32> to vector<32x64xf32>
      %mul3A_2125 = arith.mulf %dot_general3A_2122, %mul3A_2124 : vector<32x64xf32>
      %mul3A_2126 = arith.constant 0.159154937 : f32
      %mul3A_2127 = vector.broadcast %mul3A_2126 : f32 to vector<32x64xf32>
      %mul3A_2128 = arith.mulf %mul3A_2125, %mul3A_2127 : vector<32x64xf32>
      %round3A_2129 = math.roundeven %mul3A_2128 : vector<32x64xf32>
      %sub3A_2130 = arith.subf %mul3A_2128, %round3A_2129 : vector<32x64xf32>
      %mul3A_2131 = arith.constant 6.28318548 : f32
      %mul3A_2132 = vector.broadcast %mul3A_2131 : f32 to vector<32x64xf32>
      %mul3A_2133 = arith.mulf %sub3A_2130, %mul3A_2132 : vector<32x64xf32>
      %slice3A_2134 = vector.extract_strided_slice %get3A_1 {offsets = [4, 0], sizes = [1, 64], strides = [1, 1]} : vector<16x64xf32> to vector<1x64xf32>
      %mul3A_2135 = vector.broadcast %slice3A_2134 : vector<1x64xf32> to vector<32x64xf32>
      %mul3A_2136 = arith.mulf %mul3A_2135, %dot_general3A_2122 : vector<32x64xf32>
      %slice3A_2137 = vector.extract_strided_slice %get3A_1 {offsets = [5, 0], sizes = [1, 64], strides = [1, 1]} : vector<16x64xf32> to vector<1x64xf32>
      %mul3A_2138 = arith.mulf %mul3A_2133, %mul3A_2133 : vector<32x64xf32>
      %mul3A_2139 = arith.constant -2.05340793E-8 : f32
      %mul3A_2140 = vector.broadcast %mul3A_2139 : f32 to vector<32x64xf32>
      %mul3A_2141 = arith.mulf %mul3A_2138, %mul3A_2140 : vector<32x64xf32>
      %add3A_2142 = arith.constant 2.70404735E-6 : f32
      %add3A_2143 = vector.broadcast %add3A_2142 : f32 to vector<32x64xf32>
      %add3A_2144 = arith.addf %add3A_2143, %mul3A_2141 : vector<32x64xf32>
      %mul3A_2145 = arith.mulf %mul3A_2138, %add3A_2144 : vector<32x64xf32>
      %add3A_2146 = arith.constant -1.98125723E-4 : f32
      %add3A_2147 = vector.broadcast %add3A_2146 : f32 to vector<32x64xf32>
      %add3A_2148 = arith.addf %add3A_2147, %mul3A_2145 : vector<32x64xf32>
      %mul3A_2149 = arith.mulf %mul3A_2138, %add3A_2148 : vector<32x64xf32>
      %add3A_2150 = arith.constant 0.00833255798 : f32
      %add3A_2151 = vector.broadcast %add3A_2150 : f32 to vector<32x64xf32>
      %add3A_2152 = arith.addf %add3A_2151, %mul3A_2149 : vector<32x64xf32>
      %mul3A_2153 = arith.mulf %mul3A_2138, %add3A_2152 : vector<32x64xf32>
      %add3A_2154 = arith.constant -0.166665778 : f32
      %add3A_2155 = vector.broadcast %add3A_2154 : f32 to vector<32x64xf32>
      %add3A_2156 = arith.addf %add3A_2155, %mul3A_2153 : vector<32x64xf32>
      %mul3A_2157 = arith.mulf %mul3A_2138, %add3A_2156 : vector<32x64xf32>
      %add3A_2158 = arith.constant 0.999999701 : f32
      %add3A_2159 = vector.broadcast %add3A_2158 : f32 to vector<32x64xf32>
      %add3A_2160 = arith.addf %add3A_2159, %mul3A_2157 : vector<32x64xf32>
      %mul3A_2161 = arith.mulf %mul3A_2133, %add3A_2160 : vector<32x64xf32>
      %mul3A_2162 = vector.broadcast %slice3A_2137 : vector<1x64xf32> to vector<32x64xf32>
      %mul3A_2163 = arith.mulf %mul3A_2162, %mul3A_2161 : vector<32x64xf32>
      %add3A_2164 = arith.addf %mul3A_2136, %mul3A_2163 : vector<32x64xf32>
      %slice3A_2165 = vector.extract_strided_slice %get3A_1 {offsets = [6, 0], sizes = [1, 64], strides = [1, 1]} : vector<16x64xf32> to vector<1x64xf32>
      %mul3A_2166 = arith.mulf %mul3A_2133, %mul3A_2133 : vector<32x64xf32>
      %mul3A_2167 = arith.constant -2.21939501E-7 : f32
      %mul3A_2168 = vector.broadcast %mul3A_2167 : f32 to vector<32x64xf32>
      %mul3A_2169 = arith.mulf %mul3A_2166, %mul3A_2168 : vector<32x64xf32>
      %add3A_2170 = arith.constant 2.42531933E-5 : f32
      %add3A_2171 = vector.broadcast %add3A_2170 : f32 to vector<32x64xf32>
      %add3A_2172 = arith.addf %add3A_2171, %mul3A_2169 : vector<32x64xf32>
      %mul3A_2173 = arith.mulf %mul3A_2166, %add3A_2172 : vector<32x64xf32>
      %add3A_2174 = arith.constant -0.0013862747 : f32
      %add3A_2175 = vector.broadcast %add3A_2174 : f32 to vector<32x64xf32>
      %add3A_2176 = arith.addf %add3A_2175, %mul3A_2173 : vector<32x64xf32>
      %mul3A_2177 = arith.mulf %mul3A_2166, %add3A_2176 : vector<32x64xf32>
      %add3A_2178 = arith.constant 0.0416610315 : f32
      %add3A_2179 = vector.broadcast %add3A_2178 : f32 to vector<32x64xf32>
      %add3A_2180 = arith.addf %add3A_2179, %mul3A_2177 : vector<32x64xf32>
      %mul3A_2181 = arith.mulf %mul3A_2166, %add3A_2180 : vector<32x64xf32>
      %add3A_2182 = arith.constant -0.499995589 : f32
      %add3A_2183 = vector.broadcast %add3A_2182 : f32 to vector<32x64xf32>
      %add3A_2184 = arith.addf %add3A_2183, %mul3A_2181 : vector<32x64xf32>
      %mul3A_2185 = arith.mulf %mul3A_2166, %add3A_2184 : vector<32x64xf32>
      %add3A_2186 = arith.constant 0.999999463 : f32
      %add3A_2187 = vector.broadcast %add3A_2186 : f32 to vector<32x64xf32>
      %add3A_2188 = arith.addf %add3A_2187, %mul3A_2185 : vector<32x64xf32>
      %mul3A_2189 = vector.broadcast %slice3A_2165 : vector<1x64xf32> to vector<32x64xf32>
      %mul3A_2190 = arith.mulf %mul3A_2189, %add3A_2188 : vector<32x64xf32>
      %add3A_2191 = arith.addf %add3A_2164, %mul3A_2190 : vector<32x64xf32>
      %slice3A_2192 = vector.extract_strided_slice %get3A_2118 {offsets = [0, 3], sizes = [32, 3], strides = [1, 1]} : vector<32x8xf32> to vector<32x3xf32>
      %slice3A_2193 = vector.extract_strided_slice %get3A_1 {offsets = [8, 0], sizes = [3, 32], strides = [1, 1]} : vector<16x64xf32> to vector<3x32xf32>
      %dot_general3A_2194 = arith.constant dense<0.000000e+00> : vector<32x32xf32>
      %dot_general3A_2195 = tpu.matmul %slice3A_2192, %slice3A_2193, %dot_general3A_2194 {dimension_numbers = #tpu.dot_dimension_numbers<[1], [0], [0], [1], [0, 0, 1, 1], [], []>, precision = #tpu.contract_precision<fp32>, transpose_lhs_hint = false} : vector<32x3xf32>, vector<3x32xf32>, vector<32x32xf32> -> vector<32x32xf32>
      %slice3A_2196 = vector.extract_strided_slice %get3A_1 {offsets = [11, 0], sizes = [1, 32], strides = [1, 1]} : vector<16x64xf32> to vector<1x32xf32>
      %mul3A_2197 = vector.broadcast %slice3A_2196 : vector<1x32xf32> to vector<32x32xf32>
      %mul3A_2198 = arith.mulf %dot_general3A_2195, %mul3A_2197 : vector<32x32xf32>
      %mul3A_2199 = arith.constant 0.159154937 : f32
      %mul3A_2200 = vector.broadcast %mul3A_2199 : f32 to vector<32x32xf32>
      %mul3A_2201 = arith.mulf %mul3A_2198, %mul3A_2200 : vector<32x32xf32>
      %round3A_2202 = math.roundeven %mul3A_2201 : vector<32x32xf32>
      %sub3A_2203 = arith.subf %mul3A_2201, %round3A_2202 : vector<32x32xf32>
      %mul3A_2204 = arith.constant 6.28318548 : f32
      %mul3A_2205 = vector.broadcast %mul3A_2204 : f32 to vector<32x32xf32>
      %mul3A_2206 = arith.mulf %sub3A_2203, %mul3A_2205 : vector<32x32xf32>
      %slice3A_2207 = vector.extract_strided_slice %get3A_1 {offsets = [12, 0], sizes = [1, 32], strides = [1, 1]} : vector<16x64xf32> to vector<1x32xf32>
      %mul3A_2208 = vector.broadcast %slice3A_2207 : vector<1x32xf32> to vector<32x32xf32>
      %mul3A_2209 = arith.mulf %mul3A_2208, %dot_general3A_2195 : vector<32x32xf32>
      %slice3A_2210 = vector.extract_strided_slice %get3A_1 {offsets = [13, 0], sizes = [1, 32], strides = [1, 1]} : vector<16x64xf32> to vector<1x32xf32>
      %mul3A_2211 = arith.mulf %mul3A_2206, %mul3A_2206 : vector<32x32xf32>
      %mul3A_2212 = arith.constant -2.05340793E-8 : f32
      %mul3A_2213 = vector.broadcast %mul3A_2212 : f32 to vector<32x32xf32>
      %mul3A_2214 = arith.mulf %mul3A_2211, %mul3A_2213 : vector<32x32xf32>
      %add3A_2215 = arith.constant 2.70404735E-6 : f32
      %add3A_2216 = vector.broadcast %add3A_2215 : f32 to vector<32x32xf32>
      %add3A_2217 = arith.addf %add3A_2216, %mul3A_2214 : vector<32x32xf32>
      %mul3A_2218 = arith.mulf %mul3A_2211, %add3A_2217 : vector<32x32xf32>
      %add3A_2219 = arith.constant -1.98125723E-4 : f32
      %add3A_2220 = vector.broadcast %add3A_2219 : f32 to vector<32x32xf32>
      %add3A_2221 = arith.addf %add3A_2220, %mul3A_2218 : vector<32x32xf32>
      %mul3A_2222 = arith.mulf %mul3A_2211, %add3A_2221 : vector<32x32xf32>
      %add3A_2223 = arith.constant 0.00833255798 : f32
      %add3A_2224 = vector.broadcast %add3A_2223 : f32 to vector<32x32xf32>
      %add3A_2225 = arith.addf %add3A_2224, %mul3A_2222 : vector<32x32xf32>
      %mul3A_2226 = arith.mulf %mul3A_2211, %add3A_2225 : vector<32x32xf32>
      %add3A_2227 = arith.constant -0.166665778 : f32
      %add3A_2228 = vector.broadcast %add3A_2227 : f32 to vector<32x32xf32>
      %add3A_2229 = arith.addf %add3A_2228, %mul3A_2226 : vector<32x32xf32>
      %mul3A_2230 = arith.mulf %mul3A_2211, %add3A_2229 : vector<32x32xf32>
      %add3A_2231 = arith.constant 0.999999701 : f32
      %add3A_2232 = vector.broadcast %add3A_2231 : f32 to vector<32x32xf32>
      %add3A_2233 = arith.addf %add3A_2232, %mul3A_2230 : vector<32x32xf32>
      %mul3A_2234 = arith.mulf %mul3A_2206, %add3A_2233 : vector<32x32xf32>
      %mul3A_2235 = vector.broadcast %slice3A_2210 : vector<1x32xf32> to vector<32x32xf32>
      %mul3A_2236 = arith.mulf %mul3A_2235, %mul3A_2234 : vector<32x32xf32>
      %add3A_2237 = arith.addf %mul3A_2209, %mul3A_2236 : vector<32x32xf32>
      %slice3A_2238 = vector.extract_strided_slice %get3A_1 {offsets = [14, 0], sizes = [1, 32], strides = [1, 1]} : vector<16x64xf32> to vector<1x32xf32>
      %mul3A_2239 = arith.mulf %mul3A_2206, %mul3A_2206 : vector<32x32xf32>
      %mul3A_2240 = arith.constant -2.21939501E-7 : f32
      %mul3A_2241 = vector.broadcast %mul3A_2240 : f32 to vector<32x32xf32>
      %mul3A_2242 = arith.mulf %mul3A_2239, %mul3A_2241 : vector<32x32xf32>
      %add3A_2243 = arith.constant 2.42531933E-5 : f32
      %add3A_2244 = vector.broadcast %add3A_2243 : f32 to vector<32x32xf32>
      %add3A_2245 = arith.addf %add3A_2244, %mul3A_2242 : vector<32x32xf32>
      %mul3A_2246 = arith.mulf %mul3A_2239, %add3A_2245 : vector<32x32xf32>
      %add3A_2247 = arith.constant -0.0013862747 : f32
      %add3A_2248 = vector.broadcast %add3A_2247 : f32 to vector<32x32xf32>
      %add3A_2249 = arith.addf %add3A_2248, %mul3A_2246 : vector<32x32xf32>
      %mul3A_2250 = arith.mulf %mul3A_2239, %add3A_2249 : vector<32x32xf32>
      %add3A_2251 = arith.constant 0.0416610315 : f32
      %add3A_2252 = vector.broadcast %add3A_2251 : f32 to vector<32x32xf32>
      %add3A_2253 = arith.addf %add3A_2252, %mul3A_2250 : vector<32x32xf32>
      %mul3A_2254 = arith.mulf %mul3A_2239, %add3A_2253 : vector<32x32xf32>
      %add3A_2255 = arith.constant -0.499995589 : f32
      %add3A_2256 = vector.broadcast %add3A_2255 : f32 to vector<32x32xf32>
      %add3A_2257 = arith.addf %add3A_2256, %mul3A_2254 : vector<32x32xf32>
      %mul3A_2258 = arith.mulf %mul3A_2239, %add3A_2257 : vector<32x32xf32>
      %add3A_2259 = arith.constant 0.999999463 : f32
      %add3A_2260 = vector.broadcast %add3A_2259 : f32 to vector<32x32xf32>
      %add3A_2261 = arith.addf %add3A_2260, %mul3A_2258 : vector<32x32xf32>
      %mul3A_2262 = vector.broadcast %slice3A_2238 : vector<1x32xf32> to vector<32x32xf32>
      %mul3A_2263 = arith.mulf %mul3A_2262, %add3A_2261 : vector<32x32xf32>
      %add3A_2264 = arith.addf %add3A_2237, %mul3A_2263 : vector<32x32xf32>
      %get3A_2265 = arith.constant 15 : index
      %get3A_2266 = arith.constant 0 : index
      %get3A_2267 = arith.constant 0 : index
      %get3A_2268 = vector.load %arg4[%get3A_2265, %get3A_2266, %get3A_2267] : memref<16x32x8xf32, #tpu.memory_space<vmem>>, vector<1x32x8xf32>
      %get3A_2269 = vector.shape_cast %get3A_2268 : vector<1x32x8xf32> to vector<32x8xf32>
      %slice3A_2270 = vector.extract_strided_slice %get3A_2269 {offsets = [0, 0], sizes = [32, 3], strides = [1, 1]} : vector<32x8xf32> to vector<32x3xf32>
      %slice3A_2271 = vector.extract_strided_slice %get3A_1 {offsets = [0, 0], sizes = [3, 64], strides = [1, 1]} : vector<16x64xf32> to vector<3x64xf32>
      %dot_general3A_2272 = arith.constant dense<0.000000e+00> : vector<32x64xf32>
      %dot_general3A_2273 = tpu.matmul %slice3A_2270, %slice3A_2271, %dot_general3A_2272 {dimension_numbers = #tpu.dot_dimension_numbers<[1], [0], [0], [1], [0, 0, 1, 1], [], []>, precision = #tpu.contract_precision<fp32>, transpose_lhs_hint = false} : vector<32x3xf32>, vector<3x64xf32>, vector<32x64xf32> -> vector<32x64xf32>
      %slice3A_2274 = vector.extract_strided_slice %get3A_1 {offsets = [3, 0], sizes = [1, 64], strides = [1, 1]} : vector<16x64xf32> to vector<1x64xf32>
      %mul3A_2275 = vector.broadcast %slice3A_2274 : vector<1x64xf32> to vector<32x64xf32>
      %mul3A_2276 = arith.mulf %dot_general3A_2273, %mul3A_2275 : vector<32x64xf32>
      %mul3A_2277 = arith.constant 0.159154937 : f32
      %mul3A_2278 = vector.broadcast %mul3A_2277 : f32 to vector<32x64xf32>
      %mul3A_2279 = arith.mulf %mul3A_2276, %mul3A_2278 : vector<32x64xf32>
      %round3A_2280 = math.roundeven %mul3A_2279 : vector<32x64xf32>
      %sub3A_2281 = arith.subf %mul3A_2279, %round3A_2280 : vector<32x64xf32>
      %mul3A_2282 = arith.constant 6.28318548 : f32
      %mul3A_2283 = vector.broadcast %mul3A_2282 : f32 to vector<32x64xf32>
      %mul3A_2284 = arith.mulf %sub3A_2281, %mul3A_2283 : vector<32x64xf32>
      %slice3A_2285 = vector.extract_strided_slice %get3A_1 {offsets = [4, 0], sizes = [1, 64], strides = [1, 1]} : vector<16x64xf32> to vector<1x64xf32>
      %mul3A_2286 = vector.broadcast %slice3A_2285 : vector<1x64xf32> to vector<32x64xf32>
      %mul3A_2287 = arith.mulf %mul3A_2286, %dot_general3A_2273 : vector<32x64xf32>
      %slice3A_2288 = vector.extract_strided_slice %get3A_1 {offsets = [5, 0], sizes = [1, 64], strides = [1, 1]} : vector<16x64xf32> to vector<1x64xf32>
      %mul3A_2289 = arith.mulf %mul3A_2284, %mul3A_2284 : vector<32x64xf32>
      %mul3A_2290 = arith.constant -2.05340793E-8 : f32
      %mul3A_2291 = vector.broadcast %mul3A_2290 : f32 to vector<32x64xf32>
      %mul3A_2292 = arith.mulf %mul3A_2289, %mul3A_2291 : vector<32x64xf32>
      %add3A_2293 = arith.constant 2.70404735E-6 : f32
      %add3A_2294 = vector.broadcast %add3A_2293 : f32 to vector<32x64xf32>
      %add3A_2295 = arith.addf %add3A_2294, %mul3A_2292 : vector<32x64xf32>
      %mul3A_2296 = arith.mulf %mul3A_2289, %add3A_2295 : vector<32x64xf32>
      %add3A_2297 = arith.constant -1.98125723E-4 : f32
      %add3A_2298 = vector.broadcast %add3A_2297 : f32 to vector<32x64xf32>
      %add3A_2299 = arith.addf %add3A_2298, %mul3A_2296 : vector<32x64xf32>
      %mul3A_2300 = arith.mulf %mul3A_2289, %add3A_2299 : vector<32x64xf32>
      %add3A_2301 = arith.constant 0.00833255798 : f32
      %add3A_2302 = vector.broadcast %add3A_2301 : f32 to vector<32x64xf32>
      %add3A_2303 = arith.addf %add3A_2302, %mul3A_2300 : vector<32x64xf32>
      %mul3A_2304 = arith.mulf %mul3A_2289, %add3A_2303 : vector<32x64xf32>
      %add3A_2305 = arith.constant -0.166665778 : f32
      %add3A_2306 = vector.broadcast %add3A_2305 : f32 to vector<32x64xf32>
      %add3A_2307 = arith.addf %add3A_2306, %mul3A_2304 : vector<32x64xf32>
      %mul3A_2308 = arith.mulf %mul3A_2289, %add3A_2307 : vector<32x64xf32>
      %add3A_2309 = arith.constant 0.999999701 : f32
      %add3A_2310 = vector.broadcast %add3A_2309 : f32 to vector<32x64xf32>
      %add3A_2311 = arith.addf %add3A_2310, %mul3A_2308 : vector<32x64xf32>
      %mul3A_2312 = arith.mulf %mul3A_2284, %add3A_2311 : vector<32x64xf32>
      %mul3A_2313 = vector.broadcast %slice3A_2288 : vector<1x64xf32> to vector<32x64xf32>
      %mul3A_2314 = arith.mulf %mul3A_2313, %mul3A_2312 : vector<32x64xf32>
      %add3A_2315 = arith.addf %mul3A_2287, %mul3A_2314 : vector<32x64xf32>
      %slice3A_2316 = vector.extract_strided_slice %get3A_1 {offsets = [6, 0], sizes = [1, 64], strides = [1, 1]} : vector<16x64xf32> to vector<1x64xf32>
      %mul3A_2317 = arith.mulf %mul3A_2284, %mul3A_2284 : vector<32x64xf32>
      %mul3A_2318 = arith.constant -2.21939501E-7 : f32
      %mul3A_2319 = vector.broadcast %mul3A_2318 : f32 to vector<32x64xf32>
      %mul3A_2320 = arith.mulf %mul3A_2317, %mul3A_2319 : vector<32x64xf32>
      %add3A_2321 = arith.constant 2.42531933E-5 : f32
      %add3A_2322 = vector.broadcast %add3A_2321 : f32 to vector<32x64xf32>
      %add3A_2323 = arith.addf %add3A_2322, %mul3A_2320 : vector<32x64xf32>
      %mul3A_2324 = arith.mulf %mul3A_2317, %add3A_2323 : vector<32x64xf32>
      %add3A_2325 = arith.constant -0.0013862747 : f32
      %add3A_2326 = vector.broadcast %add3A_2325 : f32 to vector<32x64xf32>
      %add3A_2327 = arith.addf %add3A_2326, %mul3A_2324 : vector<32x64xf32>
      %mul3A_2328 = arith.mulf %mul3A_2317, %add3A_2327 : vector<32x64xf32>
      %add3A_2329 = arith.constant 0.0416610315 : f32
      %add3A_2330 = vector.broadcast %add3A_2329 : f32 to vector<32x64xf32>
      %add3A_2331 = arith.addf %add3A_2330, %mul3A_2328 : vector<32x64xf32>
      %mul3A_2332 = arith.mulf %mul3A_2317, %add3A_2331 : vector<32x64xf32>
      %add3A_2333 = arith.constant -0.499995589 : f32
      %add3A_2334 = vector.broadcast %add3A_2333 : f32 to vector<32x64xf32>
      %add3A_2335 = arith.addf %add3A_2334, %mul3A_2332 : vector<32x64xf32>
      %mul3A_2336 = arith.mulf %mul3A_2317, %add3A_2335 : vector<32x64xf32>
      %add3A_2337 = arith.constant 0.999999463 : f32
      %add3A_2338 = vector.broadcast %add3A_2337 : f32 to vector<32x64xf32>
      %add3A_2339 = arith.addf %add3A_2338, %mul3A_2336 : vector<32x64xf32>
      %mul3A_2340 = vector.broadcast %slice3A_2316 : vector<1x64xf32> to vector<32x64xf32>
      %mul3A_2341 = arith.mulf %mul3A_2340, %add3A_2339 : vector<32x64xf32>
      %add3A_2342 = arith.addf %add3A_2315, %mul3A_2341 : vector<32x64xf32>
      %slice3A_2343 = vector.extract_strided_slice %get3A_2269 {offsets = [0, 3], sizes = [32, 3], strides = [1, 1]} : vector<32x8xf32> to vector<32x3xf32>
      %slice3A_2344 = vector.extract_strided_slice %get3A_1 {offsets = [8, 0], sizes = [3, 32], strides = [1, 1]} : vector<16x64xf32> to vector<3x32xf32>
      %dot_general3A_2345 = arith.constant dense<0.000000e+00> : vector<32x32xf32>
      %dot_general3A_2346 = tpu.matmul %slice3A_2343, %slice3A_2344, %dot_general3A_2345 {dimension_numbers = #tpu.dot_dimension_numbers<[1], [0], [0], [1], [0, 0, 1, 1], [], []>, precision = #tpu.contract_precision<fp32>, transpose_lhs_hint = false} : vector<32x3xf32>, vector<3x32xf32>, vector<32x32xf32> -> vector<32x32xf32>
      %slice3A_2347 = vector.extract_strided_slice %get3A_1 {offsets = [11, 0], sizes = [1, 32], strides = [1, 1]} : vector<16x64xf32> to vector<1x32xf32>
      %mul3A_2348 = vector.broadcast %slice3A_2347 : vector<1x32xf32> to vector<32x32xf32>
      %mul3A_2349 = arith.mulf %dot_general3A_2346, %mul3A_2348 : vector<32x32xf32>
      %mul3A_2350 = arith.constant 0.159154937 : f32
      %mul3A_2351 = vector.broadcast %mul3A_2350 : f32 to vector<32x32xf32>
      %mul3A_2352 = arith.mulf %mul3A_2349, %mul3A_2351 : vector<32x32xf32>
      %round3A_2353 = math.roundeven %mul3A_2352 : vector<32x32xf32>
      %sub3A_2354 = arith.subf %mul3A_2352, %round3A_2353 : vector<32x32xf32>
      %mul3A_2355 = arith.constant 6.28318548 : f32
      %mul3A_2356 = vector.broadcast %mul3A_2355 : f32 to vector<32x32xf32>
      %mul3A_2357 = arith.mulf %sub3A_2354, %mul3A_2356 : vector<32x32xf32>
      %slice3A_2358 = vector.extract_strided_slice %get3A_1 {offsets = [12, 0], sizes = [1, 32], strides = [1, 1]} : vector<16x64xf32> to vector<1x32xf32>
      %mul3A_2359 = vector.broadcast %slice3A_2358 : vector<1x32xf32> to vector<32x32xf32>
      %mul3A_2360 = arith.mulf %mul3A_2359, %dot_general3A_2346 : vector<32x32xf32>
      %slice3A_2361 = vector.extract_strided_slice %get3A_1 {offsets = [13, 0], sizes = [1, 32], strides = [1, 1]} : vector<16x64xf32> to vector<1x32xf32>
      %mul3A_2362 = arith.mulf %mul3A_2357, %mul3A_2357 : vector<32x32xf32>
      %mul3A_2363 = arith.constant -2.05340793E-8 : f32
      %mul3A_2364 = vector.broadcast %mul3A_2363 : f32 to vector<32x32xf32>
      %mul3A_2365 = arith.mulf %mul3A_2362, %mul3A_2364 : vector<32x32xf32>
      %add3A_2366 = arith.constant 2.70404735E-6 : f32
      %add3A_2367 = vector.broadcast %add3A_2366 : f32 to vector<32x32xf32>
      %add3A_2368 = arith.addf %add3A_2367, %mul3A_2365 : vector<32x32xf32>
      %mul3A_2369 = arith.mulf %mul3A_2362, %add3A_2368 : vector<32x32xf32>
      %add3A_2370 = arith.constant -1.98125723E-4 : f32
      %add3A_2371 = vector.broadcast %add3A_2370 : f32 to vector<32x32xf32>
      %add3A_2372 = arith.addf %add3A_2371, %mul3A_2369 : vector<32x32xf32>
      %mul3A_2373 = arith.mulf %mul3A_2362, %add3A_2372 : vector<32x32xf32>
      %add3A_2374 = arith.constant 0.00833255798 : f32
      %add3A_2375 = vector.broadcast %add3A_2374 : f32 to vector<32x32xf32>
      %add3A_2376 = arith.addf %add3A_2375, %mul3A_2373 : vector<32x32xf32>
      %mul3A_2377 = arith.mulf %mul3A_2362, %add3A_2376 : vector<32x32xf32>
      %add3A_2378 = arith.constant -0.166665778 : f32
      %add3A_2379 = vector.broadcast %add3A_2378 : f32 to vector<32x32xf32>
      %add3A_2380 = arith.addf %add3A_2379, %mul3A_2377 : vector<32x32xf32>
      %mul3A_2381 = arith.mulf %mul3A_2362, %add3A_2380 : vector<32x32xf32>
      %add3A_2382 = arith.constant 0.999999701 : f32
      %add3A_2383 = vector.broadcast %add3A_2382 : f32 to vector<32x32xf32>
      %add3A_2384 = arith.addf %add3A_2383, %mul3A_2381 : vector<32x32xf32>
      %mul3A_2385 = arith.mulf %mul3A_2357, %add3A_2384 : vector<32x32xf32>
      %mul3A_2386 = vector.broadcast %slice3A_2361 : vector<1x32xf32> to vector<32x32xf32>
      %mul3A_2387 = arith.mulf %mul3A_2386, %mul3A_2385 : vector<32x32xf32>
      %add3A_2388 = arith.addf %mul3A_2360, %mul3A_2387 : vector<32x32xf32>
      %slice3A_2389 = vector.extract_strided_slice %get3A_1 {offsets = [14, 0], sizes = [1, 32], strides = [1, 1]} : vector<16x64xf32> to vector<1x32xf32>
      %mul3A_2390 = arith.mulf %mul3A_2357, %mul3A_2357 : vector<32x32xf32>
      %mul3A_2391 = arith.constant -2.21939501E-7 : f32
      %mul3A_2392 = vector.broadcast %mul3A_2391 : f32 to vector<32x32xf32>
      %mul3A_2393 = arith.mulf %mul3A_2390, %mul3A_2392 : vector<32x32xf32>
      %add3A_2394 = arith.constant 2.42531933E-5 : f32
      %add3A_2395 = vector.broadcast %add3A_2394 : f32 to vector<32x32xf32>
      %add3A_2396 = arith.addf %add3A_2395, %mul3A_2393 : vector<32x32xf32>
      %mul3A_2397 = arith.mulf %mul3A_2390, %add3A_2396 : vector<32x32xf32>
      %add3A_2398 = arith.constant -0.0013862747 : f32
      %add3A_2399 = vector.broadcast %add3A_2398 : f32 to vector<32x32xf32>
      %add3A_2400 = arith.addf %add3A_2399, %mul3A_2397 : vector<32x32xf32>
      %mul3A_2401 = arith.mulf %mul3A_2390, %add3A_2400 : vector<32x32xf32>
      %add3A_2402 = arith.constant 0.0416610315 : f32
      %add3A_2403 = vector.broadcast %add3A_2402 : f32 to vector<32x32xf32>
      %add3A_2404 = arith.addf %add3A_2403, %mul3A_2401 : vector<32x32xf32>
      %mul3A_2405 = arith.mulf %mul3A_2390, %add3A_2404 : vector<32x32xf32>
      %add3A_2406 = arith.constant -0.499995589 : f32
      %add3A_2407 = vector.broadcast %add3A_2406 : f32 to vector<32x32xf32>
      %add3A_2408 = arith.addf %add3A_2407, %mul3A_2405 : vector<32x32xf32>
      %mul3A_2409 = arith.mulf %mul3A_2390, %add3A_2408 : vector<32x32xf32>
      %add3A_2410 = arith.constant 0.999999463 : f32
      %add3A_2411 = vector.broadcast %add3A_2410 : f32 to vector<32x32xf32>
      %add3A_2412 = arith.addf %add3A_2411, %mul3A_2409 : vector<32x32xf32>
      %mul3A_2413 = vector.broadcast %slice3A_2389 : vector<1x32xf32> to vector<32x32xf32>
      %mul3A_2414 = arith.mulf %mul3A_2413, %add3A_2412 : vector<32x32xf32>
      %add3A_2415 = arith.addf %add3A_2388, %mul3A_2414 : vector<32x32xf32>
      %get3A_2416 = arith.constant 0 : index
      %get3A_2417 = arith.constant 0 : index
      %get3A_2418 = arith.constant 0 : index
      %get3A_2419 = vector.load %arg5[%get3A_2416, %get3A_2417, %get3A_2418] : memref<1x232x32xf32, #tpu.memory_space<vmem>>, vector<1x64x32xf32>
      %get3A_2420 = vector.shape_cast %get3A_2419 : vector<1x64x32xf32> to vector<64x32xf32>
      %dot_general3A_2421 = arith.constant dense<0.000000e+00> : vector<32x32xf32>
      %dot_general3A_2422 = tpu.matmul %add3A_77, %get3A_2420, %dot_general3A_2421 {dimension_numbers = #tpu.dot_dimension_numbers<[1], [0], [0], [1], [0, 0, 1, 1], [], []>, precision = #tpu.contract_precision<fp32>, transpose_lhs_hint = false} : vector<32x64xf32>, vector<64x32xf32>, vector<32x32xf32> -> vector<32x32xf32>
      %get3A_2423 = arith.constant 0 : index
      %get3A_2424 = arith.constant 64 : index
      %get3A_2425 = arith.constant 0 : index
      %get3A_2426 = vector.load %arg5[%get3A_2423, %get3A_2424, %get3A_2425] : memref<1x232x32xf32, #tpu.memory_space<vmem>>, vector<1x1x32xf32>
      %get3A_2427 = vector.shape_cast %get3A_2426 : vector<1x1x32xf32> to vector<1x32xf32>
      %add3A_2428 = vector.broadcast %get3A_2427 : vector<1x32xf32> to vector<32x32xf32>
      %add3A_2429 = arith.addf %dot_general3A_2422, %add3A_2428 : vector<32x32xf32>
      %max3A = arith.constant 0.000000e+00 : f32
      %max3A_2430 = vector.broadcast %max3A : f32 to vector<32x32xf32>
      %max3A_2431 = arith.maximumf %add3A_2429, %max3A_2430 : vector<32x32xf32>
      %get3A_2432 = arith.constant 0 : index
      %get3A_2433 = arith.constant 0 : index
      %get3A_2434 = arith.constant 0 : index
      %get3A_2435 = vector.load %arg6[%get3A_2432, %get3A_2433, %get3A_2434] : memref<1x232x32xf32, #tpu.memory_space<vmem>>, vector<1x64x32xf32>
      %get3A_2436 = vector.shape_cast %get3A_2435 : vector<1x64x32xf32> to vector<64x32xf32>
      %dot_general3A_2437 = arith.constant dense<0.000000e+00> : vector<32x32xf32>
      %dot_general3A_2438 = tpu.matmul %add3A_228, %get3A_2436, %dot_general3A_2437 {dimension_numbers = #tpu.dot_dimension_numbers<[1], [0], [0], [1], [0, 0, 1, 1], [], []>, precision = #tpu.contract_precision<fp32>, transpose_lhs_hint = false} : vector<32x64xf32>, vector<64x32xf32>, vector<32x32xf32> -> vector<32x32xf32>
      %get3A_2439 = arith.constant 0 : index
      %get3A_2440 = arith.constant 64 : index
      %get3A_2441 = arith.constant 0 : index
      %get3A_2442 = vector.load %arg6[%get3A_2439, %get3A_2440, %get3A_2441] : memref<1x232x32xf32, #tpu.memory_space<vmem>>, vector<1x1x32xf32>
      %get3A_2443 = vector.shape_cast %get3A_2442 : vector<1x1x32xf32> to vector<1x32xf32>
      %add3A_2444 = vector.broadcast %get3A_2443 : vector<1x32xf32> to vector<32x32xf32>
      %add3A_2445 = arith.addf %dot_general3A_2438, %add3A_2444 : vector<32x32xf32>
      %max3A_2446 = arith.constant 0.000000e+00 : f32
      %max3A_2447 = vector.broadcast %max3A_2446 : f32 to vector<32x32xf32>
      %max3A_2448 = arith.maximumf %add3A_2445, %max3A_2447 : vector<32x32xf32>
      %get3A_2449 = arith.constant 0 : index
      %get3A_2450 = arith.constant 0 : index
      %get3A_2451 = arith.constant 0 : index
      %get3A_2452 = vector.load %arg7[%get3A_2449, %get3A_2450, %get3A_2451] : memref<1x232x32xf32, #tpu.memory_space<vmem>>, vector<1x64x32xf32>
      %get3A_2453 = vector.shape_cast %get3A_2452 : vector<1x64x32xf32> to vector<64x32xf32>
      %dot_general3A_2454 = arith.constant dense<0.000000e+00> : vector<32x32xf32>
      %dot_general3A_2455 = tpu.matmul %add3A_379, %get3A_2453, %dot_general3A_2454 {dimension_numbers = #tpu.dot_dimension_numbers<[1], [0], [0], [1], [0, 0, 1, 1], [], []>, precision = #tpu.contract_precision<fp32>, transpose_lhs_hint = false} : vector<32x64xf32>, vector<64x32xf32>, vector<32x32xf32> -> vector<32x32xf32>
      %get3A_2456 = arith.constant 0 : index
      %get3A_2457 = arith.constant 64 : index
      %get3A_2458 = arith.constant 0 : index
      %get3A_2459 = vector.load %arg7[%get3A_2456, %get3A_2457, %get3A_2458] : memref<1x232x32xf32, #tpu.memory_space<vmem>>, vector<1x1x32xf32>
      %get3A_2460 = vector.shape_cast %get3A_2459 : vector<1x1x32xf32> to vector<1x32xf32>
      %add3A_2461 = vector.broadcast %get3A_2460 : vector<1x32xf32> to vector<32x32xf32>
      %add3A_2462 = arith.addf %dot_general3A_2455, %add3A_2461 : vector<32x32xf32>
      %max3A_2463 = arith.constant 0.000000e+00 : f32
      %max3A_2464 = vector.broadcast %max3A_2463 : f32 to vector<32x32xf32>
      %max3A_2465 = arith.maximumf %add3A_2462, %max3A_2464 : vector<32x32xf32>
      %get3A_2466 = arith.constant 0 : index
      %get3A_2467 = arith.constant 0 : index
      %get3A_2468 = arith.constant 0 : index
      %get3A_2469 = vector.load %arg8[%get3A_2466, %get3A_2467, %get3A_2468] : memref<1x232x32xf32, #tpu.memory_space<vmem>>, vector<1x64x32xf32>
      %get3A_2470 = vector.shape_cast %get3A_2469 : vector<1x64x32xf32> to vector<64x32xf32>
      %dot_general3A_2471 = arith.constant dense<0.000000e+00> : vector<32x32xf32>
      %dot_general3A_2472 = tpu.matmul %add3A_530, %get3A_2470, %dot_general3A_2471 {dimension_numbers = #tpu.dot_dimension_numbers<[1], [0], [0], [1], [0, 0, 1, 1], [], []>, precision = #tpu.contract_precision<fp32>, transpose_lhs_hint = false} : vector<32x64xf32>, vector<64x32xf32>, vector<32x32xf32> -> vector<32x32xf32>
      %get3A_2473 = arith.constant 0 : index
      %get3A_2474 = arith.constant 64 : index
      %get3A_2475 = arith.constant 0 : index
      %get3A_2476 = vector.load %arg8[%get3A_2473, %get3A_2474, %get3A_2475] : memref<1x232x32xf32, #tpu.memory_space<vmem>>, vector<1x1x32xf32>
      %get3A_2477 = vector.shape_cast %get3A_2476 : vector<1x1x32xf32> to vector<1x32xf32>
      %add3A_2478 = vector.broadcast %get3A_2477 : vector<1x32xf32> to vector<32x32xf32>
      %add3A_2479 = arith.addf %dot_general3A_2472, %add3A_2478 : vector<32x32xf32>
      %max3A_2480 = arith.constant 0.000000e+00 : f32
      %max3A_2481 = vector.broadcast %max3A_2480 : f32 to vector<32x32xf32>
      %max3A_2482 = arith.maximumf %add3A_2479, %max3A_2481 : vector<32x32xf32>
      %get3A_2483 = arith.constant 0 : index
      %get3A_2484 = arith.constant 0 : index
      %get3A_2485 = arith.constant 0 : index
      %get3A_2486 = vector.load %arg9[%get3A_2483, %get3A_2484, %get3A_2485] : memref<1x232x32xf32, #tpu.memory_space<vmem>>, vector<1x64x32xf32>
      %get3A_2487 = vector.shape_cast %get3A_2486 : vector<1x64x32xf32> to vector<64x32xf32>
      %dot_general3A_2488 = arith.constant dense<0.000000e+00> : vector<32x32xf32>
      %dot_general3A_2489 = tpu.matmul %add3A_681, %get3A_2487, %dot_general3A_2488 {dimension_numbers = #tpu.dot_dimension_numbers<[1], [0], [0], [1], [0, 0, 1, 1], [], []>, precision = #tpu.contract_precision<fp32>, transpose_lhs_hint = false} : vector<32x64xf32>, vector<64x32xf32>, vector<32x32xf32> -> vector<32x32xf32>
      %get3A_2490 = arith.constant 0 : index
      %get3A_2491 = arith.constant 64 : index
      %get3A_2492 = arith.constant 0 : index
      %get3A_2493 = vector.load %arg9[%get3A_2490, %get3A_2491, %get3A_2492] : memref<1x232x32xf32, #tpu.memory_space<vmem>>, vector<1x1x32xf32>
      %get3A_2494 = vector.shape_cast %get3A_2493 : vector<1x1x32xf32> to vector<1x32xf32>
      %add3A_2495 = vector.broadcast %get3A_2494 : vector<1x32xf32> to vector<32x32xf32>
      %add3A_2496 = arith.addf %dot_general3A_2489, %add3A_2495 : vector<32x32xf32>
      %max3A_2497 = arith.constant 0.000000e+00 : f32
      %max3A_2498 = vector.broadcast %max3A_2497 : f32 to vector<32x32xf32>
      %max3A_2499 = arith.maximumf %add3A_2496, %max3A_2498 : vector<32x32xf32>
      %get3A_2500 = arith.constant 0 : index
      %get3A_2501 = arith.constant 0 : index
      %get3A_2502 = arith.constant 0 : index
      %get3A_2503 = vector.load %arg10[%get3A_2500, %get3A_2501, %get3A_2502] : memref<1x232x32xf32, #tpu.memory_space<vmem>>, vector<1x64x32xf32>
      %get3A_2504 = vector.shape_cast %get3A_2503 : vector<1x64x32xf32> to vector<64x32xf32>
      %dot_general3A_2505 = arith.constant dense<0.000000e+00> : vector<32x32xf32>
      %dot_general3A_2506 = tpu.matmul %add3A_832, %get3A_2504, %dot_general3A_2505 {dimension_numbers = #tpu.dot_dimension_numbers<[1], [0], [0], [1], [0, 0, 1, 1], [], []>, precision = #tpu.contract_precision<fp32>, transpose_lhs_hint = false} : vector<32x64xf32>, vector<64x32xf32>, vector<32x32xf32> -> vector<32x32xf32>
      %get3A_2507 = arith.constant 0 : index
      %get3A_2508 = arith.constant 64 : index
      %get3A_2509 = arith.constant 0 : index
      %get3A_2510 = vector.load %arg10[%get3A_2507, %get3A_2508, %get3A_2509] : memref<1x232x32xf32, #tpu.memory_space<vmem>>, vector<1x1x32xf32>
      %get3A_2511 = vector.shape_cast %get3A_2510 : vector<1x1x32xf32> to vector<1x32xf32>
      %add3A_2512 = vector.broadcast %get3A_2511 : vector<1x32xf32> to vector<32x32xf32>
      %add3A_2513 = arith.addf %dot_general3A_2506, %add3A_2512 : vector<32x32xf32>
      %max3A_2514 = arith.constant 0.000000e+00 : f32
      %max3A_2515 = vector.broadcast %max3A_2514 : f32 to vector<32x32xf32>
      %max3A_2516 = arith.maximumf %add3A_2513, %max3A_2515 : vector<32x32xf32>
      %get3A_2517 = arith.constant 0 : index
      %get3A_2518 = arith.constant 0 : index
      %get3A_2519 = arith.constant 0 : index
      %get3A_2520 = vector.load %arg11[%get3A_2517, %get3A_2518, %get3A_2519] : memref<1x232x32xf32, #tpu.memory_space<vmem>>, vector<1x64x32xf32>
      %get3A_2521 = vector.shape_cast %get3A_2520 : vector<1x64x32xf32> to vector<64x32xf32>
      %dot_general3A_2522 = arith.constant dense<0.000000e+00> : vector<32x32xf32>
      %dot_general3A_2523 = tpu.matmul %add3A_983, %get3A_2521, %dot_general3A_2522 {dimension_numbers = #tpu.dot_dimension_numbers<[1], [0], [0], [1], [0, 0, 1, 1], [], []>, precision = #tpu.contract_precision<fp32>, transpose_lhs_hint = false} : vector<32x64xf32>, vector<64x32xf32>, vector<32x32xf32> -> vector<32x32xf32>
      %get3A_2524 = arith.constant 0 : index
      %get3A_2525 = arith.constant 64 : index
      %get3A_2526 = arith.constant 0 : index
      %get3A_2527 = vector.load %arg11[%get3A_2524, %get3A_2525, %get3A_2526] : memref<1x232x32xf32, #tpu.memory_space<vmem>>, vector<1x1x32xf32>
      %get3A_2528 = vector.shape_cast %get3A_2527 : vector<1x1x32xf32> to vector<1x32xf32>
      %add3A_2529 = vector.broadcast %get3A_2528 : vector<1x32xf32> to vector<32x32xf32>
      %add3A_2530 = arith.addf %dot_general3A_2523, %add3A_2529 : vector<32x32xf32>
      %max3A_2531 = arith.constant 0.000000e+00 : f32
      %max3A_2532 = vector.broadcast %max3A_2531 : f32 to vector<32x32xf32>
      %max3A_2533 = arith.maximumf %add3A_2530, %max3A_2532 : vector<32x32xf32>
      %get3A_2534 = arith.constant 0 : index
      %get3A_2535 = arith.constant 0 : index
      %get3A_2536 = arith.constant 0 : index
      %get3A_2537 = vector.load %arg12[%get3A_2534, %get3A_2535, %get3A_2536] : memref<1x232x32xf32, #tpu.memory_space<vmem>>, vector<1x64x32xf32>
      %get3A_2538 = vector.shape_cast %get3A_2537 : vector<1x64x32xf32> to vector<64x32xf32>
      %dot_general3A_2539 = arith.constant dense<0.000000e+00> : vector<32x32xf32>
      %dot_general3A_2540 = tpu.matmul %add3A_1134, %get3A_2538, %dot_general3A_2539 {dimension_numbers = #tpu.dot_dimension_numbers<[1], [0], [0], [1], [0, 0, 1, 1], [], []>, precision = #tpu.contract_precision<fp32>, transpose_lhs_hint = false} : vector<32x64xf32>, vector<64x32xf32>, vector<32x32xf32> -> vector<32x32xf32>
      %get3A_2541 = arith.constant 0 : index
      %get3A_2542 = arith.constant 64 : index
      %get3A_2543 = arith.constant 0 : index
      %get3A_2544 = vector.load %arg12[%get3A_2541, %get3A_2542, %get3A_2543] : memref<1x232x32xf32, #tpu.memory_space<vmem>>, vector<1x1x32xf32>
      %get3A_2545 = vector.shape_cast %get3A_2544 : vector<1x1x32xf32> to vector<1x32xf32>
      %add3A_2546 = vector.broadcast %get3A_2545 : vector<1x32xf32> to vector<32x32xf32>
      %add3A_2547 = arith.addf %dot_general3A_2540, %add3A_2546 : vector<32x32xf32>
      %max3A_2548 = arith.constant 0.000000e+00 : f32
      %max3A_2549 = vector.broadcast %max3A_2548 : f32 to vector<32x32xf32>
      %max3A_2550 = arith.maximumf %add3A_2547, %max3A_2549 : vector<32x32xf32>
      %get3A_2551 = arith.constant 0 : index
      %get3A_2552 = arith.constant 0 : index
      %get3A_2553 = arith.constant 0 : index
      %get3A_2554 = vector.load %arg13[%get3A_2551, %get3A_2552, %get3A_2553] : memref<1x232x32xf32, #tpu.memory_space<vmem>>, vector<1x64x32xf32>
      %get3A_2555 = vector.shape_cast %get3A_2554 : vector<1x64x32xf32> to vector<64x32xf32>
      %dot_general3A_2556 = arith.constant dense<0.000000e+00> : vector<32x32xf32>
      %dot_general3A_2557 = tpu.matmul %add3A_1285, %get3A_2555, %dot_general3A_2556 {dimension_numbers = #tpu.dot_dimension_numbers<[1], [0], [0], [1], [0, 0, 1, 1], [], []>, precision = #tpu.contract_precision<fp32>, transpose_lhs_hint = false} : vector<32x64xf32>, vector<64x32xf32>, vector<32x32xf32> -> vector<32x32xf32>
      %get3A_2558 = arith.constant 0 : index
      %get3A_2559 = arith.constant 64 : index
      %get3A_2560 = arith.constant 0 : index
      %get3A_2561 = vector.load %arg13[%get3A_2558, %get3A_2559, %get3A_2560] : memref<1x232x32xf32, #tpu.memory_space<vmem>>, vector<1x1x32xf32>
      %get3A_2562 = vector.shape_cast %get3A_2561 : vector<1x1x32xf32> to vector<1x32xf32>
      %add3A_2563 = vector.broadcast %get3A_2562 : vector<1x32xf32> to vector<32x32xf32>
      %add3A_2564 = arith.addf %dot_general3A_2557, %add3A_2563 : vector<32x32xf32>
      %max3A_2565 = arith.constant 0.000000e+00 : f32
      %max3A_2566 = vector.broadcast %max3A_2565 : f32 to vector<32x32xf32>
      %max3A_2567 = arith.maximumf %add3A_2564, %max3A_2566 : vector<32x32xf32>
      %get3A_2568 = arith.constant 0 : index
      %get3A_2569 = arith.constant 0 : index
      %get3A_2570 = arith.constant 0 : index
      %get3A_2571 = vector.load %arg14[%get3A_2568, %get3A_2569, %get3A_2570] : memref<1x232x32xf32, #tpu.memory_space<vmem>>, vector<1x64x32xf32>
      %get3A_2572 = vector.shape_cast %get3A_2571 : vector<1x64x32xf32> to vector<64x32xf32>
      %dot_general3A_2573 = arith.constant dense<0.000000e+00> : vector<32x32xf32>
      %dot_general3A_2574 = tpu.matmul %add3A_1436, %get3A_2572, %dot_general3A_2573 {dimension_numbers = #tpu.dot_dimension_numbers<[1], [0], [0], [1], [0, 0, 1, 1], [], []>, precision = #tpu.contract_precision<fp32>, transpose_lhs_hint = false} : vector<32x64xf32>, vector<64x32xf32>, vector<32x32xf32> -> vector<32x32xf32>
      %get3A_2575 = arith.constant 0 : index
      %get3A_2576 = arith.constant 64 : index
      %get3A_2577 = arith.constant 0 : index
      %get3A_2578 = vector.load %arg14[%get3A_2575, %get3A_2576, %get3A_2577] : memref<1x232x32xf32, #tpu.memory_space<vmem>>, vector<1x1x32xf32>
      %get3A_2579 = vector.shape_cast %get3A_2578 : vector<1x1x32xf32> to vector<1x32xf32>
      %add3A_2580 = vector.broadcast %get3A_2579 : vector<1x32xf32> to vector<32x32xf32>
      %add3A_2581 = arith.addf %dot_general3A_2574, %add3A_2580 : vector<32x32xf32>
      %max3A_2582 = arith.constant 0.000000e+00 : f32
      %max3A_2583 = vector.broadcast %max3A_2582 : f32 to vector<32x32xf32>
      %max3A_2584 = arith.maximumf %add3A_2581, %max3A_2583 : vector<32x32xf32>
      %get3A_2585 = arith.constant 0 : index
      %get3A_2586 = arith.constant 0 : index
      %get3A_2587 = arith.constant 0 : index
      %get3A_2588 = vector.load %arg15[%get3A_2585, %get3A_2586, %get3A_2587] : memref<1x232x32xf32, #tpu.memory_space<vmem>>, vector<1x64x32xf32>
      %get3A_2589 = vector.shape_cast %get3A_2588 : vector<1x64x32xf32> to vector<64x32xf32>
      %dot_general3A_2590 = arith.constant dense<0.000000e+00> : vector<32x32xf32>
      %dot_general3A_2591 = tpu.matmul %add3A_1587, %get3A_2589, %dot_general3A_2590 {dimension_numbers = #tpu.dot_dimension_numbers<[1], [0], [0], [1], [0, 0, 1, 1], [], []>, precision = #tpu.contract_precision<fp32>, transpose_lhs_hint = false} : vector<32x64xf32>, vector<64x32xf32>, vector<32x32xf32> -> vector<32x32xf32>
      %get3A_2592 = arith.constant 0 : index
      %get3A_2593 = arith.constant 64 : index
      %get3A_2594 = arith.constant 0 : index
      %get3A_2595 = vector.load %arg15[%get3A_2592, %get3A_2593, %get3A_2594] : memref<1x232x32xf32, #tpu.memory_space<vmem>>, vector<1x1x32xf32>
      %get3A_2596 = vector.shape_cast %get3A_2595 : vector<1x1x32xf32> to vector<1x32xf32>
      %add3A_2597 = vector.broadcast %get3A_2596 : vector<1x32xf32> to vector<32x32xf32>
      %add3A_2598 = arith.addf %dot_general3A_2591, %add3A_2597 : vector<32x32xf32>
      %max3A_2599 = arith.constant 0.000000e+00 : f32
      %max3A_2600 = vector.broadcast %max3A_2599 : f32 to vector<32x32xf32>
      %max3A_2601 = arith.maximumf %add3A_2598, %max3A_2600 : vector<32x32xf32>
      %get3A_2602 = arith.constant 0 : index
      %get3A_2603 = arith.constant 0 : index
      %get3A_2604 = arith.constant 0 : index
      %get3A_2605 = vector.load %arg16[%get3A_2602, %get3A_2603, %get3A_2604] : memref<1x232x32xf32, #tpu.memory_space<vmem>>, vector<1x64x32xf32>
      %get3A_2606 = vector.shape_cast %get3A_2605 : vector<1x64x32xf32> to vector<64x32xf32>
      %dot_general3A_2607 = arith.constant dense<0.000000e+00> : vector<32x32xf32>
      %dot_general3A_2608 = tpu.matmul %add3A_1738, %get3A_2606, %dot_general3A_2607 {dimension_numbers = #tpu.dot_dimension_numbers<[1], [0], [0], [1], [0, 0, 1, 1], [], []>, precision = #tpu.contract_precision<fp32>, transpose_lhs_hint = false} : vector<32x64xf32>, vector<64x32xf32>, vector<32x32xf32> -> vector<32x32xf32>
      %get3A_2609 = arith.constant 0 : index
      %get3A_2610 = arith.constant 64 : index
      %get3A_2611 = arith.constant 0 : index
      %get3A_2612 = vector.load %arg16[%get3A_2609, %get3A_2610, %get3A_2611] : memref<1x232x32xf32, #tpu.memory_space<vmem>>, vector<1x1x32xf32>
      %get3A_2613 = vector.shape_cast %get3A_2612 : vector<1x1x32xf32> to vector<1x32xf32>
      %add3A_2614 = vector.broadcast %get3A_2613 : vector<1x32xf32> to vector<32x32xf32>
      %add3A_2615 = arith.addf %dot_general3A_2608, %add3A_2614 : vector<32x32xf32>
      %max3A_2616 = arith.constant 0.000000e+00 : f32
      %max3A_2617 = vector.broadcast %max3A_2616 : f32 to vector<32x32xf32>
      %max3A_2618 = arith.maximumf %add3A_2615, %max3A_2617 : vector<32x32xf32>
      %get3A_2619 = arith.constant 0 : index
      %get3A_2620 = arith.constant 0 : index
      %get3A_2621 = arith.constant 0 : index
      %get3A_2622 = vector.load %arg17[%get3A_2619, %get3A_2620, %get3A_2621] : memref<1x232x32xf32, #tpu.memory_space<vmem>>, vector<1x64x32xf32>
      %get3A_2623 = vector.shape_cast %get3A_2622 : vector<1x64x32xf32> to vector<64x32xf32>
      %dot_general3A_2624 = arith.constant dense<0.000000e+00> : vector<32x32xf32>
      %dot_general3A_2625 = tpu.matmul %add3A_1889, %get3A_2623, %dot_general3A_2624 {dimension_numbers = #tpu.dot_dimension_numbers<[1], [0], [0], [1], [0, 0, 1, 1], [], []>, precision = #tpu.contract_precision<fp32>, transpose_lhs_hint = false} : vector<32x64xf32>, vector<64x32xf32>, vector<32x32xf32> -> vector<32x32xf32>
      %get3A_2626 = arith.constant 0 : index
      %get3A_2627 = arith.constant 64 : index
      %get3A_2628 = arith.constant 0 : index
      %get3A_2629 = vector.load %arg17[%get3A_2626, %get3A_2627, %get3A_2628] : memref<1x232x32xf32, #tpu.memory_space<vmem>>, vector<1x1x32xf32>
      %get3A_2630 = vector.shape_cast %get3A_2629 : vector<1x1x32xf32> to vector<1x32xf32>
      %add3A_2631 = vector.broadcast %get3A_2630 : vector<1x32xf32> to vector<32x32xf32>
      %add3A_2632 = arith.addf %dot_general3A_2625, %add3A_2631 : vector<32x32xf32>
      %max3A_2633 = arith.constant 0.000000e+00 : f32
      %max3A_2634 = vector.broadcast %max3A_2633 : f32 to vector<32x32xf32>
      %max3A_2635 = arith.maximumf %add3A_2632, %max3A_2634 : vector<32x32xf32>
      %get3A_2636 = arith.constant 0 : index
      %get3A_2637 = arith.constant 0 : index
      %get3A_2638 = arith.constant 0 : index
      %get3A_2639 = vector.load %arg18[%get3A_2636, %get3A_2637, %get3A_2638] : memref<1x232x32xf32, #tpu.memory_space<vmem>>, vector<1x64x32xf32>
      %get3A_2640 = vector.shape_cast %get3A_2639 : vector<1x64x32xf32> to vector<64x32xf32>
      %dot_general3A_2641 = arith.constant dense<0.000000e+00> : vector<32x32xf32>
      %dot_general3A_2642 = tpu.matmul %add3A_2040, %get3A_2640, %dot_general3A_2641 {dimension_numbers = #tpu.dot_dimension_numbers<[1], [0], [0], [1], [0, 0, 1, 1], [], []>, precision = #tpu.contract_precision<fp32>, transpose_lhs_hint = false} : vector<32x64xf32>, vector<64x32xf32>, vector<32x32xf32> -> vector<32x32xf32>
      %get3A_2643 = arith.constant 0 : index
      %get3A_2644 = arith.constant 64 : index
      %get3A_2645 = arith.constant 0 : index
      %get3A_2646 = vector.load %arg18[%get3A_2643, %get3A_2644, %get3A_2645] : memref<1x232x32xf32, #tpu.memory_space<vmem>>, vector<1x1x32xf32>
      %get3A_2647 = vector.shape_cast %get3A_2646 : vector<1x1x32xf32> to vector<1x32xf32>
      %add3A_2648 = vector.broadcast %get3A_2647 : vector<1x32xf32> to vector<32x32xf32>
      %add3A_2649 = arith.addf %dot_general3A_2642, %add3A_2648 : vector<32x32xf32>
      %max3A_2650 = arith.constant 0.000000e+00 : f32
      %max3A_2651 = vector.broadcast %max3A_2650 : f32 to vector<32x32xf32>
      %max3A_2652 = arith.maximumf %add3A_2649, %max3A_2651 : vector<32x32xf32>
      %get3A_2653 = arith.constant 0 : index
      %get3A_2654 = arith.constant 0 : index
      %get3A_2655 = arith.constant 0 : index
      %get3A_2656 = vector.load %arg19[%get3A_2653, %get3A_2654, %get3A_2655] : memref<1x232x32xf32, #tpu.memory_space<vmem>>, vector<1x64x32xf32>
      %get3A_2657 = vector.shape_cast %get3A_2656 : vector<1x64x32xf32> to vector<64x32xf32>
      %dot_general3A_2658 = arith.constant dense<0.000000e+00> : vector<32x32xf32>
      %dot_general3A_2659 = tpu.matmul %add3A_2191, %get3A_2657, %dot_general3A_2658 {dimension_numbers = #tpu.dot_dimension_numbers<[1], [0], [0], [1], [0, 0, 1, 1], [], []>, precision = #tpu.contract_precision<fp32>, transpose_lhs_hint = false} : vector<32x64xf32>, vector<64x32xf32>, vector<32x32xf32> -> vector<32x32xf32>
      %get3A_2660 = arith.constant 0 : index
      %get3A_2661 = arith.constant 64 : index
      %get3A_2662 = arith.constant 0 : index
      %get3A_2663 = vector.load %arg19[%get3A_2660, %get3A_2661, %get3A_2662] : memref<1x232x32xf32, #tpu.memory_space<vmem>>, vector<1x1x32xf32>
      %get3A_2664 = vector.shape_cast %get3A_2663 : vector<1x1x32xf32> to vector<1x32xf32>
      %add3A_2665 = vector.broadcast %get3A_2664 : vector<1x32xf32> to vector<32x32xf32>
      %add3A_2666 = arith.addf %dot_general3A_2659, %add3A_2665 : vector<32x32xf32>
      %max3A_2667 = arith.constant 0.000000e+00 : f32
      %max3A_2668 = vector.broadcast %max3A_2667 : f32 to vector<32x32xf32>
      %max3A_2669 = arith.maximumf %add3A_2666, %max3A_2668 : vector<32x32xf32>
      %get3A_2670 = arith.constant 0 : index
      %get3A_2671 = arith.constant 0 : index
      %get3A_2672 = arith.constant 0 : index
      %get3A_2673 = vector.load %arg20[%get3A_2670, %get3A_2671, %get3A_2672] : memref<1x232x32xf32, #tpu.memory_space<vmem>>, vector<1x64x32xf32>
      %get3A_2674 = vector.shape_cast %get3A_2673 : vector<1x64x32xf32> to vector<64x32xf32>
      %dot_general3A_2675 = arith.constant dense<0.000000e+00> : vector<32x32xf32>
      %dot_general3A_2676 = tpu.matmul %add3A_2342, %get3A_2674, %dot_general3A_2675 {dimension_numbers = #tpu.dot_dimension_numbers<[1], [0], [0], [1], [0, 0, 1, 1], [], []>, precision = #tpu.contract_precision<fp32>, transpose_lhs_hint = false} : vector<32x64xf32>, vector<64x32xf32>, vector<32x32xf32> -> vector<32x32xf32>
      %get3A_2677 = arith.constant 0 : index
      %get3A_2678 = arith.constant 64 : index
      %get3A_2679 = arith.constant 0 : index
      %get3A_2680 = vector.load %arg20[%get3A_2677, %get3A_2678, %get3A_2679] : memref<1x232x32xf32, #tpu.memory_space<vmem>>, vector<1x1x32xf32>
      %get3A_2681 = vector.shape_cast %get3A_2680 : vector<1x1x32xf32> to vector<1x32xf32>
      %add3A_2682 = vector.broadcast %get3A_2681 : vector<1x32xf32> to vector<32x32xf32>
      %add3A_2683 = arith.addf %dot_general3A_2676, %add3A_2682 : vector<32x32xf32>
      %max3A_2684 = arith.constant 0.000000e+00 : f32
      %max3A_2685 = vector.broadcast %max3A_2684 : f32 to vector<32x32xf32>
      %max3A_2686 = arith.maximumf %add3A_2683, %max3A_2685 : vector<32x32xf32>
      %get3A_2687 = arith.constant 0 : index
      %get3A_2688 = arith.constant 65 : index
      %get3A_2689 = arith.constant 0 : index
      %get3A_2690 = vector.load %arg5[%get3A_2687, %get3A_2688, %get3A_2689] : memref<1x232x32xf32, #tpu.memory_space<vmem>>, vector<1x32x32xf32>
      %get3A_2691 = vector.shape_cast %get3A_2690 : vector<1x32x32xf32> to vector<32x32xf32>
      %dot_general3A_2692 = arith.constant dense<0.000000e+00> : vector<32x32xf32>
      %dot_general3A_2693 = tpu.matmul %max3A_2431, %get3A_2691, %dot_general3A_2692 {dimension_numbers = #tpu.dot_dimension_numbers<[1], [0], [0], [1], [0, 0, 1, 1], [], []>, precision = #tpu.contract_precision<fp32>, transpose_lhs_hint = false} : vector<32x32xf32>, vector<32x32xf32>, vector<32x32xf32> -> vector<32x32xf32>
      %get3A_2694 = arith.constant 0 : index
      %get3A_2695 = arith.constant 97 : index
      %get3A_2696 = arith.constant 0 : index
      %get3A_2697 = vector.load %arg5[%get3A_2694, %get3A_2695, %get3A_2696] : memref<1x232x32xf32, #tpu.memory_space<vmem>>, vector<1x1x32xf32>
      %get3A_2698 = vector.shape_cast %get3A_2697 : vector<1x1x32xf32> to vector<1x32xf32>
      %add3A_2699 = vector.broadcast %get3A_2698 : vector<1x32xf32> to vector<32x32xf32>
      %add3A_2700 = arith.addf %dot_general3A_2693, %add3A_2699 : vector<32x32xf32>
      %max3A_2701 = arith.constant 0.000000e+00 : f32
      %max3A_2702 = vector.broadcast %max3A_2701 : f32 to vector<32x32xf32>
      %max3A_2703 = arith.maximumf %add3A_2700, %max3A_2702 : vector<32x32xf32>
      %get3A_2704 = arith.constant 0 : index
      %get3A_2705 = arith.constant 65 : index
      %get3A_2706 = arith.constant 0 : index
      %get3A_2707 = vector.load %arg6[%get3A_2704, %get3A_2705, %get3A_2706] : memref<1x232x32xf32, #tpu.memory_space<vmem>>, vector<1x32x32xf32>
      %get3A_2708 = vector.shape_cast %get3A_2707 : vector<1x32x32xf32> to vector<32x32xf32>
      %dot_general3A_2709 = arith.constant dense<0.000000e+00> : vector<32x32xf32>
      %dot_general3A_2710 = tpu.matmul %max3A_2448, %get3A_2708, %dot_general3A_2709 {dimension_numbers = #tpu.dot_dimension_numbers<[1], [0], [0], [1], [0, 0, 1, 1], [], []>, precision = #tpu.contract_precision<fp32>, transpose_lhs_hint = false} : vector<32x32xf32>, vector<32x32xf32>, vector<32x32xf32> -> vector<32x32xf32>
      %get3A_2711 = arith.constant 0 : index
      %get3A_2712 = arith.constant 97 : index
      %get3A_2713 = arith.constant 0 : index
      %get3A_2714 = vector.load %arg6[%get3A_2711, %get3A_2712, %get3A_2713] : memref<1x232x32xf32, #tpu.memory_space<vmem>>, vector<1x1x32xf32>
      %get3A_2715 = vector.shape_cast %get3A_2714 : vector<1x1x32xf32> to vector<1x32xf32>
      %add3A_2716 = vector.broadcast %get3A_2715 : vector<1x32xf32> to vector<32x32xf32>
      %add3A_2717 = arith.addf %dot_general3A_2710, %add3A_2716 : vector<32x32xf32>
      %max3A_2718 = arith.constant 0.000000e+00 : f32
      %max3A_2719 = vector.broadcast %max3A_2718 : f32 to vector<32x32xf32>
      %max3A_2720 = arith.maximumf %add3A_2717, %max3A_2719 : vector<32x32xf32>
      %get3A_2721 = arith.constant 0 : index
      %get3A_2722 = arith.constant 65 : index
      %get3A_2723 = arith.constant 0 : index
      %get3A_2724 = vector.load %arg7[%get3A_2721, %get3A_2722, %get3A_2723] : memref<1x232x32xf32, #tpu.memory_space<vmem>>, vector<1x32x32xf32>
      %get3A_2725 = vector.shape_cast %get3A_2724 : vector<1x32x32xf32> to vector<32x32xf32>
      %dot_general3A_2726 = arith.constant dense<0.000000e+00> : vector<32x32xf32>
      %dot_general3A_2727 = tpu.matmul %max3A_2465, %get3A_2725, %dot_general3A_2726 {dimension_numbers = #tpu.dot_dimension_numbers<[1], [0], [0], [1], [0, 0, 1, 1], [], []>, precision = #tpu.contract_precision<fp32>, transpose_lhs_hint = false} : vector<32x32xf32>, vector<32x32xf32>, vector<32x32xf32> -> vector<32x32xf32>
      %get3A_2728 = arith.constant 0 : index
      %get3A_2729 = arith.constant 97 : index
      %get3A_2730 = arith.constant 0 : index
      %get3A_2731 = vector.load %arg7[%get3A_2728, %get3A_2729, %get3A_2730] : memref<1x232x32xf32, #tpu.memory_space<vmem>>, vector<1x1x32xf32>
      %get3A_2732 = vector.shape_cast %get3A_2731 : vector<1x1x32xf32> to vector<1x32xf32>
      %add3A_2733 = vector.broadcast %get3A_2732 : vector<1x32xf32> to vector<32x32xf32>
      %add3A_2734 = arith.addf %dot_general3A_2727, %add3A_2733 : vector<32x32xf32>
      %max3A_2735 = arith.constant 0.000000e+00 : f32
      %max3A_2736 = vector.broadcast %max3A_2735 : f32 to vector<32x32xf32>
      %max3A_2737 = arith.maximumf %add3A_2734, %max3A_2736 : vector<32x32xf32>
      %get3A_2738 = arith.constant 0 : index
      %get3A_2739 = arith.constant 65 : index
      %get3A_2740 = arith.constant 0 : index
      %get3A_2741 = vector.load %arg8[%get3A_2738, %get3A_2739, %get3A_2740] : memref<1x232x32xf32, #tpu.memory_space<vmem>>, vector<1x32x32xf32>
      %get3A_2742 = vector.shape_cast %get3A_2741 : vector<1x32x32xf32> to vector<32x32xf32>
      %dot_general3A_2743 = arith.constant dense<0.000000e+00> : vector<32x32xf32>
      %dot_general3A_2744 = tpu.matmul %max3A_2482, %get3A_2742, %dot_general3A_2743 {dimension_numbers = #tpu.dot_dimension_numbers<[1], [0], [0], [1], [0, 0, 1, 1], [], []>, precision = #tpu.contract_precision<fp32>, transpose_lhs_hint = false} : vector<32x32xf32>, vector<32x32xf32>, vector<32x32xf32> -> vector<32x32xf32>
      %get3A_2745 = arith.constant 0 : index
      %get3A_2746 = arith.constant 97 : index
      %get3A_2747 = arith.constant 0 : index
      %get3A_2748 = vector.load %arg8[%get3A_2745, %get3A_2746, %get3A_2747] : memref<1x232x32xf32, #tpu.memory_space<vmem>>, vector<1x1x32xf32>
      %get3A_2749 = vector.shape_cast %get3A_2748 : vector<1x1x32xf32> to vector<1x32xf32>
      %add3A_2750 = vector.broadcast %get3A_2749 : vector<1x32xf32> to vector<32x32xf32>
      %add3A_2751 = arith.addf %dot_general3A_2744, %add3A_2750 : vector<32x32xf32>
      %max3A_2752 = arith.constant 0.000000e+00 : f32
      %max3A_2753 = vector.broadcast %max3A_2752 : f32 to vector<32x32xf32>
      %max3A_2754 = arith.maximumf %add3A_2751, %max3A_2753 : vector<32x32xf32>
      %get3A_2755 = arith.constant 0 : index
      %get3A_2756 = arith.constant 65 : index
      %get3A_2757 = arith.constant 0 : index
      %get3A_2758 = vector.load %arg9[%get3A_2755, %get3A_2756, %get3A_2757] : memref<1x232x32xf32, #tpu.memory_space<vmem>>, vector<1x32x32xf32>
      %get3A_2759 = vector.shape_cast %get3A_2758 : vector<1x32x32xf32> to vector<32x32xf32>
      %dot_general3A_2760 = arith.constant dense<0.000000e+00> : vector<32x32xf32>
      %dot_general3A_2761 = tpu.matmul %max3A_2499, %get3A_2759, %dot_general3A_2760 {dimension_numbers = #tpu.dot_dimension_numbers<[1], [0], [0], [1], [0, 0, 1, 1], [], []>, precision = #tpu.contract_precision<fp32>, transpose_lhs_hint = false} : vector<32x32xf32>, vector<32x32xf32>, vector<32x32xf32> -> vector<32x32xf32>
      %get3A_2762 = arith.constant 0 : index
      %get3A_2763 = arith.constant 97 : index
      %get3A_2764 = arith.constant 0 : index
      %get3A_2765 = vector.load %arg9[%get3A_2762, %get3A_2763, %get3A_2764] : memref<1x232x32xf32, #tpu.memory_space<vmem>>, vector<1x1x32xf32>
      %get3A_2766 = vector.shape_cast %get3A_2765 : vector<1x1x32xf32> to vector<1x32xf32>
      %add3A_2767 = vector.broadcast %get3A_2766 : vector<1x32xf32> to vector<32x32xf32>
      %add3A_2768 = arith.addf %dot_general3A_2761, %add3A_2767 : vector<32x32xf32>
      %max3A_2769 = arith.constant 0.000000e+00 : f32
      %max3A_2770 = vector.broadcast %max3A_2769 : f32 to vector<32x32xf32>
      %max3A_2771 = arith.maximumf %add3A_2768, %max3A_2770 : vector<32x32xf32>
      %get3A_2772 = arith.constant 0 : index
      %get3A_2773 = arith.constant 65 : index
      %get3A_2774 = arith.constant 0 : index
      %get3A_2775 = vector.load %arg10[%get3A_2772, %get3A_2773, %get3A_2774] : memref<1x232x32xf32, #tpu.memory_space<vmem>>, vector<1x32x32xf32>
      %get3A_2776 = vector.shape_cast %get3A_2775 : vector<1x32x32xf32> to vector<32x32xf32>
      %dot_general3A_2777 = arith.constant dense<0.000000e+00> : vector<32x32xf32>
      %dot_general3A_2778 = tpu.matmul %max3A_2516, %get3A_2776, %dot_general3A_2777 {dimension_numbers = #tpu.dot_dimension_numbers<[1], [0], [0], [1], [0, 0, 1, 1], [], []>, precision = #tpu.contract_precision<fp32>, transpose_lhs_hint = false} : vector<32x32xf32>, vector<32x32xf32>, vector<32x32xf32> -> vector<32x32xf32>
      %get3A_2779 = arith.constant 0 : index
      %get3A_2780 = arith.constant 97 : index
      %get3A_2781 = arith.constant 0 : index
      %get3A_2782 = vector.load %arg10[%get3A_2779, %get3A_2780, %get3A_2781] : memref<1x232x32xf32, #tpu.memory_space<vmem>>, vector<1x1x32xf32>
      %get3A_2783 = vector.shape_cast %get3A_2782 : vector<1x1x32xf32> to vector<1x32xf32>
      %add3A_2784 = vector.broadcast %get3A_2783 : vector<1x32xf32> to vector<32x32xf32>
      %add3A_2785 = arith.addf %dot_general3A_2778, %add3A_2784 : vector<32x32xf32>
      %max3A_2786 = arith.constant 0.000000e+00 : f32
      %max3A_2787 = vector.broadcast %max3A_2786 : f32 to vector<32x32xf32>
      %max3A_2788 = arith.maximumf %add3A_2785, %max3A_2787 : vector<32x32xf32>
      %get3A_2789 = arith.constant 0 : index
      %get3A_2790 = arith.constant 65 : index
      %get3A_2791 = arith.constant 0 : index
      %get3A_2792 = vector.load %arg11[%get3A_2789, %get3A_2790, %get3A_2791] : memref<1x232x32xf32, #tpu.memory_space<vmem>>, vector<1x32x32xf32>
      %get3A_2793 = vector.shape_cast %get3A_2792 : vector<1x32x32xf32> to vector<32x32xf32>
      %dot_general3A_2794 = arith.constant dense<0.000000e+00> : vector<32x32xf32>
      %dot_general3A_2795 = tpu.matmul %max3A_2533, %get3A_2793, %dot_general3A_2794 {dimension_numbers = #tpu.dot_dimension_numbers<[1], [0], [0], [1], [0, 0, 1, 1], [], []>, precision = #tpu.contract_precision<fp32>, transpose_lhs_hint = false} : vector<32x32xf32>, vector<32x32xf32>, vector<32x32xf32> -> vector<32x32xf32>
      %get3A_2796 = arith.constant 0 : index
      %get3A_2797 = arith.constant 97 : index
      %get3A_2798 = arith.constant 0 : index
      %get3A_2799 = vector.load %arg11[%get3A_2796, %get3A_2797, %get3A_2798] : memref<1x232x32xf32, #tpu.memory_space<vmem>>, vector<1x1x32xf32>
      %get3A_2800 = vector.shape_cast %get3A_2799 : vector<1x1x32xf32> to vector<1x32xf32>
      %add3A_2801 = vector.broadcast %get3A_2800 : vector<1x32xf32> to vector<32x32xf32>
      %add3A_2802 = arith.addf %dot_general3A_2795, %add3A_2801 : vector<32x32xf32>
      %max3A_2803 = arith.constant 0.000000e+00 : f32
      %max3A_2804 = vector.broadcast %max3A_2803 : f32 to vector<32x32xf32>
      %max3A_2805 = arith.maximumf %add3A_2802, %max3A_2804 : vector<32x32xf32>
      %get3A_2806 = arith.constant 0 : index
      %get3A_2807 = arith.constant 65 : index
      %get3A_2808 = arith.constant 0 : index
      %get3A_2809 = vector.load %arg12[%get3A_2806, %get3A_2807, %get3A_2808] : memref<1x232x32xf32, #tpu.memory_space<vmem>>, vector<1x32x32xf32>
      %get3A_2810 = vector.shape_cast %get3A_2809 : vector<1x32x32xf32> to vector<32x32xf32>
      %dot_general3A_2811 = arith.constant dense<0.000000e+00> : vector<32x32xf32>
      %dot_general3A_2812 = tpu.matmul %max3A_2550, %get3A_2810, %dot_general3A_2811 {dimension_numbers = #tpu.dot_dimension_numbers<[1], [0], [0], [1], [0, 0, 1, 1], [], []>, precision = #tpu.contract_precision<fp32>, transpose_lhs_hint = false} : vector<32x32xf32>, vector<32x32xf32>, vector<32x32xf32> -> vector<32x32xf32>
      %get3A_2813 = arith.constant 0 : index
      %get3A_2814 = arith.constant 97 : index
      %get3A_2815 = arith.constant 0 : index
      %get3A_2816 = vector.load %arg12[%get3A_2813, %get3A_2814, %get3A_2815] : memref<1x232x32xf32, #tpu.memory_space<vmem>>, vector<1x1x32xf32>
      %get3A_2817 = vector.shape_cast %get3A_2816 : vector<1x1x32xf32> to vector<1x32xf32>
      %add3A_2818 = vector.broadcast %get3A_2817 : vector<1x32xf32> to vector<32x32xf32>
      %add3A_2819 = arith.addf %dot_general3A_2812, %add3A_2818 : vector<32x32xf32>
      %max3A_2820 = arith.constant 0.000000e+00 : f32
      %max3A_2821 = vector.broadcast %max3A_2820 : f32 to vector<32x32xf32>
      %max3A_2822 = arith.maximumf %add3A_2819, %max3A_2821 : vector<32x32xf32>
      %get3A_2823 = arith.constant 0 : index
      %get3A_2824 = arith.constant 65 : index
      %get3A_2825 = arith.constant 0 : index
      %get3A_2826 = vector.load %arg13[%get3A_2823, %get3A_2824, %get3A_2825] : memref<1x232x32xf32, #tpu.memory_space<vmem>>, vector<1x32x32xf32>
      %get3A_2827 = vector.shape_cast %get3A_2826 : vector<1x32x32xf32> to vector<32x32xf32>
      %dot_general3A_2828 = arith.constant dense<0.000000e+00> : vector<32x32xf32>
      %dot_general3A_2829 = tpu.matmul %max3A_2567, %get3A_2827, %dot_general3A_2828 {dimension_numbers = #tpu.dot_dimension_numbers<[1], [0], [0], [1], [0, 0, 1, 1], [], []>, precision = #tpu.contract_precision<fp32>, transpose_lhs_hint = false} : vector<32x32xf32>, vector<32x32xf32>, vector<32x32xf32> -> vector<32x32xf32>
      %get3A_2830 = arith.constant 0 : index
      %get3A_2831 = arith.constant 97 : index
      %get3A_2832 = arith.constant 0 : index
      %get3A_2833 = vector.load %arg13[%get3A_2830, %get3A_2831, %get3A_2832] : memref<1x232x32xf32, #tpu.memory_space<vmem>>, vector<1x1x32xf32>
      %get3A_2834 = vector.shape_cast %get3A_2833 : vector<1x1x32xf32> to vector<1x32xf32>
      %add3A_2835 = vector.broadcast %get3A_2834 : vector<1x32xf32> to vector<32x32xf32>
      %add3A_2836 = arith.addf %dot_general3A_2829, %add3A_2835 : vector<32x32xf32>
      %max3A_2837 = arith.constant 0.000000e+00 : f32
      %max3A_2838 = vector.broadcast %max3A_2837 : f32 to vector<32x32xf32>
      %max3A_2839 = arith.maximumf %add3A_2836, %max3A_2838 : vector<32x32xf32>
      %get3A_2840 = arith.constant 0 : index
      %get3A_2841 = arith.constant 65 : index
      %get3A_2842 = arith.constant 0 : index
      %get3A_2843 = vector.load %arg14[%get3A_2840, %get3A_2841, %get3A_2842] : memref<1x232x32xf32, #tpu.memory_space<vmem>>, vector<1x32x32xf32>
      %get3A_2844 = vector.shape_cast %get3A_2843 : vector<1x32x32xf32> to vector<32x32xf32>
      %dot_general3A_2845 = arith.constant dense<0.000000e+00> : vector<32x32xf32>
      %dot_general3A_2846 = tpu.matmul %max3A_2584, %get3A_2844, %dot_general3A_2845 {dimension_numbers = #tpu.dot_dimension_numbers<[1], [0], [0], [1], [0, 0, 1, 1], [], []>, precision = #tpu.contract_precision<fp32>, transpose_lhs_hint = false} : vector<32x32xf32>, vector<32x32xf32>, vector<32x32xf32> -> vector<32x32xf32>
      %get3A_2847 = arith.constant 0 : index
      %get3A_2848 = arith.constant 97 : index
      %get3A_2849 = arith.constant 0 : index
      %get3A_2850 = vector.load %arg14[%get3A_2847, %get3A_2848, %get3A_2849] : memref<1x232x32xf32, #tpu.memory_space<vmem>>, vector<1x1x32xf32>
      %get3A_2851 = vector.shape_cast %get3A_2850 : vector<1x1x32xf32> to vector<1x32xf32>
      %add3A_2852 = vector.broadcast %get3A_2851 : vector<1x32xf32> to vector<32x32xf32>
      %add3A_2853 = arith.addf %dot_general3A_2846, %add3A_2852 : vector<32x32xf32>
      %max3A_2854 = arith.constant 0.000000e+00 : f32
      %max3A_2855 = vector.broadcast %max3A_2854 : f32 to vector<32x32xf32>
      %max3A_2856 = arith.maximumf %add3A_2853, %max3A_2855 : vector<32x32xf32>
      %get3A_2857 = arith.constant 0 : index
      %get3A_2858 = arith.constant 65 : index
      %get3A_2859 = arith.constant 0 : index
      %get3A_2860 = vector.load %arg15[%get3A_2857, %get3A_2858, %get3A_2859] : memref<1x232x32xf32, #tpu.memory_space<vmem>>, vector<1x32x32xf32>
      %get3A_2861 = vector.shape_cast %get3A_2860 : vector<1x32x32xf32> to vector<32x32xf32>
      %dot_general3A_2862 = arith.constant dense<0.000000e+00> : vector<32x32xf32>
      %dot_general3A_2863 = tpu.matmul %max3A_2601, %get3A_2861, %dot_general3A_2862 {dimension_numbers = #tpu.dot_dimension_numbers<[1], [0], [0], [1], [0, 0, 1, 1], [], []>, precision = #tpu.contract_precision<fp32>, transpose_lhs_hint = false} : vector<32x32xf32>, vector<32x32xf32>, vector<32x32xf32> -> vector<32x32xf32>
      %get3A_2864 = arith.constant 0 : index
      %get3A_2865 = arith.constant 97 : index
      %get3A_2866 = arith.constant 0 : index
      %get3A_2867 = vector.load %arg15[%get3A_2864, %get3A_2865, %get3A_2866] : memref<1x232x32xf32, #tpu.memory_space<vmem>>, vector<1x1x32xf32>
      %get3A_2868 = vector.shape_cast %get3A_2867 : vector<1x1x32xf32> to vector<1x32xf32>
      %add3A_2869 = vector.broadcast %get3A_2868 : vector<1x32xf32> to vector<32x32xf32>
      %add3A_2870 = arith.addf %dot_general3A_2863, %add3A_2869 : vector<32x32xf32>
      %max3A_2871 = arith.constant 0.000000e+00 : f32
      %max3A_2872 = vector.broadcast %max3A_2871 : f32 to vector<32x32xf32>
      %max3A_2873 = arith.maximumf %add3A_2870, %max3A_2872 : vector<32x32xf32>
      %get3A_2874 = arith.constant 0 : index
      %get3A_2875 = arith.constant 65 : index
      %get3A_2876 = arith.constant 0 : index
      %get3A_2877 = vector.load %arg16[%get3A_2874, %get3A_2875, %get3A_2876] : memref<1x232x32xf32, #tpu.memory_space<vmem>>, vector<1x32x32xf32>
      %get3A_2878 = vector.shape_cast %get3A_2877 : vector<1x32x32xf32> to vector<32x32xf32>
      %dot_general3A_2879 = arith.constant dense<0.000000e+00> : vector<32x32xf32>
      %dot_general3A_2880 = tpu.matmul %max3A_2618, %get3A_2878, %dot_general3A_2879 {dimension_numbers = #tpu.dot_dimension_numbers<[1], [0], [0], [1], [0, 0, 1, 1], [], []>, precision = #tpu.contract_precision<fp32>, transpose_lhs_hint = false} : vector<32x32xf32>, vector<32x32xf32>, vector<32x32xf32> -> vector<32x32xf32>
      %get3A_2881 = arith.constant 0 : index
      %get3A_2882 = arith.constant 97 : index
      %get3A_2883 = arith.constant 0 : index
      %get3A_2884 = vector.load %arg16[%get3A_2881, %get3A_2882, %get3A_2883] : memref<1x232x32xf32, #tpu.memory_space<vmem>>, vector<1x1x32xf32>
      %get3A_2885 = vector.shape_cast %get3A_2884 : vector<1x1x32xf32> to vector<1x32xf32>
      %add3A_2886 = vector.broadcast %get3A_2885 : vector<1x32xf32> to vector<32x32xf32>
      %add3A_2887 = arith.addf %dot_general3A_2880, %add3A_2886 : vector<32x32xf32>
      %max3A_2888 = arith.constant 0.000000e+00 : f32
      %max3A_2889 = vector.broadcast %max3A_2888 : f32 to vector<32x32xf32>
      %max3A_2890 = arith.maximumf %add3A_2887, %max3A_2889 : vector<32x32xf32>
      %get3A_2891 = arith.constant 0 : index
      %get3A_2892 = arith.constant 65 : index
      %get3A_2893 = arith.constant 0 : index
      %get3A_2894 = vector.load %arg17[%get3A_2891, %get3A_2892, %get3A_2893] : memref<1x232x32xf32, #tpu.memory_space<vmem>>, vector<1x32x32xf32>
      %get3A_2895 = vector.shape_cast %get3A_2894 : vector<1x32x32xf32> to vector<32x32xf32>
      %dot_general3A_2896 = arith.constant dense<0.000000e+00> : vector<32x32xf32>
      %dot_general3A_2897 = tpu.matmul %max3A_2635, %get3A_2895, %dot_general3A_2896 {dimension_numbers = #tpu.dot_dimension_numbers<[1], [0], [0], [1], [0, 0, 1, 1], [], []>, precision = #tpu.contract_precision<fp32>, transpose_lhs_hint = false} : vector<32x32xf32>, vector<32x32xf32>, vector<32x32xf32> -> vector<32x32xf32>
      %get3A_2898 = arith.constant 0 : index
      %get3A_2899 = arith.constant 97 : index
      %get3A_2900 = arith.constant 0 : index
      %get3A_2901 = vector.load %arg17[%get3A_2898, %get3A_2899, %get3A_2900] : memref<1x232x32xf32, #tpu.memory_space<vmem>>, vector<1x1x32xf32>
      %get3A_2902 = vector.shape_cast %get3A_2901 : vector<1x1x32xf32> to vector<1x32xf32>
      %add3A_2903 = vector.broadcast %get3A_2902 : vector<1x32xf32> to vector<32x32xf32>
      %add3A_2904 = arith.addf %dot_general3A_2897, %add3A_2903 : vector<32x32xf32>
      %max3A_2905 = arith.constant 0.000000e+00 : f32
      %max3A_2906 = vector.broadcast %max3A_2905 : f32 to vector<32x32xf32>
      %max3A_2907 = arith.maximumf %add3A_2904, %max3A_2906 : vector<32x32xf32>
      %get3A_2908 = arith.constant 0 : index
      %get3A_2909 = arith.constant 65 : index
      %get3A_2910 = arith.constant 0 : index
      %get3A_2911 = vector.load %arg18[%get3A_2908, %get3A_2909, %get3A_2910] : memref<1x232x32xf32, #tpu.memory_space<vmem>>, vector<1x32x32xf32>
      %get3A_2912 = vector.shape_cast %get3A_2911 : vector<1x32x32xf32> to vector<32x32xf32>
      %dot_general3A_2913 = arith.constant dense<0.000000e+00> : vector<32x32xf32>
      %dot_general3A_2914 = tpu.matmul %max3A_2652, %get3A_2912, %dot_general3A_2913 {dimension_numbers = #tpu.dot_dimension_numbers<[1], [0], [0], [1], [0, 0, 1, 1], [], []>, precision = #tpu.contract_precision<fp32>, transpose_lhs_hint = false} : vector<32x32xf32>, vector<32x32xf32>, vector<32x32xf32> -> vector<32x32xf32>
      %get3A_2915 = arith.constant 0 : index
      %get3A_2916 = arith.constant 97 : index
      %get3A_2917 = arith.constant 0 : index
      %get3A_2918 = vector.load %arg18[%get3A_2915, %get3A_2916, %get3A_2917] : memref<1x232x32xf32, #tpu.memory_space<vmem>>, vector<1x1x32xf32>
      %get3A_2919 = vector.shape_cast %get3A_2918 : vector<1x1x32xf32> to vector<1x32xf32>
      %add3A_2920 = vector.broadcast %get3A_2919 : vector<1x32xf32> to vector<32x32xf32>
      %add3A_2921 = arith.addf %dot_general3A_2914, %add3A_2920 : vector<32x32xf32>
      %max3A_2922 = arith.constant 0.000000e+00 : f32
      %max3A_2923 = vector.broadcast %max3A_2922 : f32 to vector<32x32xf32>
      %max3A_2924 = arith.maximumf %add3A_2921, %max3A_2923 : vector<32x32xf32>
      %get3A_2925 = arith.constant 0 : index
      %get3A_2926 = arith.constant 65 : index
      %get3A_2927 = arith.constant 0 : index
      %get3A_2928 = vector.load %arg19[%get3A_2925, %get3A_2926, %get3A_2927] : memref<1x232x32xf32, #tpu.memory_space<vmem>>, vector<1x32x32xf32>
      %get3A_2929 = vector.shape_cast %get3A_2928 : vector<1x32x32xf32> to vector<32x32xf32>
      %dot_general3A_2930 = arith.constant dense<0.000000e+00> : vector<32x32xf32>
      %dot_general3A_2931 = tpu.matmul %max3A_2669, %get3A_2929, %dot_general3A_2930 {dimension_numbers = #tpu.dot_dimension_numbers<[1], [0], [0], [1], [0, 0, 1, 1], [], []>, precision = #tpu.contract_precision<fp32>, transpose_lhs_hint = false} : vector<32x32xf32>, vector<32x32xf32>, vector<32x32xf32> -> vector<32x32xf32>
      %get3A_2932 = arith.constant 0 : index
      %get3A_2933 = arith.constant 97 : index
      %get3A_2934 = arith.constant 0 : index
      %get3A_2935 = vector.load %arg19[%get3A_2932, %get3A_2933, %get3A_2934] : memref<1x232x32xf32, #tpu.memory_space<vmem>>, vector<1x1x32xf32>
      %get3A_2936 = vector.shape_cast %get3A_2935 : vector<1x1x32xf32> to vector<1x32xf32>
      %add3A_2937 = vector.broadcast %get3A_2936 : vector<1x32xf32> to vector<32x32xf32>
      %add3A_2938 = arith.addf %dot_general3A_2931, %add3A_2937 : vector<32x32xf32>
      %max3A_2939 = arith.constant 0.000000e+00 : f32
      %max3A_2940 = vector.broadcast %max3A_2939 : f32 to vector<32x32xf32>
      %max3A_2941 = arith.maximumf %add3A_2938, %max3A_2940 : vector<32x32xf32>
      %get3A_2942 = arith.constant 0 : index
      %get3A_2943 = arith.constant 65 : index
      %get3A_2944 = arith.constant 0 : index
      %get3A_2945 = vector.load %arg20[%get3A_2942, %get3A_2943, %get3A_2944] : memref<1x232x32xf32, #tpu.memory_space<vmem>>, vector<1x32x32xf32>
      %get3A_2946 = vector.shape_cast %get3A_2945 : vector<1x32x32xf32> to vector<32x32xf32>
      %dot_general3A_2947 = arith.constant dense<0.000000e+00> : vector<32x32xf32>
      %dot_general3A_2948 = tpu.matmul %max3A_2686, %get3A_2946, %dot_general3A_2947 {dimension_numbers = #tpu.dot_dimension_numbers<[1], [0], [0], [1], [0, 0, 1, 1], [], []>, precision = #tpu.contract_precision<fp32>, transpose_lhs_hint = false} : vector<32x32xf32>, vector<32x32xf32>, vector<32x32xf32> -> vector<32x32xf32>
      %get3A_2949 = arith.constant 0 : index
      %get3A_2950 = arith.constant 97 : index
      %get3A_2951 = arith.constant 0 : index
      %get3A_2952 = vector.load %arg20[%get3A_2949, %get3A_2950, %get3A_2951] : memref<1x232x32xf32, #tpu.memory_space<vmem>>, vector<1x1x32xf32>
      %get3A_2953 = vector.shape_cast %get3A_2952 : vector<1x1x32xf32> to vector<1x32xf32>
      %add3A_2954 = vector.broadcast %get3A_2953 : vector<1x32xf32> to vector<32x32xf32>
      %add3A_2955 = arith.addf %dot_general3A_2948, %add3A_2954 : vector<32x32xf32>
      %max3A_2956 = arith.constant 0.000000e+00 : f32
      %max3A_2957 = vector.broadcast %max3A_2956 : f32 to vector<32x32xf32>
      %max3A_2958 = arith.maximumf %add3A_2955, %max3A_2957 : vector<32x32xf32>
      %get3A_2959 = arith.constant 0 : index
      %get3A_2960 = arith.constant 224 : index
      %get3A_2961 = arith.constant 0 : index
      %get3A_2962 = vector.load %arg5[%get3A_2959, %get3A_2960, %get3A_2961] : memref<1x232x32xf32, #tpu.memory_space<vmem>>, vector<1x1x32xf32>
      %get3A_2963 = vector.shape_cast %get3A_2962 : vector<1x1x32xf32> to vector<1x32xf32>
      %mul3A_2964 = vector.broadcast %get3A_2963 : vector<1x32xf32> to vector<32x32xf32>
      %mul3A_2965 = arith.mulf %max3A_2431, %mul3A_2964 : vector<32x32xf32>
      %reduce_sum3A = arith.constant dense<0.000000e+00> : vector<32xf32>
      %reduce_sum3A_2966 = vector.multi_reduction <add>, %mul3A_2965, %reduce_sum3A [1] : vector<32x32xf32> to vector<32xf32>
      %broadcast_in_dim3A = vector.shape_cast %reduce_sum3A_2966 : vector<32xf32> to vector<32x1xf32>
      %get3A_2967 = arith.constant 0 : index
      %get3A_2968 = arith.constant 225 : index
      %get3A_2969 = arith.constant 0 : index
      %get3A_2970 = vector.load %arg5[%get3A_2967, %get3A_2968, %get3A_2969] : memref<1x232x32xf32, #tpu.memory_space<vmem>>, vector<1x1x1xf32>
      %get3A_2971 = vector.shape_cast %get3A_2970 : vector<1x1x1xf32> to vector<1x1xf32>
      %add3A_2972 = vector.broadcast %get3A_2971 : vector<1x1xf32> to vector<32x1xf32>
      %add3A_2973 = arith.addf %broadcast_in_dim3A, %add3A_2972 : vector<32x1xf32>
      %max3A_2974 = arith.constant 0.000000e+00 : f32
      %max3A_2975 = vector.broadcast %max3A_2974 : f32 to vector<32x1xf32>
      %max3A_2976 = arith.maximumf %add3A_2973, %max3A_2975 : vector<32x1xf32>
      %get3A_2977 = arith.constant 0 : index
      %get3A_2978 = arith.constant 224 : index
      %get3A_2979 = arith.constant 0 : index
      %get3A_2980 = vector.load %arg6[%get3A_2977, %get3A_2978, %get3A_2979] : memref<1x232x32xf32, #tpu.memory_space<vmem>>, vector<1x1x32xf32>
      %get3A_2981 = vector.shape_cast %get3A_2980 : vector<1x1x32xf32> to vector<1x32xf32>
      %mul3A_2982 = vector.broadcast %get3A_2981 : vector<1x32xf32> to vector<32x32xf32>
      %mul3A_2983 = arith.mulf %max3A_2448, %mul3A_2982 : vector<32x32xf32>
      %reduce_sum3A_2984 = arith.constant dense<0.000000e+00> : vector<32xf32>
      %reduce_sum3A_2985 = vector.multi_reduction <add>, %mul3A_2983, %reduce_sum3A_2984 [1] : vector<32x32xf32> to vector<32xf32>
      %broadcast_in_dim3A_2986 = vector.shape_cast %reduce_sum3A_2985 : vector<32xf32> to vector<32x1xf32>
      %get3A_2987 = arith.constant 0 : index
      %get3A_2988 = arith.constant 225 : index
      %get3A_2989 = arith.constant 0 : index
      %get3A_2990 = vector.load %arg6[%get3A_2987, %get3A_2988, %get3A_2989] : memref<1x232x32xf32, #tpu.memory_space<vmem>>, vector<1x1x1xf32>
      %get3A_2991 = vector.shape_cast %get3A_2990 : vector<1x1x1xf32> to vector<1x1xf32>
      %add3A_2992 = vector.broadcast %get3A_2991 : vector<1x1xf32> to vector<32x1xf32>
      %add3A_2993 = arith.addf %broadcast_in_dim3A_2986, %add3A_2992 : vector<32x1xf32>
      %max3A_2994 = arith.constant 0.000000e+00 : f32
      %max3A_2995 = vector.broadcast %max3A_2994 : f32 to vector<32x1xf32>
      %max3A_2996 = arith.maximumf %add3A_2993, %max3A_2995 : vector<32x1xf32>
      %get3A_2997 = arith.constant 0 : index
      %get3A_2998 = arith.constant 224 : index
      %get3A_2999 = arith.constant 0 : index
      %get3A_3000 = vector.load %arg7[%get3A_2997, %get3A_2998, %get3A_2999] : memref<1x232x32xf32, #tpu.memory_space<vmem>>, vector<1x1x32xf32>
      %get3A_3001 = vector.shape_cast %get3A_3000 : vector<1x1x32xf32> to vector<1x32xf32>
      %mul3A_3002 = vector.broadcast %get3A_3001 : vector<1x32xf32> to vector<32x32xf32>
      %mul3A_3003 = arith.mulf %max3A_2465, %mul3A_3002 : vector<32x32xf32>
      %reduce_sum3A_3004 = arith.constant dense<0.000000e+00> : vector<32xf32>
      %reduce_sum3A_3005 = vector.multi_reduction <add>, %mul3A_3003, %reduce_sum3A_3004 [1] : vector<32x32xf32> to vector<32xf32>
      %broadcast_in_dim3A_3006 = vector.shape_cast %reduce_sum3A_3005 : vector<32xf32> to vector<32x1xf32>
      %get3A_3007 = arith.constant 0 : index
      %get3A_3008 = arith.constant 225 : index
      %get3A_3009 = arith.constant 0 : index
      %get3A_3010 = vector.load %arg7[%get3A_3007, %get3A_3008, %get3A_3009] : memref<1x232x32xf32, #tpu.memory_space<vmem>>, vector<1x1x1xf32>
      %get3A_3011 = vector.shape_cast %get3A_3010 : vector<1x1x1xf32> to vector<1x1xf32>
      %add3A_3012 = vector.broadcast %get3A_3011 : vector<1x1xf32> to vector<32x1xf32>
      %add3A_3013 = arith.addf %broadcast_in_dim3A_3006, %add3A_3012 : vector<32x1xf32>
      %max3A_3014 = arith.constant 0.000000e+00 : f32
      %max3A_3015 = vector.broadcast %max3A_3014 : f32 to vector<32x1xf32>
      %max3A_3016 = arith.maximumf %add3A_3013, %max3A_3015 : vector<32x1xf32>
      %get3A_3017 = arith.constant 0 : index
      %get3A_3018 = arith.constant 224 : index
      %get3A_3019 = arith.constant 0 : index
      %get3A_3020 = vector.load %arg8[%get3A_3017, %get3A_3018, %get3A_3019] : memref<1x232x32xf32, #tpu.memory_space<vmem>>, vector<1x1x32xf32>
      %get3A_3021 = vector.shape_cast %get3A_3020 : vector<1x1x32xf32> to vector<1x32xf32>
      %mul3A_3022 = vector.broadcast %get3A_3021 : vector<1x32xf32> to vector<32x32xf32>
      %mul3A_3023 = arith.mulf %max3A_2482, %mul3A_3022 : vector<32x32xf32>
      %reduce_sum3A_3024 = arith.constant dense<0.000000e+00> : vector<32xf32>
      %reduce_sum3A_3025 = vector.multi_reduction <add>, %mul3A_3023, %reduce_sum3A_3024 [1] : vector<32x32xf32> to vector<32xf32>
      %broadcast_in_dim3A_3026 = vector.shape_cast %reduce_sum3A_3025 : vector<32xf32> to vector<32x1xf32>
      %get3A_3027 = arith.constant 0 : index
      %get3A_3028 = arith.constant 225 : index
      %get3A_3029 = arith.constant 0 : index
      %get3A_3030 = vector.load %arg8[%get3A_3027, %get3A_3028, %get3A_3029] : memref<1x232x32xf32, #tpu.memory_space<vmem>>, vector<1x1x1xf32>
      %get3A_3031 = vector.shape_cast %get3A_3030 : vector<1x1x1xf32> to vector<1x1xf32>
      %add3A_3032 = vector.broadcast %get3A_3031 : vector<1x1xf32> to vector<32x1xf32>
      %add3A_3033 = arith.addf %broadcast_in_dim3A_3026, %add3A_3032 : vector<32x1xf32>
      %max3A_3034 = arith.constant 0.000000e+00 : f32
      %max3A_3035 = vector.broadcast %max3A_3034 : f32 to vector<32x1xf32>
      %max3A_3036 = arith.maximumf %add3A_3033, %max3A_3035 : vector<32x1xf32>
      %get3A_3037 = arith.constant 0 : index
      %get3A_3038 = arith.constant 224 : index
      %get3A_3039 = arith.constant 0 : index
      %get3A_3040 = vector.load %arg9[%get3A_3037, %get3A_3038, %get3A_3039] : memref<1x232x32xf32, #tpu.memory_space<vmem>>, vector<1x1x32xf32>
      %get3A_3041 = vector.shape_cast %get3A_3040 : vector<1x1x32xf32> to vector<1x32xf32>
      %mul3A_3042 = vector.broadcast %get3A_3041 : vector<1x32xf32> to vector<32x32xf32>
      %mul3A_3043 = arith.mulf %max3A_2499, %mul3A_3042 : vector<32x32xf32>
      %reduce_sum3A_3044 = arith.constant dense<0.000000e+00> : vector<32xf32>
      %reduce_sum3A_3045 = vector.multi_reduction <add>, %mul3A_3043, %reduce_sum3A_3044 [1] : vector<32x32xf32> to vector<32xf32>
      %broadcast_in_dim3A_3046 = vector.shape_cast %reduce_sum3A_3045 : vector<32xf32> to vector<32x1xf32>
      %get3A_3047 = arith.constant 0 : index
      %get3A_3048 = arith.constant 225 : index
      %get3A_3049 = arith.constant 0 : index
      %get3A_3050 = vector.load %arg9[%get3A_3047, %get3A_3048, %get3A_3049] : memref<1x232x32xf32, #tpu.memory_space<vmem>>, vector<1x1x1xf32>
      %get3A_3051 = vector.shape_cast %get3A_3050 : vector<1x1x1xf32> to vector<1x1xf32>
      %add3A_3052 = vector.broadcast %get3A_3051 : vector<1x1xf32> to vector<32x1xf32>
      %add3A_3053 = arith.addf %broadcast_in_dim3A_3046, %add3A_3052 : vector<32x1xf32>
      %max3A_3054 = arith.constant 0.000000e+00 : f32
      %max3A_3055 = vector.broadcast %max3A_3054 : f32 to vector<32x1xf32>
      %max3A_3056 = arith.maximumf %add3A_3053, %max3A_3055 : vector<32x1xf32>
      %get3A_3057 = arith.constant 0 : index
      %get3A_3058 = arith.constant 224 : index
      %get3A_3059 = arith.constant 0 : index
      %get3A_3060 = vector.load %arg10[%get3A_3057, %get3A_3058, %get3A_3059] : memref<1x232x32xf32, #tpu.memory_space<vmem>>, vector<1x1x32xf32>
      %get3A_3061 = vector.shape_cast %get3A_3060 : vector<1x1x32xf32> to vector<1x32xf32>
      %mul3A_3062 = vector.broadcast %get3A_3061 : vector<1x32xf32> to vector<32x32xf32>
      %mul3A_3063 = arith.mulf %max3A_2516, %mul3A_3062 : vector<32x32xf32>
      %reduce_sum3A_3064 = arith.constant dense<0.000000e+00> : vector<32xf32>
      %reduce_sum3A_3065 = vector.multi_reduction <add>, %mul3A_3063, %reduce_sum3A_3064 [1] : vector<32x32xf32> to vector<32xf32>
      %broadcast_in_dim3A_3066 = vector.shape_cast %reduce_sum3A_3065 : vector<32xf32> to vector<32x1xf32>
      %get3A_3067 = arith.constant 0 : index
      %get3A_3068 = arith.constant 225 : index
      %get3A_3069 = arith.constant 0 : index
      %get3A_3070 = vector.load %arg10[%get3A_3067, %get3A_3068, %get3A_3069] : memref<1x232x32xf32, #tpu.memory_space<vmem>>, vector<1x1x1xf32>
      %get3A_3071 = vector.shape_cast %get3A_3070 : vector<1x1x1xf32> to vector<1x1xf32>
      %add3A_3072 = vector.broadcast %get3A_3071 : vector<1x1xf32> to vector<32x1xf32>
      %add3A_3073 = arith.addf %broadcast_in_dim3A_3066, %add3A_3072 : vector<32x1xf32>
      %max3A_3074 = arith.constant 0.000000e+00 : f32
      %max3A_3075 = vector.broadcast %max3A_3074 : f32 to vector<32x1xf32>
      %max3A_3076 = arith.maximumf %add3A_3073, %max3A_3075 : vector<32x1xf32>
      %get3A_3077 = arith.constant 0 : index
      %get3A_3078 = arith.constant 224 : index
      %get3A_3079 = arith.constant 0 : index
      %get3A_3080 = vector.load %arg11[%get3A_3077, %get3A_3078, %get3A_3079] : memref<1x232x32xf32, #tpu.memory_space<vmem>>, vector<1x1x32xf32>
      %get3A_3081 = vector.shape_cast %get3A_3080 : vector<1x1x32xf32> to vector<1x32xf32>
      %mul3A_3082 = vector.broadcast %get3A_3081 : vector<1x32xf32> to vector<32x32xf32>
      %mul3A_3083 = arith.mulf %max3A_2533, %mul3A_3082 : vector<32x32xf32>
      %reduce_sum3A_3084 = arith.constant dense<0.000000e+00> : vector<32xf32>
      %reduce_sum3A_3085 = vector.multi_reduction <add>, %mul3A_3083, %reduce_sum3A_3084 [1] : vector<32x32xf32> to vector<32xf32>
      %broadcast_in_dim3A_3086 = vector.shape_cast %reduce_sum3A_3085 : vector<32xf32> to vector<32x1xf32>
      %get3A_3087 = arith.constant 0 : index
      %get3A_3088 = arith.constant 225 : index
      %get3A_3089 = arith.constant 0 : index
      %get3A_3090 = vector.load %arg11[%get3A_3087, %get3A_3088, %get3A_3089] : memref<1x232x32xf32, #tpu.memory_space<vmem>>, vector<1x1x1xf32>
      %get3A_3091 = vector.shape_cast %get3A_3090 : vector<1x1x1xf32> to vector<1x1xf32>
      %add3A_3092 = vector.broadcast %get3A_3091 : vector<1x1xf32> to vector<32x1xf32>
      %add3A_3093 = arith.addf %broadcast_in_dim3A_3086, %add3A_3092 : vector<32x1xf32>
      %max3A_3094 = arith.constant 0.000000e+00 : f32
      %max3A_3095 = vector.broadcast %max3A_3094 : f32 to vector<32x1xf32>
      %max3A_3096 = arith.maximumf %add3A_3093, %max3A_3095 : vector<32x1xf32>
      %get3A_3097 = arith.constant 0 : index
      %get3A_3098 = arith.constant 224 : index
      %get3A_3099 = arith.constant 0 : index
      %get3A_3100 = vector.load %arg12[%get3A_3097, %get3A_3098, %get3A_3099] : memref<1x232x32xf32, #tpu.memory_space<vmem>>, vector<1x1x32xf32>
      %get3A_3101 = vector.shape_cast %get3A_3100 : vector<1x1x32xf32> to vector<1x32xf32>
      %mul3A_3102 = vector.broadcast %get3A_3101 : vector<1x32xf32> to vector<32x32xf32>
      %mul3A_3103 = arith.mulf %max3A_2550, %mul3A_3102 : vector<32x32xf32>
      %reduce_sum3A_3104 = arith.constant dense<0.000000e+00> : vector<32xf32>
      %reduce_sum3A_3105 = vector.multi_reduction <add>, %mul3A_3103, %reduce_sum3A_3104 [1] : vector<32x32xf32> to vector<32xf32>
      %broadcast_in_dim3A_3106 = vector.shape_cast %reduce_sum3A_3105 : vector<32xf32> to vector<32x1xf32>
      %get3A_3107 = arith.constant 0 : index
      %get3A_3108 = arith.constant 225 : index
      %get3A_3109 = arith.constant 0 : index
      %get3A_3110 = vector.load %arg12[%get3A_3107, %get3A_3108, %get3A_3109] : memref<1x232x32xf32, #tpu.memory_space<vmem>>, vector<1x1x1xf32>
      %get3A_3111 = vector.shape_cast %get3A_3110 : vector<1x1x1xf32> to vector<1x1xf32>
      %add3A_3112 = vector.broadcast %get3A_3111 : vector<1x1xf32> to vector<32x1xf32>
      %add3A_3113 = arith.addf %broadcast_in_dim3A_3106, %add3A_3112 : vector<32x1xf32>
      %max3A_3114 = arith.constant 0.000000e+00 : f32
      %max3A_3115 = vector.broadcast %max3A_3114 : f32 to vector<32x1xf32>
      %max3A_3116 = arith.maximumf %add3A_3113, %max3A_3115 : vector<32x1xf32>
      %get3A_3117 = arith.constant 0 : index
      %get3A_3118 = arith.constant 224 : index
      %get3A_3119 = arith.constant 0 : index
      %get3A_3120 = vector.load %arg13[%get3A_3117, %get3A_3118, %get3A_3119] : memref<1x232x32xf32, #tpu.memory_space<vmem>>, vector<1x1x32xf32>
      %get3A_3121 = vector.shape_cast %get3A_3120 : vector<1x1x32xf32> to vector<1x32xf32>
      %mul3A_3122 = vector.broadcast %get3A_3121 : vector<1x32xf32> to vector<32x32xf32>
      %mul3A_3123 = arith.mulf %max3A_2567, %mul3A_3122 : vector<32x32xf32>
      %reduce_sum3A_3124 = arith.constant dense<0.000000e+00> : vector<32xf32>
      %reduce_sum3A_3125 = vector.multi_reduction <add>, %mul3A_3123, %reduce_sum3A_3124 [1] : vector<32x32xf32> to vector<32xf32>
      %broadcast_in_dim3A_3126 = vector.shape_cast %reduce_sum3A_3125 : vector<32xf32> to vector<32x1xf32>
      %get3A_3127 = arith.constant 0 : index
      %get3A_3128 = arith.constant 225 : index
      %get3A_3129 = arith.constant 0 : index
      %get3A_3130 = vector.load %arg13[%get3A_3127, %get3A_3128, %get3A_3129] : memref<1x232x32xf32, #tpu.memory_space<vmem>>, vector<1x1x1xf32>
      %get3A_3131 = vector.shape_cast %get3A_3130 : vector<1x1x1xf32> to vector<1x1xf32>
      %add3A_3132 = vector.broadcast %get3A_3131 : vector<1x1xf32> to vector<32x1xf32>
      %add3A_3133 = arith.addf %broadcast_in_dim3A_3126, %add3A_3132 : vector<32x1xf32>
      %max3A_3134 = arith.constant 0.000000e+00 : f32
      %max3A_3135 = vector.broadcast %max3A_3134 : f32 to vector<32x1xf32>
      %max3A_3136 = arith.maximumf %add3A_3133, %max3A_3135 : vector<32x1xf32>
      %get3A_3137 = arith.constant 0 : index
      %get3A_3138 = arith.constant 224 : index
      %get3A_3139 = arith.constant 0 : index
      %get3A_3140 = vector.load %arg14[%get3A_3137, %get3A_3138, %get3A_3139] : memref<1x232x32xf32, #tpu.memory_space<vmem>>, vector<1x1x32xf32>
      %get3A_3141 = vector.shape_cast %get3A_3140 : vector<1x1x32xf32> to vector<1x32xf32>
      %mul3A_3142 = vector.broadcast %get3A_3141 : vector<1x32xf32> to vector<32x32xf32>
      %mul3A_3143 = arith.mulf %max3A_2584, %mul3A_3142 : vector<32x32xf32>
      %reduce_sum3A_3144 = arith.constant dense<0.000000e+00> : vector<32xf32>
      %reduce_sum3A_3145 = vector.multi_reduction <add>, %mul3A_3143, %reduce_sum3A_3144 [1] : vector<32x32xf32> to vector<32xf32>
      %broadcast_in_dim3A_3146 = vector.shape_cast %reduce_sum3A_3145 : vector<32xf32> to vector<32x1xf32>
      %get3A_3147 = arith.constant 0 : index
      %get3A_3148 = arith.constant 225 : index
      %get3A_3149 = arith.constant 0 : index
      %get3A_3150 = vector.load %arg14[%get3A_3147, %get3A_3148, %get3A_3149] : memref<1x232x32xf32, #tpu.memory_space<vmem>>, vector<1x1x1xf32>
      %get3A_3151 = vector.shape_cast %get3A_3150 : vector<1x1x1xf32> to vector<1x1xf32>
      %add3A_3152 = vector.broadcast %get3A_3151 : vector<1x1xf32> to vector<32x1xf32>
      %add3A_3153 = arith.addf %broadcast_in_dim3A_3146, %add3A_3152 : vector<32x1xf32>
      %max3A_3154 = arith.constant 0.000000e+00 : f32
      %max3A_3155 = vector.broadcast %max3A_3154 : f32 to vector<32x1xf32>
      %max3A_3156 = arith.maximumf %add3A_3153, %max3A_3155 : vector<32x1xf32>
      %get3A_3157 = arith.constant 0 : index
      %get3A_3158 = arith.constant 224 : index
      %get3A_3159 = arith.constant 0 : index
      %get3A_3160 = vector.load %arg15[%get3A_3157, %get3A_3158, %get3A_3159] : memref<1x232x32xf32, #tpu.memory_space<vmem>>, vector<1x1x32xf32>
      %get3A_3161 = vector.shape_cast %get3A_3160 : vector<1x1x32xf32> to vector<1x32xf32>
      %mul3A_3162 = vector.broadcast %get3A_3161 : vector<1x32xf32> to vector<32x32xf32>
      %mul3A_3163 = arith.mulf %max3A_2601, %mul3A_3162 : vector<32x32xf32>
      %reduce_sum3A_3164 = arith.constant dense<0.000000e+00> : vector<32xf32>
      %reduce_sum3A_3165 = vector.multi_reduction <add>, %mul3A_3163, %reduce_sum3A_3164 [1] : vector<32x32xf32> to vector<32xf32>
      %broadcast_in_dim3A_3166 = vector.shape_cast %reduce_sum3A_3165 : vector<32xf32> to vector<32x1xf32>
      %get3A_3167 = arith.constant 0 : index
      %get3A_3168 = arith.constant 225 : index
      %get3A_3169 = arith.constant 0 : index
      %get3A_3170 = vector.load %arg15[%get3A_3167, %get3A_3168, %get3A_3169] : memref<1x232x32xf32, #tpu.memory_space<vmem>>, vector<1x1x1xf32>
      %get3A_3171 = vector.shape_cast %get3A_3170 : vector<1x1x1xf32> to vector<1x1xf32>
      %add3A_3172 = vector.broadcast %get3A_3171 : vector<1x1xf32> to vector<32x1xf32>
      %add3A_3173 = arith.addf %broadcast_in_dim3A_3166, %add3A_3172 : vector<32x1xf32>
      %max3A_3174 = arith.constant 0.000000e+00 : f32
      %max3A_3175 = vector.broadcast %max3A_3174 : f32 to vector<32x1xf32>
      %max3A_3176 = arith.maximumf %add3A_3173, %max3A_3175 : vector<32x1xf32>
      %get3A_3177 = arith.constant 0 : index
      %get3A_3178 = arith.constant 224 : index
      %get3A_3179 = arith.constant 0 : index
      %get3A_3180 = vector.load %arg16[%get3A_3177, %get3A_3178, %get3A_3179] : memref<1x232x32xf32, #tpu.memory_space<vmem>>, vector<1x1x32xf32>
      %get3A_3181 = vector.shape_cast %get3A_3180 : vector<1x1x32xf32> to vector<1x32xf32>
      %mul3A_3182 = vector.broadcast %get3A_3181 : vector<1x32xf32> to vector<32x32xf32>
      %mul3A_3183 = arith.mulf %max3A_2618, %mul3A_3182 : vector<32x32xf32>
      %reduce_sum3A_3184 = arith.constant dense<0.000000e+00> : vector<32xf32>
      %reduce_sum3A_3185 = vector.multi_reduction <add>, %mul3A_3183, %reduce_sum3A_3184 [1] : vector<32x32xf32> to vector<32xf32>
      %broadcast_in_dim3A_3186 = vector.shape_cast %reduce_sum3A_3185 : vector<32xf32> to vector<32x1xf32>
      %get3A_3187 = arith.constant 0 : index
      %get3A_3188 = arith.constant 225 : index
      %get3A_3189 = arith.constant 0 : index
      %get3A_3190 = vector.load %arg16[%get3A_3187, %get3A_3188, %get3A_3189] : memref<1x232x32xf32, #tpu.memory_space<vmem>>, vector<1x1x1xf32>
      %get3A_3191 = vector.shape_cast %get3A_3190 : vector<1x1x1xf32> to vector<1x1xf32>
      %add3A_3192 = vector.broadcast %get3A_3191 : vector<1x1xf32> to vector<32x1xf32>
      %add3A_3193 = arith.addf %broadcast_in_dim3A_3186, %add3A_3192 : vector<32x1xf32>
      %max3A_3194 = arith.constant 0.000000e+00 : f32
      %max3A_3195 = vector.broadcast %max3A_3194 : f32 to vector<32x1xf32>
      %max3A_3196 = arith.maximumf %add3A_3193, %max3A_3195 : vector<32x1xf32>
      %get3A_3197 = arith.constant 0 : index
      %get3A_3198 = arith.constant 224 : index
      %get3A_3199 = arith.constant 0 : index
      %get3A_3200 = vector.load %arg17[%get3A_3197, %get3A_3198, %get3A_3199] : memref<1x232x32xf32, #tpu.memory_space<vmem>>, vector<1x1x32xf32>
      %get3A_3201 = vector.shape_cast %get3A_3200 : vector<1x1x32xf32> to vector<1x32xf32>
      %mul3A_3202 = vector.broadcast %get3A_3201 : vector<1x32xf32> to vector<32x32xf32>
      %mul3A_3203 = arith.mulf %max3A_2635, %mul3A_3202 : vector<32x32xf32>
      %reduce_sum3A_3204 = arith.constant dense<0.000000e+00> : vector<32xf32>
      %reduce_sum3A_3205 = vector.multi_reduction <add>, %mul3A_3203, %reduce_sum3A_3204 [1] : vector<32x32xf32> to vector<32xf32>
      %broadcast_in_dim3A_3206 = vector.shape_cast %reduce_sum3A_3205 : vector<32xf32> to vector<32x1xf32>
      %get3A_3207 = arith.constant 0 : index
      %get3A_3208 = arith.constant 225 : index
      %get3A_3209 = arith.constant 0 : index
      %get3A_3210 = vector.load %arg17[%get3A_3207, %get3A_3208, %get3A_3209] : memref<1x232x32xf32, #tpu.memory_space<vmem>>, vector<1x1x1xf32>
      %get3A_3211 = vector.shape_cast %get3A_3210 : vector<1x1x1xf32> to vector<1x1xf32>
      %add3A_3212 = vector.broadcast %get3A_3211 : vector<1x1xf32> to vector<32x1xf32>
      %add3A_3213 = arith.addf %broadcast_in_dim3A_3206, %add3A_3212 : vector<32x1xf32>
      %max3A_3214 = arith.constant 0.000000e+00 : f32
      %max3A_3215 = vector.broadcast %max3A_3214 : f32 to vector<32x1xf32>
      %max3A_3216 = arith.maximumf %add3A_3213, %max3A_3215 : vector<32x1xf32>
      %get3A_3217 = arith.constant 0 : index
      %get3A_3218 = arith.constant 224 : index
      %get3A_3219 = arith.constant 0 : index
      %get3A_3220 = vector.load %arg18[%get3A_3217, %get3A_3218, %get3A_3219] : memref<1x232x32xf32, #tpu.memory_space<vmem>>, vector<1x1x32xf32>
      %get3A_3221 = vector.shape_cast %get3A_3220 : vector<1x1x32xf32> to vector<1x32xf32>
      %mul3A_3222 = vector.broadcast %get3A_3221 : vector<1x32xf32> to vector<32x32xf32>
      %mul3A_3223 = arith.mulf %max3A_2652, %mul3A_3222 : vector<32x32xf32>
      %reduce_sum3A_3224 = arith.constant dense<0.000000e+00> : vector<32xf32>
      %reduce_sum3A_3225 = vector.multi_reduction <add>, %mul3A_3223, %reduce_sum3A_3224 [1] : vector<32x32xf32> to vector<32xf32>
      %broadcast_in_dim3A_3226 = vector.shape_cast %reduce_sum3A_3225 : vector<32xf32> to vector<32x1xf32>
      %get3A_3227 = arith.constant 0 : index
      %get3A_3228 = arith.constant 225 : index
      %get3A_3229 = arith.constant 0 : index
      %get3A_3230 = vector.load %arg18[%get3A_3227, %get3A_3228, %get3A_3229] : memref<1x232x32xf32, #tpu.memory_space<vmem>>, vector<1x1x1xf32>
      %get3A_3231 = vector.shape_cast %get3A_3230 : vector<1x1x1xf32> to vector<1x1xf32>
      %add3A_3232 = vector.broadcast %get3A_3231 : vector<1x1xf32> to vector<32x1xf32>
      %add3A_3233 = arith.addf %broadcast_in_dim3A_3226, %add3A_3232 : vector<32x1xf32>
      %max3A_3234 = arith.constant 0.000000e+00 : f32
      %max3A_3235 = vector.broadcast %max3A_3234 : f32 to vector<32x1xf32>
      %max3A_3236 = arith.maximumf %add3A_3233, %max3A_3235 : vector<32x1xf32>
      %get3A_3237 = arith.constant 0 : index
      %get3A_3238 = arith.constant 224 : index
      %get3A_3239 = arith.constant 0 : index
      %get3A_3240 = vector.load %arg19[%get3A_3237, %get3A_3238, %get3A_3239] : memref<1x232x32xf32, #tpu.memory_space<vmem>>, vector<1x1x32xf32>
      %get3A_3241 = vector.shape_cast %get3A_3240 : vector<1x1x32xf32> to vector<1x32xf32>
      %mul3A_3242 = vector.broadcast %get3A_3241 : vector<1x32xf32> to vector<32x32xf32>
      %mul3A_3243 = arith.mulf %max3A_2669, %mul3A_3242 : vector<32x32xf32>
      %reduce_sum3A_3244 = arith.constant dense<0.000000e+00> : vector<32xf32>
      %reduce_sum3A_3245 = vector.multi_reduction <add>, %mul3A_3243, %reduce_sum3A_3244 [1] : vector<32x32xf32> to vector<32xf32>
      %broadcast_in_dim3A_3246 = vector.shape_cast %reduce_sum3A_3245 : vector<32xf32> to vector<32x1xf32>
      %get3A_3247 = arith.constant 0 : index
      %get3A_3248 = arith.constant 225 : index
      %get3A_3249 = arith.constant 0 : index
      %get3A_3250 = vector.load %arg19[%get3A_3247, %get3A_3248, %get3A_3249] : memref<1x232x32xf32, #tpu.memory_space<vmem>>, vector<1x1x1xf32>
      %get3A_3251 = vector.shape_cast %get3A_3250 : vector<1x1x1xf32> to vector<1x1xf32>
      %add3A_3252 = vector.broadcast %get3A_3251 : vector<1x1xf32> to vector<32x1xf32>
      %add3A_3253 = arith.addf %broadcast_in_dim3A_3246, %add3A_3252 : vector<32x1xf32>
      %max3A_3254 = arith.constant 0.000000e+00 : f32
      %max3A_3255 = vector.broadcast %max3A_3254 : f32 to vector<32x1xf32>
      %max3A_3256 = arith.maximumf %add3A_3253, %max3A_3255 : vector<32x1xf32>
      %get3A_3257 = arith.constant 0 : index
      %get3A_3258 = arith.constant 224 : index
      %get3A_3259 = arith.constant 0 : index
      %get3A_3260 = vector.load %arg20[%get3A_3257, %get3A_3258, %get3A_3259] : memref<1x232x32xf32, #tpu.memory_space<vmem>>, vector<1x1x32xf32>
      %get3A_3261 = vector.shape_cast %get3A_3260 : vector<1x1x32xf32> to vector<1x32xf32>
      %mul3A_3262 = vector.broadcast %get3A_3261 : vector<1x32xf32> to vector<32x32xf32>
      %mul3A_3263 = arith.mulf %max3A_2686, %mul3A_3262 : vector<32x32xf32>
      %reduce_sum3A_3264 = arith.constant dense<0.000000e+00> : vector<32xf32>
      %reduce_sum3A_3265 = vector.multi_reduction <add>, %mul3A_3263, %reduce_sum3A_3264 [1] : vector<32x32xf32> to vector<32xf32>
      %broadcast_in_dim3A_3266 = vector.shape_cast %reduce_sum3A_3265 : vector<32xf32> to vector<32x1xf32>
      %get3A_3267 = arith.constant 0 : index
      %get3A_3268 = arith.constant 225 : index
      %get3A_3269 = arith.constant 0 : index
      %get3A_3270 = vector.load %arg20[%get3A_3267, %get3A_3268, %get3A_3269] : memref<1x232x32xf32, #tpu.memory_space<vmem>>, vector<1x1x1xf32>
      %get3A_3271 = vector.shape_cast %get3A_3270 : vector<1x1x1xf32> to vector<1x1xf32>
      %add3A_3272 = vector.broadcast %get3A_3271 : vector<1x1xf32> to vector<32x1xf32>
      %add3A_3273 = arith.addf %broadcast_in_dim3A_3266, %add3A_3272 : vector<32x1xf32>
      %max3A_3274 = arith.constant 0.000000e+00 : f32
      %max3A_3275 = vector.broadcast %max3A_3274 : f32 to vector<32x1xf32>
      %max3A_3276 = arith.maximumf %add3A_3273, %max3A_3275 : vector<32x1xf32>
      %get3A_3277 = arith.constant 0 : index
      %get3A_3278 = arith.constant 98 : index
      %get3A_3279 = arith.constant 0 : index
      %get3A_3280 = vector.load %arg5[%get3A_3277, %get3A_3278, %get3A_3279] : memref<1x232x32xf32, #tpu.memory_space<vmem>>, vector<1x32x32xf32>
      %get3A_3281 = vector.shape_cast %get3A_3280 : vector<1x32x32xf32> to vector<32x32xf32>
      %dot_general3A_3282 = arith.constant dense<0.000000e+00> : vector<32x32xf32>
      %dot_general3A_3283 = tpu.matmul %max3A_2703, %get3A_3281, %dot_general3A_3282 {dimension_numbers = #tpu.dot_dimension_numbers<[1], [0], [0], [1], [0, 0, 1, 1], [], []>, precision = #tpu.contract_precision<fp32>, transpose_lhs_hint = false} : vector<32x32xf32>, vector<32x32xf32>, vector<32x32xf32> -> vector<32x32xf32>
      %get3A_3284 = arith.constant 0 : index
      %get3A_3285 = arith.constant 130 : index
      %get3A_3286 = arith.constant 0 : index
      %get3A_3287 = vector.load %arg5[%get3A_3284, %get3A_3285, %get3A_3286] : memref<1x232x32xf32, #tpu.memory_space<vmem>>, vector<1x1x32xf32>
      %get3A_3288 = vector.shape_cast %get3A_3287 : vector<1x1x32xf32> to vector<1x32xf32>
      %add3A_3289 = vector.broadcast %get3A_3288 : vector<1x32xf32> to vector<32x32xf32>
      %add3A_3290 = arith.addf %dot_general3A_3283, %add3A_3289 : vector<32x32xf32>
      %get3A_3291 = arith.constant 0 : index
      %get3A_3292 = arith.constant 98 : index
      %get3A_3293 = arith.constant 0 : index
      %get3A_3294 = vector.load %arg6[%get3A_3291, %get3A_3292, %get3A_3293] : memref<1x232x32xf32, #tpu.memory_space<vmem>>, vector<1x32x32xf32>
      %get3A_3295 = vector.shape_cast %get3A_3294 : vector<1x32x32xf32> to vector<32x32xf32>
      %dot_general3A_3296 = arith.constant dense<0.000000e+00> : vector<32x32xf32>
      %dot_general3A_3297 = tpu.matmul %max3A_2720, %get3A_3295, %dot_general3A_3296 {dimension_numbers = #tpu.dot_dimension_numbers<[1], [0], [0], [1], [0, 0, 1, 1], [], []>, precision = #tpu.contract_precision<fp32>, transpose_lhs_hint = false} : vector<32x32xf32>, vector<32x32xf32>, vector<32x32xf32> -> vector<32x32xf32>
      %get3A_3298 = arith.constant 0 : index
      %get3A_3299 = arith.constant 130 : index
      %get3A_3300 = arith.constant 0 : index
      %get3A_3301 = vector.load %arg6[%get3A_3298, %get3A_3299, %get3A_3300] : memref<1x232x32xf32, #tpu.memory_space<vmem>>, vector<1x1x32xf32>
      %get3A_3302 = vector.shape_cast %get3A_3301 : vector<1x1x32xf32> to vector<1x32xf32>
      %add3A_3303 = vector.broadcast %get3A_3302 : vector<1x32xf32> to vector<32x32xf32>
      %add3A_3304 = arith.addf %dot_general3A_3297, %add3A_3303 : vector<32x32xf32>
      %get3A_3305 = arith.constant 0 : index
      %get3A_3306 = arith.constant 98 : index
      %get3A_3307 = arith.constant 0 : index
      %get3A_3308 = vector.load %arg7[%get3A_3305, %get3A_3306, %get3A_3307] : memref<1x232x32xf32, #tpu.memory_space<vmem>>, vector<1x32x32xf32>
      %get3A_3309 = vector.shape_cast %get3A_3308 : vector<1x32x32xf32> to vector<32x32xf32>
      %dot_general3A_3310 = arith.constant dense<0.000000e+00> : vector<32x32xf32>
      %dot_general3A_3311 = tpu.matmul %max3A_2737, %get3A_3309, %dot_general3A_3310 {dimension_numbers = #tpu.dot_dimension_numbers<[1], [0], [0], [1], [0, 0, 1, 1], [], []>, precision = #tpu.contract_precision<fp32>, transpose_lhs_hint = false} : vector<32x32xf32>, vector<32x32xf32>, vector<32x32xf32> -> vector<32x32xf32>
      %get3A_3312 = arith.constant 0 : index
      %get3A_3313 = arith.constant 130 : index
      %get3A_3314 = arith.constant 0 : index
      %get3A_3315 = vector.load %arg7[%get3A_3312, %get3A_3313, %get3A_3314] : memref<1x232x32xf32, #tpu.memory_space<vmem>>, vector<1x1x32xf32>
      %get3A_3316 = vector.shape_cast %get3A_3315 : vector<1x1x32xf32> to vector<1x32xf32>
      %add3A_3317 = vector.broadcast %get3A_3316 : vector<1x32xf32> to vector<32x32xf32>
      %add3A_3318 = arith.addf %dot_general3A_3311, %add3A_3317 : vector<32x32xf32>
      %get3A_3319 = arith.constant 0 : index
      %get3A_3320 = arith.constant 98 : index
      %get3A_3321 = arith.constant 0 : index
      %get3A_3322 = vector.load %arg8[%get3A_3319, %get3A_3320, %get3A_3321] : memref<1x232x32xf32, #tpu.memory_space<vmem>>, vector<1x32x32xf32>
      %get3A_3323 = vector.shape_cast %get3A_3322 : vector<1x32x32xf32> to vector<32x32xf32>
      %dot_general3A_3324 = arith.constant dense<0.000000e+00> : vector<32x32xf32>
      %dot_general3A_3325 = tpu.matmul %max3A_2754, %get3A_3323, %dot_general3A_3324 {dimension_numbers = #tpu.dot_dimension_numbers<[1], [0], [0], [1], [0, 0, 1, 1], [], []>, precision = #tpu.contract_precision<fp32>, transpose_lhs_hint = false} : vector<32x32xf32>, vector<32x32xf32>, vector<32x32xf32> -> vector<32x32xf32>
      %get3A_3326 = arith.constant 0 : index
      %get3A_3327 = arith.constant 130 : index
      %get3A_3328 = arith.constant 0 : index
      %get3A_3329 = vector.load %arg8[%get3A_3326, %get3A_3327, %get3A_3328] : memref<1x232x32xf32, #tpu.memory_space<vmem>>, vector<1x1x32xf32>
      %get3A_3330 = vector.shape_cast %get3A_3329 : vector<1x1x32xf32> to vector<1x32xf32>
      %add3A_3331 = vector.broadcast %get3A_3330 : vector<1x32xf32> to vector<32x32xf32>
      %add3A_3332 = arith.addf %dot_general3A_3325, %add3A_3331 : vector<32x32xf32>
      %get3A_3333 = arith.constant 0 : index
      %get3A_3334 = arith.constant 98 : index
      %get3A_3335 = arith.constant 0 : index
      %get3A_3336 = vector.load %arg9[%get3A_3333, %get3A_3334, %get3A_3335] : memref<1x232x32xf32, #tpu.memory_space<vmem>>, vector<1x32x32xf32>
      %get3A_3337 = vector.shape_cast %get3A_3336 : vector<1x32x32xf32> to vector<32x32xf32>
      %dot_general3A_3338 = arith.constant dense<0.000000e+00> : vector<32x32xf32>
      %dot_general3A_3339 = tpu.matmul %max3A_2771, %get3A_3337, %dot_general3A_3338 {dimension_numbers = #tpu.dot_dimension_numbers<[1], [0], [0], [1], [0, 0, 1, 1], [], []>, precision = #tpu.contract_precision<fp32>, transpose_lhs_hint = false} : vector<32x32xf32>, vector<32x32xf32>, vector<32x32xf32> -> vector<32x32xf32>
      %get3A_3340 = arith.constant 0 : index
      %get3A_3341 = arith.constant 130 : index
      %get3A_3342 = arith.constant 0 : index
      %get3A_3343 = vector.load %arg9[%get3A_3340, %get3A_3341, %get3A_3342] : memref<1x232x32xf32, #tpu.memory_space<vmem>>, vector<1x1x32xf32>
      %get3A_3344 = vector.shape_cast %get3A_3343 : vector<1x1x32xf32> to vector<1x32xf32>
      %add3A_3345 = vector.broadcast %get3A_3344 : vector<1x32xf32> to vector<32x32xf32>
      %add3A_3346 = arith.addf %dot_general3A_3339, %add3A_3345 : vector<32x32xf32>
      %get3A_3347 = arith.constant 0 : index
      %get3A_3348 = arith.constant 98 : index
      %get3A_3349 = arith.constant 0 : index
      %get3A_3350 = vector.load %arg10[%get3A_3347, %get3A_3348, %get3A_3349] : memref<1x232x32xf32, #tpu.memory_space<vmem>>, vector<1x32x32xf32>
      %get3A_3351 = vector.shape_cast %get3A_3350 : vector<1x32x32xf32> to vector<32x32xf32>
      %dot_general3A_3352 = arith.constant dense<0.000000e+00> : vector<32x32xf32>
      %dot_general3A_3353 = tpu.matmul %max3A_2788, %get3A_3351, %dot_general3A_3352 {dimension_numbers = #tpu.dot_dimension_numbers<[1], [0], [0], [1], [0, 0, 1, 1], [], []>, precision = #tpu.contract_precision<fp32>, transpose_lhs_hint = false} : vector<32x32xf32>, vector<32x32xf32>, vector<32x32xf32> -> vector<32x32xf32>
      %get3A_3354 = arith.constant 0 : index
      %get3A_3355 = arith.constant 130 : index
      %get3A_3356 = arith.constant 0 : index
      %get3A_3357 = vector.load %arg10[%get3A_3354, %get3A_3355, %get3A_3356] : memref<1x232x32xf32, #tpu.memory_space<vmem>>, vector<1x1x32xf32>
      %get3A_3358 = vector.shape_cast %get3A_3357 : vector<1x1x32xf32> to vector<1x32xf32>
      %add3A_3359 = vector.broadcast %get3A_3358 : vector<1x32xf32> to vector<32x32xf32>
      %add3A_3360 = arith.addf %dot_general3A_3353, %add3A_3359 : vector<32x32xf32>
      %get3A_3361 = arith.constant 0 : index
      %get3A_3362 = arith.constant 98 : index
      %get3A_3363 = arith.constant 0 : index
      %get3A_3364 = vector.load %arg11[%get3A_3361, %get3A_3362, %get3A_3363] : memref<1x232x32xf32, #tpu.memory_space<vmem>>, vector<1x32x32xf32>
      %get3A_3365 = vector.shape_cast %get3A_3364 : vector<1x32x32xf32> to vector<32x32xf32>
      %dot_general3A_3366 = arith.constant dense<0.000000e+00> : vector<32x32xf32>
      %dot_general3A_3367 = tpu.matmul %max3A_2805, %get3A_3365, %dot_general3A_3366 {dimension_numbers = #tpu.dot_dimension_numbers<[1], [0], [0], [1], [0, 0, 1, 1], [], []>, precision = #tpu.contract_precision<fp32>, transpose_lhs_hint = false} : vector<32x32xf32>, vector<32x32xf32>, vector<32x32xf32> -> vector<32x32xf32>
      %get3A_3368 = arith.constant 0 : index
      %get3A_3369 = arith.constant 130 : index
      %get3A_3370 = arith.constant 0 : index
      %get3A_3371 = vector.load %arg11[%get3A_3368, %get3A_3369, %get3A_3370] : memref<1x232x32xf32, #tpu.memory_space<vmem>>, vector<1x1x32xf32>
      %get3A_3372 = vector.shape_cast %get3A_3371 : vector<1x1x32xf32> to vector<1x32xf32>
      %add3A_3373 = vector.broadcast %get3A_3372 : vector<1x32xf32> to vector<32x32xf32>
      %add3A_3374 = arith.addf %dot_general3A_3367, %add3A_3373 : vector<32x32xf32>
      %get3A_3375 = arith.constant 0 : index
      %get3A_3376 = arith.constant 98 : index
      %get3A_3377 = arith.constant 0 : index
      %get3A_3378 = vector.load %arg12[%get3A_3375, %get3A_3376, %get3A_3377] : memref<1x232x32xf32, #tpu.memory_space<vmem>>, vector<1x32x32xf32>
      %get3A_3379 = vector.shape_cast %get3A_3378 : vector<1x32x32xf32> to vector<32x32xf32>
      %dot_general3A_3380 = arith.constant dense<0.000000e+00> : vector<32x32xf32>
      %dot_general3A_3381 = tpu.matmul %max3A_2822, %get3A_3379, %dot_general3A_3380 {dimension_numbers = #tpu.dot_dimension_numbers<[1], [0], [0], [1], [0, 0, 1, 1], [], []>, precision = #tpu.contract_precision<fp32>, transpose_lhs_hint = false} : vector<32x32xf32>, vector<32x32xf32>, vector<32x32xf32> -> vector<32x32xf32>
      %get3A_3382 = arith.constant 0 : index
      %get3A_3383 = arith.constant 130 : index
      %get3A_3384 = arith.constant 0 : index
      %get3A_3385 = vector.load %arg12[%get3A_3382, %get3A_3383, %get3A_3384] : memref<1x232x32xf32, #tpu.memory_space<vmem>>, vector<1x1x32xf32>
      %get3A_3386 = vector.shape_cast %get3A_3385 : vector<1x1x32xf32> to vector<1x32xf32>
      %add3A_3387 = vector.broadcast %get3A_3386 : vector<1x32xf32> to vector<32x32xf32>
      %add3A_3388 = arith.addf %dot_general3A_3381, %add3A_3387 : vector<32x32xf32>
      %get3A_3389 = arith.constant 0 : index
      %get3A_3390 = arith.constant 98 : index
      %get3A_3391 = arith.constant 0 : index
      %get3A_3392 = vector.load %arg13[%get3A_3389, %get3A_3390, %get3A_3391] : memref<1x232x32xf32, #tpu.memory_space<vmem>>, vector<1x32x32xf32>
      %get3A_3393 = vector.shape_cast %get3A_3392 : vector<1x32x32xf32> to vector<32x32xf32>
      %dot_general3A_3394 = arith.constant dense<0.000000e+00> : vector<32x32xf32>
      %dot_general3A_3395 = tpu.matmul %max3A_2839, %get3A_3393, %dot_general3A_3394 {dimension_numbers = #tpu.dot_dimension_numbers<[1], [0], [0], [1], [0, 0, 1, 1], [], []>, precision = #tpu.contract_precision<fp32>, transpose_lhs_hint = false} : vector<32x32xf32>, vector<32x32xf32>, vector<32x32xf32> -> vector<32x32xf32>
      %get3A_3396 = arith.constant 0 : index
      %get3A_3397 = arith.constant 130 : index
      %get3A_3398 = arith.constant 0 : index
      %get3A_3399 = vector.load %arg13[%get3A_3396, %get3A_3397, %get3A_3398] : memref<1x232x32xf32, #tpu.memory_space<vmem>>, vector<1x1x32xf32>
      %get3A_3400 = vector.shape_cast %get3A_3399 : vector<1x1x32xf32> to vector<1x32xf32>
      %add3A_3401 = vector.broadcast %get3A_3400 : vector<1x32xf32> to vector<32x32xf32>
      %add3A_3402 = arith.addf %dot_general3A_3395, %add3A_3401 : vector<32x32xf32>
      %get3A_3403 = arith.constant 0 : index
      %get3A_3404 = arith.constant 98 : index
      %get3A_3405 = arith.constant 0 : index
      %get3A_3406 = vector.load %arg14[%get3A_3403, %get3A_3404, %get3A_3405] : memref<1x232x32xf32, #tpu.memory_space<vmem>>, vector<1x32x32xf32>
      %get3A_3407 = vector.shape_cast %get3A_3406 : vector<1x32x32xf32> to vector<32x32xf32>
      %dot_general3A_3408 = arith.constant dense<0.000000e+00> : vector<32x32xf32>
      %dot_general3A_3409 = tpu.matmul %max3A_2856, %get3A_3407, %dot_general3A_3408 {dimension_numbers = #tpu.dot_dimension_numbers<[1], [0], [0], [1], [0, 0, 1, 1], [], []>, precision = #tpu.contract_precision<fp32>, transpose_lhs_hint = false} : vector<32x32xf32>, vector<32x32xf32>, vector<32x32xf32> -> vector<32x32xf32>
      %get3A_3410 = arith.constant 0 : index
      %get3A_3411 = arith.constant 130 : index
      %get3A_3412 = arith.constant 0 : index
      %get3A_3413 = vector.load %arg14[%get3A_3410, %get3A_3411, %get3A_3412] : memref<1x232x32xf32, #tpu.memory_space<vmem>>, vector<1x1x32xf32>
      %get3A_3414 = vector.shape_cast %get3A_3413 : vector<1x1x32xf32> to vector<1x32xf32>
      %add3A_3415 = vector.broadcast %get3A_3414 : vector<1x32xf32> to vector<32x32xf32>
      %add3A_3416 = arith.addf %dot_general3A_3409, %add3A_3415 : vector<32x32xf32>
      %get3A_3417 = arith.constant 0 : index
      %get3A_3418 = arith.constant 98 : index
      %get3A_3419 = arith.constant 0 : index
      %get3A_3420 = vector.load %arg15[%get3A_3417, %get3A_3418, %get3A_3419] : memref<1x232x32xf32, #tpu.memory_space<vmem>>, vector<1x32x32xf32>
      %get3A_3421 = vector.shape_cast %get3A_3420 : vector<1x32x32xf32> to vector<32x32xf32>
      %dot_general3A_3422 = arith.constant dense<0.000000e+00> : vector<32x32xf32>
      %dot_general3A_3423 = tpu.matmul %max3A_2873, %get3A_3421, %dot_general3A_3422 {dimension_numbers = #tpu.dot_dimension_numbers<[1], [0], [0], [1], [0, 0, 1, 1], [], []>, precision = #tpu.contract_precision<fp32>, transpose_lhs_hint = false} : vector<32x32xf32>, vector<32x32xf32>, vector<32x32xf32> -> vector<32x32xf32>
      %get3A_3424 = arith.constant 0 : index
      %get3A_3425 = arith.constant 130 : index
      %get3A_3426 = arith.constant 0 : index
      %get3A_3427 = vector.load %arg15[%get3A_3424, %get3A_3425, %get3A_3426] : memref<1x232x32xf32, #tpu.memory_space<vmem>>, vector<1x1x32xf32>
      %get3A_3428 = vector.shape_cast %get3A_3427 : vector<1x1x32xf32> to vector<1x32xf32>
      %add3A_3429 = vector.broadcast %get3A_3428 : vector<1x32xf32> to vector<32x32xf32>
      %add3A_3430 = arith.addf %dot_general3A_3423, %add3A_3429 : vector<32x32xf32>
      %get3A_3431 = arith.constant 0 : index
      %get3A_3432 = arith.constant 98 : index
      %get3A_3433 = arith.constant 0 : index
      %get3A_3434 = vector.load %arg16[%get3A_3431, %get3A_3432, %get3A_3433] : memref<1x232x32xf32, #tpu.memory_space<vmem>>, vector<1x32x32xf32>
      %get3A_3435 = vector.shape_cast %get3A_3434 : vector<1x32x32xf32> to vector<32x32xf32>
      %dot_general3A_3436 = arith.constant dense<0.000000e+00> : vector<32x32xf32>
      %dot_general3A_3437 = tpu.matmul %max3A_2890, %get3A_3435, %dot_general3A_3436 {dimension_numbers = #tpu.dot_dimension_numbers<[1], [0], [0], [1], [0, 0, 1, 1], [], []>, precision = #tpu.contract_precision<fp32>, transpose_lhs_hint = false} : vector<32x32xf32>, vector<32x32xf32>, vector<32x32xf32> -> vector<32x32xf32>
      %get3A_3438 = arith.constant 0 : index
      %get3A_3439 = arith.constant 130 : index
      %get3A_3440 = arith.constant 0 : index
      %get3A_3441 = vector.load %arg16[%get3A_3438, %get3A_3439, %get3A_3440] : memref<1x232x32xf32, #tpu.memory_space<vmem>>, vector<1x1x32xf32>
      %get3A_3442 = vector.shape_cast %get3A_3441 : vector<1x1x32xf32> to vector<1x32xf32>
      %add3A_3443 = vector.broadcast %get3A_3442 : vector<1x32xf32> to vector<32x32xf32>
      %add3A_3444 = arith.addf %dot_general3A_3437, %add3A_3443 : vector<32x32xf32>
      %get3A_3445 = arith.constant 0 : index
      %get3A_3446 = arith.constant 98 : index
      %get3A_3447 = arith.constant 0 : index
      %get3A_3448 = vector.load %arg17[%get3A_3445, %get3A_3446, %get3A_3447] : memref<1x232x32xf32, #tpu.memory_space<vmem>>, vector<1x32x32xf32>
      %get3A_3449 = vector.shape_cast %get3A_3448 : vector<1x32x32xf32> to vector<32x32xf32>
      %dot_general3A_3450 = arith.constant dense<0.000000e+00> : vector<32x32xf32>
      %dot_general3A_3451 = tpu.matmul %max3A_2907, %get3A_3449, %dot_general3A_3450 {dimension_numbers = #tpu.dot_dimension_numbers<[1], [0], [0], [1], [0, 0, 1, 1], [], []>, precision = #tpu.contract_precision<fp32>, transpose_lhs_hint = false} : vector<32x32xf32>, vector<32x32xf32>, vector<32x32xf32> -> vector<32x32xf32>
      %get3A_3452 = arith.constant 0 : index
      %get3A_3453 = arith.constant 130 : index
      %get3A_3454 = arith.constant 0 : index
      %get3A_3455 = vector.load %arg17[%get3A_3452, %get3A_3453, %get3A_3454] : memref<1x232x32xf32, #tpu.memory_space<vmem>>, vector<1x1x32xf32>
      %get3A_3456 = vector.shape_cast %get3A_3455 : vector<1x1x32xf32> to vector<1x32xf32>
      %add3A_3457 = vector.broadcast %get3A_3456 : vector<1x32xf32> to vector<32x32xf32>
      %add3A_3458 = arith.addf %dot_general3A_3451, %add3A_3457 : vector<32x32xf32>
      %get3A_3459 = arith.constant 0 : index
      %get3A_3460 = arith.constant 98 : index
      %get3A_3461 = arith.constant 0 : index
      %get3A_3462 = vector.load %arg18[%get3A_3459, %get3A_3460, %get3A_3461] : memref<1x232x32xf32, #tpu.memory_space<vmem>>, vector<1x32x32xf32>
      %get3A_3463 = vector.shape_cast %get3A_3462 : vector<1x32x32xf32> to vector<32x32xf32>
      %dot_general3A_3464 = arith.constant dense<0.000000e+00> : vector<32x32xf32>
      %dot_general3A_3465 = tpu.matmul %max3A_2924, %get3A_3463, %dot_general3A_3464 {dimension_numbers = #tpu.dot_dimension_numbers<[1], [0], [0], [1], [0, 0, 1, 1], [], []>, precision = #tpu.contract_precision<fp32>, transpose_lhs_hint = false} : vector<32x32xf32>, vector<32x32xf32>, vector<32x32xf32> -> vector<32x32xf32>
      %get3A_3466 = arith.constant 0 : index
      %get3A_3467 = arith.constant 130 : index
      %get3A_3468 = arith.constant 0 : index
      %get3A_3469 = vector.load %arg18[%get3A_3466, %get3A_3467, %get3A_3468] : memref<1x232x32xf32, #tpu.memory_space<vmem>>, vector<1x1x32xf32>
      %get3A_3470 = vector.shape_cast %get3A_3469 : vector<1x1x32xf32> to vector<1x32xf32>
      %add3A_3471 = vector.broadcast %get3A_3470 : vector<1x32xf32> to vector<32x32xf32>
      %add3A_3472 = arith.addf %dot_general3A_3465, %add3A_3471 : vector<32x32xf32>
      %get3A_3473 = arith.constant 0 : index
      %get3A_3474 = arith.constant 98 : index
      %get3A_3475 = arith.constant 0 : index
      %get3A_3476 = vector.load %arg19[%get3A_3473, %get3A_3474, %get3A_3475] : memref<1x232x32xf32, #tpu.memory_space<vmem>>, vector<1x32x32xf32>
      %get3A_3477 = vector.shape_cast %get3A_3476 : vector<1x32x32xf32> to vector<32x32xf32>
      %dot_general3A_3478 = arith.constant dense<0.000000e+00> : vector<32x32xf32>
      %dot_general3A_3479 = tpu.matmul %max3A_2941, %get3A_3477, %dot_general3A_3478 {dimension_numbers = #tpu.dot_dimension_numbers<[1], [0], [0], [1], [0, 0, 1, 1], [], []>, precision = #tpu.contract_precision<fp32>, transpose_lhs_hint = false} : vector<32x32xf32>, vector<32x32xf32>, vector<32x32xf32> -> vector<32x32xf32>
      %get3A_3480 = arith.constant 0 : index
      %get3A_3481 = arith.constant 130 : index
      %get3A_3482 = arith.constant 0 : index
      %get3A_3483 = vector.load %arg19[%get3A_3480, %get3A_3481, %get3A_3482] : memref<1x232x32xf32, #tpu.memory_space<vmem>>, vector<1x1x32xf32>
      %get3A_3484 = vector.shape_cast %get3A_3483 : vector<1x1x32xf32> to vector<1x32xf32>
      %add3A_3485 = vector.broadcast %get3A_3484 : vector<1x32xf32> to vector<32x32xf32>
      %add3A_3486 = arith.addf %dot_general3A_3479, %add3A_3485 : vector<32x32xf32>
      %get3A_3487 = arith.constant 0 : index
      %get3A_3488 = arith.constant 98 : index
      %get3A_3489 = arith.constant 0 : index
      %get3A_3490 = vector.load %arg20[%get3A_3487, %get3A_3488, %get3A_3489] : memref<1x232x32xf32, #tpu.memory_space<vmem>>, vector<1x32x32xf32>
      %get3A_3491 = vector.shape_cast %get3A_3490 : vector<1x32x32xf32> to vector<32x32xf32>
      %dot_general3A_3492 = arith.constant dense<0.000000e+00> : vector<32x32xf32>
      %dot_general3A_3493 = tpu.matmul %max3A_2958, %get3A_3491, %dot_general3A_3492 {dimension_numbers = #tpu.dot_dimension_numbers<[1], [0], [0], [1], [0, 0, 1, 1], [], []>, precision = #tpu.contract_precision<fp32>, transpose_lhs_hint = false} : vector<32x32xf32>, vector<32x32xf32>, vector<32x32xf32> -> vector<32x32xf32>
      %get3A_3494 = arith.constant 0 : index
      %get3A_3495 = arith.constant 130 : index
      %get3A_3496 = arith.constant 0 : index
      %get3A_3497 = vector.load %arg20[%get3A_3494, %get3A_3495, %get3A_3496] : memref<1x232x32xf32, #tpu.memory_space<vmem>>, vector<1x1x32xf32>
      %get3A_3498 = vector.shape_cast %get3A_3497 : vector<1x1x32xf32> to vector<1x32xf32>
      %add3A_3499 = vector.broadcast %get3A_3498 : vector<1x32xf32> to vector<32x32xf32>
      %add3A_3500 = arith.addf %dot_general3A_3493, %add3A_3499 : vector<32x32xf32>
      %get3A_3501 = arith.constant 0 : index
      %get3A_3502 = arith.constant 131 : index
      %get3A_3503 = arith.constant 0 : index
      %get3A_3504 = vector.load %arg5[%get3A_3501, %get3A_3502, %get3A_3503] : memref<1x232x32xf32, #tpu.memory_space<vmem>>, vector<1x32x32xf32>
      %get3A_3505 = vector.shape_cast %get3A_3504 : vector<1x32x32xf32> to vector<32x32xf32>
      %dot_general3A_3506 = arith.constant dense<0.000000e+00> : vector<32x32xf32>
      %dot_general3A_3507 = tpu.matmul %add3A_3290, %get3A_3505, %dot_general3A_3506 {dimension_numbers = #tpu.dot_dimension_numbers<[1], [0], [0], [1], [0, 0, 1, 1], [], []>, precision = #tpu.contract_precision<fp32>, transpose_lhs_hint = false} : vector<32x32xf32>, vector<32x32xf32>, vector<32x32xf32> -> vector<32x32xf32>
      %get3A_3508 = arith.constant 0 : index
      %get3A_3509 = arith.constant 131 : index
      %get3A_3510 = arith.constant 0 : index
      %get3A_3511 = vector.load %arg6[%get3A_3508, %get3A_3509, %get3A_3510] : memref<1x232x32xf32, #tpu.memory_space<vmem>>, vector<1x32x32xf32>
      %get3A_3512 = vector.shape_cast %get3A_3511 : vector<1x32x32xf32> to vector<32x32xf32>
      %dot_general3A_3513 = arith.constant dense<0.000000e+00> : vector<32x32xf32>
      %dot_general3A_3514 = tpu.matmul %add3A_3304, %get3A_3512, %dot_general3A_3513 {dimension_numbers = #tpu.dot_dimension_numbers<[1], [0], [0], [1], [0, 0, 1, 1], [], []>, precision = #tpu.contract_precision<fp32>, transpose_lhs_hint = false} : vector<32x32xf32>, vector<32x32xf32>, vector<32x32xf32> -> vector<32x32xf32>
      %get3A_3515 = arith.constant 0 : index
      %get3A_3516 = arith.constant 131 : index
      %get3A_3517 = arith.constant 0 : index
      %get3A_3518 = vector.load %arg7[%get3A_3515, %get3A_3516, %get3A_3517] : memref<1x232x32xf32, #tpu.memory_space<vmem>>, vector<1x32x32xf32>
      %get3A_3519 = vector.shape_cast %get3A_3518 : vector<1x32x32xf32> to vector<32x32xf32>
      %dot_general3A_3520 = arith.constant dense<0.000000e+00> : vector<32x32xf32>
      %dot_general3A_3521 = tpu.matmul %add3A_3318, %get3A_3519, %dot_general3A_3520 {dimension_numbers = #tpu.dot_dimension_numbers<[1], [0], [0], [1], [0, 0, 1, 1], [], []>, precision = #tpu.contract_precision<fp32>, transpose_lhs_hint = false} : vector<32x32xf32>, vector<32x32xf32>, vector<32x32xf32> -> vector<32x32xf32>
      %get3A_3522 = arith.constant 0 : index
      %get3A_3523 = arith.constant 131 : index
      %get3A_3524 = arith.constant 0 : index
      %get3A_3525 = vector.load %arg8[%get3A_3522, %get3A_3523, %get3A_3524] : memref<1x232x32xf32, #tpu.memory_space<vmem>>, vector<1x32x32xf32>
      %get3A_3526 = vector.shape_cast %get3A_3525 : vector<1x32x32xf32> to vector<32x32xf32>
      %dot_general3A_3527 = arith.constant dense<0.000000e+00> : vector<32x32xf32>
      %dot_general3A_3528 = tpu.matmul %add3A_3332, %get3A_3526, %dot_general3A_3527 {dimension_numbers = #tpu.dot_dimension_numbers<[1], [0], [0], [1], [0, 0, 1, 1], [], []>, precision = #tpu.contract_precision<fp32>, transpose_lhs_hint = false} : vector<32x32xf32>, vector<32x32xf32>, vector<32x32xf32> -> vector<32x32xf32>
      %get3A_3529 = arith.constant 0 : index
      %get3A_3530 = arith.constant 131 : index
      %get3A_3531 = arith.constant 0 : index
      %get3A_3532 = vector.load %arg9[%get3A_3529, %get3A_3530, %get3A_3531] : memref<1x232x32xf32, #tpu.memory_space<vmem>>, vector<1x32x32xf32>
      %get3A_3533 = vector.shape_cast %get3A_3532 : vector<1x32x32xf32> to vector<32x32xf32>
      %dot_general3A_3534 = arith.constant dense<0.000000e+00> : vector<32x32xf32>
      %dot_general3A_3535 = tpu.matmul %add3A_3346, %get3A_3533, %dot_general3A_3534 {dimension_numbers = #tpu.dot_dimension_numbers<[1], [0], [0], [1], [0, 0, 1, 1], [], []>, precision = #tpu.contract_precision<fp32>, transpose_lhs_hint = false} : vector<32x32xf32>, vector<32x32xf32>, vector<32x32xf32> -> vector<32x32xf32>
      %get3A_3536 = arith.constant 0 : index
      %get3A_3537 = arith.constant 131 : index
      %get3A_3538 = arith.constant 0 : index
      %get3A_3539 = vector.load %arg10[%get3A_3536, %get3A_3537, %get3A_3538] : memref<1x232x32xf32, #tpu.memory_space<vmem>>, vector<1x32x32xf32>
      %get3A_3540 = vector.shape_cast %get3A_3539 : vector<1x32x32xf32> to vector<32x32xf32>
      %dot_general3A_3541 = arith.constant dense<0.000000e+00> : vector<32x32xf32>
      %dot_general3A_3542 = tpu.matmul %add3A_3360, %get3A_3540, %dot_general3A_3541 {dimension_numbers = #tpu.dot_dimension_numbers<[1], [0], [0], [1], [0, 0, 1, 1], [], []>, precision = #tpu.contract_precision<fp32>, transpose_lhs_hint = false} : vector<32x32xf32>, vector<32x32xf32>, vector<32x32xf32> -> vector<32x32xf32>
      %get3A_3543 = arith.constant 0 : index
      %get3A_3544 = arith.constant 131 : index
      %get3A_3545 = arith.constant 0 : index
      %get3A_3546 = vector.load %arg11[%get3A_3543, %get3A_3544, %get3A_3545] : memref<1x232x32xf32, #tpu.memory_space<vmem>>, vector<1x32x32xf32>
      %get3A_3547 = vector.shape_cast %get3A_3546 : vector<1x32x32xf32> to vector<32x32xf32>
      %dot_general3A_3548 = arith.constant dense<0.000000e+00> : vector<32x32xf32>
      %dot_general3A_3549 = tpu.matmul %add3A_3374, %get3A_3547, %dot_general3A_3548 {dimension_numbers = #tpu.dot_dimension_numbers<[1], [0], [0], [1], [0, 0, 1, 1], [], []>, precision = #tpu.contract_precision<fp32>, transpose_lhs_hint = false} : vector<32x32xf32>, vector<32x32xf32>, vector<32x32xf32> -> vector<32x32xf32>
      %get3A_3550 = arith.constant 0 : index
      %get3A_3551 = arith.constant 131 : index
      %get3A_3552 = arith.constant 0 : index
      %get3A_3553 = vector.load %arg12[%get3A_3550, %get3A_3551, %get3A_3552] : memref<1x232x32xf32, #tpu.memory_space<vmem>>, vector<1x32x32xf32>
      %get3A_3554 = vector.shape_cast %get3A_3553 : vector<1x32x32xf32> to vector<32x32xf32>
      %dot_general3A_3555 = arith.constant dense<0.000000e+00> : vector<32x32xf32>
      %dot_general3A_3556 = tpu.matmul %add3A_3388, %get3A_3554, %dot_general3A_3555 {dimension_numbers = #tpu.dot_dimension_numbers<[1], [0], [0], [1], [0, 0, 1, 1], [], []>, precision = #tpu.contract_precision<fp32>, transpose_lhs_hint = false} : vector<32x32xf32>, vector<32x32xf32>, vector<32x32xf32> -> vector<32x32xf32>
      %get3A_3557 = arith.constant 0 : index
      %get3A_3558 = arith.constant 131 : index
      %get3A_3559 = arith.constant 0 : index
      %get3A_3560 = vector.load %arg13[%get3A_3557, %get3A_3558, %get3A_3559] : memref<1x232x32xf32, #tpu.memory_space<vmem>>, vector<1x32x32xf32>
      %get3A_3561 = vector.shape_cast %get3A_3560 : vector<1x32x32xf32> to vector<32x32xf32>
      %dot_general3A_3562 = arith.constant dense<0.000000e+00> : vector<32x32xf32>
      %dot_general3A_3563 = tpu.matmul %add3A_3402, %get3A_3561, %dot_general3A_3562 {dimension_numbers = #tpu.dot_dimension_numbers<[1], [0], [0], [1], [0, 0, 1, 1], [], []>, precision = #tpu.contract_precision<fp32>, transpose_lhs_hint = false} : vector<32x32xf32>, vector<32x32xf32>, vector<32x32xf32> -> vector<32x32xf32>
      %get3A_3564 = arith.constant 0 : index
      %get3A_3565 = arith.constant 131 : index
      %get3A_3566 = arith.constant 0 : index
      %get3A_3567 = vector.load %arg14[%get3A_3564, %get3A_3565, %get3A_3566] : memref<1x232x32xf32, #tpu.memory_space<vmem>>, vector<1x32x32xf32>
      %get3A_3568 = vector.shape_cast %get3A_3567 : vector<1x32x32xf32> to vector<32x32xf32>
      %dot_general3A_3569 = arith.constant dense<0.000000e+00> : vector<32x32xf32>
      %dot_general3A_3570 = tpu.matmul %add3A_3416, %get3A_3568, %dot_general3A_3569 {dimension_numbers = #tpu.dot_dimension_numbers<[1], [0], [0], [1], [0, 0, 1, 1], [], []>, precision = #tpu.contract_precision<fp32>, transpose_lhs_hint = false} : vector<32x32xf32>, vector<32x32xf32>, vector<32x32xf32> -> vector<32x32xf32>
      %get3A_3571 = arith.constant 0 : index
      %get3A_3572 = arith.constant 131 : index
      %get3A_3573 = arith.constant 0 : index
      %get3A_3574 = vector.load %arg15[%get3A_3571, %get3A_3572, %get3A_3573] : memref<1x232x32xf32, #tpu.memory_space<vmem>>, vector<1x32x32xf32>
      %get3A_3575 = vector.shape_cast %get3A_3574 : vector<1x32x32xf32> to vector<32x32xf32>
      %dot_general3A_3576 = arith.constant dense<0.000000e+00> : vector<32x32xf32>
      %dot_general3A_3577 = tpu.matmul %add3A_3430, %get3A_3575, %dot_general3A_3576 {dimension_numbers = #tpu.dot_dimension_numbers<[1], [0], [0], [1], [0, 0, 1, 1], [], []>, precision = #tpu.contract_precision<fp32>, transpose_lhs_hint = false} : vector<32x32xf32>, vector<32x32xf32>, vector<32x32xf32> -> vector<32x32xf32>
      %get3A_3578 = arith.constant 0 : index
      %get3A_3579 = arith.constant 131 : index
      %get3A_3580 = arith.constant 0 : index
      %get3A_3581 = vector.load %arg16[%get3A_3578, %get3A_3579, %get3A_3580] : memref<1x232x32xf32, #tpu.memory_space<vmem>>, vector<1x32x32xf32>
      %get3A_3582 = vector.shape_cast %get3A_3581 : vector<1x32x32xf32> to vector<32x32xf32>
      %dot_general3A_3583 = arith.constant dense<0.000000e+00> : vector<32x32xf32>
      %dot_general3A_3584 = tpu.matmul %add3A_3444, %get3A_3582, %dot_general3A_3583 {dimension_numbers = #tpu.dot_dimension_numbers<[1], [0], [0], [1], [0, 0, 1, 1], [], []>, precision = #tpu.contract_precision<fp32>, transpose_lhs_hint = false} : vector<32x32xf32>, vector<32x32xf32>, vector<32x32xf32> -> vector<32x32xf32>
      %get3A_3585 = arith.constant 0 : index
      %get3A_3586 = arith.constant 131 : index
      %get3A_3587 = arith.constant 0 : index
      %get3A_3588 = vector.load %arg17[%get3A_3585, %get3A_3586, %get3A_3587] : memref<1x232x32xf32, #tpu.memory_space<vmem>>, vector<1x32x32xf32>
      %get3A_3589 = vector.shape_cast %get3A_3588 : vector<1x32x32xf32> to vector<32x32xf32>
      %dot_general3A_3590 = arith.constant dense<0.000000e+00> : vector<32x32xf32>
      %dot_general3A_3591 = tpu.matmul %add3A_3458, %get3A_3589, %dot_general3A_3590 {dimension_numbers = #tpu.dot_dimension_numbers<[1], [0], [0], [1], [0, 0, 1, 1], [], []>, precision = #tpu.contract_precision<fp32>, transpose_lhs_hint = false} : vector<32x32xf32>, vector<32x32xf32>, vector<32x32xf32> -> vector<32x32xf32>
      %get3A_3592 = arith.constant 0 : index
      %get3A_3593 = arith.constant 131 : index
      %get3A_3594 = arith.constant 0 : index
      %get3A_3595 = vector.load %arg18[%get3A_3592, %get3A_3593, %get3A_3594] : memref<1x232x32xf32, #tpu.memory_space<vmem>>, vector<1x32x32xf32>
      %get3A_3596 = vector.shape_cast %get3A_3595 : vector<1x32x32xf32> to vector<32x32xf32>
      %dot_general3A_3597 = arith.constant dense<0.000000e+00> : vector<32x32xf32>
      %dot_general3A_3598 = tpu.matmul %add3A_3472, %get3A_3596, %dot_general3A_3597 {dimension_numbers = #tpu.dot_dimension_numbers<[1], [0], [0], [1], [0, 0, 1, 1], [], []>, precision = #tpu.contract_precision<fp32>, transpose_lhs_hint = false} : vector<32x32xf32>, vector<32x32xf32>, vector<32x32xf32> -> vector<32x32xf32>
      %get3A_3599 = arith.constant 0 : index
      %get3A_3600 = arith.constant 131 : index
      %get3A_3601 = arith.constant 0 : index
      %get3A_3602 = vector.load %arg19[%get3A_3599, %get3A_3600, %get3A_3601] : memref<1x232x32xf32, #tpu.memory_space<vmem>>, vector<1x32x32xf32>
      %get3A_3603 = vector.shape_cast %get3A_3602 : vector<1x32x32xf32> to vector<32x32xf32>
      %dot_general3A_3604 = arith.constant dense<0.000000e+00> : vector<32x32xf32>
      %dot_general3A_3605 = tpu.matmul %add3A_3486, %get3A_3603, %dot_general3A_3604 {dimension_numbers = #tpu.dot_dimension_numbers<[1], [0], [0], [1], [0, 0, 1, 1], [], []>, precision = #tpu.contract_precision<fp32>, transpose_lhs_hint = false} : vector<32x32xf32>, vector<32x32xf32>, vector<32x32xf32> -> vector<32x32xf32>
      %get3A_3606 = arith.constant 0 : index
      %get3A_3607 = arith.constant 131 : index
      %get3A_3608 = arith.constant 0 : index
      %get3A_3609 = vector.load %arg20[%get3A_3606, %get3A_3607, %get3A_3608] : memref<1x232x32xf32, #tpu.memory_space<vmem>>, vector<1x32x32xf32>
      %get3A_3610 = vector.shape_cast %get3A_3609 : vector<1x32x32xf32> to vector<32x32xf32>
      %dot_general3A_3611 = arith.constant dense<0.000000e+00> : vector<32x32xf32>
      %dot_general3A_3612 = tpu.matmul %add3A_3500, %get3A_3610, %dot_general3A_3611 {dimension_numbers = #tpu.dot_dimension_numbers<[1], [0], [0], [1], [0, 0, 1, 1], [], []>, precision = #tpu.contract_precision<fp32>, transpose_lhs_hint = false} : vector<32x32xf32>, vector<32x32xf32>, vector<32x32xf32> -> vector<32x32xf32>
      %slice3A_3613 = vector.extract_strided_slice %add3A_150 {offsets = [0, 0], sizes = [32, 27], strides = [1, 1]} : vector<32x32xf32> to vector<32x27xf32>
      %get3A_3614 = arith.constant 0 : index
      %get3A_3615 = arith.constant 163 : index
      %get3A_3616 = arith.constant 0 : index
      %get3A_3617 = vector.load %arg5[%get3A_3614, %get3A_3615, %get3A_3616] : memref<1x232x32xf32, #tpu.memory_space<vmem>>, vector<1x27x32xf32>
      %get3A_3618 = vector.shape_cast %get3A_3617 : vector<1x27x32xf32> to vector<27x32xf32>
      %dot_general3A_3619 = arith.constant dense<0.000000e+00> : vector<32x32xf32>
      %dot_general3A_3620 = tpu.matmul %slice3A_3613, %get3A_3618, %dot_general3A_3619 {dimension_numbers = #tpu.dot_dimension_numbers<[1], [0], [0], [1], [0, 0, 1, 1], [], []>, precision = #tpu.contract_precision<fp32>, transpose_lhs_hint = false} : vector<32x27xf32>, vector<27x32xf32>, vector<32x32xf32> -> vector<32x32xf32>
      %add3A_3621 = arith.addf %dot_general3A_3507, %dot_general3A_3620 : vector<32x32xf32>
      %get3A_3622 = arith.constant 0 : index
      %get3A_3623 = arith.constant 190 : index
      %get3A_3624 = arith.constant 0 : index
      %get3A_3625 = vector.load %arg5[%get3A_3622, %get3A_3623, %get3A_3624] : memref<1x232x32xf32, #tpu.memory_space<vmem>>, vector<1x1x32xf32>
      %get3A_3626 = vector.shape_cast %get3A_3625 : vector<1x1x32xf32> to vector<1x32xf32>
      %add3A_3627 = vector.broadcast %get3A_3626 : vector<1x32xf32> to vector<32x32xf32>
      %add3A_3628 = arith.addf %add3A_3621, %add3A_3627 : vector<32x32xf32>
      %max3A_3629 = arith.constant 0.000000e+00 : f32
      %max3A_3630 = vector.broadcast %max3A_3629 : f32 to vector<32x32xf32>
      %max3A_3631 = arith.maximumf %add3A_3628, %max3A_3630 : vector<32x32xf32>
      %slice3A_3632 = vector.extract_strided_slice %add3A_301 {offsets = [0, 0], sizes = [32, 27], strides = [1, 1]} : vector<32x32xf32> to vector<32x27xf32>
      %get3A_3633 = arith.constant 0 : index
      %get3A_3634 = arith.constant 163 : index
      %get3A_3635 = arith.constant 0 : index
      %get3A_3636 = vector.load %arg6[%get3A_3633, %get3A_3634, %get3A_3635] : memref<1x232x32xf32, #tpu.memory_space<vmem>>, vector<1x27x32xf32>
      %get3A_3637 = vector.shape_cast %get3A_3636 : vector<1x27x32xf32> to vector<27x32xf32>
      %dot_general3A_3638 = arith.constant dense<0.000000e+00> : vector<32x32xf32>
      %dot_general3A_3639 = tpu.matmul %slice3A_3632, %get3A_3637, %dot_general3A_3638 {dimension_numbers = #tpu.dot_dimension_numbers<[1], [0], [0], [1], [0, 0, 1, 1], [], []>, precision = #tpu.contract_precision<fp32>, transpose_lhs_hint = false} : vector<32x27xf32>, vector<27x32xf32>, vector<32x32xf32> -> vector<32x32xf32>
      %add3A_3640 = arith.addf %dot_general3A_3514, %dot_general3A_3639 : vector<32x32xf32>
      %get3A_3641 = arith.constant 0 : index
      %get3A_3642 = arith.constant 190 : index
      %get3A_3643 = arith.constant 0 : index
      %get3A_3644 = vector.load %arg6[%get3A_3641, %get3A_3642, %get3A_3643] : memref<1x232x32xf32, #tpu.memory_space<vmem>>, vector<1x1x32xf32>
      %get3A_3645 = vector.shape_cast %get3A_3644 : vector<1x1x32xf32> to vector<1x32xf32>
      %add3A_3646 = vector.broadcast %get3A_3645 : vector<1x32xf32> to vector<32x32xf32>
      %add3A_3647 = arith.addf %add3A_3640, %add3A_3646 : vector<32x32xf32>
      %max3A_3648 = arith.constant 0.000000e+00 : f32
      %max3A_3649 = vector.broadcast %max3A_3648 : f32 to vector<32x32xf32>
      %max3A_3650 = arith.maximumf %add3A_3647, %max3A_3649 : vector<32x32xf32>
      %slice3A_3651 = vector.extract_strided_slice %add3A_452 {offsets = [0, 0], sizes = [32, 27], strides = [1, 1]} : vector<32x32xf32> to vector<32x27xf32>
      %get3A_3652 = arith.constant 0 : index
      %get3A_3653 = arith.constant 163 : index
      %get3A_3654 = arith.constant 0 : index
      %get3A_3655 = vector.load %arg7[%get3A_3652, %get3A_3653, %get3A_3654] : memref<1x232x32xf32, #tpu.memory_space<vmem>>, vector<1x27x32xf32>
      %get3A_3656 = vector.shape_cast %get3A_3655 : vector<1x27x32xf32> to vector<27x32xf32>
      %dot_general3A_3657 = arith.constant dense<0.000000e+00> : vector<32x32xf32>
      %dot_general3A_3658 = tpu.matmul %slice3A_3651, %get3A_3656, %dot_general3A_3657 {dimension_numbers = #tpu.dot_dimension_numbers<[1], [0], [0], [1], [0, 0, 1, 1], [], []>, precision = #tpu.contract_precision<fp32>, transpose_lhs_hint = false} : vector<32x27xf32>, vector<27x32xf32>, vector<32x32xf32> -> vector<32x32xf32>
      %add3A_3659 = arith.addf %dot_general3A_3521, %dot_general3A_3658 : vector<32x32xf32>
      %get3A_3660 = arith.constant 0 : index
      %get3A_3661 = arith.constant 190 : index
      %get3A_3662 = arith.constant 0 : index
      %get3A_3663 = vector.load %arg7[%get3A_3660, %get3A_3661, %get3A_3662] : memref<1x232x32xf32, #tpu.memory_space<vmem>>, vector<1x1x32xf32>
      %get3A_3664 = vector.shape_cast %get3A_3663 : vector<1x1x32xf32> to vector<1x32xf32>
      %add3A_3665 = vector.broadcast %get3A_3664 : vector<1x32xf32> to vector<32x32xf32>
      %add3A_3666 = arith.addf %add3A_3659, %add3A_3665 : vector<32x32xf32>
      %max3A_3667 = arith.constant 0.000000e+00 : f32
      %max3A_3668 = vector.broadcast %max3A_3667 : f32 to vector<32x32xf32>
      %max3A_3669 = arith.maximumf %add3A_3666, %max3A_3668 : vector<32x32xf32>
      %slice3A_3670 = vector.extract_strided_slice %add3A_603 {offsets = [0, 0], sizes = [32, 27], strides = [1, 1]} : vector<32x32xf32> to vector<32x27xf32>
      %get3A_3671 = arith.constant 0 : index
      %get3A_3672 = arith.constant 163 : index
      %get3A_3673 = arith.constant 0 : index
      %get3A_3674 = vector.load %arg8[%get3A_3671, %get3A_3672, %get3A_3673] : memref<1x232x32xf32, #tpu.memory_space<vmem>>, vector<1x27x32xf32>
      %get3A_3675 = vector.shape_cast %get3A_3674 : vector<1x27x32xf32> to vector<27x32xf32>
      %dot_general3A_3676 = arith.constant dense<0.000000e+00> : vector<32x32xf32>
      %dot_general3A_3677 = tpu.matmul %slice3A_3670, %get3A_3675, %dot_general3A_3676 {dimension_numbers = #tpu.dot_dimension_numbers<[1], [0], [0], [1], [0, 0, 1, 1], [], []>, precision = #tpu.contract_precision<fp32>, transpose_lhs_hint = false} : vector<32x27xf32>, vector<27x32xf32>, vector<32x32xf32> -> vector<32x32xf32>
      %add3A_3678 = arith.addf %dot_general3A_3528, %dot_general3A_3677 : vector<32x32xf32>
      %get3A_3679 = arith.constant 0 : index
      %get3A_3680 = arith.constant 190 : index
      %get3A_3681 = arith.constant 0 : index
      %get3A_3682 = vector.load %arg8[%get3A_3679, %get3A_3680, %get3A_3681] : memref<1x232x32xf32, #tpu.memory_space<vmem>>, vector<1x1x32xf32>
      %get3A_3683 = vector.shape_cast %get3A_3682 : vector<1x1x32xf32> to vector<1x32xf32>
      %add3A_3684 = vector.broadcast %get3A_3683 : vector<1x32xf32> to vector<32x32xf32>
      %add3A_3685 = arith.addf %add3A_3678, %add3A_3684 : vector<32x32xf32>
      %max3A_3686 = arith.constant 0.000000e+00 : f32
      %max3A_3687 = vector.broadcast %max3A_3686 : f32 to vector<32x32xf32>
      %max3A_3688 = arith.maximumf %add3A_3685, %max3A_3687 : vector<32x32xf32>
      %slice3A_3689 = vector.extract_strided_slice %add3A_754 {offsets = [0, 0], sizes = [32, 27], strides = [1, 1]} : vector<32x32xf32> to vector<32x27xf32>
      %get3A_3690 = arith.constant 0 : index
      %get3A_3691 = arith.constant 163 : index
      %get3A_3692 = arith.constant 0 : index
      %get3A_3693 = vector.load %arg9[%get3A_3690, %get3A_3691, %get3A_3692] : memref<1x232x32xf32, #tpu.memory_space<vmem>>, vector<1x27x32xf32>
      %get3A_3694 = vector.shape_cast %get3A_3693 : vector<1x27x32xf32> to vector<27x32xf32>
      %dot_general3A_3695 = arith.constant dense<0.000000e+00> : vector<32x32xf32>
      %dot_general3A_3696 = tpu.matmul %slice3A_3689, %get3A_3694, %dot_general3A_3695 {dimension_numbers = #tpu.dot_dimension_numbers<[1], [0], [0], [1], [0, 0, 1, 1], [], []>, precision = #tpu.contract_precision<fp32>, transpose_lhs_hint = false} : vector<32x27xf32>, vector<27x32xf32>, vector<32x32xf32> -> vector<32x32xf32>
      %add3A_3697 = arith.addf %dot_general3A_3535, %dot_general3A_3696 : vector<32x32xf32>
      %get3A_3698 = arith.constant 0 : index
      %get3A_3699 = arith.constant 190 : index
      %get3A_3700 = arith.constant 0 : index
      %get3A_3701 = vector.load %arg9[%get3A_3698, %get3A_3699, %get3A_3700] : memref<1x232x32xf32, #tpu.memory_space<vmem>>, vector<1x1x32xf32>
      %get3A_3702 = vector.shape_cast %get3A_3701 : vector<1x1x32xf32> to vector<1x32xf32>
      %add3A_3703 = vector.broadcast %get3A_3702 : vector<1x32xf32> to vector<32x32xf32>
      %add3A_3704 = arith.addf %add3A_3697, %add3A_3703 : vector<32x32xf32>
      %max3A_3705 = arith.constant 0.000000e+00 : f32
      %max3A_3706 = vector.broadcast %max3A_3705 : f32 to vector<32x32xf32>
      %max3A_3707 = arith.maximumf %add3A_3704, %max3A_3706 : vector<32x32xf32>
      %slice3A_3708 = vector.extract_strided_slice %add3A_905 {offsets = [0, 0], sizes = [32, 27], strides = [1, 1]} : vector<32x32xf32> to vector<32x27xf32>
      %get3A_3709 = arith.constant 0 : index
      %get3A_3710 = arith.constant 163 : index
      %get3A_3711 = arith.constant 0 : index
      %get3A_3712 = vector.load %arg10[%get3A_3709, %get3A_3710, %get3A_3711] : memref<1x232x32xf32, #tpu.memory_space<vmem>>, vector<1x27x32xf32>
      %get3A_3713 = vector.shape_cast %get3A_3712 : vector<1x27x32xf32> to vector<27x32xf32>
      %dot_general3A_3714 = arith.constant dense<0.000000e+00> : vector<32x32xf32>
      %dot_general3A_3715 = tpu.matmul %slice3A_3708, %get3A_3713, %dot_general3A_3714 {dimension_numbers = #tpu.dot_dimension_numbers<[1], [0], [0], [1], [0, 0, 1, 1], [], []>, precision = #tpu.contract_precision<fp32>, transpose_lhs_hint = false} : vector<32x27xf32>, vector<27x32xf32>, vector<32x32xf32> -> vector<32x32xf32>
      %add3A_3716 = arith.addf %dot_general3A_3542, %dot_general3A_3715 : vector<32x32xf32>
      %get3A_3717 = arith.constant 0 : index
      %get3A_3718 = arith.constant 190 : index
      %get3A_3719 = arith.constant 0 : index
      %get3A_3720 = vector.load %arg10[%get3A_3717, %get3A_3718, %get3A_3719] : memref<1x232x32xf32, #tpu.memory_space<vmem>>, vector<1x1x32xf32>
      %get3A_3721 = vector.shape_cast %get3A_3720 : vector<1x1x32xf32> to vector<1x32xf32>
      %add3A_3722 = vector.broadcast %get3A_3721 : vector<1x32xf32> to vector<32x32xf32>
      %add3A_3723 = arith.addf %add3A_3716, %add3A_3722 : vector<32x32xf32>
      %max3A_3724 = arith.constant 0.000000e+00 : f32
      %max3A_3725 = vector.broadcast %max3A_3724 : f32 to vector<32x32xf32>
      %max3A_3726 = arith.maximumf %add3A_3723, %max3A_3725 : vector<32x32xf32>
      %slice3A_3727 = vector.extract_strided_slice %add3A_1056 {offsets = [0, 0], sizes = [32, 27], strides = [1, 1]} : vector<32x32xf32> to vector<32x27xf32>
      %get3A_3728 = arith.constant 0 : index
      %get3A_3729 = arith.constant 163 : index
      %get3A_3730 = arith.constant 0 : index
      %get3A_3731 = vector.load %arg11[%get3A_3728, %get3A_3729, %get3A_3730] : memref<1x232x32xf32, #tpu.memory_space<vmem>>, vector<1x27x32xf32>
      %get3A_3732 = vector.shape_cast %get3A_3731 : vector<1x27x32xf32> to vector<27x32xf32>
      %dot_general3A_3733 = arith.constant dense<0.000000e+00> : vector<32x32xf32>
      %dot_general3A_3734 = tpu.matmul %slice3A_3727, %get3A_3732, %dot_general3A_3733 {dimension_numbers = #tpu.dot_dimension_numbers<[1], [0], [0], [1], [0, 0, 1, 1], [], []>, precision = #tpu.contract_precision<fp32>, transpose_lhs_hint = false} : vector<32x27xf32>, vector<27x32xf32>, vector<32x32xf32> -> vector<32x32xf32>
      %add3A_3735 = arith.addf %dot_general3A_3549, %dot_general3A_3734 : vector<32x32xf32>
      %get3A_3736 = arith.constant 0 : index
      %get3A_3737 = arith.constant 190 : index
      %get3A_3738 = arith.constant 0 : index
      %get3A_3739 = vector.load %arg11[%get3A_3736, %get3A_3737, %get3A_3738] : memref<1x232x32xf32, #tpu.memory_space<vmem>>, vector<1x1x32xf32>
      %get3A_3740 = vector.shape_cast %get3A_3739 : vector<1x1x32xf32> to vector<1x32xf32>
      %add3A_3741 = vector.broadcast %get3A_3740 : vector<1x32xf32> to vector<32x32xf32>
      %add3A_3742 = arith.addf %add3A_3735, %add3A_3741 : vector<32x32xf32>
      %max3A_3743 = arith.constant 0.000000e+00 : f32
      %max3A_3744 = vector.broadcast %max3A_3743 : f32 to vector<32x32xf32>
      %max3A_3745 = arith.maximumf %add3A_3742, %max3A_3744 : vector<32x32xf32>
      %slice3A_3746 = vector.extract_strided_slice %add3A_1207 {offsets = [0, 0], sizes = [32, 27], strides = [1, 1]} : vector<32x32xf32> to vector<32x27xf32>
      %get3A_3747 = arith.constant 0 : index
      %get3A_3748 = arith.constant 163 : index
      %get3A_3749 = arith.constant 0 : index
      %get3A_3750 = vector.load %arg12[%get3A_3747, %get3A_3748, %get3A_3749] : memref<1x232x32xf32, #tpu.memory_space<vmem>>, vector<1x27x32xf32>
      %get3A_3751 = vector.shape_cast %get3A_3750 : vector<1x27x32xf32> to vector<27x32xf32>
      %dot_general3A_3752 = arith.constant dense<0.000000e+00> : vector<32x32xf32>
      %dot_general3A_3753 = tpu.matmul %slice3A_3746, %get3A_3751, %dot_general3A_3752 {dimension_numbers = #tpu.dot_dimension_numbers<[1], [0], [0], [1], [0, 0, 1, 1], [], []>, precision = #tpu.contract_precision<fp32>, transpose_lhs_hint = false} : vector<32x27xf32>, vector<27x32xf32>, vector<32x32xf32> -> vector<32x32xf32>
      %add3A_3754 = arith.addf %dot_general3A_3556, %dot_general3A_3753 : vector<32x32xf32>
      %get3A_3755 = arith.constant 0 : index
      %get3A_3756 = arith.constant 190 : index
      %get3A_3757 = arith.constant 0 : index
      %get3A_3758 = vector.load %arg12[%get3A_3755, %get3A_3756, %get3A_3757] : memref<1x232x32xf32, #tpu.memory_space<vmem>>, vector<1x1x32xf32>
      %get3A_3759 = vector.shape_cast %get3A_3758 : vector<1x1x32xf32> to vector<1x32xf32>
      %add3A_3760 = vector.broadcast %get3A_3759 : vector<1x32xf32> to vector<32x32xf32>
      %add3A_3761 = arith.addf %add3A_3754, %add3A_3760 : vector<32x32xf32>
      %max3A_3762 = arith.constant 0.000000e+00 : f32
      %max3A_3763 = vector.broadcast %max3A_3762 : f32 to vector<32x32xf32>
      %max3A_3764 = arith.maximumf %add3A_3761, %max3A_3763 : vector<32x32xf32>
      %slice3A_3765 = vector.extract_strided_slice %add3A_1358 {offsets = [0, 0], sizes = [32, 27], strides = [1, 1]} : vector<32x32xf32> to vector<32x27xf32>
      %get3A_3766 = arith.constant 0 : index
      %get3A_3767 = arith.constant 163 : index
      %get3A_3768 = arith.constant 0 : index
      %get3A_3769 = vector.load %arg13[%get3A_3766, %get3A_3767, %get3A_3768] : memref<1x232x32xf32, #tpu.memory_space<vmem>>, vector<1x27x32xf32>
      %get3A_3770 = vector.shape_cast %get3A_3769 : vector<1x27x32xf32> to vector<27x32xf32>
      %dot_general3A_3771 = arith.constant dense<0.000000e+00> : vector<32x32xf32>
      %dot_general3A_3772 = tpu.matmul %slice3A_3765, %get3A_3770, %dot_general3A_3771 {dimension_numbers = #tpu.dot_dimension_numbers<[1], [0], [0], [1], [0, 0, 1, 1], [], []>, precision = #tpu.contract_precision<fp32>, transpose_lhs_hint = false} : vector<32x27xf32>, vector<27x32xf32>, vector<32x32xf32> -> vector<32x32xf32>
      %add3A_3773 = arith.addf %dot_general3A_3563, %dot_general3A_3772 : vector<32x32xf32>
      %get3A_3774 = arith.constant 0 : index
      %get3A_3775 = arith.constant 190 : index
      %get3A_3776 = arith.constant 0 : index
      %get3A_3777 = vector.load %arg13[%get3A_3774, %get3A_3775, %get3A_3776] : memref<1x232x32xf32, #tpu.memory_space<vmem>>, vector<1x1x32xf32>
      %get3A_3778 = vector.shape_cast %get3A_3777 : vector<1x1x32xf32> to vector<1x32xf32>
      %add3A_3779 = vector.broadcast %get3A_3778 : vector<1x32xf32> to vector<32x32xf32>
      %add3A_3780 = arith.addf %add3A_3773, %add3A_3779 : vector<32x32xf32>
      %max3A_3781 = arith.constant 0.000000e+00 : f32
      %max3A_3782 = vector.broadcast %max3A_3781 : f32 to vector<32x32xf32>
      %max3A_3783 = arith.maximumf %add3A_3780, %max3A_3782 : vector<32x32xf32>
      %slice3A_3784 = vector.extract_strided_slice %add3A_1509 {offsets = [0, 0], sizes = [32, 27], strides = [1, 1]} : vector<32x32xf32> to vector<32x27xf32>
      %get3A_3785 = arith.constant 0 : index
      %get3A_3786 = arith.constant 163 : index
      %get3A_3787 = arith.constant 0 : index
      %get3A_3788 = vector.load %arg14[%get3A_3785, %get3A_3786, %get3A_3787] : memref<1x232x32xf32, #tpu.memory_space<vmem>>, vector<1x27x32xf32>
      %get3A_3789 = vector.shape_cast %get3A_3788 : vector<1x27x32xf32> to vector<27x32xf32>
      %dot_general3A_3790 = arith.constant dense<0.000000e+00> : vector<32x32xf32>
      %dot_general3A_3791 = tpu.matmul %slice3A_3784, %get3A_3789, %dot_general3A_3790 {dimension_numbers = #tpu.dot_dimension_numbers<[1], [0], [0], [1], [0, 0, 1, 1], [], []>, precision = #tpu.contract_precision<fp32>, transpose_lhs_hint = false} : vector<32x27xf32>, vector<27x32xf32>, vector<32x32xf32> -> vector<32x32xf32>
      %add3A_3792 = arith.addf %dot_general3A_3570, %dot_general3A_3791 : vector<32x32xf32>
      %get3A_3793 = arith.constant 0 : index
      %get3A_3794 = arith.constant 190 : index
      %get3A_3795 = arith.constant 0 : index
      %get3A_3796 = vector.load %arg14[%get3A_3793, %get3A_3794, %get3A_3795] : memref<1x232x32xf32, #tpu.memory_space<vmem>>, vector<1x1x32xf32>
      %get3A_3797 = vector.shape_cast %get3A_3796 : vector<1x1x32xf32> to vector<1x32xf32>
      %add3A_3798 = vector.broadcast %get3A_3797 : vector<1x32xf32> to vector<32x32xf32>
      %add3A_3799 = arith.addf %add3A_3792, %add3A_3798 : vector<32x32xf32>
      %max3A_3800 = arith.constant 0.000000e+00 : f32
      %max3A_3801 = vector.broadcast %max3A_3800 : f32 to vector<32x32xf32>
      %max3A_3802 = arith.maximumf %add3A_3799, %max3A_3801 : vector<32x32xf32>
      %slice3A_3803 = vector.extract_strided_slice %add3A_1660 {offsets = [0, 0], sizes = [32, 27], strides = [1, 1]} : vector<32x32xf32> to vector<32x27xf32>
      %get3A_3804 = arith.constant 0 : index
      %get3A_3805 = arith.constant 163 : index
      %get3A_3806 = arith.constant 0 : index
      %get3A_3807 = vector.load %arg15[%get3A_3804, %get3A_3805, %get3A_3806] : memref<1x232x32xf32, #tpu.memory_space<vmem>>, vector<1x27x32xf32>
      %get3A_3808 = vector.shape_cast %get3A_3807 : vector<1x27x32xf32> to vector<27x32xf32>
      %dot_general3A_3809 = arith.constant dense<0.000000e+00> : vector<32x32xf32>
      %dot_general3A_3810 = tpu.matmul %slice3A_3803, %get3A_3808, %dot_general3A_3809 {dimension_numbers = #tpu.dot_dimension_numbers<[1], [0], [0], [1], [0, 0, 1, 1], [], []>, precision = #tpu.contract_precision<fp32>, transpose_lhs_hint = false} : vector<32x27xf32>, vector<27x32xf32>, vector<32x32xf32> -> vector<32x32xf32>
      %add3A_3811 = arith.addf %dot_general3A_3577, %dot_general3A_3810 : vector<32x32xf32>
      %get3A_3812 = arith.constant 0 : index
      %get3A_3813 = arith.constant 190 : index
      %get3A_3814 = arith.constant 0 : index
      %get3A_3815 = vector.load %arg15[%get3A_3812, %get3A_3813, %get3A_3814] : memref<1x232x32xf32, #tpu.memory_space<vmem>>, vector<1x1x32xf32>
      %get3A_3816 = vector.shape_cast %get3A_3815 : vector<1x1x32xf32> to vector<1x32xf32>
      %add3A_3817 = vector.broadcast %get3A_3816 : vector<1x32xf32> to vector<32x32xf32>
      %add3A_3818 = arith.addf %add3A_3811, %add3A_3817 : vector<32x32xf32>
      %max3A_3819 = arith.constant 0.000000e+00 : f32
      %max3A_3820 = vector.broadcast %max3A_3819 : f32 to vector<32x32xf32>
      %max3A_3821 = arith.maximumf %add3A_3818, %max3A_3820 : vector<32x32xf32>
      %slice3A_3822 = vector.extract_strided_slice %add3A_1811 {offsets = [0, 0], sizes = [32, 27], strides = [1, 1]} : vector<32x32xf32> to vector<32x27xf32>
      %get3A_3823 = arith.constant 0 : index
      %get3A_3824 = arith.constant 163 : index
      %get3A_3825 = arith.constant 0 : index
      %get3A_3826 = vector.load %arg16[%get3A_3823, %get3A_3824, %get3A_3825] : memref<1x232x32xf32, #tpu.memory_space<vmem>>, vector<1x27x32xf32>
      %get3A_3827 = vector.shape_cast %get3A_3826 : vector<1x27x32xf32> to vector<27x32xf32>
      %dot_general3A_3828 = arith.constant dense<0.000000e+00> : vector<32x32xf32>
      %dot_general3A_3829 = tpu.matmul %slice3A_3822, %get3A_3827, %dot_general3A_3828 {dimension_numbers = #tpu.dot_dimension_numbers<[1], [0], [0], [1], [0, 0, 1, 1], [], []>, precision = #tpu.contract_precision<fp32>, transpose_lhs_hint = false} : vector<32x27xf32>, vector<27x32xf32>, vector<32x32xf32> -> vector<32x32xf32>
      %add3A_3830 = arith.addf %dot_general3A_3584, %dot_general3A_3829 : vector<32x32xf32>
      %get3A_3831 = arith.constant 0 : index
      %get3A_3832 = arith.constant 190 : index
      %get3A_3833 = arith.constant 0 : index
      %get3A_3834 = vector.load %arg16[%get3A_3831, %get3A_3832, %get3A_3833] : memref<1x232x32xf32, #tpu.memory_space<vmem>>, vector<1x1x32xf32>
      %get3A_3835 = vector.shape_cast %get3A_3834 : vector<1x1x32xf32> to vector<1x32xf32>
      %add3A_3836 = vector.broadcast %get3A_3835 : vector<1x32xf32> to vector<32x32xf32>
      %add3A_3837 = arith.addf %add3A_3830, %add3A_3836 : vector<32x32xf32>
      %max3A_3838 = arith.constant 0.000000e+00 : f32
      %max3A_3839 = vector.broadcast %max3A_3838 : f32 to vector<32x32xf32>
      %max3A_3840 = arith.maximumf %add3A_3837, %max3A_3839 : vector<32x32xf32>
      %slice3A_3841 = vector.extract_strided_slice %add3A_1962 {offsets = [0, 0], sizes = [32, 27], strides = [1, 1]} : vector<32x32xf32> to vector<32x27xf32>
      %get3A_3842 = arith.constant 0 : index
      %get3A_3843 = arith.constant 163 : index
      %get3A_3844 = arith.constant 0 : index
      %get3A_3845 = vector.load %arg17[%get3A_3842, %get3A_3843, %get3A_3844] : memref<1x232x32xf32, #tpu.memory_space<vmem>>, vector<1x27x32xf32>
      %get3A_3846 = vector.shape_cast %get3A_3845 : vector<1x27x32xf32> to vector<27x32xf32>
      %dot_general3A_3847 = arith.constant dense<0.000000e+00> : vector<32x32xf32>
      %dot_general3A_3848 = tpu.matmul %slice3A_3841, %get3A_3846, %dot_general3A_3847 {dimension_numbers = #tpu.dot_dimension_numbers<[1], [0], [0], [1], [0, 0, 1, 1], [], []>, precision = #tpu.contract_precision<fp32>, transpose_lhs_hint = false} : vector<32x27xf32>, vector<27x32xf32>, vector<32x32xf32> -> vector<32x32xf32>
      %add3A_3849 = arith.addf %dot_general3A_3591, %dot_general3A_3848 : vector<32x32xf32>
      %get3A_3850 = arith.constant 0 : index
      %get3A_3851 = arith.constant 190 : index
      %get3A_3852 = arith.constant 0 : index
      %get3A_3853 = vector.load %arg17[%get3A_3850, %get3A_3851, %get3A_3852] : memref<1x232x32xf32, #tpu.memory_space<vmem>>, vector<1x1x32xf32>
      %get3A_3854 = vector.shape_cast %get3A_3853 : vector<1x1x32xf32> to vector<1x32xf32>
      %add3A_3855 = vector.broadcast %get3A_3854 : vector<1x32xf32> to vector<32x32xf32>
      %add3A_3856 = arith.addf %add3A_3849, %add3A_3855 : vector<32x32xf32>
      %max3A_3857 = arith.constant 0.000000e+00 : f32
      %max3A_3858 = vector.broadcast %max3A_3857 : f32 to vector<32x32xf32>
      %max3A_3859 = arith.maximumf %add3A_3856, %max3A_3858 : vector<32x32xf32>
      %slice3A_3860 = vector.extract_strided_slice %add3A_2113 {offsets = [0, 0], sizes = [32, 27], strides = [1, 1]} : vector<32x32xf32> to vector<32x27xf32>
      %get3A_3861 = arith.constant 0 : index
      %get3A_3862 = arith.constant 163 : index
      %get3A_3863 = arith.constant 0 : index
      %get3A_3864 = vector.load %arg18[%get3A_3861, %get3A_3862, %get3A_3863] : memref<1x232x32xf32, #tpu.memory_space<vmem>>, vector<1x27x32xf32>
      %get3A_3865 = vector.shape_cast %get3A_3864 : vector<1x27x32xf32> to vector<27x32xf32>
      %dot_general3A_3866 = arith.constant dense<0.000000e+00> : vector<32x32xf32>
      %dot_general3A_3867 = tpu.matmul %slice3A_3860, %get3A_3865, %dot_general3A_3866 {dimension_numbers = #tpu.dot_dimension_numbers<[1], [0], [0], [1], [0, 0, 1, 1], [], []>, precision = #tpu.contract_precision<fp32>, transpose_lhs_hint = false} : vector<32x27xf32>, vector<27x32xf32>, vector<32x32xf32> -> vector<32x32xf32>
      %add3A_3868 = arith.addf %dot_general3A_3598, %dot_general3A_3867 : vector<32x32xf32>
      %get3A_3869 = arith.constant 0 : index
      %get3A_3870 = arith.constant 190 : index
      %get3A_3871 = arith.constant 0 : index
      %get3A_3872 = vector.load %arg18[%get3A_3869, %get3A_3870, %get3A_3871] : memref<1x232x32xf32, #tpu.memory_space<vmem>>, vector<1x1x32xf32>
      %get3A_3873 = vector.shape_cast %get3A_3872 : vector<1x1x32xf32> to vector<1x32xf32>
      %add3A_3874 = vector.broadcast %get3A_3873 : vector<1x32xf32> to vector<32x32xf32>
      %add3A_3875 = arith.addf %add3A_3868, %add3A_3874 : vector<32x32xf32>
      %max3A_3876 = arith.constant 0.000000e+00 : f32
      %max3A_3877 = vector.broadcast %max3A_3876 : f32 to vector<32x32xf32>
      %max3A_3878 = arith.maximumf %add3A_3875, %max3A_3877 : vector<32x32xf32>
      %slice3A_3879 = vector.extract_strided_slice %add3A_2264 {offsets = [0, 0], sizes = [32, 27], strides = [1, 1]} : vector<32x32xf32> to vector<32x27xf32>
      %get3A_3880 = arith.constant 0 : index
      %get3A_3881 = arith.constant 163 : index
      %get3A_3882 = arith.constant 0 : index
      %get3A_3883 = vector.load %arg19[%get3A_3880, %get3A_3881, %get3A_3882] : memref<1x232x32xf32, #tpu.memory_space<vmem>>, vector<1x27x32xf32>
      %get3A_3884 = vector.shape_cast %get3A_3883 : vector<1x27x32xf32> to vector<27x32xf32>
      %dot_general3A_3885 = arith.constant dense<0.000000e+00> : vector<32x32xf32>
      %dot_general3A_3886 = tpu.matmul %slice3A_3879, %get3A_3884, %dot_general3A_3885 {dimension_numbers = #tpu.dot_dimension_numbers<[1], [0], [0], [1], [0, 0, 1, 1], [], []>, precision = #tpu.contract_precision<fp32>, transpose_lhs_hint = false} : vector<32x27xf32>, vector<27x32xf32>, vector<32x32xf32> -> vector<32x32xf32>
      %add3A_3887 = arith.addf %dot_general3A_3605, %dot_general3A_3886 : vector<32x32xf32>
      %get3A_3888 = arith.constant 0 : index
      %get3A_3889 = arith.constant 190 : index
      %get3A_3890 = arith.constant 0 : index
      %get3A_3891 = vector.load %arg19[%get3A_3888, %get3A_3889, %get3A_3890] : memref<1x232x32xf32, #tpu.memory_space<vmem>>, vector<1x1x32xf32>
      %get3A_3892 = vector.shape_cast %get3A_3891 : vector<1x1x32xf32> to vector<1x32xf32>
      %add3A_3893 = vector.broadcast %get3A_3892 : vector<1x32xf32> to vector<32x32xf32>
      %add3A_3894 = arith.addf %add3A_3887, %add3A_3893 : vector<32x32xf32>
      %max3A_3895 = arith.constant 0.000000e+00 : f32
      %max3A_3896 = vector.broadcast %max3A_3895 : f32 to vector<32x32xf32>
      %max3A_3897 = arith.maximumf %add3A_3894, %max3A_3896 : vector<32x32xf32>
      %slice3A_3898 = vector.extract_strided_slice %add3A_2415 {offsets = [0, 0], sizes = [32, 27], strides = [1, 1]} : vector<32x32xf32> to vector<32x27xf32>
      %get3A_3899 = arith.constant 0 : index
      %get3A_3900 = arith.constant 163 : index
      %get3A_3901 = arith.constant 0 : index
      %get3A_3902 = vector.load %arg20[%get3A_3899, %get3A_3900, %get3A_3901] : memref<1x232x32xf32, #tpu.memory_space<vmem>>, vector<1x27x32xf32>
      %get3A_3903 = vector.shape_cast %get3A_3902 : vector<1x27x32xf32> to vector<27x32xf32>
      %dot_general3A_3904 = arith.constant dense<0.000000e+00> : vector<32x32xf32>
      %dot_general3A_3905 = tpu.matmul %slice3A_3898, %get3A_3903, %dot_general3A_3904 {dimension_numbers = #tpu.dot_dimension_numbers<[1], [0], [0], [1], [0, 0, 1, 1], [], []>, precision = #tpu.contract_precision<fp32>, transpose_lhs_hint = false} : vector<32x27xf32>, vector<27x32xf32>, vector<32x32xf32> -> vector<32x32xf32>
      %add3A_3906 = arith.addf %dot_general3A_3612, %dot_general3A_3905 : vector<32x32xf32>
      %get3A_3907 = arith.constant 0 : index
      %get3A_3908 = arith.constant 190 : index
      %get3A_3909 = arith.constant 0 : index
      %get3A_3910 = vector.load %arg20[%get3A_3907, %get3A_3908, %get3A_3909] : memref<1x232x32xf32, #tpu.memory_space<vmem>>, vector<1x1x32xf32>
      %get3A_3911 = vector.shape_cast %get3A_3910 : vector<1x1x32xf32> to vector<1x32xf32>
      %add3A_3912 = vector.broadcast %get3A_3911 : vector<1x32xf32> to vector<32x32xf32>
      %add3A_3913 = arith.addf %add3A_3906, %add3A_3912 : vector<32x32xf32>
      %max3A_3914 = arith.constant 0.000000e+00 : f32
      %max3A_3915 = vector.broadcast %max3A_3914 : f32 to vector<32x32xf32>
      %max3A_3916 = arith.maximumf %add3A_3913, %max3A_3915 : vector<32x32xf32>
      %get3A_3917 = arith.constant 0 : index
      %get3A_3918 = arith.constant 191 : index
      %get3A_3919 = arith.constant 0 : index
      %get3A_3920 = vector.load %arg5[%get3A_3917, %get3A_3918, %get3A_3919] : memref<1x232x32xf32, #tpu.memory_space<vmem>>, vector<1x32x8xf32>
      %get3A_3921 = vector.shape_cast %get3A_3920 : vector<1x32x8xf32> to vector<32x8xf32>
      %dot_general3A_3922 = arith.constant dense<0.000000e+00> : vector<32x8xf32>
      %dot_general3A_3923 = tpu.matmul %max3A_3631, %get3A_3921, %dot_general3A_3922 {dimension_numbers = #tpu.dot_dimension_numbers<[1], [0], [0], [1], [0, 0, 1, 1], [], []>, precision = #tpu.contract_precision<fp32>, transpose_lhs_hint = false} : vector<32x32xf32>, vector<32x8xf32>, vector<32x8xf32> -> vector<32x8xf32>
      %get3A_3924 = arith.constant 0 : index
      %get3A_3925 = arith.constant 223 : index
      %get3A_3926 = arith.constant 0 : index
      %get3A_3927 = vector.load %arg5[%get3A_3924, %get3A_3925, %get3A_3926] : memref<1x232x32xf32, #tpu.memory_space<vmem>>, vector<1x1x8xf32>
      %get3A_3928 = vector.shape_cast %get3A_3927 : vector<1x1x8xf32> to vector<1x8xf32>
      %add3A_3929 = vector.broadcast %get3A_3928 : vector<1x8xf32> to vector<32x8xf32>
      %add3A_3930 = arith.addf %dot_general3A_3923, %add3A_3929 : vector<32x8xf32>
      %logistic3A = arith.negf %add3A_3930 : vector<32x8xf32>
      %logistic3A_3931 = math.exp %logistic3A : vector<32x8xf32>
      %logistic3A_3932 = arith.constant 1.000000e+00 : f32
      %logistic3A_3933 = vector.broadcast %logistic3A_3932 : f32 to vector<32x8xf32>
      %logistic3A_3934 = arith.addf %logistic3A_3933, %logistic3A_3931 : vector<32x8xf32>
      %logistic3A_3935 = arith.divf %logistic3A_3933, %logistic3A_3934 : vector<32x8xf32>
      %get3A_3936 = arith.constant 0 : index
      %get3A_3937 = arith.constant 191 : index
      %get3A_3938 = arith.constant 0 : index
      %get3A_3939 = vector.load %arg6[%get3A_3936, %get3A_3937, %get3A_3938] : memref<1x232x32xf32, #tpu.memory_space<vmem>>, vector<1x32x8xf32>
      %get3A_3940 = vector.shape_cast %get3A_3939 : vector<1x32x8xf32> to vector<32x8xf32>
      %dot_general3A_3941 = arith.constant dense<0.000000e+00> : vector<32x8xf32>
      %dot_general3A_3942 = tpu.matmul %max3A_3650, %get3A_3940, %dot_general3A_3941 {dimension_numbers = #tpu.dot_dimension_numbers<[1], [0], [0], [1], [0, 0, 1, 1], [], []>, precision = #tpu.contract_precision<fp32>, transpose_lhs_hint = false} : vector<32x32xf32>, vector<32x8xf32>, vector<32x8xf32> -> vector<32x8xf32>
      %get3A_3943 = arith.constant 0 : index
      %get3A_3944 = arith.constant 223 : index
      %get3A_3945 = arith.constant 0 : index
      %get3A_3946 = vector.load %arg6[%get3A_3943, %get3A_3944, %get3A_3945] : memref<1x232x32xf32, #tpu.memory_space<vmem>>, vector<1x1x8xf32>
      %get3A_3947 = vector.shape_cast %get3A_3946 : vector<1x1x8xf32> to vector<1x8xf32>
      %add3A_3948 = vector.broadcast %get3A_3947 : vector<1x8xf32> to vector<32x8xf32>
      %add3A_3949 = arith.addf %dot_general3A_3942, %add3A_3948 : vector<32x8xf32>
      %logistic3A_3950 = arith.negf %add3A_3949 : vector<32x8xf32>
      %logistic3A_3951 = math.exp %logistic3A_3950 : vector<32x8xf32>
      %logistic3A_3952 = arith.constant 1.000000e+00 : f32
      %logistic3A_3953 = vector.broadcast %logistic3A_3952 : f32 to vector<32x8xf32>
      %logistic3A_3954 = arith.addf %logistic3A_3953, %logistic3A_3951 : vector<32x8xf32>
      %logistic3A_3955 = arith.divf %logistic3A_3953, %logistic3A_3954 : vector<32x8xf32>
      %get3A_3956 = arith.constant 0 : index
      %get3A_3957 = arith.constant 191 : index
      %get3A_3958 = arith.constant 0 : index
      %get3A_3959 = vector.load %arg7[%get3A_3956, %get3A_3957, %get3A_3958] : memref<1x232x32xf32, #tpu.memory_space<vmem>>, vector<1x32x8xf32>
      %get3A_3960 = vector.shape_cast %get3A_3959 : vector<1x32x8xf32> to vector<32x8xf32>
      %dot_general3A_3961 = arith.constant dense<0.000000e+00> : vector<32x8xf32>
      %dot_general3A_3962 = tpu.matmul %max3A_3669, %get3A_3960, %dot_general3A_3961 {dimension_numbers = #tpu.dot_dimension_numbers<[1], [0], [0], [1], [0, 0, 1, 1], [], []>, precision = #tpu.contract_precision<fp32>, transpose_lhs_hint = false} : vector<32x32xf32>, vector<32x8xf32>, vector<32x8xf32> -> vector<32x8xf32>
      %get3A_3963 = arith.constant 0 : index
      %get3A_3964 = arith.constant 223 : index
      %get3A_3965 = arith.constant 0 : index
      %get3A_3966 = vector.load %arg7[%get3A_3963, %get3A_3964, %get3A_3965] : memref<1x232x32xf32, #tpu.memory_space<vmem>>, vector<1x1x8xf32>
      %get3A_3967 = vector.shape_cast %get3A_3966 : vector<1x1x8xf32> to vector<1x8xf32>
      %add3A_3968 = vector.broadcast %get3A_3967 : vector<1x8xf32> to vector<32x8xf32>
      %add3A_3969 = arith.addf %dot_general3A_3962, %add3A_3968 : vector<32x8xf32>
      %logistic3A_3970 = arith.negf %add3A_3969 : vector<32x8xf32>
      %logistic3A_3971 = math.exp %logistic3A_3970 : vector<32x8xf32>
      %logistic3A_3972 = arith.constant 1.000000e+00 : f32
      %logistic3A_3973 = vector.broadcast %logistic3A_3972 : f32 to vector<32x8xf32>
      %logistic3A_3974 = arith.addf %logistic3A_3973, %logistic3A_3971 : vector<32x8xf32>
      %logistic3A_3975 = arith.divf %logistic3A_3973, %logistic3A_3974 : vector<32x8xf32>
      %get3A_3976 = arith.constant 0 : index
      %get3A_3977 = arith.constant 191 : index
      %get3A_3978 = arith.constant 0 : index
      %get3A_3979 = vector.load %arg8[%get3A_3976, %get3A_3977, %get3A_3978] : memref<1x232x32xf32, #tpu.memory_space<vmem>>, vector<1x32x8xf32>
      %get3A_3980 = vector.shape_cast %get3A_3979 : vector<1x32x8xf32> to vector<32x8xf32>
      %dot_general3A_3981 = arith.constant dense<0.000000e+00> : vector<32x8xf32>
      %dot_general3A_3982 = tpu.matmul %max3A_3688, %get3A_3980, %dot_general3A_3981 {dimension_numbers = #tpu.dot_dimension_numbers<[1], [0], [0], [1], [0, 0, 1, 1], [], []>, precision = #tpu.contract_precision<fp32>, transpose_lhs_hint = false} : vector<32x32xf32>, vector<32x8xf32>, vector<32x8xf32> -> vector<32x8xf32>
      %get3A_3983 = arith.constant 0 : index
      %get3A_3984 = arith.constant 223 : index
      %get3A_3985 = arith.constant 0 : index
      %get3A_3986 = vector.load %arg8[%get3A_3983, %get3A_3984, %get3A_3985] : memref<1x232x32xf32, #tpu.memory_space<vmem>>, vector<1x1x8xf32>
      %get3A_3987 = vector.shape_cast %get3A_3986 : vector<1x1x8xf32> to vector<1x8xf32>
      %add3A_3988 = vector.broadcast %get3A_3987 : vector<1x8xf32> to vector<32x8xf32>
      %add3A_3989 = arith.addf %dot_general3A_3982, %add3A_3988 : vector<32x8xf32>
      %logistic3A_3990 = arith.negf %add3A_3989 : vector<32x8xf32>
      %logistic3A_3991 = math.exp %logistic3A_3990 : vector<32x8xf32>
      %logistic3A_3992 = arith.constant 1.000000e+00 : f32
      %logistic3A_3993 = vector.broadcast %logistic3A_3992 : f32 to vector<32x8xf32>
      %logistic3A_3994 = arith.addf %logistic3A_3993, %logistic3A_3991 : vector<32x8xf32>
      %logistic3A_3995 = arith.divf %logistic3A_3993, %logistic3A_3994 : vector<32x8xf32>
      %get3A_3996 = arith.constant 0 : index
      %get3A_3997 = arith.constant 191 : index
      %get3A_3998 = arith.constant 0 : index
      %get3A_3999 = vector.load %arg9[%get3A_3996, %get3A_3997, %get3A_3998] : memref<1x232x32xf32, #tpu.memory_space<vmem>>, vector<1x32x8xf32>
      %get3A_4000 = vector.shape_cast %get3A_3999 : vector<1x32x8xf32> to vector<32x8xf32>
      %dot_general3A_4001 = arith.constant dense<0.000000e+00> : vector<32x8xf32>
      %dot_general3A_4002 = tpu.matmul %max3A_3707, %get3A_4000, %dot_general3A_4001 {dimension_numbers = #tpu.dot_dimension_numbers<[1], [0], [0], [1], [0, 0, 1, 1], [], []>, precision = #tpu.contract_precision<fp32>, transpose_lhs_hint = false} : vector<32x32xf32>, vector<32x8xf32>, vector<32x8xf32> -> vector<32x8xf32>
      %get3A_4003 = arith.constant 0 : index
      %get3A_4004 = arith.constant 223 : index
      %get3A_4005 = arith.constant 0 : index
      %get3A_4006 = vector.load %arg9[%get3A_4003, %get3A_4004, %get3A_4005] : memref<1x232x32xf32, #tpu.memory_space<vmem>>, vector<1x1x8xf32>
      %get3A_4007 = vector.shape_cast %get3A_4006 : vector<1x1x8xf32> to vector<1x8xf32>
      %add3A_4008 = vector.broadcast %get3A_4007 : vector<1x8xf32> to vector<32x8xf32>
      %add3A_4009 = arith.addf %dot_general3A_4002, %add3A_4008 : vector<32x8xf32>
      %logistic3A_4010 = arith.negf %add3A_4009 : vector<32x8xf32>
      %logistic3A_4011 = math.exp %logistic3A_4010 : vector<32x8xf32>
      %logistic3A_4012 = arith.constant 1.000000e+00 : f32
      %logistic3A_4013 = vector.broadcast %logistic3A_4012 : f32 to vector<32x8xf32>
      %logistic3A_4014 = arith.addf %logistic3A_4013, %logistic3A_4011 : vector<32x8xf32>
      %logistic3A_4015 = arith.divf %logistic3A_4013, %logistic3A_4014 : vector<32x8xf32>
      %get3A_4016 = arith.constant 0 : index
      %get3A_4017 = arith.constant 191 : index
      %get3A_4018 = arith.constant 0 : index
      %get3A_4019 = vector.load %arg10[%get3A_4016, %get3A_4017, %get3A_4018] : memref<1x232x32xf32, #tpu.memory_space<vmem>>, vector<1x32x8xf32>
      %get3A_4020 = vector.shape_cast %get3A_4019 : vector<1x32x8xf32> to vector<32x8xf32>
      %dot_general3A_4021 = arith.constant dense<0.000000e+00> : vector<32x8xf32>
      %dot_general3A_4022 = tpu.matmul %max3A_3726, %get3A_4020, %dot_general3A_4021 {dimension_numbers = #tpu.dot_dimension_numbers<[1], [0], [0], [1], [0, 0, 1, 1], [], []>, precision = #tpu.contract_precision<fp32>, transpose_lhs_hint = false} : vector<32x32xf32>, vector<32x8xf32>, vector<32x8xf32> -> vector<32x8xf32>
      %get3A_4023 = arith.constant 0 : index
      %get3A_4024 = arith.constant 223 : index
      %get3A_4025 = arith.constant 0 : index
      %get3A_4026 = vector.load %arg10[%get3A_4023, %get3A_4024, %get3A_4025] : memref<1x232x32xf32, #tpu.memory_space<vmem>>, vector<1x1x8xf32>
      %get3A_4027 = vector.shape_cast %get3A_4026 : vector<1x1x8xf32> to vector<1x8xf32>
      %add3A_4028 = vector.broadcast %get3A_4027 : vector<1x8xf32> to vector<32x8xf32>
      %add3A_4029 = arith.addf %dot_general3A_4022, %add3A_4028 : vector<32x8xf32>
      %logistic3A_4030 = arith.negf %add3A_4029 : vector<32x8xf32>
      %logistic3A_4031 = math.exp %logistic3A_4030 : vector<32x8xf32>
      %logistic3A_4032 = arith.constant 1.000000e+00 : f32
      %logistic3A_4033 = vector.broadcast %logistic3A_4032 : f32 to vector<32x8xf32>
      %logistic3A_4034 = arith.addf %logistic3A_4033, %logistic3A_4031 : vector<32x8xf32>
      %logistic3A_4035 = arith.divf %logistic3A_4033, %logistic3A_4034 : vector<32x8xf32>
      %get3A_4036 = arith.constant 0 : index
      %get3A_4037 = arith.constant 191 : index
      %get3A_4038 = arith.constant 0 : index
      %get3A_4039 = vector.load %arg11[%get3A_4036, %get3A_4037, %get3A_4038] : memref<1x232x32xf32, #tpu.memory_space<vmem>>, vector<1x32x8xf32>
      %get3A_4040 = vector.shape_cast %get3A_4039 : vector<1x32x8xf32> to vector<32x8xf32>
      %dot_general3A_4041 = arith.constant dense<0.000000e+00> : vector<32x8xf32>
      %dot_general3A_4042 = tpu.matmul %max3A_3745, %get3A_4040, %dot_general3A_4041 {dimension_numbers = #tpu.dot_dimension_numbers<[1], [0], [0], [1], [0, 0, 1, 1], [], []>, precision = #tpu.contract_precision<fp32>, transpose_lhs_hint = false} : vector<32x32xf32>, vector<32x8xf32>, vector<32x8xf32> -> vector<32x8xf32>
      %get3A_4043 = arith.constant 0 : index
      %get3A_4044 = arith.constant 223 : index
      %get3A_4045 = arith.constant 0 : index
      %get3A_4046 = vector.load %arg11[%get3A_4043, %get3A_4044, %get3A_4045] : memref<1x232x32xf32, #tpu.memory_space<vmem>>, vector<1x1x8xf32>
      %get3A_4047 = vector.shape_cast %get3A_4046 : vector<1x1x8xf32> to vector<1x8xf32>
      %add3A_4048 = vector.broadcast %get3A_4047 : vector<1x8xf32> to vector<32x8xf32>
      %add3A_4049 = arith.addf %dot_general3A_4042, %add3A_4048 : vector<32x8xf32>
      %logistic3A_4050 = arith.negf %add3A_4049 : vector<32x8xf32>
      %logistic3A_4051 = math.exp %logistic3A_4050 : vector<32x8xf32>
      %logistic3A_4052 = arith.constant 1.000000e+00 : f32
      %logistic3A_4053 = vector.broadcast %logistic3A_4052 : f32 to vector<32x8xf32>
      %logistic3A_4054 = arith.addf %logistic3A_4053, %logistic3A_4051 : vector<32x8xf32>
      %logistic3A_4055 = arith.divf %logistic3A_4053, %logistic3A_4054 : vector<32x8xf32>
      %get3A_4056 = arith.constant 0 : index
      %get3A_4057 = arith.constant 191 : index
      %get3A_4058 = arith.constant 0 : index
      %get3A_4059 = vector.load %arg12[%get3A_4056, %get3A_4057, %get3A_4058] : memref<1x232x32xf32, #tpu.memory_space<vmem>>, vector<1x32x8xf32>
      %get3A_4060 = vector.shape_cast %get3A_4059 : vector<1x32x8xf32> to vector<32x8xf32>
      %dot_general3A_4061 = arith.constant dense<0.000000e+00> : vector<32x8xf32>
      %dot_general3A_4062 = tpu.matmul %max3A_3764, %get3A_4060, %dot_general3A_4061 {dimension_numbers = #tpu.dot_dimension_numbers<[1], [0], [0], [1], [0, 0, 1, 1], [], []>, precision = #tpu.contract_precision<fp32>, transpose_lhs_hint = false} : vector<32x32xf32>, vector<32x8xf32>, vector<32x8xf32> -> vector<32x8xf32>
      %get3A_4063 = arith.constant 0 : index
      %get3A_4064 = arith.constant 223 : index
      %get3A_4065 = arith.constant 0 : index
      %get3A_4066 = vector.load %arg12[%get3A_4063, %get3A_4064, %get3A_4065] : memref<1x232x32xf32, #tpu.memory_space<vmem>>, vector<1x1x8xf32>
      %get3A_4067 = vector.shape_cast %get3A_4066 : vector<1x1x8xf32> to vector<1x8xf32>
      %add3A_4068 = vector.broadcast %get3A_4067 : vector<1x8xf32> to vector<32x8xf32>
      %add3A_4069 = arith.addf %dot_general3A_4062, %add3A_4068 : vector<32x8xf32>
      %logistic3A_4070 = arith.negf %add3A_4069 : vector<32x8xf32>
      %logistic3A_4071 = math.exp %logistic3A_4070 : vector<32x8xf32>
      %logistic3A_4072 = arith.constant 1.000000e+00 : f32
      %logistic3A_4073 = vector.broadcast %logistic3A_4072 : f32 to vector<32x8xf32>
      %logistic3A_4074 = arith.addf %logistic3A_4073, %logistic3A_4071 : vector<32x8xf32>
      %logistic3A_4075 = arith.divf %logistic3A_4073, %logistic3A_4074 : vector<32x8xf32>
      %get3A_4076 = arith.constant 0 : index
      %get3A_4077 = arith.constant 191 : index
      %get3A_4078 = arith.constant 0 : index
      %get3A_4079 = vector.load %arg13[%get3A_4076, %get3A_4077, %get3A_4078] : memref<1x232x32xf32, #tpu.memory_space<vmem>>, vector<1x32x8xf32>
      %get3A_4080 = vector.shape_cast %get3A_4079 : vector<1x32x8xf32> to vector<32x8xf32>
      %dot_general3A_4081 = arith.constant dense<0.000000e+00> : vector<32x8xf32>
      %dot_general3A_4082 = tpu.matmul %max3A_3783, %get3A_4080, %dot_general3A_4081 {dimension_numbers = #tpu.dot_dimension_numbers<[1], [0], [0], [1], [0, 0, 1, 1], [], []>, precision = #tpu.contract_precision<fp32>, transpose_lhs_hint = false} : vector<32x32xf32>, vector<32x8xf32>, vector<32x8xf32> -> vector<32x8xf32>
      %get3A_4083 = arith.constant 0 : index
      %get3A_4084 = arith.constant 223 : index
      %get3A_4085 = arith.constant 0 : index
      %get3A_4086 = vector.load %arg13[%get3A_4083, %get3A_4084, %get3A_4085] : memref<1x232x32xf32, #tpu.memory_space<vmem>>, vector<1x1x8xf32>
      %get3A_4087 = vector.shape_cast %get3A_4086 : vector<1x1x8xf32> to vector<1x8xf32>
      %add3A_4088 = vector.broadcast %get3A_4087 : vector<1x8xf32> to vector<32x8xf32>
      %add3A_4089 = arith.addf %dot_general3A_4082, %add3A_4088 : vector<32x8xf32>
      %logistic3A_4090 = arith.negf %add3A_4089 : vector<32x8xf32>
      %logistic3A_4091 = math.exp %logistic3A_4090 : vector<32x8xf32>
      %logistic3A_4092 = arith.constant 1.000000e+00 : f32
      %logistic3A_4093 = vector.broadcast %logistic3A_4092 : f32 to vector<32x8xf32>
      %logistic3A_4094 = arith.addf %logistic3A_4093, %logistic3A_4091 : vector<32x8xf32>
      %logistic3A_4095 = arith.divf %logistic3A_4093, %logistic3A_4094 : vector<32x8xf32>
      %get3A_4096 = arith.constant 0 : index
      %get3A_4097 = arith.constant 191 : index
      %get3A_4098 = arith.constant 0 : index
      %get3A_4099 = vector.load %arg14[%get3A_4096, %get3A_4097, %get3A_4098] : memref<1x232x32xf32, #tpu.memory_space<vmem>>, vector<1x32x8xf32>
      %get3A_4100 = vector.shape_cast %get3A_4099 : vector<1x32x8xf32> to vector<32x8xf32>
      %dot_general3A_4101 = arith.constant dense<0.000000e+00> : vector<32x8xf32>
      %dot_general3A_4102 = tpu.matmul %max3A_3802, %get3A_4100, %dot_general3A_4101 {dimension_numbers = #tpu.dot_dimension_numbers<[1], [0], [0], [1], [0, 0, 1, 1], [], []>, precision = #tpu.contract_precision<fp32>, transpose_lhs_hint = false} : vector<32x32xf32>, vector<32x8xf32>, vector<32x8xf32> -> vector<32x8xf32>
      %get3A_4103 = arith.constant 0 : index
      %get3A_4104 = arith.constant 223 : index
      %get3A_4105 = arith.constant 0 : index
      %get3A_4106 = vector.load %arg14[%get3A_4103, %get3A_4104, %get3A_4105] : memref<1x232x32xf32, #tpu.memory_space<vmem>>, vector<1x1x8xf32>
      %get3A_4107 = vector.shape_cast %get3A_4106 : vector<1x1x8xf32> to vector<1x8xf32>
      %add3A_4108 = vector.broadcast %get3A_4107 : vector<1x8xf32> to vector<32x8xf32>
      %add3A_4109 = arith.addf %dot_general3A_4102, %add3A_4108 : vector<32x8xf32>
      %logistic3A_4110 = arith.negf %add3A_4109 : vector<32x8xf32>
      %logistic3A_4111 = math.exp %logistic3A_4110 : vector<32x8xf32>
      %logistic3A_4112 = arith.constant 1.000000e+00 : f32
      %logistic3A_4113 = vector.broadcast %logistic3A_4112 : f32 to vector<32x8xf32>
      %logistic3A_4114 = arith.addf %logistic3A_4113, %logistic3A_4111 : vector<32x8xf32>
      %logistic3A_4115 = arith.divf %logistic3A_4113, %logistic3A_4114 : vector<32x8xf32>
      %get3A_4116 = arith.constant 0 : index
      %get3A_4117 = arith.constant 191 : index
      %get3A_4118 = arith.constant 0 : index
      %get3A_4119 = vector.load %arg15[%get3A_4116, %get3A_4117, %get3A_4118] : memref<1x232x32xf32, #tpu.memory_space<vmem>>, vector<1x32x8xf32>
      %get3A_4120 = vector.shape_cast %get3A_4119 : vector<1x32x8xf32> to vector<32x8xf32>
      %dot_general3A_4121 = arith.constant dense<0.000000e+00> : vector<32x8xf32>
      %dot_general3A_4122 = tpu.matmul %max3A_3821, %get3A_4120, %dot_general3A_4121 {dimension_numbers = #tpu.dot_dimension_numbers<[1], [0], [0], [1], [0, 0, 1, 1], [], []>, precision = #tpu.contract_precision<fp32>, transpose_lhs_hint = false} : vector<32x32xf32>, vector<32x8xf32>, vector<32x8xf32> -> vector<32x8xf32>
      %get3A_4123 = arith.constant 0 : index
      %get3A_4124 = arith.constant 223 : index
      %get3A_4125 = arith.constant 0 : index
      %get3A_4126 = vector.load %arg15[%get3A_4123, %get3A_4124, %get3A_4125] : memref<1x232x32xf32, #tpu.memory_space<vmem>>, vector<1x1x8xf32>
      %get3A_4127 = vector.shape_cast %get3A_4126 : vector<1x1x8xf32> to vector<1x8xf32>
      %add3A_4128 = vector.broadcast %get3A_4127 : vector<1x8xf32> to vector<32x8xf32>
      %add3A_4129 = arith.addf %dot_general3A_4122, %add3A_4128 : vector<32x8xf32>
      %logistic3A_4130 = arith.negf %add3A_4129 : vector<32x8xf32>
      %logistic3A_4131 = math.exp %logistic3A_4130 : vector<32x8xf32>
      %logistic3A_4132 = arith.constant 1.000000e+00 : f32
      %logistic3A_4133 = vector.broadcast %logistic3A_4132 : f32 to vector<32x8xf32>
      %logistic3A_4134 = arith.addf %logistic3A_4133, %logistic3A_4131 : vector<32x8xf32>
      %logistic3A_4135 = arith.divf %logistic3A_4133, %logistic3A_4134 : vector<32x8xf32>
      %get3A_4136 = arith.constant 0 : index
      %get3A_4137 = arith.constant 191 : index
      %get3A_4138 = arith.constant 0 : index
      %get3A_4139 = vector.load %arg16[%get3A_4136, %get3A_4137, %get3A_4138] : memref<1x232x32xf32, #tpu.memory_space<vmem>>, vector<1x32x8xf32>
      %get3A_4140 = vector.shape_cast %get3A_4139 : vector<1x32x8xf32> to vector<32x8xf32>
      %dot_general3A_4141 = arith.constant dense<0.000000e+00> : vector<32x8xf32>
      %dot_general3A_4142 = tpu.matmul %max3A_3840, %get3A_4140, %dot_general3A_4141 {dimension_numbers = #tpu.dot_dimension_numbers<[1], [0], [0], [1], [0, 0, 1, 1], [], []>, precision = #tpu.contract_precision<fp32>, transpose_lhs_hint = false} : vector<32x32xf32>, vector<32x8xf32>, vector<32x8xf32> -> vector<32x8xf32>
      %get3A_4143 = arith.constant 0 : index
      %get3A_4144 = arith.constant 223 : index
      %get3A_4145 = arith.constant 0 : index
      %get3A_4146 = vector.load %arg16[%get3A_4143, %get3A_4144, %get3A_4145] : memref<1x232x32xf32, #tpu.memory_space<vmem>>, vector<1x1x8xf32>
      %get3A_4147 = vector.shape_cast %get3A_4146 : vector<1x1x8xf32> to vector<1x8xf32>
      %add3A_4148 = vector.broadcast %get3A_4147 : vector<1x8xf32> to vector<32x8xf32>
      %add3A_4149 = arith.addf %dot_general3A_4142, %add3A_4148 : vector<32x8xf32>
      %logistic3A_4150 = arith.negf %add3A_4149 : vector<32x8xf32>
      %logistic3A_4151 = math.exp %logistic3A_4150 : vector<32x8xf32>
      %logistic3A_4152 = arith.constant 1.000000e+00 : f32
      %logistic3A_4153 = vector.broadcast %logistic3A_4152 : f32 to vector<32x8xf32>
      %logistic3A_4154 = arith.addf %logistic3A_4153, %logistic3A_4151 : vector<32x8xf32>
      %logistic3A_4155 = arith.divf %logistic3A_4153, %logistic3A_4154 : vector<32x8xf32>
      %get3A_4156 = arith.constant 0 : index
      %get3A_4157 = arith.constant 191 : index
      %get3A_4158 = arith.constant 0 : index
      %get3A_4159 = vector.load %arg17[%get3A_4156, %get3A_4157, %get3A_4158] : memref<1x232x32xf32, #tpu.memory_space<vmem>>, vector<1x32x8xf32>
      %get3A_4160 = vector.shape_cast %get3A_4159 : vector<1x32x8xf32> to vector<32x8xf32>
      %dot_general3A_4161 = arith.constant dense<0.000000e+00> : vector<32x8xf32>
      %dot_general3A_4162 = tpu.matmul %max3A_3859, %get3A_4160, %dot_general3A_4161 {dimension_numbers = #tpu.dot_dimension_numbers<[1], [0], [0], [1], [0, 0, 1, 1], [], []>, precision = #tpu.contract_precision<fp32>, transpose_lhs_hint = false} : vector<32x32xf32>, vector<32x8xf32>, vector<32x8xf32> -> vector<32x8xf32>
      %get3A_4163 = arith.constant 0 : index
      %get3A_4164 = arith.constant 223 : index
      %get3A_4165 = arith.constant 0 : index
      %get3A_4166 = vector.load %arg17[%get3A_4163, %get3A_4164, %get3A_4165] : memref<1x232x32xf32, #tpu.memory_space<vmem>>, vector<1x1x8xf32>
      %get3A_4167 = vector.shape_cast %get3A_4166 : vector<1x1x8xf32> to vector<1x8xf32>
      %add3A_4168 = vector.broadcast %get3A_4167 : vector<1x8xf32> to vector<32x8xf32>
      %add3A_4169 = arith.addf %dot_general3A_4162, %add3A_4168 : vector<32x8xf32>
      %logistic3A_4170 = arith.negf %add3A_4169 : vector<32x8xf32>
      %logistic3A_4171 = math.exp %logistic3A_4170 : vector<32x8xf32>
      %logistic3A_4172 = arith.constant 1.000000e+00 : f32
      %logistic3A_4173 = vector.broadcast %logistic3A_4172 : f32 to vector<32x8xf32>
      %logistic3A_4174 = arith.addf %logistic3A_4173, %logistic3A_4171 : vector<32x8xf32>
      %logistic3A_4175 = arith.divf %logistic3A_4173, %logistic3A_4174 : vector<32x8xf32>
      %get3A_4176 = arith.constant 0 : index
      %get3A_4177 = arith.constant 191 : index
      %get3A_4178 = arith.constant 0 : index
      %get3A_4179 = vector.load %arg18[%get3A_4176, %get3A_4177, %get3A_4178] : memref<1x232x32xf32, #tpu.memory_space<vmem>>, vector<1x32x8xf32>
      %get3A_4180 = vector.shape_cast %get3A_4179 : vector<1x32x8xf32> to vector<32x8xf32>
      %dot_general3A_4181 = arith.constant dense<0.000000e+00> : vector<32x8xf32>
      %dot_general3A_4182 = tpu.matmul %max3A_3878, %get3A_4180, %dot_general3A_4181 {dimension_numbers = #tpu.dot_dimension_numbers<[1], [0], [0], [1], [0, 0, 1, 1], [], []>, precision = #tpu.contract_precision<fp32>, transpose_lhs_hint = false} : vector<32x32xf32>, vector<32x8xf32>, vector<32x8xf32> -> vector<32x8xf32>
      %get3A_4183 = arith.constant 0 : index
      %get3A_4184 = arith.constant 223 : index
      %get3A_4185 = arith.constant 0 : index
      %get3A_4186 = vector.load %arg18[%get3A_4183, %get3A_4184, %get3A_4185] : memref<1x232x32xf32, #tpu.memory_space<vmem>>, vector<1x1x8xf32>
      %get3A_4187 = vector.shape_cast %get3A_4186 : vector<1x1x8xf32> to vector<1x8xf32>
      %add3A_4188 = vector.broadcast %get3A_4187 : vector<1x8xf32> to vector<32x8xf32>
      %add3A_4189 = arith.addf %dot_general3A_4182, %add3A_4188 : vector<32x8xf32>
      %logistic3A_4190 = arith.negf %add3A_4189 : vector<32x8xf32>
      %logistic3A_4191 = math.exp %logistic3A_4190 : vector<32x8xf32>
      %logistic3A_4192 = arith.constant 1.000000e+00 : f32
      %logistic3A_4193 = vector.broadcast %logistic3A_4192 : f32 to vector<32x8xf32>
      %logistic3A_4194 = arith.addf %logistic3A_4193, %logistic3A_4191 : vector<32x8xf32>
      %logistic3A_4195 = arith.divf %logistic3A_4193, %logistic3A_4194 : vector<32x8xf32>
      %get3A_4196 = arith.constant 0 : index
      %get3A_4197 = arith.constant 191 : index
      %get3A_4198 = arith.constant 0 : index
      %get3A_4199 = vector.load %arg19[%get3A_4196, %get3A_4197, %get3A_4198] : memref<1x232x32xf32, #tpu.memory_space<vmem>>, vector<1x32x8xf32>
      %get3A_4200 = vector.shape_cast %get3A_4199 : vector<1x32x8xf32> to vector<32x8xf32>
      %dot_general3A_4201 = arith.constant dense<0.000000e+00> : vector<32x8xf32>
      %dot_general3A_4202 = tpu.matmul %max3A_3897, %get3A_4200, %dot_general3A_4201 {dimension_numbers = #tpu.dot_dimension_numbers<[1], [0], [0], [1], [0, 0, 1, 1], [], []>, precision = #tpu.contract_precision<fp32>, transpose_lhs_hint = false} : vector<32x32xf32>, vector<32x8xf32>, vector<32x8xf32> -> vector<32x8xf32>
      %get3A_4203 = arith.constant 0 : index
      %get3A_4204 = arith.constant 223 : index
      %get3A_4205 = arith.constant 0 : index
      %get3A_4206 = vector.load %arg19[%get3A_4203, %get3A_4204, %get3A_4205] : memref<1x232x32xf32, #tpu.memory_space<vmem>>, vector<1x1x8xf32>
      %get3A_4207 = vector.shape_cast %get3A_4206 : vector<1x1x8xf32> to vector<1x8xf32>
      %add3A_4208 = vector.broadcast %get3A_4207 : vector<1x8xf32> to vector<32x8xf32>
      %add3A_4209 = arith.addf %dot_general3A_4202, %add3A_4208 : vector<32x8xf32>
      %logistic3A_4210 = arith.negf %add3A_4209 : vector<32x8xf32>
      %logistic3A_4211 = math.exp %logistic3A_4210 : vector<32x8xf32>
      %logistic3A_4212 = arith.constant 1.000000e+00 : f32
      %logistic3A_4213 = vector.broadcast %logistic3A_4212 : f32 to vector<32x8xf32>
      %logistic3A_4214 = arith.addf %logistic3A_4213, %logistic3A_4211 : vector<32x8xf32>
      %logistic3A_4215 = arith.divf %logistic3A_4213, %logistic3A_4214 : vector<32x8xf32>
      %get3A_4216 = arith.constant 0 : index
      %get3A_4217 = arith.constant 191 : index
      %get3A_4218 = arith.constant 0 : index
      %get3A_4219 = vector.load %arg20[%get3A_4216, %get3A_4217, %get3A_4218] : memref<1x232x32xf32, #tpu.memory_space<vmem>>, vector<1x32x8xf32>
      %get3A_4220 = vector.shape_cast %get3A_4219 : vector<1x32x8xf32> to vector<32x8xf32>
      %dot_general3A_4221 = arith.constant dense<0.000000e+00> : vector<32x8xf32>
      %dot_general3A_4222 = tpu.matmul %max3A_3916, %get3A_4220, %dot_general3A_4221 {dimension_numbers = #tpu.dot_dimension_numbers<[1], [0], [0], [1], [0, 0, 1, 1], [], []>, precision = #tpu.contract_precision<fp32>, transpose_lhs_hint = false} : vector<32x32xf32>, vector<32x8xf32>, vector<32x8xf32> -> vector<32x8xf32>
      %get3A_4223 = arith.constant 0 : index
      %get3A_4224 = arith.constant 223 : index
      %get3A_4225 = arith.constant 0 : index
      %get3A_4226 = vector.load %arg20[%get3A_4223, %get3A_4224, %get3A_4225] : memref<1x232x32xf32, #tpu.memory_space<vmem>>, vector<1x1x8xf32>
      %get3A_4227 = vector.shape_cast %get3A_4226 : vector<1x1x8xf32> to vector<1x8xf32>
      %add3A_4228 = vector.broadcast %get3A_4227 : vector<1x8xf32> to vector<32x8xf32>
      %add3A_4229 = arith.addf %dot_general3A_4222, %add3A_4228 : vector<32x8xf32>
      %logistic3A_4230 = arith.negf %add3A_4229 : vector<32x8xf32>
      %logistic3A_4231 = math.exp %logistic3A_4230 : vector<32x8xf32>
      %logistic3A_4232 = arith.constant 1.000000e+00 : f32
      %logistic3A_4233 = vector.broadcast %logistic3A_4232 : f32 to vector<32x8xf32>
      %logistic3A_4234 = arith.addf %logistic3A_4233, %logistic3A_4231 : vector<32x8xf32>
      %logistic3A_4235 = arith.divf %logistic3A_4233, %logistic3A_4234 : vector<32x8xf32>
      %slice3A_4236 = vector.extract_strided_slice %get3A_1 {offsets = [15, 0], sizes = [1, 8], strides = [1, 1]} : vector<16x64xf32> to vector<1x8xf32>
      %mul3A_4237 = vector.broadcast %slice3A_4236 : vector<1x8xf32> to vector<32x8xf32>
      %mul3A_4238 = arith.mulf %logistic3A_3935, %mul3A_4237 : vector<32x8xf32>
      %slice3A_4239 = vector.extract_strided_slice %get3A_1 {offsets = [15, 8], sizes = [1, 8], strides = [1, 1]} : vector<16x64xf32> to vector<1x8xf32>
      %mul3A_4240 = vector.broadcast %max3A_2976 : vector<32x1xf32> to vector<32x8xf32>
      %mul3A_4241 = vector.broadcast %slice3A_4239 : vector<1x8xf32> to vector<32x8xf32>
      %mul3A_4242 = arith.mulf %mul3A_4240, %mul3A_4241 : vector<32x8xf32>
      %add3A_4243 = arith.addf %mul3A_4238, %mul3A_4242 : vector<32x8xf32>
      %swap3A = arith.constant 0 : index
      %swap3A_4244 = arith.constant 0 : index
      %swap3A_4245 = arith.constant 0 : index
      %swap3A_4246 = vector.load %arg21[%swap3A, %swap3A_4244, %swap3A_4245] : memref<16x32x8xf32, #tpu.memory_space<vmem>>, vector<1x32x8xf32>
      %swap3A_4247 = vector.shape_cast %swap3A_4246 : vector<1x32x8xf32> to vector<32x8xf32>
      %swap3A_4248 = vector.shape_cast %add3A_4243 : vector<32x8xf32> to vector<1x32x8xf32>
      tpu.vector_store %arg21[%swap3A, %swap3A_4244, %swap3A_4245], %swap3A_4248 {strides = array<i32>} : memref<16x32x8xf32, #tpu.memory_space<vmem>>, vector<1x32x8xf32>,
      %slice3A_4249 = vector.extract_strided_slice %get3A_1 {offsets = [15, 0], sizes = [1, 8], strides = [1, 1]} : vector<16x64xf32> to vector<1x8xf32>
      %mul3A_4250 = vector.broadcast %slice3A_4249 : vector<1x8xf32> to vector<32x8xf32>
      %mul3A_4251 = arith.mulf %logistic3A_3955, %mul3A_4250 : vector<32x8xf32>
      %slice3A_4252 = vector.extract_strided_slice %get3A_1 {offsets = [15, 8], sizes = [1, 8], strides = [1, 1]} : vector<16x64xf32> to vector<1x8xf32>
      %mul3A_4253 = vector.broadcast %max3A_2996 : vector<32x1xf32> to vector<32x8xf32>
      %mul3A_4254 = vector.broadcast %slice3A_4252 : vector<1x8xf32> to vector<32x8xf32>
      %mul3A_4255 = arith.mulf %mul3A_4253, %mul3A_4254 : vector<32x8xf32>
      %add3A_4256 = arith.addf %mul3A_4251, %mul3A_4255 : vector<32x8xf32>
      %swap3A_4257 = arith.constant 1 : index
      %swap3A_4258 = arith.constant 0 : index
      %swap3A_4259 = arith.constant 0 : index
      %swap3A_4260 = vector.load %arg21[%swap3A_4257, %swap3A_4258, %swap3A_4259] : memref<16x32x8xf32, #tpu.memory_space<vmem>>, vector<1x32x8xf32>
      %swap3A_4261 = vector.shape_cast %swap3A_4260 : vector<1x32x8xf32> to vector<32x8xf32>
      %swap3A_4262 = vector.shape_cast %add3A_4256 : vector<32x8xf32> to vector<1x32x8xf32>
      tpu.vector_store %arg21[%swap3A_4257, %swap3A_4258, %swap3A_4259], %swap3A_4262 {strides = array<i32>} : memref<16x32x8xf32, #tpu.memory_space<vmem>>, vector<1x32x8xf32>,
      %slice3A_4263 = vector.extract_strided_slice %get3A_1 {offsets = [15, 0], sizes = [1, 8], strides = [1, 1]} : vector<16x64xf32> to vector<1x8xf32>
      %mul3A_4264 = vector.broadcast %slice3A_4263 : vector<1x8xf32> to vector<32x8xf32>
      %mul3A_4265 = arith.mulf %logistic3A_3975, %mul3A_4264 : vector<32x8xf32>
      %slice3A_4266 = vector.extract_strided_slice %get3A_1 {offsets = [15, 8], sizes = [1, 8], strides = [1, 1]} : vector<16x64xf32> to vector<1x8xf32>
      %mul3A_4267 = vector.broadcast %max3A_3016 : vector<32x1xf32> to vector<32x8xf32>
      %mul3A_4268 = vector.broadcast %slice3A_4266 : vector<1x8xf32> to vector<32x8xf32>
      %mul3A_4269 = arith.mulf %mul3A_4267, %mul3A_4268 : vector<32x8xf32>
      %add3A_4270 = arith.addf %mul3A_4265, %mul3A_4269 : vector<32x8xf32>
      %swap3A_4271 = arith.constant 2 : index
      %swap3A_4272 = arith.constant 0 : index
      %swap3A_4273 = arith.constant 0 : index
      %swap3A_4274 = vector.load %arg21[%swap3A_4271, %swap3A_4272, %swap3A_4273] : memref<16x32x8xf32, #tpu.memory_space<vmem>>, vector<1x32x8xf32>
      %swap3A_4275 = vector.shape_cast %swap3A_4274 : vector<1x32x8xf32> to vector<32x8xf32>
      %swap3A_4276 = vector.shape_cast %add3A_4270 : vector<32x8xf32> to vector<1x32x8xf32>
      tpu.vector_store %arg21[%swap3A_4271, %swap3A_4272, %swap3A_4273], %swap3A_4276 {strides = array<i32>} : memref<16x32x8xf32, #tpu.memory_space<vmem>>, vector<1x32x8xf32>,
      %slice3A_4277 = vector.extract_strided_slice %get3A_1 {offsets = [15, 0], sizes = [1, 8], strides = [1, 1]} : vector<16x64xf32> to vector<1x8xf32>
      %mul3A_4278 = vector.broadcast %slice3A_4277 : vector<1x8xf32> to vector<32x8xf32>
      %mul3A_4279 = arith.mulf %logistic3A_3995, %mul3A_4278 : vector<32x8xf32>
      %slice3A_4280 = vector.extract_strided_slice %get3A_1 {offsets = [15, 8], sizes = [1, 8], strides = [1, 1]} : vector<16x64xf32> to vector<1x8xf32>
      %mul3A_4281 = vector.broadcast %max3A_3036 : vector<32x1xf32> to vector<32x8xf32>
      %mul3A_4282 = vector.broadcast %slice3A_4280 : vector<1x8xf32> to vector<32x8xf32>
      %mul3A_4283 = arith.mulf %mul3A_4281, %mul3A_4282 : vector<32x8xf32>
      %add3A_4284 = arith.addf %mul3A_4279, %mul3A_4283 : vector<32x8xf32>
      %swap3A_4285 = arith.constant 3 : index
      %swap3A_4286 = arith.constant 0 : index
      %swap3A_4287 = arith.constant 0 : index
      %swap3A_4288 = vector.load %arg21[%swap3A_4285, %swap3A_4286, %swap3A_4287] : memref<16x32x8xf32, #tpu.memory_space<vmem>>, vector<1x32x8xf32>
      %swap3A_4289 = vector.shape_cast %swap3A_4288 : vector<1x32x8xf32> to vector<32x8xf32>
      %swap3A_4290 = vector.shape_cast %add3A_4284 : vector<32x8xf32> to vector<1x32x8xf32>
      tpu.vector_store %arg21[%swap3A_4285, %swap3A_4286, %swap3A_4287], %swap3A_4290 {strides = array<i32>} : memref<16x32x8xf32, #tpu.memory_space<vmem>>, vector<1x32x8xf32>,
      %slice3A_4291 = vector.extract_strided_slice %get3A_1 {offsets = [15, 0], sizes = [1, 8], strides = [1, 1]} : vector<16x64xf32> to vector<1x8xf32>
      %mul3A_4292 = vector.broadcast %slice3A_4291 : vector<1x8xf32> to vector<32x8xf32>
      %mul3A_4293 = arith.mulf %logistic3A_4015, %mul3A_4292 : vector<32x8xf32>
      %slice3A_4294 = vector.extract_strided_slice %get3A_1 {offsets = [15, 8], sizes = [1, 8], strides = [1, 1]} : vector<16x64xf32> to vector<1x8xf32>
      %mul3A_4295 = vector.broadcast %max3A_3056 : vector<32x1xf32> to vector<32x8xf32>
      %mul3A_4296 = vector.broadcast %slice3A_4294 : vector<1x8xf32> to vector<32x8xf32>
      %mul3A_4297 = arith.mulf %mul3A_4295, %mul3A_4296 : vector<32x8xf32>
      %add3A_4298 = arith.addf %mul3A_4293, %mul3A_4297 : vector<32x8xf32>
      %swap3A_4299 = arith.constant 4 : index
      %swap3A_4300 = arith.constant 0 : index
      %swap3A_4301 = arith.constant 0 : index
      %swap3A_4302 = vector.load %arg21[%swap3A_4299, %swap3A_4300, %swap3A_4301] : memref<16x32x8xf32, #tpu.memory_space<vmem>>, vector<1x32x8xf32>
      %swap3A_4303 = vector.shape_cast %swap3A_4302 : vector<1x32x8xf32> to vector<32x8xf32>
      %swap3A_4304 = vector.shape_cast %add3A_4298 : vector<32x8xf32> to vector<1x32x8xf32>
      tpu.vector_store %arg21[%swap3A_4299, %swap3A_4300, %swap3A_4301], %swap3A_4304 {strides = array<i32>} : memref<16x32x8xf32, #tpu.memory_space<vmem>>, vector<1x32x8xf32>,
      %slice3A_4305 = vector.extract_strided_slice %get3A_1 {offsets = [15, 0], sizes = [1, 8], strides = [1, 1]} : vector<16x64xf32> to vector<1x8xf32>
      %mul3A_4306 = vector.broadcast %slice3A_4305 : vector<1x8xf32> to vector<32x8xf32>
      %mul3A_4307 = arith.mulf %logistic3A_4035, %mul3A_4306 : vector<32x8xf32>
      %slice3A_4308 = vector.extract_strided_slice %get3A_1 {offsets = [15, 8], sizes = [1, 8], strides = [1, 1]} : vector<16x64xf32> to vector<1x8xf32>
      %mul3A_4309 = vector.broadcast %max3A_3076 : vector<32x1xf32> to vector<32x8xf32>
      %mul3A_4310 = vector.broadcast %slice3A_4308 : vector<1x8xf32> to vector<32x8xf32>
      %mul3A_4311 = arith.mulf %mul3A_4309, %mul3A_4310 : vector<32x8xf32>
      %add3A_4312 = arith.addf %mul3A_4307, %mul3A_4311 : vector<32x8xf32>
      %swap3A_4313 = arith.constant 5 : index
      %swap3A_4314 = arith.constant 0 : index
      %swap3A_4315 = arith.constant 0 : index
      %swap3A_4316 = vector.load %arg21[%swap3A_4313, %swap3A_4314, %swap3A_4315] : memref<16x32x8xf32, #tpu.memory_space<vmem>>, vector<1x32x8xf32>
      %swap3A_4317 = vector.shape_cast %swap3A_4316 : vector<1x32x8xf32> to vector<32x8xf32>
      %swap3A_4318 = vector.shape_cast %add3A_4312 : vector<32x8xf32> to vector<1x32x8xf32>
      tpu.vector_store %arg21[%swap3A_4313, %swap3A_4314, %swap3A_4315], %swap3A_4318 {strides = array<i32>} : memref<16x32x8xf32, #tpu.memory_space<vmem>>, vector<1x32x8xf32>,
      %slice3A_4319 = vector.extract_strided_slice %get3A_1 {offsets = [15, 0], sizes = [1, 8], strides = [1, 1]} : vector<16x64xf32> to vector<1x8xf32>
      %mul3A_4320 = vector.broadcast %slice3A_4319 : vector<1x8xf32> to vector<32x8xf32>
      %mul3A_4321 = arith.mulf %logistic3A_4055, %mul3A_4320 : vector<32x8xf32>
      %slice3A_4322 = vector.extract_strided_slice %get3A_1 {offsets = [15, 8], sizes = [1, 8], strides = [1, 1]} : vector<16x64xf32> to vector<1x8xf32>
      %mul3A_4323 = vector.broadcast %max3A_3096 : vector<32x1xf32> to vector<32x8xf32>
      %mul3A_4324 = vector.broadcast %slice3A_4322 : vector<1x8xf32> to vector<32x8xf32>
      %mul3A_4325 = arith.mulf %mul3A_4323, %mul3A_4324 : vector<32x8xf32>
      %add3A_4326 = arith.addf %mul3A_4321, %mul3A_4325 : vector<32x8xf32>
      %swap3A_4327 = arith.constant 6 : index
      %swap3A_4328 = arith.constant 0 : index
      %swap3A_4329 = arith.constant 0 : index
      %swap3A_4330 = vector.load %arg21[%swap3A_4327, %swap3A_4328, %swap3A_4329] : memref<16x32x8xf32, #tpu.memory_space<vmem>>, vector<1x32x8xf32>
      %swap3A_4331 = vector.shape_cast %swap3A_4330 : vector<1x32x8xf32> to vector<32x8xf32>
      %swap3A_4332 = vector.shape_cast %add3A_4326 : vector<32x8xf32> to vector<1x32x8xf32>
      tpu.vector_store %arg21[%swap3A_4327, %swap3A_4328, %swap3A_4329], %swap3A_4332 {strides = array<i32>} : memref<16x32x8xf32, #tpu.memory_space<vmem>>, vector<1x32x8xf32>,
      %slice3A_4333 = vector.extract_strided_slice %get3A_1 {offsets = [15, 0], sizes = [1, 8], strides = [1, 1]} : vector<16x64xf32> to vector<1x8xf32>
      %mul3A_4334 = vector.broadcast %slice3A_4333 : vector<1x8xf32> to vector<32x8xf32>
      %mul3A_4335 = arith.mulf %logistic3A_4075, %mul3A_4334 : vector<32x8xf32>
      %slice3A_4336 = vector.extract_strided_slice %get3A_1 {offsets = [15, 8], sizes = [1, 8], strides = [1, 1]} : vector<16x64xf32> to vector<1x8xf32>
      %mul3A_4337 = vector.broadcast %max3A_3116 : vector<32x1xf32> to vector<32x8xf32>
      %mul3A_4338 = vector.broadcast %slice3A_4336 : vector<1x8xf32> to vector<32x8xf32>
      %mul3A_4339 = arith.mulf %mul3A_4337, %mul3A_4338 : vector<32x8xf32>
      %add3A_4340 = arith.addf %mul3A_4335, %mul3A_4339 : vector<32x8xf32>
      %swap3A_4341 = arith.constant 7 : index
      %swap3A_4342 = arith.constant 0 : index
      %swap3A_4343 = arith.constant 0 : index
      %swap3A_4344 = vector.load %arg21[%swap3A_4341, %swap3A_4342, %swap3A_4343] : memref<16x32x8xf32, #tpu.memory_space<vmem>>, vector<1x32x8xf32>
      %swap3A_4345 = vector.shape_cast %swap3A_4344 : vector<1x32x8xf32> to vector<32x8xf32>
      %swap3A_4346 = vector.shape_cast %add3A_4340 : vector<32x8xf32> to vector<1x32x8xf32>
      tpu.vector_store %arg21[%swap3A_4341, %swap3A_4342, %swap3A_4343], %swap3A_4346 {strides = array<i32>} : memref<16x32x8xf32, #tpu.memory_space<vmem>>, vector<1x32x8xf32>,
      %slice3A_4347 = vector.extract_strided_slice %get3A_1 {offsets = [15, 0], sizes = [1, 8], strides = [1, 1]} : vector<16x64xf32> to vector<1x8xf32>
      %mul3A_4348 = vector.broadcast %slice3A_4347 : vector<1x8xf32> to vector<32x8xf32>
      %mul3A_4349 = arith.mulf %logistic3A_4095, %mul3A_4348 : vector<32x8xf32>
      %slice3A_4350 = vector.extract_strided_slice %get3A_1 {offsets = [15, 8], sizes = [1, 8], strides = [1, 1]} : vector<16x64xf32> to vector<1x8xf32>
      %mul3A_4351 = vector.broadcast %max3A_3136 : vector<32x1xf32> to vector<32x8xf32>
      %mul3A_4352 = vector.broadcast %slice3A_4350 : vector<1x8xf32> to vector<32x8xf32>
      %mul3A_4353 = arith.mulf %mul3A_4351, %mul3A_4352 : vector<32x8xf32>
      %add3A_4354 = arith.addf %mul3A_4349, %mul3A_4353 : vector<32x8xf32>
      %swap3A_4355 = arith.constant 8 : index
      %swap3A_4356 = arith.constant 0 : index
      %swap3A_4357 = arith.constant 0 : index
      %swap3A_4358 = vector.load %arg21[%swap3A_4355, %swap3A_4356, %swap3A_4357] : memref<16x32x8xf32, #tpu.memory_space<vmem>>, vector<1x32x8xf32>
      %swap3A_4359 = vector.shape_cast %swap3A_4358 : vector<1x32x8xf32> to vector<32x8xf32>
      %swap3A_4360 = vector.shape_cast %add3A_4354 : vector<32x8xf32> to vector<1x32x8xf32>
      tpu.vector_store %arg21[%swap3A_4355, %swap3A_4356, %swap3A_4357], %swap3A_4360 {strides = array<i32>} : memref<16x32x8xf32, #tpu.memory_space<vmem>>, vector<1x32x8xf32>,
      %slice3A_4361 = vector.extract_strided_slice %get3A_1 {offsets = [15, 0], sizes = [1, 8], strides = [1, 1]} : vector<16x64xf32> to vector<1x8xf32>
      %mul3A_4362 = vector.broadcast %slice3A_4361 : vector<1x8xf32> to vector<32x8xf32>
      %mul3A_4363 = arith.mulf %logistic3A_4115, %mul3A_4362 : vector<32x8xf32>
      %slice3A_4364 = vector.extract_strided_slice %get3A_1 {offsets = [15, 8], sizes = [1, 8], strides = [1, 1]} : vector<16x64xf32> to vector<1x8xf32>
      %mul3A_4365 = vector.broadcast %max3A_3156 : vector<32x1xf32> to vector<32x8xf32>
      %mul3A_4366 = vector.broadcast %slice3A_4364 : vector<1x8xf32> to vector<32x8xf32>
      %mul3A_4367 = arith.mulf %mul3A_4365, %mul3A_4366 : vector<32x8xf32>
      %add3A_4368 = arith.addf %mul3A_4363, %mul3A_4367 : vector<32x8xf32>
      %swap3A_4369 = arith.constant 9 : index
      %swap3A_4370 = arith.constant 0 : index
      %swap3A_4371 = arith.constant 0 : index
      %swap3A_4372 = vector.load %arg21[%swap3A_4369, %swap3A_4370, %swap3A_4371] : memref<16x32x8xf32, #tpu.memory_space<vmem>>, vector<1x32x8xf32>
      %swap3A_4373 = vector.shape_cast %swap3A_4372 : vector<1x32x8xf32> to vector<32x8xf32>
      %swap3A_4374 = vector.shape_cast %add3A_4368 : vector<32x8xf32> to vector<1x32x8xf32>
      tpu.vector_store %arg21[%swap3A_4369, %swap3A_4370, %swap3A_4371], %swap3A_4374 {strides = array<i32>} : memref<16x32x8xf32, #tpu.memory_space<vmem>>, vector<1x32x8xf32>,
      %slice3A_4375 = vector.extract_strided_slice %get3A_1 {offsets = [15, 0], sizes = [1, 8], strides = [1, 1]} : vector<16x64xf32> to vector<1x8xf32>
      %mul3A_4376 = vector.broadcast %slice3A_4375 : vector<1x8xf32> to vector<32x8xf32>
      %mul3A_4377 = arith.mulf %logistic3A_4135, %mul3A_4376 : vector<32x8xf32>
      %slice3A_4378 = vector.extract_strided_slice %get3A_1 {offsets = [15, 8], sizes = [1, 8], strides = [1, 1]} : vector<16x64xf32> to vector<1x8xf32>
      %mul3A_4379 = vector.broadcast %max3A_3176 : vector<32x1xf32> to vector<32x8xf32>
      %mul3A_4380 = vector.broadcast %slice3A_4378 : vector<1x8xf32> to vector<32x8xf32>
      %mul3A_4381 = arith.mulf %mul3A_4379, %mul3A_4380 : vector<32x8xf32>
      %add3A_4382 = arith.addf %mul3A_4377, %mul3A_4381 : vector<32x8xf32>
      %swap3A_4383 = arith.constant 10 : index
      %swap3A_4384 = arith.constant 0 : index
      %swap3A_4385 = arith.constant 0 : index
      %swap3A_4386 = vector.load %arg21[%swap3A_4383, %swap3A_4384, %swap3A_4385] : memref<16x32x8xf32, #tpu.memory_space<vmem>>, vector<1x32x8xf32>
      %swap3A_4387 = vector.shape_cast %swap3A_4386 : vector<1x32x8xf32> to vector<32x8xf32>
      %swap3A_4388 = vector.shape_cast %add3A_4382 : vector<32x8xf32> to vector<1x32x8xf32>
      tpu.vector_store %arg21[%swap3A_4383, %swap3A_4384, %swap3A_4385], %swap3A_4388 {strides = array<i32>} : memref<16x32x8xf32, #tpu.memory_space<vmem>>, vector<1x32x8xf32>,
      %slice3A_4389 = vector.extract_strided_slice %get3A_1 {offsets = [15, 0], sizes = [1, 8], strides = [1, 1]} : vector<16x64xf32> to vector<1x8xf32>
      %mul3A_4390 = vector.broadcast %slice3A_4389 : vector<1x8xf32> to vector<32x8xf32>
      %mul3A_4391 = arith.mulf %logistic3A_4155, %mul3A_4390 : vector<32x8xf32>
      %slice3A_4392 = vector.extract_strided_slice %get3A_1 {offsets = [15, 8], sizes = [1, 8], strides = [1, 1]} : vector<16x64xf32> to vector<1x8xf32>
      %mul3A_4393 = vector.broadcast %max3A_3196 : vector<32x1xf32> to vector<32x8xf32>
      %mul3A_4394 = vector.broadcast %slice3A_4392 : vector<1x8xf32> to vector<32x8xf32>
      %mul3A_4395 = arith.mulf %mul3A_4393, %mul3A_4394 : vector<32x8xf32>
      %add3A_4396 = arith.addf %mul3A_4391, %mul3A_4395 : vector<32x8xf32>
      %swap3A_4397 = arith.constant 11 : index
      %swap3A_4398 = arith.constant 0 : index
      %swap3A_4399 = arith.constant 0 : index
      %swap3A_4400 = vector.load %arg21[%swap3A_4397, %swap3A_4398, %swap3A_4399] : memref<16x32x8xf32, #tpu.memory_space<vmem>>, vector<1x32x8xf32>
      %swap3A_4401 = vector.shape_cast %swap3A_4400 : vector<1x32x8xf32> to vector<32x8xf32>
      %swap3A_4402 = vector.shape_cast %add3A_4396 : vector<32x8xf32> to vector<1x32x8xf32>
      tpu.vector_store %arg21[%swap3A_4397, %swap3A_4398, %swap3A_4399], %swap3A_4402 {strides = array<i32>} : memref<16x32x8xf32, #tpu.memory_space<vmem>>, vector<1x32x8xf32>,
      %slice3A_4403 = vector.extract_strided_slice %get3A_1 {offsets = [15, 0], sizes = [1, 8], strides = [1, 1]} : vector<16x64xf32> to vector<1x8xf32>
      %mul3A_4404 = vector.broadcast %slice3A_4403 : vector<1x8xf32> to vector<32x8xf32>
      %mul3A_4405 = arith.mulf %logistic3A_4175, %mul3A_4404 : vector<32x8xf32>
      %slice3A_4406 = vector.extract_strided_slice %get3A_1 {offsets = [15, 8], sizes = [1, 8], strides = [1, 1]} : vector<16x64xf32> to vector<1x8xf32>
      %mul3A_4407 = vector.broadcast %max3A_3216 : vector<32x1xf32> to vector<32x8xf32>
      %mul3A_4408 = vector.broadcast %slice3A_4406 : vector<1x8xf32> to vector<32x8xf32>
      %mul3A_4409 = arith.mulf %mul3A_4407, %mul3A_4408 : vector<32x8xf32>
      %add3A_4410 = arith.addf %mul3A_4405, %mul3A_4409 : vector<32x8xf32>
      %swap3A_4411 = arith.constant 12 : index
      %swap3A_4412 = arith.constant 0 : index
      %swap3A_4413 = arith.constant 0 : index
      %swap3A_4414 = vector.load %arg21[%swap3A_4411, %swap3A_4412, %swap3A_4413] : memref<16x32x8xf32, #tpu.memory_space<vmem>>, vector<1x32x8xf32>
      %swap3A_4415 = vector.shape_cast %swap3A_4414 : vector<1x32x8xf32> to vector<32x8xf32>
      %swap3A_4416 = vector.shape_cast %add3A_4410 : vector<32x8xf32> to vector<1x32x8xf32>
      tpu.vector_store %arg21[%swap3A_4411, %swap3A_4412, %swap3A_4413], %swap3A_4416 {strides = array<i32>} : memref<16x32x8xf32, #tpu.memory_space<vmem>>, vector<1x32x8xf32>,
      %slice3A_4417 = vector.extract_strided_slice %get3A_1 {offsets = [15, 0], sizes = [1, 8], strides = [1, 1]} : vector<16x64xf32> to vector<1x8xf32>
      %mul3A_4418 = vector.broadcast %slice3A_4417 : vector<1x8xf32> to vector<32x8xf32>
      %mul3A_4419 = arith.mulf %logistic3A_4195, %mul3A_4418 : vector<32x8xf32>
      %slice3A_4420 = vector.extract_strided_slice %get3A_1 {offsets = [15, 8], sizes = [1, 8], strides = [1, 1]} : vector<16x64xf32> to vector<1x8xf32>
      %mul3A_4421 = vector.broadcast %max3A_3236 : vector<32x1xf32> to vector<32x8xf32>
      %mul3A_4422 = vector.broadcast %slice3A_4420 : vector<1x8xf32> to vector<32x8xf32>
      %mul3A_4423 = arith.mulf %mul3A_4421, %mul3A_4422 : vector<32x8xf32>
      %add3A_4424 = arith.addf %mul3A_4419, %mul3A_4423 : vector<32x8xf32>
      %swap3A_4425 = arith.constant 13 : index
      %swap3A_4426 = arith.constant 0 : index
      %swap3A_4427 = arith.constant 0 : index
      %swap3A_4428 = vector.load %arg21[%swap3A_4425, %swap3A_4426, %swap3A_4427] : memref<16x32x8xf32, #tpu.memory_space<vmem>>, vector<1x32x8xf32>
      %swap3A_4429 = vector.shape_cast %swap3A_4428 : vector<1x32x8xf32> to vector<32x8xf32>
      %swap3A_4430 = vector.shape_cast %add3A_4424 : vector<32x8xf32> to vector<1x32x8xf32>
      tpu.vector_store %arg21[%swap3A_4425, %swap3A_4426, %swap3A_4427], %swap3A_4430 {strides = array<i32>} : memref<16x32x8xf32, #tpu.memory_space<vmem>>, vector<1x32x8xf32>,
      %slice3A_4431 = vector.extract_strided_slice %get3A_1 {offsets = [15, 0], sizes = [1, 8], strides = [1, 1]} : vector<16x64xf32> to vector<1x8xf32>
      %mul3A_4432 = vector.broadcast %slice3A_4431 : vector<1x8xf32> to vector<32x8xf32>
      %mul3A_4433 = arith.mulf %logistic3A_4215, %mul3A_4432 : vector<32x8xf32>
      %slice3A_4434 = vector.extract_strided_slice %get3A_1 {offsets = [15, 8], sizes = [1, 8], strides = [1, 1]} : vector<16x64xf32> to vector<1x8xf32>
      %mul3A_4435 = vector.broadcast %max3A_3256 : vector<32x1xf32> to vector<32x8xf32>
      %mul3A_4436 = vector.broadcast %slice3A_4434 : vector<1x8xf32> to vector<32x8xf32>
      %mul3A_4437 = arith.mulf %mul3A_4435, %mul3A_4436 : vector<32x8xf32>
      %add3A_4438 = arith.addf %mul3A_4433, %mul3A_4437 : vector<32x8xf32>
      %swap3A_4439 = arith.constant 14 : index
      %swap3A_4440 = arith.constant 0 : index
      %swap3A_4441 = arith.constant 0 : index
      %swap3A_4442 = vector.load %arg21[%swap3A_4439, %swap3A_4440, %swap3A_4441] : memref<16x32x8xf32, #tpu.memory_space<vmem>>, vector<1x32x8xf32>
      %swap3A_4443 = vector.shape_cast %swap3A_4442 : vector<1x32x8xf32> to vector<32x8xf32>
      %swap3A_4444 = vector.shape_cast %add3A_4438 : vector<32x8xf32> to vector<1x32x8xf32>
      tpu.vector_store %arg21[%swap3A_4439, %swap3A_4440, %swap3A_4441], %swap3A_4444 {strides = array<i32>} : memref<16x32x8xf32, #tpu.memory_space<vmem>>, vector<1x32x8xf32>,
      %slice3A_4445 = vector.extract_strided_slice %get3A_1 {offsets = [15, 0], sizes = [1, 8], strides = [1, 1]} : vector<16x64xf32> to vector<1x8xf32>
      %mul3A_4446 = vector.broadcast %slice3A_4445 : vector<1x8xf32> to vector<32x8xf32>
      %mul3A_4447 = arith.mulf %logistic3A_4235, %mul3A_4446 : vector<32x8xf32>
      %slice3A_4448 = vector.extract_strided_slice %get3A_1 {offsets = [15, 8], sizes = [1, 8], strides = [1, 1]} : vector<16x64xf32> to vector<1x8xf32>
      %mul3A_4449 = vector.broadcast %max3A_3276 : vector<32x1xf32> to vector<32x8xf32>
      %mul3A_4450 = vector.broadcast %slice3A_4448 : vector<1x8xf32> to vector<32x8xf32>
      %mul3A_4451 = arith.mulf %mul3A_4449, %mul3A_4450 : vector<32x8xf32>
      %add3A_4452 = arith.addf %mul3A_4447, %mul3A_4451 : vector<32x8xf32>
      %swap3A_4453 = arith.constant 15 : index
      %swap3A_4454 = arith.constant 0 : index
      %swap3A_4455 = arith.constant 0 : index
      %swap3A_4456 = vector.load %arg21[%swap3A_4453, %swap3A_4454, %swap3A_4455] : memref<16x32x8xf32, #tpu.memory_space<vmem>>, vector<1x32x8xf32>
      %swap3A_4457 = vector.shape_cast %swap3A_4456 : vector<1x32x8xf32> to vector<32x8xf32>
      %swap3A_4458 = vector.shape_cast %add3A_4452 : vector<32x8xf32> to vector<1x32x8xf32>
      tpu.vector_store %arg21[%swap3A_4453, %swap3A_4454, %swap3A_4455], %swap3A_4458 {strides = array<i32>} : memref<16x32x8xf32, #tpu.memory_space<vmem>>, vector<1x32x8xf32>,
    } else {
    }
    return
  }
  func.func @transform_0(%arg0: i32, %arg1: memref<5120xi32, #tpu.memory_space<smem>>, %arg2: memref<320xi32, #tpu.memory_space<smem>>) -> (i32, i32) {
    %c0_i32 = arith.constant 0 : i32
    %c0_i32_0 = arith.constant 0 : i32
    %c0_i32_1 = arith.constant 0 : i32
    return %c0_i32, %c0_i32_0 : i32, i32
  }
  func.func @transform_1(%arg0: i32, %arg1: memref<5120xi32, #tpu.memory_space<smem>>, %arg2: memref<320xi32, #tpu.memory_space<smem>>) -> (i32, i32, i32) {
    %c0_i32 = arith.constant 0 : i32
    %c0_i32_0 = arith.constant 0 : i32
    %c0_i32_1 = arith.constant 0 : i32
    return %arg0, %c0_i32, %c0_i32_0 : i32, i32, i32
  }
  func.func @transform_2(%arg0: i32, %arg1: memref<5120xi32, #tpu.memory_space<smem>>, %arg2: memref<320xi32, #tpu.memory_space<smem>>) -> (i32, i32, i32) {
    %mul3A = arith.constant 16 : i32
    %mul3A_0 = arith.muli %arg0, %mul3A : i32
    %add3A = arith.constant 0 : i32
    %add3A_1 = arith.addi %mul3A_0, %add3A : i32
    %get3A = arith.index_cast %add3A_1 : i32 to index
    %get3A_2 = memref.load %arg1[%get3A] : memref<5120xi32, #tpu.memory_space<smem>>
    %c0_i32 = arith.constant 0 : i32
    %c0_i32_3 = arith.constant 0 : i32
    %c0_i32_4 = arith.constant 0 : i32
    return %get3A_2, %c0_i32, %c0_i32_3 : i32, i32, i32
  }
  func.func @transform_3(%arg0: i32, %arg1: memref<5120xi32, #tpu.memory_space<smem>>, %arg2: memref<320xi32, #tpu.memory_space<smem>>) -> (i32, i32, i32) {
    %mul3A = arith.constant 16 : i32
    %mul3A_0 = arith.muli %arg0, %mul3A : i32
    %add3A = arith.constant 1 : i32
    %add3A_1 = arith.addi %mul3A_0, %add3A : i32
    %get3A = arith.index_cast %add3A_1 : i32 to index
    %get3A_2 = memref.load %arg1[%get3A] : memref<5120xi32, #tpu.memory_space<smem>>
    %c0_i32 = arith.constant 0 : i32
    %c0_i32_3 = arith.constant 0 : i32
    %c0_i32_4 = arith.constant 0 : i32
    return %get3A_2, %c0_i32, %c0_i32_3 : i32, i32, i32
  }
  func.func @transform_4(%arg0: i32, %arg1: memref<5120xi32, #tpu.memory_space<smem>>, %arg2: memref<320xi32, #tpu.memory_space<smem>>) -> (i32, i32, i32) {
    %mul3A = arith.constant 16 : i32
    %mul3A_0 = arith.muli %arg0, %mul3A : i32
    %add3A = arith.constant 2 : i32
    %add3A_1 = arith.addi %mul3A_0, %add3A : i32
    %get3A = arith.index_cast %add3A_1 : i32 to index
    %get3A_2 = memref.load %arg1[%get3A] : memref<5120xi32, #tpu.memory_space<smem>>
    %c0_i32 = arith.constant 0 : i32
    %c0_i32_3 = arith.constant 0 : i32
    %c0_i32_4 = arith.constant 0 : i32
    return %get3A_2, %c0_i32, %c0_i32_3 : i32, i32, i32
  }
  func.func @transform_5(%arg0: i32, %arg1: memref<5120xi32, #tpu.memory_space<smem>>, %arg2: memref<320xi32, #tpu.memory_space<smem>>) -> (i32, i32, i32) {
    %mul3A = arith.constant 16 : i32
    %mul3A_0 = arith.muli %arg0, %mul3A : i32
    %add3A = arith.constant 3 : i32
    %add3A_1 = arith.addi %mul3A_0, %add3A : i32
    %get3A = arith.index_cast %add3A_1 : i32 to index
    %get3A_2 = memref.load %arg1[%get3A] : memref<5120xi32, #tpu.memory_space<smem>>
    %c0_i32 = arith.constant 0 : i32
    %c0_i32_3 = arith.constant 0 : i32
    %c0_i32_4 = arith.constant 0 : i32
    return %get3A_2, %c0_i32, %c0_i32_3 : i32, i32, i32
  }
  func.func @transform_6(%arg0: i32, %arg1: memref<5120xi32, #tpu.memory_space<smem>>, %arg2: memref<320xi32, #tpu.memory_space<smem>>) -> (i32, i32, i32) {
    %mul3A = arith.constant 16 : i32
    %mul3A_0 = arith.muli %arg0, %mul3A : i32
    %add3A = arith.constant 4 : i32
    %add3A_1 = arith.addi %mul3A_0, %add3A : i32
    %get3A = arith.index_cast %add3A_1 : i32 to index
    %get3A_2 = memref.load %arg1[%get3A] : memref<5120xi32, #tpu.memory_space<smem>>
    %c0_i32 = arith.constant 0 : i32
    %c0_i32_3 = arith.constant 0 : i32
    %c0_i32_4 = arith.constant 0 : i32
    return %get3A_2, %c0_i32, %c0_i32_3 : i32, i32, i32
  }
  func.func @transform_7(%arg0: i32, %arg1: memref<5120xi32, #tpu.memory_space<smem>>, %arg2: memref<320xi32, #tpu.memory_space<smem>>) -> (i32, i32, i32) {
    %mul3A = arith.constant 16 : i32
    %mul3A_0 = arith.muli %arg0, %mul3A : i32
    %add3A = arith.constant 5 : i32
    %add3A_1 = arith.addi %mul3A_0, %add3A : i32
    %get3A = arith.index_cast %add3A_1 : i32 to index
    %get3A_2 = memref.load %arg1[%get3A] : memref<5120xi32, #tpu.memory_space<smem>>
    %c0_i32 = arith.constant 0 : i32
    %c0_i32_3 = arith.constant 0 : i32
    %c0_i32_4 = arith.constant 0 : i32
    return %get3A_2, %c0_i32, %c0_i32_3 : i32, i32, i32
  }
  func.func @transform_8(%arg0: i32, %arg1: memref<5120xi32, #tpu.memory_space<smem>>, %arg2: memref<320xi32, #tpu.memory_space<smem>>) -> (i32, i32, i32) {
    %mul3A = arith.constant 16 : i32
    %mul3A_0 = arith.muli %arg0, %mul3A : i32
    %add3A = arith.constant 6 : i32
    %add3A_1 = arith.addi %mul3A_0, %add3A : i32
    %get3A = arith.index_cast %add3A_1 : i32 to index
    %get3A_2 = memref.load %arg1[%get3A] : memref<5120xi32, #tpu.memory_space<smem>>
    %c0_i32 = arith.constant 0 : i32
    %c0_i32_3 = arith.constant 0 : i32
    %c0_i32_4 = arith.constant 0 : i32
    return %get3A_2, %c0_i32, %c0_i32_3 : i32, i32, i32
  }
  func.func @transform_9(%arg0: i32, %arg1: memref<5120xi32, #tpu.memory_space<smem>>, %arg2: memref<320xi32, #tpu.memory_space<smem>>) -> (i32, i32, i32) {
    %mul3A = arith.constant 16 : i32
    %mul3A_0 = arith.muli %arg0, %mul3A : i32
    %add3A = arith.constant 7 : i32
    %add3A_1 = arith.addi %mul3A_0, %add3A : i32
    %get3A = arith.index_cast %add3A_1 : i32 to index
    %get3A_2 = memref.load %arg1[%get3A] : memref<5120xi32, #tpu.memory_space<smem>>
    %c0_i32 = arith.constant 0 : i32
    %c0_i32_3 = arith.constant 0 : i32
    %c0_i32_4 = arith.constant 0 : i32
    return %get3A_2, %c0_i32, %c0_i32_3 : i32, i32, i32
  }
  func.func @transform_10(%arg0: i32, %arg1: memref<5120xi32, #tpu.memory_space<smem>>, %arg2: memref<320xi32, #tpu.memory_space<smem>>) -> (i32, i32, i32) {
    %mul3A = arith.constant 16 : i32
    %mul3A_0 = arith.muli %arg0, %mul3A : i32
    %add3A = arith.constant 8 : i32
    %add3A_1 = arith.addi %mul3A_0, %add3A : i32
    %get3A = arith.index_cast %add3A_1 : i32 to index
    %get3A_2 = memref.load %arg1[%get3A] : memref<5120xi32, #tpu.memory_space<smem>>
    %c0_i32 = arith.constant 0 : i32
    %c0_i32_3 = arith.constant 0 : i32
    %c0_i32_4 = arith.constant 0 : i32
    return %get3A_2, %c0_i32, %c0_i32_3 : i32, i32, i32
  }
  func.func @transform_11(%arg0: i32, %arg1: memref<5120xi32, #tpu.memory_space<smem>>, %arg2: memref<320xi32, #tpu.memory_space<smem>>) -> (i32, i32, i32) {
    %mul3A = arith.constant 16 : i32
    %mul3A_0 = arith.muli %arg0, %mul3A : i32
    %add3A = arith.constant 9 : i32
    %add3A_1 = arith.addi %mul3A_0, %add3A : i32
    %get3A = arith.index_cast %add3A_1 : i32 to index
    %get3A_2 = memref.load %arg1[%get3A] : memref<5120xi32, #tpu.memory_space<smem>>
    %c0_i32 = arith.constant 0 : i32
    %c0_i32_3 = arith.constant 0 : i32
    %c0_i32_4 = arith.constant 0 : i32
    return %get3A_2, %c0_i32, %c0_i32_3 : i32, i32, i32
  }
  func.func @transform_12(%arg0: i32, %arg1: memref<5120xi32, #tpu.memory_space<smem>>, %arg2: memref<320xi32, #tpu.memory_space<smem>>) -> (i32, i32, i32) {
    %mul3A = arith.constant 16 : i32
    %mul3A_0 = arith.muli %arg0, %mul3A : i32
    %add3A = arith.constant 10 : i32
    %add3A_1 = arith.addi %mul3A_0, %add3A : i32
    %get3A = arith.index_cast %add3A_1 : i32 to index
    %get3A_2 = memref.load %arg1[%get3A] : memref<5120xi32, #tpu.memory_space<smem>>
    %c0_i32 = arith.constant 0 : i32
    %c0_i32_3 = arith.constant 0 : i32
    %c0_i32_4 = arith.constant 0 : i32
    return %get3A_2, %c0_i32, %c0_i32_3 : i32, i32, i32
  }
  func.func @transform_13(%arg0: i32, %arg1: memref<5120xi32, #tpu.memory_space<smem>>, %arg2: memref<320xi32, #tpu.memory_space<smem>>) -> (i32, i32, i32) {
    %mul3A = arith.constant 16 : i32
    %mul3A_0 = arith.muli %arg0, %mul3A : i32
    %add3A = arith.constant 11 : i32
    %add3A_1 = arith.addi %mul3A_0, %add3A : i32
    %get3A = arith.index_cast %add3A_1 : i32 to index
    %get3A_2 = memref.load %arg1[%get3A] : memref<5120xi32, #tpu.memory_space<smem>>
    %c0_i32 = arith.constant 0 : i32
    %c0_i32_3 = arith.constant 0 : i32
    %c0_i32_4 = arith.constant 0 : i32
    return %get3A_2, %c0_i32, %c0_i32_3 : i32, i32, i32
  }
  func.func @transform_14(%arg0: i32, %arg1: memref<5120xi32, #tpu.memory_space<smem>>, %arg2: memref<320xi32, #tpu.memory_space<smem>>) -> (i32, i32, i32) {
    %mul3A = arith.constant 16 : i32
    %mul3A_0 = arith.muli %arg0, %mul3A : i32
    %add3A = arith.constant 12 : i32
    %add3A_1 = arith.addi %mul3A_0, %add3A : i32
    %get3A = arith.index_cast %add3A_1 : i32 to index
    %get3A_2 = memref.load %arg1[%get3A] : memref<5120xi32, #tpu.memory_space<smem>>
    %c0_i32 = arith.constant 0 : i32
    %c0_i32_3 = arith.constant 0 : i32
    %c0_i32_4 = arith.constant 0 : i32
    return %get3A_2, %c0_i32, %c0_i32_3 : i32, i32, i32
  }
  func.func @transform_15(%arg0: i32, %arg1: memref<5120xi32, #tpu.memory_space<smem>>, %arg2: memref<320xi32, #tpu.memory_space<smem>>) -> (i32, i32, i32) {
    %mul3A = arith.constant 16 : i32
    %mul3A_0 = arith.muli %arg0, %mul3A : i32
    %add3A = arith.constant 13 : i32
    %add3A_1 = arith.addi %mul3A_0, %add3A : i32
    %get3A = arith.index_cast %add3A_1 : i32 to index
    %get3A_2 = memref.load %arg1[%get3A] : memref<5120xi32, #tpu.memory_space<smem>>
    %c0_i32 = arith.constant 0 : i32
    %c0_i32_3 = arith.constant 0 : i32
    %c0_i32_4 = arith.constant 0 : i32
    return %get3A_2, %c0_i32, %c0_i32_3 : i32, i32, i32
  }
  func.func @transform_16(%arg0: i32, %arg1: memref<5120xi32, #tpu.memory_space<smem>>, %arg2: memref<320xi32, #tpu.memory_space<smem>>) -> (i32, i32, i32) {
    %mul3A = arith.constant 16 : i32
    %mul3A_0 = arith.muli %arg0, %mul3A : i32
    %add3A = arith.constant 14 : i32
    %add3A_1 = arith.addi %mul3A_0, %add3A : i32
    %get3A = arith.index_cast %add3A_1 : i32 to index
    %get3A_2 = memref.load %arg1[%get3A] : memref<5120xi32, #tpu.memory_space<smem>>
    %c0_i32 = arith.constant 0 : i32
    %c0_i32_3 = arith.constant 0 : i32
    %c0_i32_4 = arith.constant 0 : i32
    return %get3A_2, %c0_i32, %c0_i32_3 : i32, i32, i32
  }
  func.func @transform_17(%arg0: i32, %arg1: memref<5120xi32, #tpu.memory_space<smem>>, %arg2: memref<320xi32, #tpu.memory_space<smem>>) -> (i32, i32, i32) {
    %mul3A = arith.constant 16 : i32
    %mul3A_0 = arith.muli %arg0, %mul3A : i32
    %add3A = arith.constant 15 : i32
    %add3A_1 = arith.addi %mul3A_0, %add3A : i32
    %get3A = arith.index_cast %add3A_1 : i32 to index
    %get3A_2 = memref.load %arg1[%get3A] : memref<5120xi32, #tpu.memory_space<smem>>
    %c0_i32 = arith.constant 0 : i32
    %c0_i32_3 = arith.constant 0 : i32
    %c0_i32_4 = arith.constant 0 : i32
    return %get3A_2, %c0_i32, %c0_i32_3 : i32, i32, i32
  }
  func.func @transform_18(%arg0: i32, %arg1: memref<5120xi32, #tpu.memory_space<smem>>, %arg2: memref<320xi32, #tpu.memory_space<smem>>) -> (i32, i32, i32) {
    %c0_i32 = arith.constant 0 : i32
    %c0_i32_0 = arith.constant 0 : i32
    %c0_i32_1 = arith.constant 0 : i32
    return %arg0, %c0_i32, %c0_i32_0 : i32, i32, i32
  }
}

</mosaic_0001>

<sc_bundles>
// kernel: gather_offload_async_start
scs
__scs_entry_jumppad:
0x0: {  	(pc) =	sbr.rel $0x88, $3  }
0x1: {  	(tag) =	ssettag $0x0;
	lr =	simm.s32 $0x1  }
0x2: {  	[smem:$0x3F95] =	sst lr;
	_ =	strace $0xD0000000  }
0x3: {  	_ = 	snop  }
0x4: {  	_ = 	snop  }
0x5: {  	_ = 	snop  }
0x6: {  	_ = 	snop  }
0x7: {  	_ = 	snop  }
__scs_overlays_trampoline_lowered:
0x8: {  	[smem:$0x3FA4] =	sst s0  }
0x9: {  	[smem:$0x3FA5] =	sst s1  }
0xa: {  	[smem:$0x3FA6] =	sst s2  }
0xb: {  	[smem:$0x3FA7] =	sst s3  }
0xc: {  	[smem:$0x3FA8] =	sst s4  }
0xd: {  	[smem:$0x3FA9] =	sst s5  }
0xe: {  	[smem:$0x3FAA] =	sst s6  }
0xf: {  	[smem:$0x3FAB] =	sst s7  }
0x10: {  	[smem:$0x3FAC] =	sst s8  }
0x11: {  	[smem:$0x3FAD] =	sst s9;
	s0 =	simm.s32 @!p0 $0x0  }
0x12: {  	s1 =	sld [smem:$0x3F93];
	s0 =	simm.s32 @p0 $0x1  }
0x13: {  	[smem:$0x3FAE] =	sst s0;
	s0 =	simm.s32 @!p1 $0x0  }
0x14: {  	s2 =	sld [smem:$0x3F92];
	s0 =	simm.s32 @p1 $0x1  }
0x15: {  	[smem:$0x3FAF] =	sst s0;
	s0 =	simm.s32 @!p2 $0x0  }
0x16: {  	s3 =	sld [smem:$0x3FDB];
	s0 =	simm.s32 @p2 $0x1  }
0x17: {  	s4 =	simm.s32 $0x1BF5;
	[smem:$0x3FB1] =	sst s0  }
0x18: {  	s0 =	sld [smem:$0x3F94];
	_ =	swait.ge [sflag:s4], $0x0  }
0x19: {  	s7 =	sld [smem:$0x3F95]  }
0x1a: {  	s8 =	sadd.s32 $0xFFFFE003, lr  }
0x1b: {  	s9 =	sadd.s32 $0xFFFFFEF7, lr;
	s5 =	simm.s32 $0xFFFFFFFF;
	p2 =	slt.u32 s8, $0xFFFFF086  }
0x1c: {  	p1 =	slt.u32 s9, $0xF7A;
	s5 =	simm.s32 @!p2 $0x0  }
0x1d: {  	s5 =	simm.s32 @p1 $0x1;
	p0 =	seq.s32 s7, s2  }
0x1e: {  	s7 =	smul.u32 @!p0 $0xF7A, s2;
	p2 =	seq.s32 @!p0 s5, $0x0  }
0x1f: {  	s9 =	smul.u32 $0xF7A, s1;
	s8 =	simm.s32 @!p0 $0x1BF5;
	p2 =	por !p2, p0  }
0x20: {  	[sflag:s8] =	ssyncset.s32 @!p0 $0xFFFFF086;
	s6 =	sadd.s32 @!p0 s3, s7;
	s7 =	simm.s32 @!p0 $0x108  }
0x21: {  	s3 =	sadd.s32 s3, s9;
	s6 =	sadd.s32 @!p0 $0x88, s6;
	s7 =	simm.s32 @p2 $0x1082  }
0x22: {  	[simem:s7], [sflag:s8] =	dma.local @!p0 [hbm:s6], $0xF7A  }
0x23: {  	s9 =	sor.u32 $0xD0000000, s2;
	s6 =	simm.s32 $0x108;
	_ =	swait.ge @!p0 [sflag:s8], $0x0  }
0x24: {  	s3 =	sadd.s32 $0x88, s3;
	s6 =	simm.s32 @!p1 $0x1082;
	[sflag:s4] =	ssyncset.s32 $0xFFFFF086  }
0x25: {  	[simem:s6], [sflag:s4] =	dma.local [hbm:s3], $0xF7A  }
0x26: {  	[smem:$0x3F95] =	sst s1;
	(tag) =	ssettag s2;
	_ =	strace s9  }
0x27: {  	s1 =	sld [smem:$0x3FA5]  }
0x28: {  	s2 =	sld [smem:$0x3FA6]  }
0x29: {  	s4 =	sld [smem:$0x3FA8]  }
0x2a: {  	p0 =	seq.s32 s5, $0x0;
	s5 =	sld [smem:$0x3FA9]  }
0x2b: {  	s6 =	sld [smem:$0x3FAA]  }
0x2c: {  	s7 =	sld [smem:$0x3FAB]  }
0x2d: {  	s3 =	simm.s32 $0x108;
	s8 =	sld [smem:$0x3FAC]  }
0x2e: {  	s3 =	simm.s32 @!p0 $0x1082;
	s9 =	sld [smem:$0x3FAD]  }
0x2f: {  	lr =	sadd.s32 s0, s3;
	s0 =	sld [smem:$0x3FA4]  }
0x30: {  	s3 =	sld [smem:$0x3FA7]  }
0x31: {  	[smem:$0x3FB0] =	sst s10  }
0x32: {  	s10 =	sld [smem:$0x3FAE];
	_ =	sdelay $0x3  }
0x33: {  	p0 =	seq.s32 s10, $0x1;
	s10 =	sld [smem:$0x3FB0];
	_ =	sdelay $0x3  }
0x34: {  	[smem:$0x3FB0] =	sst s10  }
0x35: {  	s10 =	sld [smem:$0x3FAF];
	_ =	sdelay $0x3  }
0x36: {  	p1 =	seq.s32 s10, $0x1;
	s10 =	sld [smem:$0x3FB0];
	_ =	sdelay $0x3  }
0x37: {  	[smem:$0x3FB0] =	sst s10  }
0x38: {  	s10 =	sld [smem:$0x3FB1]  }
0x39: {  	_ = 	snop;
	(pc) =	sbr.ind lr, $3  }
0x3a: {  	_ = 	snop  }
0x3b: {  	_ = 	snop  }
0x3c: {  	p2 =	seq.s32 s10, $0x1;
	s10 =	sld [smem:$0x3FB0]  }
0x3d: {  	_ =	shalt  }
0x3e: {  	_ =	shalt  }
0x3f: {  	_ =	shalt  }
0x40: {  	_ =	shalt  }
0x41: {  	_ =	shalt  }
0x42: {  	_ =	shalt  }
0x43: {  	_ =	shalt  }
0x44: {  	_ =	shalt  }
0x45: {  	_ =	shalt  }
0x46: {  	_ =	shalt  }
0x47: {  	_ =	shalt  }
0x48: {  	_ =	shalt  }
0x49: {  	_ =	shalt  }
0x4a: {  	_ =	shalt  }
0x4b: {  	_ =	shalt  }
0x4c: {  	_ =	shalt  }
0x4d: {  	_ =	shalt  }
0x4e: {  	_ =	shalt  }
0x4f: {  	_ =	shalt  }
0x50: {  	_ =	shalt  }
0x51: {  	_ =	shalt  }
0x52: {  	_ =	shalt  }
0x53: {  	_ =	shalt  }
0x54: {  	_ =	shalt  }
0x55: {  	_ =	shalt  }
0x56: {  	_ =	shalt  }
0x57: {  	_ =	shalt  }
0x58: {  	_ =	shalt  }
0x59: {  	_ =	shalt  }
0x5a: {  	_ =	shalt  }
0x5b: {  	_ =	shalt  }
0x5c: {  	_ =	shalt  }
0x5d: {  	_ =	shalt  }
0x5e: {  	_ =	shalt  }
0x5f: {  	_ =	shalt  }
0x60: {  	_ =	shalt  }
0x61: {  	_ =	shalt  }
0x62: {  	_ =	shalt  }
0x63: {  	_ =	shalt  }
0x64: {  	_ =	shalt  }
0x65: {  	_ =	shalt  }
0x66: {  	_ =	shalt  }
0x67: {  	_ =	shalt  }
0x68: {  	_ =	shalt  }
0x69: {  	_ =	shalt  }
0x6a: {  	_ =	shalt  }
0x6b: {  	_ =	shalt  }
0x6c: {  	_ =	shalt  }
0x6d: {  	_ =	shalt  }
0x6e: {  	_ =	shalt  }
0x6f: {  	_ =	shalt  }
0x70: {  	_ =	shalt  }
0x71: {  	_ =	shalt  }
0x72: {  	_ =	shalt  }
0x73: {  	_ =	shalt  }
0x74: {  	_ =	shalt  }
0x75: {  	_ =	shalt  }
0x76: {  	_ =	shalt  }
0x77: {  	_ =	shalt  }
0x78: {  	_ =	shalt  }
0x79: {  	_ =	shalt  }
0x7a: {  	_ =	shalt  }
0x7b: {  	_ =	shalt  }
0x7c: {  	_ =	shalt  }
0x7d: {  	_ =	shalt  }
0x7e: {  	_ =	shalt  }
0x7f: {  	_ =	shalt  }
0x80: {  	_ =	shalt  }
0x81: {  	_ =	shalt  }
0x82: {  	_ =	shalt  }
0x83: {  	_ =	shalt  }
0x84: {  	_ =	shalt  }
0x85: {  	_ =	shalt  }
0x86: {  	_ =	shalt  }
0x87: {  	_ =	shalt  }
.Lfunc_end0:
.L_simem_size_0:
called_computation_lowered:
.L_overlay_start_0:
0x88: {  	s2 =	sld [smem:$0x3FD9]  }
0x89: {  	s3 =	sld [smem:$0x3FFE];
	_ =	sdelay $0x1  }
0x8a: {  	s1 =	srdreg.scid  }
0x8b: {  	s0 =	sand.u32 $0x1, s1  }
0x8c: {  	s14 =	sshll.u32 s0, $0xA;
	s2 =	sadd.s32 s3, s2  }
0x8d: {  	s2 =	sadd.s32 s2, s14  }
0x8e: {  	[smem:$0x3FBC] =	sst s2  }
0x8f: {  	_ = 	snop  }
0x90: {  	s2 =	sld [smem:$0x3FD0];
	_ =	sdelay $0x2  }
0x91: {  	s15 =	simm.s32 $0xA;
	s4 =	simm.s32 $0x10  }
0x92: {  	[smem:s4], [sflag:s15] =	dma.local [hbm:s2], $0x1  }
0x93: {  	_ =	swait.eq [sflag:s15], $0x1  }
0x94: {  	[sflag:s15] =	ssyncset.done $0x0  }
0x95: {  	[sflag:s15] =	ssyncadd.s32 $0xFFFFFFFF  }
0x96: {  	s16 =	sld [smem:$0x11];
	(tm) =	ssettm $0x1  }
0x97: {  	s17 =	sld [smem:$0x3FFB];
	_ =	sdelay $0x3  }
0x98: {  	_ =	strace s17  }
0x99: {  	s3 =	sld [smem:$0x3FFC];
	_ =	sdelay $0x3  }
0x9a: {  	_ =	strace s3  }
0x9b: {  	s3 =	sld [smem:$0x3FFD];
	_ =	sdelay $0x3  }
0x9c: {  	_ =	strace s3  }
0x9d: {  	_ =	strace $0x8FFFFFFF  }
0x9e: {  	s18 =	sld [smem:$0x3FDB];
	_ =	sdelay $0x1  }
0x9f: {  	s19 =	simm.s32 $_scs_section_size  }
0xa0: {  	s5 =	simm.s32 $_size__tile_overlayer_lowered;
	s6 =	simm.s32 $_tile_overlayer_lowered  }
0xa1: {  	s22 =	simm.s32 $0x1BFF;
	s21 =	sshll.u32 s6, $0x1;
	s3 =	sadd.s32 s19, s18  }
0xa2: {  	s7 =	simm.s32 $0x0;
	s20 =	sshll.u32 s5, $0x1;
	s5 =	sadd.s32 s21, s3  }
0xa3: {  	[timem:s7], [sflag:s22] =	dma.local [hbm:s5], s20  }
0xa4: {  	_ =	swait.ge [sflag:s22], s20  }
0xa5: {  	s4 =	ssub.s32 $0x0, s20;
	[sflag:s22] =	ssyncset.done $0x0  }
0xa6: {  	[sflag:s22] =	ssyncadd.s32 s4;
	_ =	sdelay $0x1  }
0xa7: {  	s23 =	simm.s32 $0x1B8B  }
0xa8: {  	_ =	swait.ge [sflag:s23], $0x1  }
0xa9: {  	[sflag:s23] =	ssyncset.done $0x0  }
0xaa: {  	s25 =	simm.s32 $0x1B8E;
	s24 =	sld [smem:$0x3FFE];
	[sflag:s23] =	ssyncadd.s32 $0xFFFFFFFF  }
0xab: {  	s26 =	simm.s32 $execute0_lowered;
	[smem:$0x3FD2] =	sst s25  }
0xac: {  	s5 =	sshll.u32 s26, $0x1;
	_ =	strace $0x80000046;
	[dreg:$0x1] =	wrdreg $0xFFFFFFFF  }
0xad: {  	s28 =	simm.s32 $_size_execute0_lowered;
	s3 =	sadd.s32 s3, s5;
	[dreg:$0x0] =	wrdreg $0x0  }
0xae: {  	s5 =	sshll.u32 s28, $0x1;
	[dreg:$0x2] =	wrdreg s3  }
0xaf: {  	[dreg:$0x3] =	wrdreg s5  }
0xb0: {  	[dreg:$0x4] =	wrdreg $0xC0  }
0xb1: {  	_ =	task [dreg:s7], $0x5FFFF  }
0xb2: {  	[dreg:$0x1] =	wrdreg $0xFFFFFFFF  }
0xb3: {  	[dreg:$0x0] =	wrdreg $0x60  }
0xb4: {  	[dreg:$0x2] =	wrdreg s24  }
0xb5: {  	[dreg:$0x3] =	wrdreg s16  }
0xb6: {  	[dreg:$0x4] =	wrdreg $0x9  }
0xb7: {  	_ =	task.clear_ibuf [dreg:s7], $0x5FFFF;
	_ =	strace $0x90000046  }
0xb8: {  	s29 =	simm.s32 $0x9;
	_ =	strace $0x80000048  }
0xb9: {  	_ =	swait.ge [sflag:s29], $0x1  }
0xba: {  	[sflag:s29] =	ssyncadd.s32 $0xFFFFFFFF  }
0xbb: {  	_ =	strace $0x90000048  }
0xbc: {  	_ =	sfence  }
0xbd: {  	s30 =	sld [smem:$0x0];
	_ =	sdelay $0x2  }
0xbe: {  	s31 =	sshll.u32 s1, $0xD;
	s1 =	sshrl.u32 s1, $0x2  }
0xbf: {  	s3 =	sand.u32 $0x4000, s31;
	s1 =	sadd.s32 s1, s30  }
0xc0: {  	s0 =	sor.u32 s3, s0;
	s1 =	sshll.u32 s1, $0x11  }
0xc1: {  	s0 =	sor.u32 s1, s0  }
0xc2: {  	s0 =	sadd.s32 $0x8F2B, s0  }
0xc3: {  	[sflag:s0] =	ssyncadd.remote.s32 $0x1  }
0xc4: {  	_ =	sfence.sel $0xFFFF  }
0xc5: {  	[dreg:$0x0] =	wrdreg $0xFFFFFFFF;
	(pc) =	sbr.abs _section_cstart, $3  }
0xc6: {  	[dreg:$0x1] =	wrdreg $0xFFFFFFFF  }
0xc7: {  	_ =	task.clear_ibuf [dreg:s7], $0x2FFFF;
	_ =	strace $0x9FFFFFFF  }
0xc8: {  	(tm) =	ssettm $0x7FFFFFFF  }
0xc9: {  	_ =	shalt  }
tec
execute0_lowered:
.L_overlay_start_1:
0x0: {  	(tag) =	ssettag $0x1  }
0x1: {  	s7 =	rddreg [dreg:$0x0]  }
0x2: {  	s2 =	rddreg [dreg:$0x1]  }
0x3: {  	s0 =	rddreg [dreg:$0x2]  }
0x4: {  	s1 =	srdreg.scid;
	_ =	strace $0x80000047;
	s4 =	simm.s32 $0x1  }
0x5: {  	s9 =	simm.s32 $0x3;
	s11 =	simm.s32 $0x0;
	s5 =	sshll.u32 s1, $0x4  }
.Ltmp0:
0x6: {  	s1 =	stileid.u32;
	s5 =	sand.u32 $0x10, s5;
	(pc) =	sbr.rel .LBB2_1-.Ltmp0, $4  }
0x7: {  	p0 =	por $0x0, $0x0;
	s3 =	sadd.s32 $0x1A00, s7;
	s6 =	sor.u32 s1, s5  }
0x8: {  	[sflag:s4] =	ssyncpa.u1 $0x0;
	s5 =	simm.s32 $0x2;
	s6 =	sshll.u32 s6, $0xA  }
0x9: {  	s7 =	sadd.s32 $0x281A00, s7;
	[sflag:s5] =	ssyncpa.u1 $0x0;
	s8 =	sadd.s32 $0x400, s6  }
0xa: {  	vm0 =	vmmov $0xff;
	vm1 =	vcmask $0x3F20;
	[sflag:s9] =	ssyncpa.u1 $0x0;
	s10 =	smov.u32 s6;
	s9 =	simm.s32 $0x0  }
.LBB2_7:
0xb: {  	p1 =	slt.u32 s9, $0x2;
	s11 =	sadd.s32 $0x100, s10  }
0xc: {  	s13 =	smov.u32 s6;
	s9 =	sadd.s32 $0x1, s9;
	p2 =	slt.s32 s11, s8  }
0xd: {  	s13 =	smov.u32 @p2 s11;
	p2 =	sne.s32 s9, $0x6  }
.Ltmp1:
0xe: {  	_ = 	snop;
	(pc) =	sbr.rel @!p2 .LBB2_8-.Ltmp1, $4  }
0xf: {  	s12 =	simm.s32 @!p1 $0x3  }
0x10: {  	_ =	swait.ge @!p1 [sflag:s12], $0x8000  }
0x11: {  	p0 =	por !p0, !p0;
	[sflag:s12] =	ssyncset.done @!p1 $0x0  }
0x12: {  	s11 =	smov.u32 s10;
	s10 =	smov.u32 s13;
	[sflag:s12] =	ssyncadd.s32 @!p1 $0xFFFF8000  }
.LBB2_1:
0x13: {  	p1 =	sgt.u32 s9, $0x3  }
0x14: {  	s12 =	sxor.u32 @!p1 $0xFFFFFFFF, s9  }
0x15: {  	s13 =	sshrl.u32 @!p1 s10, $0x3;
	s12 =	sshll.u32 @!p1 s12, $0x8  }
0x16: {  	s14 =	sand.u32 @!p1 $0x7, s10;
	s13 =	sadd.s32 @!p1 s2, s13;
	s12 =	sand.u32 @!p1 $0x100, s12  }
0x17: {  	[tilespmem:s12], [sflag:$0x2] =	stream.linear.gather @!p1 [hbm4b:s13+s14], $0x100, $0x38;
	[tilespmem:$0x10200] =	vst v63  }
0x18: {  	p1 =	seq.s32 s9, $0x0  }
0x19: {  	p2 =	seq.s32 @!p1 s9, $0x5  }
0x1a: {  	p1 =	por p1, p2  }
.Ltmp2:
0x1b: {  	_ = 	snop;
	(pc) =	sbr.rel @p1 .LBB2_7-.Ltmp2, $1  }
0x1c: {  	_ =	sdelay $0x3  }
0x1d: {  	s12 =	simm.s32 $0x1  }
0x1e: {  	_ =	swait.ge [sflag:s5], $0x100;
	s12 =	simm.s32 @!p0 $0x0  }
0x1f: {  	[sflag:s5] =	ssyncset.done $0x0;
	s14 =	sshll.u32 s12, $0x8  }
0x20: {  	[sflag:s5] =	ssyncadd.s32 $0xFFFFFF00;
	s13 =	sadd.s32 $0x0, s14  }
0x21: {  	v0 =	vld.msk [tilespmem:s13+$0x0 ss:$0x1], $0xffff;
	_ =	sdelay $0x4  }
0x22: {  	vm2 =	vgt.s32 v0, $0x0  }
0x23: {  	v0 =	vnsel vm2, $0x0, v0  }
0x24: {  	v0 =	vmin.u32 v0, $0x27FFF  }
0x25: {  	v0 =	vshll.u32 v0, $0x4;
	_ =	sdelay $0x2  }
0x26: {  	s12 =	sshll.u32 s12, $0xF  }
0x27: {  	s12 =	sor.u32 $0x200, s12  }
0x28: {  	[tilespmem:s12], [sflag:$0x1] =	stream.indirect_vreg.gather [hbm:s3], $0x80, v0, vm0, $0x38;
	[tilespmem:$0x10200] =	vst v63  }
0x29: {  	s15 =	sadd.s32 $0x10, s14;
	s13 =	sadd.s32 $0x400, s12  }
0x2a: {  	[tilespmem:s13], [sflag:$0x1] =	stream.indirect_vreg.gather [hbm:s3], $0x80, v0, vm1, $0x38;
	[tilespmem:$0x10200] =	vst v63  }
0x2b: {  	s16 =	simm.s32 $0x80;
	v0 =	vld.msk [tilespmem:s15+$0x0 ss:$0x1], $0xffff;
	s15 =	smov.u32 s12  }
.LBB2_3:
0x2c: {  	p1 =	sne.s32 s16, $0x3C0;
	_ =	sdelay $0x4  }
0x2d: {  	vm2 =	vgt.s32 v0, $0x0  }
0x2e: {  	v0 =	vnsel vm2, $0x0, v0  }
0x2f: {  	v0 =	vmin.u32 v0, $0x27FFF  }
0x30: {  	v0 =	vshll.u32 v0, $0x4;
	_ =	sdelay $0x3  }
.Ltmp3:
0x31: {  	s17 =	sshra.s32 s16, $0x2;
	s15 =	sadd.s32 $0x800, s15;
	(pc) =	sbr.rel @p1 .LBB2_3-.Ltmp3, $4  }
0x32: {  	[tilespmem:s15], [sflag:$0x1] =	stream.indirect_vreg.gather [hbm:s3], $0x80, v0, vm0, $0x38;
	[tilespmem:$0x10200] =	vst v63  }
0x33: {  	s17 =	sadd.s32 s17, s14;
	s18 =	sadd.s32 $0x400, s15  }
0x34: {  	[tilespmem:s18], [sflag:$0x1] =	stream.indirect_vreg.gather [hbm:s3], $0x80, v0, vm1, $0x38;
	[tilespmem:$0x10200] =	vst v63  }
0x35: {  	s16 =	sadd.s32 $0x40, s16;
	v0 =	vld.msk [tilespmem:s17+$0x0 ss:$0x1], $0xffff  }
0x36: {  	_ =	sdelay $0x3  }
0x37: {  	vm2 =	vgt.s32 v0, $0x0  }
0x38: {  	v0 =	vnsel vm2, $0x0, v0  }
0x39: {  	v0 =	vmin.u32 v0, $0x27FFF  }
0x3a: {  	v0 =	vshll.u32 v0, $0x4;
	_ =	sdelay $0x3  }
0x3b: {  	s14 =	sadd.s32 $0x800, s15  }
0x3c: {  	[tilespmem:s14], [sflag:$0x1] =	stream.indirect_vreg.gather [hbm:s3], $0x80, v0, vm0, $0x38;
	[tilespmem:$0x10200] =	vst v63  }
0x3d: {  	s14 =	sadd.s32 $0x400, s14  }
0x3e: {  	[tilespmem:s14], [sflag:$0x1] =	stream.indirect_vreg.gather [hbm:s3], $0x80, v0, vm1, $0x38;
	[tilespmem:$0x10200] =	vst v63  }
0x3f: {  	s11 =	sshll.u32 s11, $0x4;
	_ =	swait.ge [sflag:s4], $0x8000  }
0x40: {  	s11 =	sadd.s32 s11, s7;
	[sflag:s4] =	ssyncset.done $0x0  }
0x41: {  	s15 =	sadd.s32 $0x0, s11;
	s14 =	simm.s32 $0x80;
	[sflag:s4] =	ssyncadd.s32 $0xFFFF8000  }
.LBB2_5:
0x42: {  	[hbm:s15] =	stream.linear.scatter [tilespmem:s12], [sflag:$0x3], $0x400, $0x38;
	[tilespmem:$0x10200] =	vst v63  }
0x43: {  	s15 =	smov.u32 s14;
	s12 =	smov.u32 s13;
	p1 =	sne.s32 s14, $0xF80  }
.Ltmp4:
0x44: {  	s14 =	sadd.s32 $0x80, s14;
	(pc) =	sbr.rel @p1 .LBB2_5-.Ltmp4, $2  }
0x45: {  	_ =	sdelay $0x2  }
0x46: {  	s13 =	sadd.s32 $0x400, s13;
	s15 =	sadd.s32 s15, s11  }
.Ltmp5:
0x47: {  	(pc) =	sbr.rel .LBB2_7-.Ltmp5, $2  }
0x48: {  	_ =	sdelay $0x2  }
0x49: {  	[hbm:s15] =	stream.linear.scatter [tilespmem:s12], [sflag:$0x3], $0x400, $0x38;
	[tilespmem:$0x10200] =	vst v63  }
.LBB2_8:
0x4a: {  	_ =	sfence.sel $0x180000  }
0x4b: {  	s2 =	simm.s32 $0x2;
	[bflag:$0x0] =	sbarrier.arrive $0xFFFF  }
0x4c: {  	s30 =	simm.s32 $0x3;
	[sflag:s2] =	ssyncpa.u1 $0x1  }
0x4d: {  	s31 =	simm.s32 $0x1;
	[sflag:s30] =	ssyncpa.u1 $0x1  }
0x4e: {  	[sflag:s31] =	ssyncpa.u1 $0x1  }
0x4f: {  	p0 =	sne.s32 s1, $0x0;
	_ =	strace $0x90000047  }
0x50: {  	s0 =	sadd.s32 @!p0 $0x100000, s0;
	[bflag:$0x2] =	sbarrier.arrive $0xFFFF  }
0x51: {  	[sflag:s0] =	ssyncadd.tile.s32 @!p0 $0x1;
	_ =	shalt  }
.Lfunc_end2:
_tile_overlayer_lowered:
.L_overlay_start_2:
0x52: {  	(tag) =	ssettag $0x2  }
0x53: {  	s0 =	rddreg [dreg:$0x0];
	s2 =	stileid.u32  }
0x54: {  	s1 =	rddreg [dreg:$0x1];
	p0 =	sne.s32 s2, $0x0  }
0x55: {  	s3 =	rddreg [dreg:$0x2];
	[bflag:$0x3] =	sbarrier.arrive $0xFFFF;
	s2 =	simm.s32 @!p0 $0x1C01  }
0x56: {  	[timem:s3], [sflag:s2] =	dma.local @!p0 [hbm:s0], s1  }
0x57: {  	s0 =	simm.s32 @!p0 $0x1  }
0x58: {  	_ =	swait.ge @!p0 [sflag:s0], s1  }
0x59: {  	s1 =	ssub.s32 @!p0 $0x0, s1;
	[sflag:s0] =	ssyncset.done @!p0 $0x0  }
0x5a: {  	[sflag:s0] =	ssyncadd.s32 @!p0 s1  }
0x5b: {  	[bflag:$0x3] =	sbarrier.arrive $0xFFFF  }
0x5c: {  	_ =	shalt  }

</sc_bundles>
